<compile_context>
chip_gen: v7x
topology: tpu7x:2x2x1
jax: 0.10.2.dev20260603
libtpu: 0.0.44.dev20260713+nightly
codegen_flags: <defaults>
</compile_context>

<pallas_src>
import functools

import jax
import jax.numpy as jnp
from jax import lax
from jax.experimental import pallas as pl
from jax.experimental.pallas import tpu as pltpu
from jax.experimental.pallas import tpu_sc as plsc

_L = 16
_IDX_CHUNK = 128


def _make_kernel(batch, factors, n_chunks):
    info = plsc.get_sparse_core_info()
    nw = info.num_cores * info.num_subcores
    b_per_w = batch // nw
    assert b_per_w % _IDX_CHUNK == 0 and b_per_w == n_chunks * _IDX_CHUNK
    idx_rows = b_per_w // _IDX_CHUNK

    mesh = plsc.VectorSubcoreMesh(core_axis_name="c", subcore_axis_name="s")

    @functools.partial(
        pl.kernel,
        mesh=mesh,
        out_type=jax.ShapeDtypeStruct((batch,), jnp.float32),
        compiler_params=pltpu.CompilerParams(
            needs_layout_passes=False, use_tc_tiling_on_sc=False),
        scratch_types=[
            pltpu.VMEM((idx_rows, _IDX_CHUNK), jnp.int32),
            pltpu.VMEM((idx_rows, _IDX_CHUNK), jnp.int32),
            pltpu.VMEM((b_per_w, factors), jnp.float32),
            pltpu.VMEM((b_per_w, factors), jnp.float32),
            pltpu.VMEM((b_per_w,), jnp.float32),
            pltpu.SemaphoreType.DMA,
        ],
    )
    def k(u_hbm, i_hbm, user_hbm, item_hbm, out_hbm,
          uidx_v, iidx_v, urows_v, irows_v, out_v, sem):
        wid = lax.axis_index("s") * info.num_cores + lax.axis_index("c")
        base = wid * b_per_w

        pltpu.sync_copy(u_hbm.at[pl.ds(wid * idx_rows, idx_rows)], uidx_v)
        pltpu.sync_copy(i_hbm.at[pl.ds(wid * idx_rows, idx_rows)], iidx_v)

        copies = []
        for j in range(idx_rows):
            copies.append(pltpu.async_copy(
                user_hbm.at[uidx_v.at[j]],
                urows_v.at[pl.ds(j * _IDX_CHUNK, _IDX_CHUNK)], sem))
            copies.append(pltpu.async_copy(
                item_hbm.at[iidx_v.at[j]],
                irows_v.at[pl.ds(j * _IDX_CHUNK, _IDX_CHUNK)], sem))
        for cp in copies:
            cp.wait()

        lane = lax.iota(jnp.int32, _L)

        for c in range(b_per_w // _L):
            rows = c * _L + lane
            acc = jnp.zeros((_L,), jnp.float32)
            for d in range(factors):
                col = jnp.full((_L,), d, jnp.int32)
                uc = plsc.load_gather(urows_v, [rows, col])
                ic = plsc.load_gather(irows_v, [rows, col])
                acc = acc + uc * ic
            out_v[pl.ds(c * _L, _L)] = acc

        pltpu.sync_copy(out_v, out_hbm.at[pl.ds(base, b_per_w)])

    return k


def kernel(u, i, user_table, item_table):
    batch = u.shape[0]
    factors = user_table.shape[1]
    info = plsc.get_sparse_core_info()
    nw = info.num_cores * info.num_subcores
    idx_rows = (batch // nw) // _IDX_CHUNK
    k = _make_kernel(batch, factors, idx_rows)
    u2 = u.reshape(nw * idx_rows, _IDX_CHUNK)
    i2 = i.reshape(nw * idx_rows, _IDX_CHUNK)
    rating = k(u2, i2, user_table, item_table)
    return rating.reshape(batch, 1, 1)

# --- scband reference (transcript-rebuilt; emitter-appended) ---
"""Pipeline reference for scband-simple-cf-16423954940291 (READ-ONLY COPY).

The authoritative reference and input builder live on the scoring server;
editing this copy changes nothing except your own understanding.
"""

import jax, jax.numpy as jnp
import numpy as np

N_USERS = 1000000
N_ITEMS = 1000000
FACTORS = 16
BATCH = 16384


def setup_inputs(seed: int = 0) -> dict:
    key = jax.random.key(seed)
    k_u, k_i, k_uw, k_iw = jax.random.split(key, 4)
    u = jax.random.randint(k_u, (BATCH,), 0, N_USERS, dtype=jnp.int64 if jax.config.jax_enable_x64 else jnp.int32).astype(jnp.int32)
    i = jax.random.randint(k_i, (BATCH,), 0, N_ITEMS, dtype=jnp.int64 if jax.config.jax_enable_x64 else jnp.int32).astype(jnp.int32)
    # nn.Embedding weights initialized with nn.init.normal_ (std=1.0 default)
    user_table = jax.random.normal(k_uw, (N_USERS, FACTORS), dtype=jnp.float32)
    item_table = jax.random.normal(k_iw, (N_ITEMS, FACTORS), dtype=jnp.float32)
    return {"u": u, "i": i, "user_table": user_table, "item_table": item_table}


def reference(u, i, user_table, item_table):
    # user_embeddings(u) -> [B, F], then unsqueeze to [B, 1, F]
    user_embedding = jnp.take(user_table, u, axis=0)[:, None, :]
    item_embedding = jnp.take(item_table, i, axis=0)[:, None, :]
    # matmul([B,1,F], [B,F,1]) -> [B,1,1]
    rating = jnp.matmul(user_embedding, jnp.swapaxes(item_embedding, 1, 2))
    # binary=False, so no sigmoid
    return rating

if __name__ == "__main__":
    import jax
    _d = setup_inputs()
    print(jax.jit(kernel)(*tuple(_d.values())))

</pallas_src>

<mosaic_0001>
#map = affine_map<(d0, d1) -> (0, 0)>
#map1 = affine_map<(d0, d1) -> (0)>
module attributes {stable_mosaic.version = 14 : i64} {
  func.func @k(%arg0: i32, %arg1: i32, %arg2: memref<128x128xi32, #tpu.memory_space<hbm>>, %arg3: memref<128x128xi32, #tpu.memory_space<hbm>>, %arg4: memref<1000000x16xf32, #tpu.memory_space<hbm>>, %arg5: memref<1000000x16xf32, #tpu.memory_space<hbm>>, %arg6: memref<16384xf32, #tpu.memory_space<hbm>>, %arg7: memref<4x128xi32, #tpu.memory_space<vmem>>, %arg8: memref<4x128xi32, #tpu.memory_space<vmem>>, %arg9: memref<512x16xf32, #tpu.memory_space<vmem>>, %arg10: memref<512x16xf32, #tpu.memory_space<vmem>>, %arg11: memref<512xf32, #tpu.memory_space<vmem>>, %arg12: memref<!tpu.dma_semaphore, #tpu.memory_space<semaphore_mem>>) attributes {dimension_semantics = [#tpu.dimension_semantics<core_parallel>, #tpu.dimension_semantics<subcore_parallel>], iteration_bounds = array<i64: 2, 16>, scalar_prefetch = 0 : i64, scratch_operands = 6 : i64, tpu.core_type = #tpu.core_type<sc_vector_subcore>, window_params = [{transform_indices = #map}, {transform_indices = #map}, {transform_indices = #map}, {transform_indices = #map}, {transform_indices = #map1}]} {
    %mul3A = arith.constant 2 : i32
    %mul3A_0 = arith.muli %arg1, %mul3A : i32
    %add3A = arith.addi %mul3A_0, %arg0 : i32
    %mul3A_1 = arith.constant 512 : i32
    %mul3A_2 = arith.muli %add3A, %mul3A_1 : i32
    %mul3A_3 = arith.constant 4 : i32
    %mul3A_4 = arith.muli %add3A, %mul3A_3 : i32
    "tpu.region"() ({
      %run_scoped3A = tpu.sem_alloc : memref<!tpu.dma_semaphore, #tpu.memory_space<semaphore_mem>>
      %dma_start3A_3458 = arith.constant 0 : i32
      %dma_start3A_3459 = tpu.memref_slice %arg2[%mul3A_4, %dma_start3A_3458] : memref<128x128xi32, #tpu.memory_space<hbm>> -> memref<4x128xi32, #tpu.memory_space<hbm>>
      %dma_start3A_3460 = arith.constant 0 : i32
      %dma_start3A_3461 = tpu.memref_slice %arg2[%mul3A_4, %dma_start3A_3460] : memref<128x128xi32, #tpu.memory_space<hbm>> -> memref<4x128xi32, #tpu.memory_space<hbm>>
      tpu.enqueue_dma source(%dma_start3A_3461 : memref<4x128xi32, #tpu.memory_space<hbm>>) target(%arg7 : memref<4x128xi32, #tpu.memory_space<vmem>>) target_semaphore(%run_scoped3A : memref<!tpu.dma_semaphore, #tpu.memory_space<semaphore_mem>>)
      %dma_wait3A_3462 = arith.constant 0 : i32
      %dma_wait3A_3463 = tpu.memref_slice %arg2[%mul3A_4, %dma_wait3A_3462] : memref<128x128xi32, #tpu.memory_space<hbm>> -> memref<4x128xi32, #tpu.memory_space<hbm>>
      %dma_wait3A_3464 = arith.constant 0 : i32
      %dma_wait3A_3465 = tpu.memref_slice %arg2[%mul3A_4, %dma_wait3A_3464] : memref<128x128xi32, #tpu.memory_space<hbm>> -> memref<4x128xi32, #tpu.memory_space<hbm>>
      tpu.wait_dma2 semaphore(%run_scoped3A : memref<!tpu.dma_semaphore, #tpu.memory_space<semaphore_mem>>) src(%dma_wait3A_3465 : memref<4x128xi32, #tpu.memory_space<hbm>>) dst(%arg7 : memref<4x128xi32, #tpu.memory_space<vmem>>)
      tpu.yield
    }) : () -> ()
    %mul3A_5 = arith.constant 4 : i32
    %mul3A_6 = arith.muli %add3A, %mul3A_5 : i32
    "tpu.region"() ({
      %run_scoped3A = tpu.sem_alloc : memref<!tpu.dma_semaphore, #tpu.memory_space<semaphore_mem>>
      %dma_start3A_3458 = arith.constant 0 : i32
      %dma_start3A_3459 = tpu.memref_slice %arg3[%mul3A_6, %dma_start3A_3458] : memref<128x128xi32, #tpu.memory_space<hbm>> -> memref<4x128xi32, #tpu.memory_space<hbm>>
      %dma_start3A_3460 = arith.constant 0 : i32
      %dma_start3A_3461 = tpu.memref_slice %arg3[%mul3A_6, %dma_start3A_3460] : memref<128x128xi32, #tpu.memory_space<hbm>> -> memref<4x128xi32, #tpu.memory_space<hbm>>
      tpu.enqueue_dma source(%dma_start3A_3461 : memref<4x128xi32, #tpu.memory_space<hbm>>) target(%arg8 : memref<4x128xi32, #tpu.memory_space<vmem>>) target_semaphore(%run_scoped3A : memref<!tpu.dma_semaphore, #tpu.memory_space<semaphore_mem>>)
      %dma_wait3A_3462 = arith.constant 0 : i32
      %dma_wait3A_3463 = tpu.memref_slice %arg3[%mul3A_6, %dma_wait3A_3462] : memref<128x128xi32, #tpu.memory_space<hbm>> -> memref<4x128xi32, #tpu.memory_space<hbm>>
      %dma_wait3A_3464 = arith.constant 0 : i32
      %dma_wait3A_3465 = tpu.memref_slice %arg3[%mul3A_6, %dma_wait3A_3464] : memref<128x128xi32, #tpu.memory_space<hbm>> -> memref<4x128xi32, #tpu.memory_space<hbm>>
      tpu.wait_dma2 semaphore(%run_scoped3A : memref<!tpu.dma_semaphore, #tpu.memory_space<semaphore_mem>>) src(%dma_wait3A_3465 : memref<4x128xi32, #tpu.memory_space<hbm>>) dst(%arg8 : memref<4x128xi32, #tpu.memory_space<vmem>>)
      tpu.yield
    }) : () -> ()
    %dma_start3A = arith.constant 0 : i32
    %dma_start3A_7 = arith.constant 0 : i32
    %dma_start3A_8 = arith.constant 0 : i32
    %dma_start3A_9 = tpu.memref_slice %arg9[%dma_start3A_7, %dma_start3A_8] : memref<512x16xf32, #tpu.memory_space<vmem>> -> memref<128x16xf32, #tpu.memory_space<vmem>>
    %dma_start3A_10 = arith.constant 0 : i32
    %dma_start3A_11 = tpu.memref_slice %arg7[%dma_start3A, %dma_start3A_10] : memref<4x128xi32, #tpu.memory_space<vmem>> -> memref<1x128xi32, #tpu.memory_space<vmem>>
    %dma_start3A_12 = tpu.memref_squeeze %dma_start3A_11 : memref<1x128xi32, #tpu.memory_space<vmem>> -> memref<128xi32, #tpu.memory_space<vmem>>
    %dma_start3A_13 = arith.constant 0 : i32
    %dma_start3A_14 = arith.constant 0 : i32
    %dma_start3A_15 = tpu.memref_slice %arg4[%dma_start3A_13, %dma_start3A_14] : memref<1000000x16xf32, #tpu.memory_space<hbm>> -> memref<1000000x16xf32, #tpu.memory_space<hbm>>
    tpu.enqueue_indirect_dma source(%dma_start3A_15 : memref<1000000x16xf32, #tpu.memory_space<hbm>>) target(%dma_start3A_9 : memref<128x16xf32, #tpu.memory_space<vmem>>) offsets(%dma_start3A_12 : memref<128xi32, #tpu.memory_space<vmem>>) semaphore(%arg12 : memref<!tpu.dma_semaphore, #tpu.memory_space<semaphore_mem>>)
    %dma_start3A_16 = arith.constant 0 : i32
    %dma_start3A_17 = arith.constant 0 : i32
    %dma_start3A_18 = arith.constant 0 : i32
    %dma_start3A_19 = tpu.memref_slice %arg10[%dma_start3A_17, %dma_start3A_18] : memref<512x16xf32, #tpu.memory_space<vmem>> -> memref<128x16xf32, #tpu.memory_space<vmem>>
    %dma_start3A_20 = arith.constant 0 : i32
    %dma_start3A_21 = tpu.memref_slice %arg8[%dma_start3A_16, %dma_start3A_20] : memref<4x128xi32, #tpu.memory_space<vmem>> -> memref<1x128xi32, #tpu.memory_space<vmem>>
    %dma_start3A_22 = tpu.memref_squeeze %dma_start3A_21 : memref<1x128xi32, #tpu.memory_space<vmem>> -> memref<128xi32, #tpu.memory_space<vmem>>
    %dma_start3A_23 = arith.constant 0 : i32
    %dma_start3A_24 = arith.constant 0 : i32
    %dma_start3A_25 = tpu.memref_slice %arg5[%dma_start3A_23, %dma_start3A_24] : memref<1000000x16xf32, #tpu.memory_space<hbm>> -> memref<1000000x16xf32, #tpu.memory_space<hbm>>
    tpu.enqueue_indirect_dma source(%dma_start3A_25 : memref<1000000x16xf32, #tpu.memory_space<hbm>>) target(%dma_start3A_19 : memref<128x16xf32, #tpu.memory_space<vmem>>) offsets(%dma_start3A_22 : memref<128xi32, #tpu.memory_space<vmem>>) semaphore(%arg12 : memref<!tpu.dma_semaphore, #tpu.memory_space<semaphore_mem>>)
    %dma_start3A_26 = arith.constant 1 : i32
    %dma_start3A_27 = arith.constant 128 : i32
    %dma_start3A_28 = arith.constant 0 : i32
    %dma_start3A_29 = tpu.memref_slice %arg9[%dma_start3A_27, %dma_start3A_28] : memref<512x16xf32, #tpu.memory_space<vmem>> -> memref<128x16xf32, #tpu.memory_space<vmem>>
    %dma_start3A_30 = arith.constant 0 : i32
    %dma_start3A_31 = tpu.memref_slice %arg7[%dma_start3A_26, %dma_start3A_30] : memref<4x128xi32, #tpu.memory_space<vmem>> -> memref<1x128xi32, #tpu.memory_space<vmem>>
    %dma_start3A_32 = tpu.memref_squeeze %dma_start3A_31 : memref<1x128xi32, #tpu.memory_space<vmem>> -> memref<128xi32, #tpu.memory_space<vmem>>
    %dma_start3A_33 = arith.constant 0 : i32
    %dma_start3A_34 = arith.constant 0 : i32
    %dma_start3A_35 = tpu.memref_slice %arg4[%dma_start3A_33, %dma_start3A_34] : memref<1000000x16xf32, #tpu.memory_space<hbm>> -> memref<1000000x16xf32, #tpu.memory_space<hbm>>
    tpu.enqueue_indirect_dma source(%dma_start3A_35 : memref<1000000x16xf32, #tpu.memory_space<hbm>>) target(%dma_start3A_29 : memref<128x16xf32, #tpu.memory_space<vmem>>) offsets(%dma_start3A_32 : memref<128xi32, #tpu.memory_space<vmem>>) semaphore(%arg12 : memref<!tpu.dma_semaphore, #tpu.memory_space<semaphore_mem>>)
    %dma_start3A_36 = arith.constant 1 : i32
    %dma_start3A_37 = arith.constant 128 : i32
    %dma_start3A_38 = arith.constant 0 : i32
    %dma_start3A_39 = tpu.memref_slice %arg10[%dma_start3A_37, %dma_start3A_38] : memref<512x16xf32, #tpu.memory_space<vmem>> -> memref<128x16xf32, #tpu.memory_space<vmem>>
    %dma_start3A_40 = arith.constant 0 : i32
    %dma_start3A_41 = tpu.memref_slice %arg8[%dma_start3A_36, %dma_start3A_40] : memref<4x128xi32, #tpu.memory_space<vmem>> -> memref<1x128xi32, #tpu.memory_space<vmem>>
    %dma_start3A_42 = tpu.memref_squeeze %dma_start3A_41 : memref<1x128xi32, #tpu.memory_space<vmem>> -> memref<128xi32, #tpu.memory_space<vmem>>
    %dma_start3A_43 = arith.constant 0 : i32
    %dma_start3A_44 = arith.constant 0 : i32
    %dma_start3A_45 = tpu.memref_slice %arg5[%dma_start3A_43, %dma_start3A_44] : memref<1000000x16xf32, #tpu.memory_space<hbm>> -> memref<1000000x16xf32, #tpu.memory_space<hbm>>
    tpu.enqueue_indirect_dma source(%dma_start3A_45 : memref<1000000x16xf32, #tpu.memory_space<hbm>>) target(%dma_start3A_39 : memref<128x16xf32, #tpu.memory_space<vmem>>) offsets(%dma_start3A_42 : memref<128xi32, #tpu.memory_space<vmem>>) semaphore(%arg12 : memref<!tpu.dma_semaphore, #tpu.memory_space<semaphore_mem>>)
    %dma_start3A_46 = arith.constant 2 : i32
    %dma_start3A_47 = arith.constant 256 : i32
    %dma_start3A_48 = arith.constant 0 : i32
    %dma_start3A_49 = tpu.memref_slice %arg9[%dma_start3A_47, %dma_start3A_48] : memref<512x16xf32, #tpu.memory_space<vmem>> -> memref<128x16xf32, #tpu.memory_space<vmem>>
    %dma_start3A_50 = arith.constant 0 : i32
    %dma_start3A_51 = tpu.memref_slice %arg7[%dma_start3A_46, %dma_start3A_50] : memref<4x128xi32, #tpu.memory_space<vmem>> -> memref<1x128xi32, #tpu.memory_space<vmem>>
    %dma_start3A_52 = tpu.memref_squeeze %dma_start3A_51 : memref<1x128xi32, #tpu.memory_space<vmem>> -> memref<128xi32, #tpu.memory_space<vmem>>
    %dma_start3A_53 = arith.constant 0 : i32
    %dma_start3A_54 = arith.constant 0 : i32
    %dma_start3A_55 = tpu.memref_slice %arg4[%dma_start3A_53, %dma_start3A_54] : memref<1000000x16xf32, #tpu.memory_space<hbm>> -> memref<1000000x16xf32, #tpu.memory_space<hbm>>
    tpu.enqueue_indirect_dma source(%dma_start3A_55 : memref<1000000x16xf32, #tpu.memory_space<hbm>>) target(%dma_start3A_49 : memref<128x16xf32, #tpu.memory_space<vmem>>) offsets(%dma_start3A_52 : memref<128xi32, #tpu.memory_space<vmem>>) semaphore(%arg12 : memref<!tpu.dma_semaphore, #tpu.memory_space<semaphore_mem>>)
    %dma_start3A_56 = arith.constant 2 : i32
    %dma_start3A_57 = arith.constant 256 : i32
    %dma_start3A_58 = arith.constant 0 : i32
    %dma_start3A_59 = tpu.memref_slice %arg10[%dma_start3A_57, %dma_start3A_58] : memref<512x16xf32, #tpu.memory_space<vmem>> -> memref<128x16xf32, #tpu.memory_space<vmem>>
    %dma_start3A_60 = arith.constant 0 : i32
    %dma_start3A_61 = tpu.memref_slice %arg8[%dma_start3A_56, %dma_start3A_60] : memref<4x128xi32, #tpu.memory_space<vmem>> -> memref<1x128xi32, #tpu.memory_space<vmem>>
    %dma_start3A_62 = tpu.memref_squeeze %dma_start3A_61 : memref<1x128xi32, #tpu.memory_space<vmem>> -> memref<128xi32, #tpu.memory_space<vmem>>
    %dma_start3A_63 = arith.constant 0 : i32
    %dma_start3A_64 = arith.constant 0 : i32
    %dma_start3A_65 = tpu.memref_slice %arg5[%dma_start3A_63, %dma_start3A_64] : memref<1000000x16xf32, #tpu.memory_space<hbm>> -> memref<1000000x16xf32, #tpu.memory_space<hbm>>
    tpu.enqueue_indirect_dma source(%dma_start3A_65 : memref<1000000x16xf32, #tpu.memory_space<hbm>>) target(%dma_start3A_59 : memref<128x16xf32, #tpu.memory_space<vmem>>) offsets(%dma_start3A_62 : memref<128xi32, #tpu.memory_space<vmem>>) semaphore(%arg12 : memref<!tpu.dma_semaphore, #tpu.memory_space<semaphore_mem>>)
    %dma_start3A_66 = arith.constant 3 : i32
    %dma_start3A_67 = arith.constant 384 : i32
    %dma_start3A_68 = arith.constant 0 : i32
    %dma_start3A_69 = tpu.memref_slice %arg9[%dma_start3A_67, %dma_start3A_68] : memref<512x16xf32, #tpu.memory_space<vmem>> -> memref<128x16xf32, #tpu.memory_space<vmem>>
    %dma_start3A_70 = arith.constant 0 : i32
    %dma_start3A_71 = tpu.memref_slice %arg7[%dma_start3A_66, %dma_start3A_70] : memref<4x128xi32, #tpu.memory_space<vmem>> -> memref<1x128xi32, #tpu.memory_space<vmem>>
    %dma_start3A_72 = tpu.memref_squeeze %dma_start3A_71 : memref<1x128xi32, #tpu.memory_space<vmem>> -> memref<128xi32, #tpu.memory_space<vmem>>
    %dma_start3A_73 = arith.constant 0 : i32
    %dma_start3A_74 = arith.constant 0 : i32
    %dma_start3A_75 = tpu.memref_slice %arg4[%dma_start3A_73, %dma_start3A_74] : memref<1000000x16xf32, #tpu.memory_space<hbm>> -> memref<1000000x16xf32, #tpu.memory_space<hbm>>
    tpu.enqueue_indirect_dma source(%dma_start3A_75 : memref<1000000x16xf32, #tpu.memory_space<hbm>>) target(%dma_start3A_69 : memref<128x16xf32, #tpu.memory_space<vmem>>) offsets(%dma_start3A_72 : memref<128xi32, #tpu.memory_space<vmem>>) semaphore(%arg12 : memref<!tpu.dma_semaphore, #tpu.memory_space<semaphore_mem>>)
    %dma_start3A_76 = arith.constant 3 : i32
    %dma_start3A_77 = arith.constant 384 : i32
    %dma_start3A_78 = arith.constant 0 : i32
    %dma_start3A_79 = tpu.memref_slice %arg10[%dma_start3A_77, %dma_start3A_78] : memref<512x16xf32, #tpu.memory_space<vmem>> -> memref<128x16xf32, #tpu.memory_space<vmem>>
    %dma_start3A_80 = arith.constant 0 : i32
    %dma_start3A_81 = tpu.memref_slice %arg8[%dma_start3A_76, %dma_start3A_80] : memref<4x128xi32, #tpu.memory_space<vmem>> -> memref<1x128xi32, #tpu.memory_space<vmem>>
    %dma_start3A_82 = tpu.memref_squeeze %dma_start3A_81 : memref<1x128xi32, #tpu.memory_space<vmem>> -> memref<128xi32, #tpu.memory_space<vmem>>
    %dma_start3A_83 = arith.constant 0 : i32
    %dma_start3A_84 = arith.constant 0 : i32
    %dma_start3A_85 = tpu.memref_slice %arg5[%dma_start3A_83, %dma_start3A_84] : memref<1000000x16xf32, #tpu.memory_space<hbm>> -> memref<1000000x16xf32, #tpu.memory_space<hbm>>
    tpu.enqueue_indirect_dma source(%dma_start3A_85 : memref<1000000x16xf32, #tpu.memory_space<hbm>>) target(%dma_start3A_79 : memref<128x16xf32, #tpu.memory_space<vmem>>) offsets(%dma_start3A_82 : memref<128xi32, #tpu.memory_space<vmem>>) semaphore(%arg12 : memref<!tpu.dma_semaphore, #tpu.memory_space<semaphore_mem>>)
    %dma_wait3A = arith.constant 0 : i32
    %dma_wait3A_86 = arith.constant 0 : i32
    %dma_wait3A_87 = arith.constant 0 : i32
    %dma_wait3A_88 = tpu.memref_slice %arg9[%dma_wait3A_86, %dma_wait3A_87] : memref<512x16xf32, #tpu.memory_space<vmem>> -> memref<128x16xf32, #tpu.memory_space<vmem>>
    %dma_wait3A_89 = arith.constant 0 : i32
    %dma_wait3A_90 = tpu.memref_slice %arg7[%dma_wait3A, %dma_wait3A_89] : memref<4x128xi32, #tpu.memory_space<vmem>> -> memref<1x128xi32, #tpu.memory_space<vmem>>
    %dma_wait3A_91 = tpu.memref_squeeze %dma_wait3A_90 : memref<1x128xi32, #tpu.memory_space<vmem>> -> memref<128xi32, #tpu.memory_space<vmem>>
    %dma_wait3A_92 = arith.constant 0 : i32
    %dma_wait3A_93 = arith.constant 0 : i32
    %dma_wait3A_94 = tpu.memref_slice %arg4[%dma_wait3A_92, %dma_wait3A_93] : memref<1000000x16xf32, #tpu.memory_space<hbm>> -> memref<1000000x16xf32, #tpu.memory_space<hbm>>
    tpu.wait_indirect_dma semaphore(%arg12 : memref<!tpu.dma_semaphore, #tpu.memory_space<semaphore_mem>>) src(%dma_wait3A_94 : memref<1000000x16xf32, #tpu.memory_space<hbm>>) dst(%dma_wait3A_88 : memref<128x16xf32, #tpu.memory_space<vmem>>)
    %dma_wait3A_95 = arith.constant 0 : i32
    %dma_wait3A_96 = arith.constant 0 : i32
    %dma_wait3A_97 = arith.constant 0 : i32
    %dma_wait3A_98 = tpu.memref_slice %arg10[%dma_wait3A_96, %dma_wait3A_97] : memref<512x16xf32, #tpu.memory_space<vmem>> -> memref<128x16xf32, #tpu.memory_space<vmem>>
    %dma_wait3A_99 = arith.constant 0 : i32
    %dma_wait3A_100 = tpu.memref_slice %arg8[%dma_wait3A_95, %dma_wait3A_99] : memref<4x128xi32, #tpu.memory_space<vmem>> -> memref<1x128xi32, #tpu.memory_space<vmem>>
    %dma_wait3A_101 = tpu.memref_squeeze %dma_wait3A_100 : memref<1x128xi32, #tpu.memory_space<vmem>> -> memref<128xi32, #tpu.memory_space<vmem>>
    %dma_wait3A_102 = arith.constant 0 : i32
    %dma_wait3A_103 = arith.constant 0 : i32
    %dma_wait3A_104 = tpu.memref_slice %arg5[%dma_wait3A_102, %dma_wait3A_103] : memref<1000000x16xf32, #tpu.memory_space<hbm>> -> memref<1000000x16xf32, #tpu.memory_space<hbm>>
    tpu.wait_indirect_dma semaphore(%arg12 : memref<!tpu.dma_semaphore, #tpu.memory_space<semaphore_mem>>) src(%dma_wait3A_104 : memref<1000000x16xf32, #tpu.memory_space<hbm>>) dst(%dma_wait3A_98 : memref<128x16xf32, #tpu.memory_space<vmem>>)
    %dma_wait3A_105 = arith.constant 1 : i32
    %dma_wait3A_106 = arith.constant 128 : i32
    %dma_wait3A_107 = arith.constant 0 : i32
    %dma_wait3A_108 = tpu.memref_slice %arg9[%dma_wait3A_106, %dma_wait3A_107] : memref<512x16xf32, #tpu.memory_space<vmem>> -> memref<128x16xf32, #tpu.memory_space<vmem>>
    %dma_wait3A_109 = arith.constant 0 : i32
    %dma_wait3A_110 = tpu.memref_slice %arg7[%dma_wait3A_105, %dma_wait3A_109] : memref<4x128xi32, #tpu.memory_space<vmem>> -> memref<1x128xi32, #tpu.memory_space<vmem>>
    %dma_wait3A_111 = tpu.memref_squeeze %dma_wait3A_110 : memref<1x128xi32, #tpu.memory_space<vmem>> -> memref<128xi32, #tpu.memory_space<vmem>>
    %dma_wait3A_112 = arith.constant 0 : i32
    %dma_wait3A_113 = arith.constant 0 : i32
    %dma_wait3A_114 = tpu.memref_slice %arg4[%dma_wait3A_112, %dma_wait3A_113] : memref<1000000x16xf32, #tpu.memory_space<hbm>> -> memref<1000000x16xf32, #tpu.memory_space<hbm>>
    tpu.wait_indirect_dma semaphore(%arg12 : memref<!tpu.dma_semaphore, #tpu.memory_space<semaphore_mem>>) src(%dma_wait3A_114 : memref<1000000x16xf32, #tpu.memory_space<hbm>>) dst(%dma_wait3A_108 : memref<128x16xf32, #tpu.memory_space<vmem>>)
    %dma_wait3A_115 = arith.constant 1 : i32
    %dma_wait3A_116 = arith.constant 128 : i32
    %dma_wait3A_117 = arith.constant 0 : i32
    %dma_wait3A_118 = tpu.memref_slice %arg10[%dma_wait3A_116, %dma_wait3A_117] : memref<512x16xf32, #tpu.memory_space<vmem>> -> memref<128x16xf32, #tpu.memory_space<vmem>>
    %dma_wait3A_119 = arith.constant 0 : i32
    %dma_wait3A_120 = tpu.memref_slice %arg8[%dma_wait3A_115, %dma_wait3A_119] : memref<4x128xi32, #tpu.memory_space<vmem>> -> memref<1x128xi32, #tpu.memory_space<vmem>>
    %dma_wait3A_121 = tpu.memref_squeeze %dma_wait3A_120 : memref<1x128xi32, #tpu.memory_space<vmem>> -> memref<128xi32, #tpu.memory_space<vmem>>
    %dma_wait3A_122 = arith.constant 0 : i32
    %dma_wait3A_123 = arith.constant 0 : i32
    %dma_wait3A_124 = tpu.memref_slice %arg5[%dma_wait3A_122, %dma_wait3A_123] : memref<1000000x16xf32, #tpu.memory_space<hbm>> -> memref<1000000x16xf32, #tpu.memory_space<hbm>>
    tpu.wait_indirect_dma semaphore(%arg12 : memref<!tpu.dma_semaphore, #tpu.memory_space<semaphore_mem>>) src(%dma_wait3A_124 : memref<1000000x16xf32, #tpu.memory_space<hbm>>) dst(%dma_wait3A_118 : memref<128x16xf32, #tpu.memory_space<vmem>>)
    %dma_wait3A_125 = arith.constant 2 : i32
    %dma_wait3A_126 = arith.constant 256 : i32
    %dma_wait3A_127 = arith.constant 0 : i32
    %dma_wait3A_128 = tpu.memref_slice %arg9[%dma_wait3A_126, %dma_wait3A_127] : memref<512x16xf32, #tpu.memory_space<vmem>> -> memref<128x16xf32, #tpu.memory_space<vmem>>
    %dma_wait3A_129 = arith.constant 0 : i32
    %dma_wait3A_130 = tpu.memref_slice %arg7[%dma_wait3A_125, %dma_wait3A_129] : memref<4x128xi32, #tpu.memory_space<vmem>> -> memref<1x128xi32, #tpu.memory_space<vmem>>
    %dma_wait3A_131 = tpu.memref_squeeze %dma_wait3A_130 : memref<1x128xi32, #tpu.memory_space<vmem>> -> memref<128xi32, #tpu.memory_space<vmem>>
    %dma_wait3A_132 = arith.constant 0 : i32
    %dma_wait3A_133 = arith.constant 0 : i32
    %dma_wait3A_134 = tpu.memref_slice %arg4[%dma_wait3A_132, %dma_wait3A_133] : memref<1000000x16xf32, #tpu.memory_space<hbm>> -> memref<1000000x16xf32, #tpu.memory_space<hbm>>
    tpu.wait_indirect_dma semaphore(%arg12 : memref<!tpu.dma_semaphore, #tpu.memory_space<semaphore_mem>>) src(%dma_wait3A_134 : memref<1000000x16xf32, #tpu.memory_space<hbm>>) dst(%dma_wait3A_128 : memref<128x16xf32, #tpu.memory_space<vmem>>)
    %dma_wait3A_135 = arith.constant 2 : i32
    %dma_wait3A_136 = arith.constant 256 : i32
    %dma_wait3A_137 = arith.constant 0 : i32
    %dma_wait3A_138 = tpu.memref_slice %arg10[%dma_wait3A_136, %dma_wait3A_137] : memref<512x16xf32, #tpu.memory_space<vmem>> -> memref<128x16xf32, #tpu.memory_space<vmem>>
    %dma_wait3A_139 = arith.constant 0 : i32
    %dma_wait3A_140 = tpu.memref_slice %arg8[%dma_wait3A_135, %dma_wait3A_139] : memref<4x128xi32, #tpu.memory_space<vmem>> -> memref<1x128xi32, #tpu.memory_space<vmem>>
    %dma_wait3A_141 = tpu.memref_squeeze %dma_wait3A_140 : memref<1x128xi32, #tpu.memory_space<vmem>> -> memref<128xi32, #tpu.memory_space<vmem>>
    %dma_wait3A_142 = arith.constant 0 : i32
    %dma_wait3A_143 = arith.constant 0 : i32
    %dma_wait3A_144 = tpu.memref_slice %arg5[%dma_wait3A_142, %dma_wait3A_143] : memref<1000000x16xf32, #tpu.memory_space<hbm>> -> memref<1000000x16xf32, #tpu.memory_space<hbm>>
    tpu.wait_indirect_dma semaphore(%arg12 : memref<!tpu.dma_semaphore, #tpu.memory_space<semaphore_mem>>) src(%dma_wait3A_144 : memref<1000000x16xf32, #tpu.memory_space<hbm>>) dst(%dma_wait3A_138 : memref<128x16xf32, #tpu.memory_space<vmem>>)
    %dma_wait3A_145 = arith.constant 3 : i32
    %dma_wait3A_146 = arith.constant 384 : i32
    %dma_wait3A_147 = arith.constant 0 : i32
    %dma_wait3A_148 = tpu.memref_slice %arg9[%dma_wait3A_146, %dma_wait3A_147] : memref<512x16xf32, #tpu.memory_space<vmem>> -> memref<128x16xf32, #tpu.memory_space<vmem>>
    %dma_wait3A_149 = arith.constant 0 : i32
    %dma_wait3A_150 = tpu.memref_slice %arg7[%dma_wait3A_145, %dma_wait3A_149] : memref<4x128xi32, #tpu.memory_space<vmem>> -> memref<1x128xi32, #tpu.memory_space<vmem>>
    %dma_wait3A_151 = tpu.memref_squeeze %dma_wait3A_150 : memref<1x128xi32, #tpu.memory_space<vmem>> -> memref<128xi32, #tpu.memory_space<vmem>>
    %dma_wait3A_152 = arith.constant 0 : i32
    %dma_wait3A_153 = arith.constant 0 : i32
    %dma_wait3A_154 = tpu.memref_slice %arg4[%dma_wait3A_152, %dma_wait3A_153] : memref<1000000x16xf32, #tpu.memory_space<hbm>> -> memref<1000000x16xf32, #tpu.memory_space<hbm>>
    tpu.wait_indirect_dma semaphore(%arg12 : memref<!tpu.dma_semaphore, #tpu.memory_space<semaphore_mem>>) src(%dma_wait3A_154 : memref<1000000x16xf32, #tpu.memory_space<hbm>>) dst(%dma_wait3A_148 : memref<128x16xf32, #tpu.memory_space<vmem>>)
    %dma_wait3A_155 = arith.constant 3 : i32
    %dma_wait3A_156 = arith.constant 384 : i32
    %dma_wait3A_157 = arith.constant 0 : i32
    %dma_wait3A_158 = tpu.memref_slice %arg10[%dma_wait3A_156, %dma_wait3A_157] : memref<512x16xf32, #tpu.memory_space<vmem>> -> memref<128x16xf32, #tpu.memory_space<vmem>>
    %dma_wait3A_159 = arith.constant 0 : i32
    %dma_wait3A_160 = tpu.memref_slice %arg8[%dma_wait3A_155, %dma_wait3A_159] : memref<4x128xi32, #tpu.memory_space<vmem>> -> memref<1x128xi32, #tpu.memory_space<vmem>>
    %dma_wait3A_161 = tpu.memref_squeeze %dma_wait3A_160 : memref<1x128xi32, #tpu.memory_space<vmem>> -> memref<128xi32, #tpu.memory_space<vmem>>
    %dma_wait3A_162 = arith.constant 0 : i32
    %dma_wait3A_163 = arith.constant 0 : i32
    %dma_wait3A_164 = tpu.memref_slice %arg5[%dma_wait3A_162, %dma_wait3A_163] : memref<1000000x16xf32, #tpu.memory_space<hbm>> -> memref<1000000x16xf32, #tpu.memory_space<hbm>>
    tpu.wait_indirect_dma semaphore(%arg12 : memref<!tpu.dma_semaphore, #tpu.memory_space<semaphore_mem>>) src(%dma_wait3A_164 : memref<1000000x16xf32, #tpu.memory_space<hbm>>) dst(%dma_wait3A_158 : memref<128x16xf32, #tpu.memory_space<vmem>>)
    %iota3A = tpu.iota {dimensions = array<i32: 0>} : vector<16xi32>
    %add3A_165 = arith.constant 0 : i32
    %add3A_166 = vector.broadcast %add3A_165 : i32 to vector<16xi32>
    %add3A_167 = arith.addi %add3A_166, %iota3A : vector<16xi32>
    %broadcast_in_dim3A = arith.constant 0.000000e+00 : f32
    %broadcast_in_dim3A_168 = vector.broadcast %broadcast_in_dim3A : f32 to vector<16xf32>
    %broadcast_in_dim3A_169 = arith.constant 0 : i32
    %broadcast_in_dim3A_170 = vector.broadcast %broadcast_in_dim3A_169 : i32 to vector<16xi32>
    %gather3A = tpu.vector_load_idx %arg9[%add3A_167, %broadcast_in_dim3A_170] : memref<512x16xf32, #tpu.memory_space<vmem>>[vector<16xi32>, vector<16xi32>], vector<16xf32>,
    %gather3A_171 = tpu.vector_load_idx %arg10[%add3A_167, %broadcast_in_dim3A_170] : memref<512x16xf32, #tpu.memory_space<vmem>>[vector<16xi32>, vector<16xi32>], vector<16xf32>,
    %mul3A_172 = arith.mulf %gather3A, %gather3A_171 : vector<16xf32>
    %add3A_173 = arith.addf %broadcast_in_dim3A_168, %mul3A_172 : vector<16xf32>
    %broadcast_in_dim3A_174 = arith.constant 1 : i32
    %broadcast_in_dim3A_175 = vector.broadcast %broadcast_in_dim3A_174 : i32 to vector<16xi32>
    %gather3A_176 = tpu.vector_load_idx %arg9[%add3A_167, %broadcast_in_dim3A_175] : memref<512x16xf32, #tpu.memory_space<vmem>>[vector<16xi32>, vector<16xi32>], vector<16xf32>,
    %gather3A_177 = tpu.vector_load_idx %arg10[%add3A_167, %broadcast_in_dim3A_175] : memref<512x16xf32, #tpu.memory_space<vmem>>[vector<16xi32>, vector<16xi32>], vector<16xf32>,
    %mul3A_178 = arith.mulf %gather3A_176, %gather3A_177 : vector<16xf32>
    %add3A_179 = arith.addf %add3A_173, %mul3A_178 : vector<16xf32>
    %broadcast_in_dim3A_180 = arith.constant 2 : i32
    %broadcast_in_dim3A_181 = vector.broadcast %broadcast_in_dim3A_180 : i32 to vector<16xi32>
    %gather3A_182 = tpu.vector_load_idx %arg9[%add3A_167, %broadcast_in_dim3A_181] : memref<512x16xf32, #tpu.memory_space<vmem>>[vector<16xi32>, vector<16xi32>], vector<16xf32>,
    %gather3A_183 = tpu.vector_load_idx %arg10[%add3A_167, %broadcast_in_dim3A_181] : memref<512x16xf32, #tpu.memory_space<vmem>>[vector<16xi32>, vector<16xi32>], vector<16xf32>,
    %mul3A_184 = arith.mulf %gather3A_182, %gather3A_183 : vector<16xf32>
    %add3A_185 = arith.addf %add3A_179, %mul3A_184 : vector<16xf32>
    %broadcast_in_dim3A_186 = arith.constant 3 : i32
    %broadcast_in_dim3A_187 = vector.broadcast %broadcast_in_dim3A_186 : i32 to vector<16xi32>
    %gather3A_188 = tpu.vector_load_idx %arg9[%add3A_167, %broadcast_in_dim3A_187] : memref<512x16xf32, #tpu.memory_space<vmem>>[vector<16xi32>, vector<16xi32>], vector<16xf32>,
    %gather3A_189 = tpu.vector_load_idx %arg10[%add3A_167, %broadcast_in_dim3A_187] : memref<512x16xf32, #tpu.memory_space<vmem>>[vector<16xi32>, vector<16xi32>], vector<16xf32>,
    %mul3A_190 = arith.mulf %gather3A_188, %gather3A_189 : vector<16xf32>
    %add3A_191 = arith.addf %add3A_185, %mul3A_190 : vector<16xf32>
    %broadcast_in_dim3A_192 = arith.constant 4 : i32
    %broadcast_in_dim3A_193 = vector.broadcast %broadcast_in_dim3A_192 : i32 to vector<16xi32>
    %gather3A_194 = tpu.vector_load_idx %arg9[%add3A_167, %broadcast_in_dim3A_193] : memref<512x16xf32, #tpu.memory_space<vmem>>[vector<16xi32>, vector<16xi32>], vector<16xf32>,
    %gather3A_195 = tpu.vector_load_idx %arg10[%add3A_167, %broadcast_in_dim3A_193] : memref<512x16xf32, #tpu.memory_space<vmem>>[vector<16xi32>, vector<16xi32>], vector<16xf32>,
    %mul3A_196 = arith.mulf %gather3A_194, %gather3A_195 : vector<16xf32>
    %add3A_197 = arith.addf %add3A_191, %mul3A_196 : vector<16xf32>
    %broadcast_in_dim3A_198 = arith.constant 5 : i32
    %broadcast_in_dim3A_199 = vector.broadcast %broadcast_in_dim3A_198 : i32 to vector<16xi32>
    %gather3A_200 = tpu.vector_load_idx %arg9[%add3A_167, %broadcast_in_dim3A_199] : memref<512x16xf32, #tpu.memory_space<vmem>>[vector<16xi32>, vector<16xi32>], vector<16xf32>,
    %gather3A_201 = tpu.vector_load_idx %arg10[%add3A_167, %broadcast_in_dim3A_199] : memref<512x16xf32, #tpu.memory_space<vmem>>[vector<16xi32>, vector<16xi32>], vector<16xf32>,
    %mul3A_202 = arith.mulf %gather3A_200, %gather3A_201 : vector<16xf32>
    %add3A_203 = arith.addf %add3A_197, %mul3A_202 : vector<16xf32>
    %broadcast_in_dim3A_204 = arith.constant 6 : i32
    %broadcast_in_dim3A_205 = vector.broadcast %broadcast_in_dim3A_204 : i32 to vector<16xi32>
    %gather3A_206 = tpu.vector_load_idx %arg9[%add3A_167, %broadcast_in_dim3A_205] : memref<512x16xf32, #tpu.memory_space<vmem>>[vector<16xi32>, vector<16xi32>], vector<16xf32>,
    %gather3A_207 = tpu.vector_load_idx %arg10[%add3A_167, %broadcast_in_dim3A_205] : memref<512x16xf32, #tpu.memory_space<vmem>>[vector<16xi32>, vector<16xi32>], vector<16xf32>,
    %mul3A_208 = arith.mulf %gather3A_206, %gather3A_207 : vector<16xf32>
    %add3A_209 = arith.addf %add3A_203, %mul3A_208 : vector<16xf32>
    %broadcast_in_dim3A_210 = arith.constant 7 : i32
    %broadcast_in_dim3A_211 = vector.broadcast %broadcast_in_dim3A_210 : i32 to vector<16xi32>
    %gather3A_212 = tpu.vector_load_idx %arg9[%add3A_167, %broadcast_in_dim3A_211] : memref<512x16xf32, #tpu.memory_space<vmem>>[vector<16xi32>, vector<16xi32>], vector<16xf32>,
    %gather3A_213 = tpu.vector_load_idx %arg10[%add3A_167, %broadcast_in_dim3A_211] : memref<512x16xf32, #tpu.memory_space<vmem>>[vector<16xi32>, vector<16xi32>], vector<16xf32>,
    %mul3A_214 = arith.mulf %gather3A_212, %gather3A_213 : vector<16xf32>
    %add3A_215 = arith.addf %add3A_209, %mul3A_214 : vector<16xf32>
    %broadcast_in_dim3A_216 = arith.constant 8 : i32
    %broadcast_in_dim3A_217 = vector.broadcast %broadcast_in_dim3A_216 : i32 to vector<16xi32>
    %gather3A_218 = tpu.vector_load_idx %arg9[%add3A_167, %broadcast_in_dim3A_217] : memref<512x16xf32, #tpu.memory_space<vmem>>[vector<16xi32>, vector<16xi32>], vector<16xf32>,
    %gather3A_219 = tpu.vector_load_idx %arg10[%add3A_167, %broadcast_in_dim3A_217] : memref<512x16xf32, #tpu.memory_space<vmem>>[vector<16xi32>, vector<16xi32>], vector<16xf32>,
    %mul3A_220 = arith.mulf %gather3A_218, %gather3A_219 : vector<16xf32>
    %add3A_221 = arith.addf %add3A_215, %mul3A_220 : vector<16xf32>
    %broadcast_in_dim3A_222 = arith.constant 9 : i32
    %broadcast_in_dim3A_223 = vector.broadcast %broadcast_in_dim3A_222 : i32 to vector<16xi32>
    %gather3A_224 = tpu.vector_load_idx %arg9[%add3A_167, %broadcast_in_dim3A_223] : memref<512x16xf32, #tpu.memory_space<vmem>>[vector<16xi32>, vector<16xi32>], vector<16xf32>,
    %gather3A_225 = tpu.vector_load_idx %arg10[%add3A_167, %broadcast_in_dim3A_223] : memref<512x16xf32, #tpu.memory_space<vmem>>[vector<16xi32>, vector<16xi32>], vector<16xf32>,
    %mul3A_226 = arith.mulf %gather3A_224, %gather3A_225 : vector<16xf32>
    %add3A_227 = arith.addf %add3A_221, %mul3A_226 : vector<16xf32>
    %broadcast_in_dim3A_228 = arith.constant 10 : i32
    %broadcast_in_dim3A_229 = vector.broadcast %broadcast_in_dim3A_228 : i32 to vector<16xi32>
    %gather3A_230 = tpu.vector_load_idx %arg9[%add3A_167, %broadcast_in_dim3A_229] : memref<512x16xf32, #tpu.memory_space<vmem>>[vector<16xi32>, vector<16xi32>], vector<16xf32>,
    %gather3A_231 = tpu.vector_load_idx %arg10[%add3A_167, %broadcast_in_dim3A_229] : memref<512x16xf32, #tpu.memory_space<vmem>>[vector<16xi32>, vector<16xi32>], vector<16xf32>,
    %mul3A_232 = arith.mulf %gather3A_230, %gather3A_231 : vector<16xf32>
    %add3A_233 = arith.addf %add3A_227, %mul3A_232 : vector<16xf32>
    %broadcast_in_dim3A_234 = arith.constant 11 : i32
    %broadcast_in_dim3A_235 = vector.broadcast %broadcast_in_dim3A_234 : i32 to vector<16xi32>
    %gather3A_236 = tpu.vector_load_idx %arg9[%add3A_167, %broadcast_in_dim3A_235] : memref<512x16xf32, #tpu.memory_space<vmem>>[vector<16xi32>, vector<16xi32>], vector<16xf32>,
    %gather3A_237 = tpu.vector_load_idx %arg10[%add3A_167, %broadcast_in_dim3A_235] : memref<512x16xf32, #tpu.memory_space<vmem>>[vector<16xi32>, vector<16xi32>], vector<16xf32>,
    %mul3A_238 = arith.mulf %gather3A_236, %gather3A_237 : vector<16xf32>
    %add3A_239 = arith.addf %add3A_233, %mul3A_238 : vector<16xf32>
    %broadcast_in_dim3A_240 = arith.constant 12 : i32
    %broadcast_in_dim3A_241 = vector.broadcast %broadcast_in_dim3A_240 : i32 to vector<16xi32>
    %gather3A_242 = tpu.vector_load_idx %arg9[%add3A_167, %broadcast_in_dim3A_241] : memref<512x16xf32, #tpu.memory_space<vmem>>[vector<16xi32>, vector<16xi32>], vector<16xf32>,
    %gather3A_243 = tpu.vector_load_idx %arg10[%add3A_167, %broadcast_in_dim3A_241] : memref<512x16xf32, #tpu.memory_space<vmem>>[vector<16xi32>, vector<16xi32>], vector<16xf32>,
    %mul3A_244 = arith.mulf %gather3A_242, %gather3A_243 : vector<16xf32>
    %add3A_245 = arith.addf %add3A_239, %mul3A_244 : vector<16xf32>
    %broadcast_in_dim3A_246 = arith.constant 13 : i32
    %broadcast_in_dim3A_247 = vector.broadcast %broadcast_in_dim3A_246 : i32 to vector<16xi32>
    %gather3A_248 = tpu.vector_load_idx %arg9[%add3A_167, %broadcast_in_dim3A_247] : memref<512x16xf32, #tpu.memory_space<vmem>>[vector<16xi32>, vector<16xi32>], vector<16xf32>,
    %gather3A_249 = tpu.vector_load_idx %arg10[%add3A_167, %broadcast_in_dim3A_247] : memref<512x16xf32, #tpu.memory_space<vmem>>[vector<16xi32>, vector<16xi32>], vector<16xf32>,
    %mul3A_250 = arith.mulf %gather3A_248, %gather3A_249 : vector<16xf32>
    %add3A_251 = arith.addf %add3A_245, %mul3A_250 : vector<16xf32>
    %broadcast_in_dim3A_252 = arith.constant 14 : i32
    %broadcast_in_dim3A_253 = vector.broadcast %broadcast_in_dim3A_252 : i32 to vector<16xi32>
    %gather3A_254 = tpu.vector_load_idx %arg9[%add3A_167, %broadcast_in_dim3A_253] : memref<512x16xf32, #tpu.memory_space<vmem>>[vector<16xi32>, vector<16xi32>], vector<16xf32>,
    %gather3A_255 = tpu.vector_load_idx %arg10[%add3A_167, %broadcast_in_dim3A_253] : memref<512x16xf32, #tpu.memory_space<vmem>>[vector<16xi32>, vector<16xi32>], vector<16xf32>,
    %mul3A_256 = arith.mulf %gather3A_254, %gather3A_255 : vector<16xf32>
    %add3A_257 = arith.addf %add3A_251, %mul3A_256 : vector<16xf32>
    %broadcast_in_dim3A_258 = arith.constant 15 : i32
    %broadcast_in_dim3A_259 = vector.broadcast %broadcast_in_dim3A_258 : i32 to vector<16xi32>
    %gather3A_260 = tpu.vector_load_idx %arg9[%add3A_167, %broadcast_in_dim3A_259] : memref<512x16xf32, #tpu.memory_space<vmem>>[vector<16xi32>, vector<16xi32>], vector<16xf32>,
    %gather3A_261 = tpu.vector_load_idx %arg10[%add3A_167, %broadcast_in_dim3A_259] : memref<512x16xf32, #tpu.memory_space<vmem>>[vector<16xi32>, vector<16xi32>], vector<16xf32>,
    %mul3A_262 = arith.mulf %gather3A_260, %gather3A_261 : vector<16xf32>
    %add3A_263 = arith.addf %add3A_257, %mul3A_262 : vector<16xf32>
    %swap3A = arith.constant 0 : index
    %swap3A_264 = tpu.vector_load %arg11[%swap3A] {strides = array<i32>} : memref<512xf32, #tpu.memory_space<vmem>>, vector<16xf32>,
    tpu.vector_store %arg11[%swap3A], %add3A_263 {strides = array<i32>} : memref<512xf32, #tpu.memory_space<vmem>>, vector<16xf32>,
    %add3A_265 = arith.constant 16 : i32
    %add3A_266 = vector.broadcast %add3A_265 : i32 to vector<16xi32>
    %add3A_267 = arith.addi %add3A_266, %iota3A : vector<16xi32>
    %broadcast_in_dim3A_268 = arith.constant 0.000000e+00 : f32
    %broadcast_in_dim3A_269 = vector.broadcast %broadcast_in_dim3A_268 : f32 to vector<16xf32>
    %broadcast_in_dim3A_270 = arith.constant 0 : i32
    %broadcast_in_dim3A_271 = vector.broadcast %broadcast_in_dim3A_270 : i32 to vector<16xi32>
    %gather3A_272 = tpu.vector_load_idx %arg9[%add3A_267, %broadcast_in_dim3A_271] : memref<512x16xf32, #tpu.memory_space<vmem>>[vector<16xi32>, vector<16xi32>], vector<16xf32>,
    %gather3A_273 = tpu.vector_load_idx %arg10[%add3A_267, %broadcast_in_dim3A_271] : memref<512x16xf32, #tpu.memory_space<vmem>>[vector<16xi32>, vector<16xi32>], vector<16xf32>,
    %mul3A_274 = arith.mulf %gather3A_272, %gather3A_273 : vector<16xf32>
    %add3A_275 = arith.addf %broadcast_in_dim3A_269, %mul3A_274 : vector<16xf32>
    %broadcast_in_dim3A_276 = arith.constant 1 : i32
    %broadcast_in_dim3A_277 = vector.broadcast %broadcast_in_dim3A_276 : i32 to vector<16xi32>
    %gather3A_278 = tpu.vector_load_idx %arg9[%add3A_267, %broadcast_in_dim3A_277] : memref<512x16xf32, #tpu.memory_space<vmem>>[vector<16xi32>, vector<16xi32>], vector<16xf32>,
    %gather3A_279 = tpu.vector_load_idx %arg10[%add3A_267, %broadcast_in_dim3A_277] : memref<512x16xf32, #tpu.memory_space<vmem>>[vector<16xi32>, vector<16xi32>], vector<16xf32>,
    %mul3A_280 = arith.mulf %gather3A_278, %gather3A_279 : vector<16xf32>
    %add3A_281 = arith.addf %add3A_275, %mul3A_280 : vector<16xf32>
    %broadcast_in_dim3A_282 = arith.constant 2 : i32
    %broadcast_in_dim3A_283 = vector.broadcast %broadcast_in_dim3A_282 : i32 to vector<16xi32>
    %gather3A_284 = tpu.vector_load_idx %arg9[%add3A_267, %broadcast_in_dim3A_283] : memref<512x16xf32, #tpu.memory_space<vmem>>[vector<16xi32>, vector<16xi32>], vector<16xf32>,
    %gather3A_285 = tpu.vector_load_idx %arg10[%add3A_267, %broadcast_in_dim3A_283] : memref<512x16xf32, #tpu.memory_space<vmem>>[vector<16xi32>, vector<16xi32>], vector<16xf32>,
    %mul3A_286 = arith.mulf %gather3A_284, %gather3A_285 : vector<16xf32>
    %add3A_287 = arith.addf %add3A_281, %mul3A_286 : vector<16xf32>
    %broadcast_in_dim3A_288 = arith.constant 3 : i32
    %broadcast_in_dim3A_289 = vector.broadcast %broadcast_in_dim3A_288 : i32 to vector<16xi32>
    %gather3A_290 = tpu.vector_load_idx %arg9[%add3A_267, %broadcast_in_dim3A_289] : memref<512x16xf32, #tpu.memory_space<vmem>>[vector<16xi32>, vector<16xi32>], vector<16xf32>,
    %gather3A_291 = tpu.vector_load_idx %arg10[%add3A_267, %broadcast_in_dim3A_289] : memref<512x16xf32, #tpu.memory_space<vmem>>[vector<16xi32>, vector<16xi32>], vector<16xf32>,
    %mul3A_292 = arith.mulf %gather3A_290, %gather3A_291 : vector<16xf32>
    %add3A_293 = arith.addf %add3A_287, %mul3A_292 : vector<16xf32>
    %broadcast_in_dim3A_294 = arith.constant 4 : i32
    %broadcast_in_dim3A_295 = vector.broadcast %broadcast_in_dim3A_294 : i32 to vector<16xi32>
    %gather3A_296 = tpu.vector_load_idx %arg9[%add3A_267, %broadcast_in_dim3A_295] : memref<512x16xf32, #tpu.memory_space<vmem>>[vector<16xi32>, vector<16xi32>], vector<16xf32>,
    %gather3A_297 = tpu.vector_load_idx %arg10[%add3A_267, %broadcast_in_dim3A_295] : memref<512x16xf32, #tpu.memory_space<vmem>>[vector<16xi32>, vector<16xi32>], vector<16xf32>,
    %mul3A_298 = arith.mulf %gather3A_296, %gather3A_297 : vector<16xf32>
    %add3A_299 = arith.addf %add3A_293, %mul3A_298 : vector<16xf32>
    %broadcast_in_dim3A_300 = arith.constant 5 : i32
    %broadcast_in_dim3A_301 = vector.broadcast %broadcast_in_dim3A_300 : i32 to vector<16xi32>
    %gather3A_302 = tpu.vector_load_idx %arg9[%add3A_267, %broadcast_in_dim3A_301] : memref<512x16xf32, #tpu.memory_space<vmem>>[vector<16xi32>, vector<16xi32>], vector<16xf32>,
    %gather3A_303 = tpu.vector_load_idx %arg10[%add3A_267, %broadcast_in_dim3A_301] : memref<512x16xf32, #tpu.memory_space<vmem>>[vector<16xi32>, vector<16xi32>], vector<16xf32>,
    %mul3A_304 = arith.mulf %gather3A_302, %gather3A_303 : vector<16xf32>
    %add3A_305 = arith.addf %add3A_299, %mul3A_304 : vector<16xf32>
    %broadcast_in_dim3A_306 = arith.constant 6 : i32
    %broadcast_in_dim3A_307 = vector.broadcast %broadcast_in_dim3A_306 : i32 to vector<16xi32>
    %gather3A_308 = tpu.vector_load_idx %arg9[%add3A_267, %broadcast_in_dim3A_307] : memref<512x16xf32, #tpu.memory_space<vmem>>[vector<16xi32>, vector<16xi32>], vector<16xf32>,
    %gather3A_309 = tpu.vector_load_idx %arg10[%add3A_267, %broadcast_in_dim3A_307] : memref<512x16xf32, #tpu.memory_space<vmem>>[vector<16xi32>, vector<16xi32>], vector<16xf32>,
    %mul3A_310 = arith.mulf %gather3A_308, %gather3A_309 : vector<16xf32>
    %add3A_311 = arith.addf %add3A_305, %mul3A_310 : vector<16xf32>
    %broadcast_in_dim3A_312 = arith.constant 7 : i32
    %broadcast_in_dim3A_313 = vector.broadcast %broadcast_in_dim3A_312 : i32 to vector<16xi32>
    %gather3A_314 = tpu.vector_load_idx %arg9[%add3A_267, %broadcast_in_dim3A_313] : memref<512x16xf32, #tpu.memory_space<vmem>>[vector<16xi32>, vector<16xi32>], vector<16xf32>,
    %gather3A_315 = tpu.vector_load_idx %arg10[%add3A_267, %broadcast_in_dim3A_313] : memref<512x16xf32, #tpu.memory_space<vmem>>[vector<16xi32>, vector<16xi32>], vector<16xf32>,
    %mul3A_316 = arith.mulf %gather3A_314, %gather3A_315 : vector<16xf32>
    %add3A_317 = arith.addf %add3A_311, %mul3A_316 : vector<16xf32>
    %broadcast_in_dim3A_318 = arith.constant 8 : i32
    %broadcast_in_dim3A_319 = vector.broadcast %broadcast_in_dim3A_318 : i32 to vector<16xi32>
    %gather3A_320 = tpu.vector_load_idx %arg9[%add3A_267, %broadcast_in_dim3A_319] : memref<512x16xf32, #tpu.memory_space<vmem>>[vector<16xi32>, vector<16xi32>], vector<16xf32>,
    %gather3A_321 = tpu.vector_load_idx %arg10[%add3A_267, %broadcast_in_dim3A_319] : memref<512x16xf32, #tpu.memory_space<vmem>>[vector<16xi32>, vector<16xi32>], vector<16xf32>,
    %mul3A_322 = arith.mulf %gather3A_320, %gather3A_321 : vector<16xf32>
    %add3A_323 = arith.addf %add3A_317, %mul3A_322 : vector<16xf32>
    %broadcast_in_dim3A_324 = arith.constant 9 : i32
    %broadcast_in_dim3A_325 = vector.broadcast %broadcast_in_dim3A_324 : i32 to vector<16xi32>
    %gather3A_326 = tpu.vector_load_idx %arg9[%add3A_267, %broadcast_in_dim3A_325] : memref<512x16xf32, #tpu.memory_space<vmem>>[vector<16xi32>, vector<16xi32>], vector<16xf32>,
    %gather3A_327 = tpu.vector_load_idx %arg10[%add3A_267, %broadcast_in_dim3A_325] : memref<512x16xf32, #tpu.memory_space<vmem>>[vector<16xi32>, vector<16xi32>], vector<16xf32>,
    %mul3A_328 = arith.mulf %gather3A_326, %gather3A_327 : vector<16xf32>
    %add3A_329 = arith.addf %add3A_323, %mul3A_328 : vector<16xf32>
    %broadcast_in_dim3A_330 = arith.constant 10 : i32
    %broadcast_in_dim3A_331 = vector.broadcast %broadcast_in_dim3A_330 : i32 to vector<16xi32>
    %gather3A_332 = tpu.vector_load_idx %arg9[%add3A_267, %broadcast_in_dim3A_331] : memref<512x16xf32, #tpu.memory_space<vmem>>[vector<16xi32>, vector<16xi32>], vector<16xf32>,
    %gather3A_333 = tpu.vector_load_idx %arg10[%add3A_267, %broadcast_in_dim3A_331] : memref<512x16xf32, #tpu.memory_space<vmem>>[vector<16xi32>, vector<16xi32>], vector<16xf32>,
    %mul3A_334 = arith.mulf %gather3A_332, %gather3A_333 : vector<16xf32>
    %add3A_335 = arith.addf %add3A_329, %mul3A_334 : vector<16xf32>
    %broadcast_in_dim3A_336 = arith.constant 11 : i32
    %broadcast_in_dim3A_337 = vector.broadcast %broadcast_in_dim3A_336 : i32 to vector<16xi32>
    %gather3A_338 = tpu.vector_load_idx %arg9[%add3A_267, %broadcast_in_dim3A_337] : memref<512x16xf32, #tpu.memory_space<vmem>>[vector<16xi32>, vector<16xi32>], vector<16xf32>,
    %gather3A_339 = tpu.vector_load_idx %arg10[%add3A_267, %broadcast_in_dim3A_337] : memref<512x16xf32, #tpu.memory_space<vmem>>[vector<16xi32>, vector<16xi32>], vector<16xf32>,
    %mul3A_340 = arith.mulf %gather3A_338, %gather3A_339 : vector<16xf32>
    %add3A_341 = arith.addf %add3A_335, %mul3A_340 : vector<16xf32>
    %broadcast_in_dim3A_342 = arith.constant 12 : i32
    %broadcast_in_dim3A_343 = vector.broadcast %broadcast_in_dim3A_342 : i32 to vector<16xi32>
    %gather3A_344 = tpu.vector_load_idx %arg9[%add3A_267, %broadcast_in_dim3A_343] : memref<512x16xf32, #tpu.memory_space<vmem>>[vector<16xi32>, vector<16xi32>], vector<16xf32>,
    %gather3A_345 = tpu.vector_load_idx %arg10[%add3A_267, %broadcast_in_dim3A_343] : memref<512x16xf32, #tpu.memory_space<vmem>>[vector<16xi32>, vector<16xi32>], vector<16xf32>,
    %mul3A_346 = arith.mulf %gather3A_344, %gather3A_345 : vector<16xf32>
    %add3A_347 = arith.addf %add3A_341, %mul3A_346 : vector<16xf32>
    %broadcast_in_dim3A_348 = arith.constant 13 : i32
    %broadcast_in_dim3A_349 = vector.broadcast %broadcast_in_dim3A_348 : i32 to vector<16xi32>
    %gather3A_350 = tpu.vector_load_idx %arg9[%add3A_267, %broadcast_in_dim3A_349] : memref<512x16xf32, #tpu.memory_space<vmem>>[vector<16xi32>, vector<16xi32>], vector<16xf32>,
    %gather3A_351 = tpu.vector_load_idx %arg10[%add3A_267, %broadcast_in_dim3A_349] : memref<512x16xf32, #tpu.memory_space<vmem>>[vector<16xi32>, vector<16xi32>], vector<16xf32>,
    %mul3A_352 = arith.mulf %gather3A_350, %gather3A_351 : vector<16xf32>
    %add3A_353 = arith.addf %add3A_347, %mul3A_352 : vector<16xf32>
    %broadcast_in_dim3A_354 = arith.constant 14 : i32
    %broadcast_in_dim3A_355 = vector.broadcast %broadcast_in_dim3A_354 : i32 to vector<16xi32>
    %gather3A_356 = tpu.vector_load_idx %arg9[%add3A_267, %broadcast_in_dim3A_355] : memref<512x16xf32, #tpu.memory_space<vmem>>[vector<16xi32>, vector<16xi32>], vector<16xf32>,
    %gather3A_357 = tpu.vector_load_idx %arg10[%add3A_267, %broadcast_in_dim3A_355] : memref<512x16xf32, #tpu.memory_space<vmem>>[vector<16xi32>, vector<16xi32>], vector<16xf32>,
    %mul3A_358 = arith.mulf %gather3A_356, %gather3A_357 : vector<16xf32>
    %add3A_359 = arith.addf %add3A_353, %mul3A_358 : vector<16xf32>
    %broadcast_in_dim3A_360 = arith.constant 15 : i32
    %broadcast_in_dim3A_361 = vector.broadcast %broadcast_in_dim3A_360 : i32 to vector<16xi32>
    %gather3A_362 = tpu.vector_load_idx %arg9[%add3A_267, %broadcast_in_dim3A_361] : memref<512x16xf32, #tpu.memory_space<vmem>>[vector<16xi32>, vector<16xi32>], vector<16xf32>,
    %gather3A_363 = tpu.vector_load_idx %arg10[%add3A_267, %broadcast_in_dim3A_361] : memref<512x16xf32, #tpu.memory_space<vmem>>[vector<16xi32>, vector<16xi32>], vector<16xf32>,
    %mul3A_364 = arith.mulf %gather3A_362, %gather3A_363 : vector<16xf32>
    %add3A_365 = arith.addf %add3A_359, %mul3A_364 : vector<16xf32>
    %swap3A_366 = arith.constant 16 : index
    %swap3A_367 = tpu.vector_load %arg11[%swap3A_366] {strides = array<i32>} : memref<512xf32, #tpu.memory_space<vmem>>, vector<16xf32>,
    tpu.vector_store %arg11[%swap3A_366], %add3A_365 {strides = array<i32>} : memref<512xf32, #tpu.memory_space<vmem>>, vector<16xf32>,
    %add3A_368 = arith.constant 32 : i32
    %add3A_369 = vector.broadcast %add3A_368 : i32 to vector<16xi32>
    %add3A_370 = arith.addi %add3A_369, %iota3A : vector<16xi32>
    %broadcast_in_dim3A_371 = arith.constant 0.000000e+00 : f32
    %broadcast_in_dim3A_372 = vector.broadcast %broadcast_in_dim3A_371 : f32 to vector<16xf32>
    %broadcast_in_dim3A_373 = arith.constant 0 : i32
    %broadcast_in_dim3A_374 = vector.broadcast %broadcast_in_dim3A_373 : i32 to vector<16xi32>
    %gather3A_375 = tpu.vector_load_idx %arg9[%add3A_370, %broadcast_in_dim3A_374] : memref<512x16xf32, #tpu.memory_space<vmem>>[vector<16xi32>, vector<16xi32>], vector<16xf32>,
    %gather3A_376 = tpu.vector_load_idx %arg10[%add3A_370, %broadcast_in_dim3A_374] : memref<512x16xf32, #tpu.memory_space<vmem>>[vector<16xi32>, vector<16xi32>], vector<16xf32>,
    %mul3A_377 = arith.mulf %gather3A_375, %gather3A_376 : vector<16xf32>
    %add3A_378 = arith.addf %broadcast_in_dim3A_372, %mul3A_377 : vector<16xf32>
    %broadcast_in_dim3A_379 = arith.constant 1 : i32
    %broadcast_in_dim3A_380 = vector.broadcast %broadcast_in_dim3A_379 : i32 to vector<16xi32>
    %gather3A_381 = tpu.vector_load_idx %arg9[%add3A_370, %broadcast_in_dim3A_380] : memref<512x16xf32, #tpu.memory_space<vmem>>[vector<16xi32>, vector<16xi32>], vector<16xf32>,
    %gather3A_382 = tpu.vector_load_idx %arg10[%add3A_370, %broadcast_in_dim3A_380] : memref<512x16xf32, #tpu.memory_space<vmem>>[vector<16xi32>, vector<16xi32>], vector<16xf32>,
    %mul3A_383 = arith.mulf %gather3A_381, %gather3A_382 : vector<16xf32>
    %add3A_384 = arith.addf %add3A_378, %mul3A_383 : vector<16xf32>
    %broadcast_in_dim3A_385 = arith.constant 2 : i32
    %broadcast_in_dim3A_386 = vector.broadcast %broadcast_in_dim3A_385 : i32 to vector<16xi32>
    %gather3A_387 = tpu.vector_load_idx %arg9[%add3A_370, %broadcast_in_dim3A_386] : memref<512x16xf32, #tpu.memory_space<vmem>>[vector<16xi32>, vector<16xi32>], vector<16xf32>,
    %gather3A_388 = tpu.vector_load_idx %arg10[%add3A_370, %broadcast_in_dim3A_386] : memref<512x16xf32, #tpu.memory_space<vmem>>[vector<16xi32>, vector<16xi32>], vector<16xf32>,
    %mul3A_389 = arith.mulf %gather3A_387, %gather3A_388 : vector<16xf32>
    %add3A_390 = arith.addf %add3A_384, %mul3A_389 : vector<16xf32>
    %broadcast_in_dim3A_391 = arith.constant 3 : i32
    %broadcast_in_dim3A_392 = vector.broadcast %broadcast_in_dim3A_391 : i32 to vector<16xi32>
    %gather3A_393 = tpu.vector_load_idx %arg9[%add3A_370, %broadcast_in_dim3A_392] : memref<512x16xf32, #tpu.memory_space<vmem>>[vector<16xi32>, vector<16xi32>], vector<16xf32>,
    %gather3A_394 = tpu.vector_load_idx %arg10[%add3A_370, %broadcast_in_dim3A_392] : memref<512x16xf32, #tpu.memory_space<vmem>>[vector<16xi32>, vector<16xi32>], vector<16xf32>,
    %mul3A_395 = arith.mulf %gather3A_393, %gather3A_394 : vector<16xf32>
    %add3A_396 = arith.addf %add3A_390, %mul3A_395 : vector<16xf32>
    %broadcast_in_dim3A_397 = arith.constant 4 : i32
    %broadcast_in_dim3A_398 = vector.broadcast %broadcast_in_dim3A_397 : i32 to vector<16xi32>
    %gather3A_399 = tpu.vector_load_idx %arg9[%add3A_370, %broadcast_in_dim3A_398] : memref<512x16xf32, #tpu.memory_space<vmem>>[vector<16xi32>, vector<16xi32>], vector<16xf32>,
    %gather3A_400 = tpu.vector_load_idx %arg10[%add3A_370, %broadcast_in_dim3A_398] : memref<512x16xf32, #tpu.memory_space<vmem>>[vector<16xi32>, vector<16xi32>], vector<16xf32>,
    %mul3A_401 = arith.mulf %gather3A_399, %gather3A_400 : vector<16xf32>
    %add3A_402 = arith.addf %add3A_396, %mul3A_401 : vector<16xf32>
    %broadcast_in_dim3A_403 = arith.constant 5 : i32
    %broadcast_in_dim3A_404 = vector.broadcast %broadcast_in_dim3A_403 : i32 to vector<16xi32>
    %gather3A_405 = tpu.vector_load_idx %arg9[%add3A_370, %broadcast_in_dim3A_404] : memref<512x16xf32, #tpu.memory_space<vmem>>[vector<16xi32>, vector<16xi32>], vector<16xf32>,
    %gather3A_406 = tpu.vector_load_idx %arg10[%add3A_370, %broadcast_in_dim3A_404] : memref<512x16xf32, #tpu.memory_space<vmem>>[vector<16xi32>, vector<16xi32>], vector<16xf32>,
    %mul3A_407 = arith.mulf %gather3A_405, %gather3A_406 : vector<16xf32>
    %add3A_408 = arith.addf %add3A_402, %mul3A_407 : vector<16xf32>
    %broadcast_in_dim3A_409 = arith.constant 6 : i32
    %broadcast_in_dim3A_410 = vector.broadcast %broadcast_in_dim3A_409 : i32 to vector<16xi32>
    %gather3A_411 = tpu.vector_load_idx %arg9[%add3A_370, %broadcast_in_dim3A_410] : memref<512x16xf32, #tpu.memory_space<vmem>>[vector<16xi32>, vector<16xi32>], vector<16xf32>,
    %gather3A_412 = tpu.vector_load_idx %arg10[%add3A_370, %broadcast_in_dim3A_410] : memref<512x16xf32, #tpu.memory_space<vmem>>[vector<16xi32>, vector<16xi32>], vector<16xf32>,
    %mul3A_413 = arith.mulf %gather3A_411, %gather3A_412 : vector<16xf32>
    %add3A_414 = arith.addf %add3A_408, %mul3A_413 : vector<16xf32>
    %broadcast_in_dim3A_415 = arith.constant 7 : i32
    %broadcast_in_dim3A_416 = vector.broadcast %broadcast_in_dim3A_415 : i32 to vector<16xi32>
    %gather3A_417 = tpu.vector_load_idx %arg9[%add3A_370, %broadcast_in_dim3A_416] : memref<512x16xf32, #tpu.memory_space<vmem>>[vector<16xi32>, vector<16xi32>], vector<16xf32>,
    %gather3A_418 = tpu.vector_load_idx %arg10[%add3A_370, %broadcast_in_dim3A_416] : memref<512x16xf32, #tpu.memory_space<vmem>>[vector<16xi32>, vector<16xi32>], vector<16xf32>,
    %mul3A_419 = arith.mulf %gather3A_417, %gather3A_418 : vector<16xf32>
    %add3A_420 = arith.addf %add3A_414, %mul3A_419 : vector<16xf32>
    %broadcast_in_dim3A_421 = arith.constant 8 : i32
    %broadcast_in_dim3A_422 = vector.broadcast %broadcast_in_dim3A_421 : i32 to vector<16xi32>
    %gather3A_423 = tpu.vector_load_idx %arg9[%add3A_370, %broadcast_in_dim3A_422] : memref<512x16xf32, #tpu.memory_space<vmem>>[vector<16xi32>, vector<16xi32>], vector<16xf32>,
    %gather3A_424 = tpu.vector_load_idx %arg10[%add3A_370, %broadcast_in_dim3A_422] : memref<512x16xf32, #tpu.memory_space<vmem>>[vector<16xi32>, vector<16xi32>], vector<16xf32>,
    %mul3A_425 = arith.mulf %gather3A_423, %gather3A_424 : vector<16xf32>
    %add3A_426 = arith.addf %add3A_420, %mul3A_425 : vector<16xf32>
    %broadcast_in_dim3A_427 = arith.constant 9 : i32
    %broadcast_in_dim3A_428 = vector.broadcast %broadcast_in_dim3A_427 : i32 to vector<16xi32>
    %gather3A_429 = tpu.vector_load_idx %arg9[%add3A_370, %broadcast_in_dim3A_428] : memref<512x16xf32, #tpu.memory_space<vmem>>[vector<16xi32>, vector<16xi32>], vector<16xf32>,
    %gather3A_430 = tpu.vector_load_idx %arg10[%add3A_370, %broadcast_in_dim3A_428] : memref<512x16xf32, #tpu.memory_space<vmem>>[vector<16xi32>, vector<16xi32>], vector<16xf32>,
    %mul3A_431 = arith.mulf %gather3A_429, %gather3A_430 : vector<16xf32>
    %add3A_432 = arith.addf %add3A_426, %mul3A_431 : vector<16xf32>
    %broadcast_in_dim3A_433 = arith.constant 10 : i32
    %broadcast_in_dim3A_434 = vector.broadcast %broadcast_in_dim3A_433 : i32 to vector<16xi32>
    %gather3A_435 = tpu.vector_load_idx %arg9[%add3A_370, %broadcast_in_dim3A_434] : memref<512x16xf32, #tpu.memory_space<vmem>>[vector<16xi32>, vector<16xi32>], vector<16xf32>,
    %gather3A_436 = tpu.vector_load_idx %arg10[%add3A_370, %broadcast_in_dim3A_434] : memref<512x16xf32, #tpu.memory_space<vmem>>[vector<16xi32>, vector<16xi32>], vector<16xf32>,
    %mul3A_437 = arith.mulf %gather3A_435, %gather3A_436 : vector<16xf32>
    %add3A_438 = arith.addf %add3A_432, %mul3A_437 : vector<16xf32>
    %broadcast_in_dim3A_439 = arith.constant 11 : i32
    %broadcast_in_dim3A_440 = vector.broadcast %broadcast_in_dim3A_439 : i32 to vector<16xi32>
    %gather3A_441 = tpu.vector_load_idx %arg9[%add3A_370, %broadcast_in_dim3A_440] : memref<512x16xf32, #tpu.memory_space<vmem>>[vector<16xi32>, vector<16xi32>], vector<16xf32>,
    %gather3A_442 = tpu.vector_load_idx %arg10[%add3A_370, %broadcast_in_dim3A_440] : memref<512x16xf32, #tpu.memory_space<vmem>>[vector<16xi32>, vector<16xi32>], vector<16xf32>,
    %mul3A_443 = arith.mulf %gather3A_441, %gather3A_442 : vector<16xf32>
    %add3A_444 = arith.addf %add3A_438, %mul3A_443 : vector<16xf32>
    %broadcast_in_dim3A_445 = arith.constant 12 : i32
    %broadcast_in_dim3A_446 = vector.broadcast %broadcast_in_dim3A_445 : i32 to vector<16xi32>
    %gather3A_447 = tpu.vector_load_idx %arg9[%add3A_370, %broadcast_in_dim3A_446] : memref<512x16xf32, #tpu.memory_space<vmem>>[vector<16xi32>, vector<16xi32>], vector<16xf32>,
    %gather3A_448 = tpu.vector_load_idx %arg10[%add3A_370, %broadcast_in_dim3A_446] : memref<512x16xf32, #tpu.memory_space<vmem>>[vector<16xi32>, vector<16xi32>], vector<16xf32>,
    %mul3A_449 = arith.mulf %gather3A_447, %gather3A_448 : vector<16xf32>
    %add3A_450 = arith.addf %add3A_444, %mul3A_449 : vector<16xf32>
    %broadcast_in_dim3A_451 = arith.constant 13 : i32
    %broadcast_in_dim3A_452 = vector.broadcast %broadcast_in_dim3A_451 : i32 to vector<16xi32>
    %gather3A_453 = tpu.vector_load_idx %arg9[%add3A_370, %broadcast_in_dim3A_452] : memref<512x16xf32, #tpu.memory_space<vmem>>[vector<16xi32>, vector<16xi32>], vector<16xf32>,
    %gather3A_454 = tpu.vector_load_idx %arg10[%add3A_370, %broadcast_in_dim3A_452] : memref<512x16xf32, #tpu.memory_space<vmem>>[vector<16xi32>, vector<16xi32>], vector<16xf32>,
    %mul3A_455 = arith.mulf %gather3A_453, %gather3A_454 : vector<16xf32>
    %add3A_456 = arith.addf %add3A_450, %mul3A_455 : vector<16xf32>
    %broadcast_in_dim3A_457 = arith.constant 14 : i32
    %broadcast_in_dim3A_458 = vector.broadcast %broadcast_in_dim3A_457 : i32 to vector<16xi32>
    %gather3A_459 = tpu.vector_load_idx %arg9[%add3A_370, %broadcast_in_dim3A_458] : memref<512x16xf32, #tpu.memory_space<vmem>>[vector<16xi32>, vector<16xi32>], vector<16xf32>,
    %gather3A_460 = tpu.vector_load_idx %arg10[%add3A_370, %broadcast_in_dim3A_458] : memref<512x16xf32, #tpu.memory_space<vmem>>[vector<16xi32>, vector<16xi32>], vector<16xf32>,
    %mul3A_461 = arith.mulf %gather3A_459, %gather3A_460 : vector<16xf32>
    %add3A_462 = arith.addf %add3A_456, %mul3A_461 : vector<16xf32>
    %broadcast_in_dim3A_463 = arith.constant 15 : i32
    %broadcast_in_dim3A_464 = vector.broadcast %broadcast_in_dim3A_463 : i32 to vector<16xi32>
    %gather3A_465 = tpu.vector_load_idx %arg9[%add3A_370, %broadcast_in_dim3A_464] : memref<512x16xf32, #tpu.memory_space<vmem>>[vector<16xi32>, vector<16xi32>], vector<16xf32>,
    %gather3A_466 = tpu.vector_load_idx %arg10[%add3A_370, %broadcast_in_dim3A_464] : memref<512x16xf32, #tpu.memory_space<vmem>>[vector<16xi32>, vector<16xi32>], vector<16xf32>,
    %mul3A_467 = arith.mulf %gather3A_465, %gather3A_466 : vector<16xf32>
    %add3A_468 = arith.addf %add3A_462, %mul3A_467 : vector<16xf32>
    %swap3A_469 = arith.constant 32 : index
    %swap3A_470 = tpu.vector_load %arg11[%swap3A_469] {strides = array<i32>} : memref<512xf32, #tpu.memory_space<vmem>>, vector<16xf32>,
    tpu.vector_store %arg11[%swap3A_469], %add3A_468 {strides = array<i32>} : memref<512xf32, #tpu.memory_space<vmem>>, vector<16xf32>,
    %add3A_471 = arith.constant 48 : i32
    %add3A_472 = vector.broadcast %add3A_471 : i32 to vector<16xi32>
    %add3A_473 = arith.addi %add3A_472, %iota3A : vector<16xi32>
    %broadcast_in_dim3A_474 = arith.constant 0.000000e+00 : f32
    %broadcast_in_dim3A_475 = vector.broadcast %broadcast_in_dim3A_474 : f32 to vector<16xf32>
    %broadcast_in_dim3A_476 = arith.constant 0 : i32
    %broadcast_in_dim3A_477 = vector.broadcast %broadcast_in_dim3A_476 : i32 to vector<16xi32>
    %gather3A_478 = tpu.vector_load_idx %arg9[%add3A_473, %broadcast_in_dim3A_477] : memref<512x16xf32, #tpu.memory_space<vmem>>[vector<16xi32>, vector<16xi32>], vector<16xf32>,
    %gather3A_479 = tpu.vector_load_idx %arg10[%add3A_473, %broadcast_in_dim3A_477] : memref<512x16xf32, #tpu.memory_space<vmem>>[vector<16xi32>, vector<16xi32>], vector<16xf32>,
    %mul3A_480 = arith.mulf %gather3A_478, %gather3A_479 : vector<16xf32>
    %add3A_481 = arith.addf %broadcast_in_dim3A_475, %mul3A_480 : vector<16xf32>
    %broadcast_in_dim3A_482 = arith.constant 1 : i32
    %broadcast_in_dim3A_483 = vector.broadcast %broadcast_in_dim3A_482 : i32 to vector<16xi32>
    %gather3A_484 = tpu.vector_load_idx %arg9[%add3A_473, %broadcast_in_dim3A_483] : memref<512x16xf32, #tpu.memory_space<vmem>>[vector<16xi32>, vector<16xi32>], vector<16xf32>,
    %gather3A_485 = tpu.vector_load_idx %arg10[%add3A_473, %broadcast_in_dim3A_483] : memref<512x16xf32, #tpu.memory_space<vmem>>[vector<16xi32>, vector<16xi32>], vector<16xf32>,
    %mul3A_486 = arith.mulf %gather3A_484, %gather3A_485 : vector<16xf32>
    %add3A_487 = arith.addf %add3A_481, %mul3A_486 : vector<16xf32>
    %broadcast_in_dim3A_488 = arith.constant 2 : i32
    %broadcast_in_dim3A_489 = vector.broadcast %broadcast_in_dim3A_488 : i32 to vector<16xi32>
    %gather3A_490 = tpu.vector_load_idx %arg9[%add3A_473, %broadcast_in_dim3A_489] : memref<512x16xf32, #tpu.memory_space<vmem>>[vector<16xi32>, vector<16xi32>], vector<16xf32>,
    %gather3A_491 = tpu.vector_load_idx %arg10[%add3A_473, %broadcast_in_dim3A_489] : memref<512x16xf32, #tpu.memory_space<vmem>>[vector<16xi32>, vector<16xi32>], vector<16xf32>,
    %mul3A_492 = arith.mulf %gather3A_490, %gather3A_491 : vector<16xf32>
    %add3A_493 = arith.addf %add3A_487, %mul3A_492 : vector<16xf32>
    %broadcast_in_dim3A_494 = arith.constant 3 : i32
    %broadcast_in_dim3A_495 = vector.broadcast %broadcast_in_dim3A_494 : i32 to vector<16xi32>
    %gather3A_496 = tpu.vector_load_idx %arg9[%add3A_473, %broadcast_in_dim3A_495] : memref<512x16xf32, #tpu.memory_space<vmem>>[vector<16xi32>, vector<16xi32>], vector<16xf32>,
    %gather3A_497 = tpu.vector_load_idx %arg10[%add3A_473, %broadcast_in_dim3A_495] : memref<512x16xf32, #tpu.memory_space<vmem>>[vector<16xi32>, vector<16xi32>], vector<16xf32>,
    %mul3A_498 = arith.mulf %gather3A_496, %gather3A_497 : vector<16xf32>
    %add3A_499 = arith.addf %add3A_493, %mul3A_498 : vector<16xf32>
    %broadcast_in_dim3A_500 = arith.constant 4 : i32
    %broadcast_in_dim3A_501 = vector.broadcast %broadcast_in_dim3A_500 : i32 to vector<16xi32>
    %gather3A_502 = tpu.vector_load_idx %arg9[%add3A_473, %broadcast_in_dim3A_501] : memref<512x16xf32, #tpu.memory_space<vmem>>[vector<16xi32>, vector<16xi32>], vector<16xf32>,
    %gather3A_503 = tpu.vector_load_idx %arg10[%add3A_473, %broadcast_in_dim3A_501] : memref<512x16xf32, #tpu.memory_space<vmem>>[vector<16xi32>, vector<16xi32>], vector<16xf32>,
    %mul3A_504 = arith.mulf %gather3A_502, %gather3A_503 : vector<16xf32>
    %add3A_505 = arith.addf %add3A_499, %mul3A_504 : vector<16xf32>
    %broadcast_in_dim3A_506 = arith.constant 5 : i32
    %broadcast_in_dim3A_507 = vector.broadcast %broadcast_in_dim3A_506 : i32 to vector<16xi32>
    %gather3A_508 = tpu.vector_load_idx %arg9[%add3A_473, %broadcast_in_dim3A_507] : memref<512x16xf32, #tpu.memory_space<vmem>>[vector<16xi32>, vector<16xi32>], vector<16xf32>,
    %gather3A_509 = tpu.vector_load_idx %arg10[%add3A_473, %broadcast_in_dim3A_507] : memref<512x16xf32, #tpu.memory_space<vmem>>[vector<16xi32>, vector<16xi32>], vector<16xf32>,
    %mul3A_510 = arith.mulf %gather3A_508, %gather3A_509 : vector<16xf32>
    %add3A_511 = arith.addf %add3A_505, %mul3A_510 : vector<16xf32>
    %broadcast_in_dim3A_512 = arith.constant 6 : i32
    %broadcast_in_dim3A_513 = vector.broadcast %broadcast_in_dim3A_512 : i32 to vector<16xi32>
    %gather3A_514 = tpu.vector_load_idx %arg9[%add3A_473, %broadcast_in_dim3A_513] : memref<512x16xf32, #tpu.memory_space<vmem>>[vector<16xi32>, vector<16xi32>], vector<16xf32>,
    %gather3A_515 = tpu.vector_load_idx %arg10[%add3A_473, %broadcast_in_dim3A_513] : memref<512x16xf32, #tpu.memory_space<vmem>>[vector<16xi32>, vector<16xi32>], vector<16xf32>,
    %mul3A_516 = arith.mulf %gather3A_514, %gather3A_515 : vector<16xf32>
    %add3A_517 = arith.addf %add3A_511, %mul3A_516 : vector<16xf32>
    %broadcast_in_dim3A_518 = arith.constant 7 : i32
    %broadcast_in_dim3A_519 = vector.broadcast %broadcast_in_dim3A_518 : i32 to vector<16xi32>
    %gather3A_520 = tpu.vector_load_idx %arg9[%add3A_473, %broadcast_in_dim3A_519] : memref<512x16xf32, #tpu.memory_space<vmem>>[vector<16xi32>, vector<16xi32>], vector<16xf32>,
    %gather3A_521 = tpu.vector_load_idx %arg10[%add3A_473, %broadcast_in_dim3A_519] : memref<512x16xf32, #tpu.memory_space<vmem>>[vector<16xi32>, vector<16xi32>], vector<16xf32>,
    %mul3A_522 = arith.mulf %gather3A_520, %gather3A_521 : vector<16xf32>
    %add3A_523 = arith.addf %add3A_517, %mul3A_522 : vector<16xf32>
    %broadcast_in_dim3A_524 = arith.constant 8 : i32
    %broadcast_in_dim3A_525 = vector.broadcast %broadcast_in_dim3A_524 : i32 to vector<16xi32>
    %gather3A_526 = tpu.vector_load_idx %arg9[%add3A_473, %broadcast_in_dim3A_525] : memref<512x16xf32, #tpu.memory_space<vmem>>[vector<16xi32>, vector<16xi32>], vector<16xf32>,
    %gather3A_527 = tpu.vector_load_idx %arg10[%add3A_473, %broadcast_in_dim3A_525] : memref<512x16xf32, #tpu.memory_space<vmem>>[vector<16xi32>, vector<16xi32>], vector<16xf32>,
    %mul3A_528 = arith.mulf %gather3A_526, %gather3A_527 : vector<16xf32>
    %add3A_529 = arith.addf %add3A_523, %mul3A_528 : vector<16xf32>
    %broadcast_in_dim3A_530 = arith.constant 9 : i32
    %broadcast_in_dim3A_531 = vector.broadcast %broadcast_in_dim3A_530 : i32 to vector<16xi32>
    %gather3A_532 = tpu.vector_load_idx %arg9[%add3A_473, %broadcast_in_dim3A_531] : memref<512x16xf32, #tpu.memory_space<vmem>>[vector<16xi32>, vector<16xi32>], vector<16xf32>,
    %gather3A_533 = tpu.vector_load_idx %arg10[%add3A_473, %broadcast_in_dim3A_531] : memref<512x16xf32, #tpu.memory_space<vmem>>[vector<16xi32>, vector<16xi32>], vector<16xf32>,
    %mul3A_534 = arith.mulf %gather3A_532, %gather3A_533 : vector<16xf32>
    %add3A_535 = arith.addf %add3A_529, %mul3A_534 : vector<16xf32>
    %broadcast_in_dim3A_536 = arith.constant 10 : i32
    %broadcast_in_dim3A_537 = vector.broadcast %broadcast_in_dim3A_536 : i32 to vector<16xi32>
    %gather3A_538 = tpu.vector_load_idx %arg9[%add3A_473, %broadcast_in_dim3A_537] : memref<512x16xf32, #tpu.memory_space<vmem>>[vector<16xi32>, vector<16xi32>], vector<16xf32>,
    %gather3A_539 = tpu.vector_load_idx %arg10[%add3A_473, %broadcast_in_dim3A_537] : memref<512x16xf32, #tpu.memory_space<vmem>>[vector<16xi32>, vector<16xi32>], vector<16xf32>,
    %mul3A_540 = arith.mulf %gather3A_538, %gather3A_539 : vector<16xf32>
    %add3A_541 = arith.addf %add3A_535, %mul3A_540 : vector<16xf32>
    %broadcast_in_dim3A_542 = arith.constant 11 : i32
    %broadcast_in_dim3A_543 = vector.broadcast %broadcast_in_dim3A_542 : i32 to vector<16xi32>
    %gather3A_544 = tpu.vector_load_idx %arg9[%add3A_473, %broadcast_in_dim3A_543] : memref<512x16xf32, #tpu.memory_space<vmem>>[vector<16xi32>, vector<16xi32>], vector<16xf32>,
    %gather3A_545 = tpu.vector_load_idx %arg10[%add3A_473, %broadcast_in_dim3A_543] : memref<512x16xf32, #tpu.memory_space<vmem>>[vector<16xi32>, vector<16xi32>], vector<16xf32>,
    %mul3A_546 = arith.mulf %gather3A_544, %gather3A_545 : vector<16xf32>
    %add3A_547 = arith.addf %add3A_541, %mul3A_546 : vector<16xf32>
    %broadcast_in_dim3A_548 = arith.constant 12 : i32
    %broadcast_in_dim3A_549 = vector.broadcast %broadcast_in_dim3A_548 : i32 to vector<16xi32>
    %gather3A_550 = tpu.vector_load_idx %arg9[%add3A_473, %broadcast_in_dim3A_549] : memref<512x16xf32, #tpu.memory_space<vmem>>[vector<16xi32>, vector<16xi32>], vector<16xf32>,
    %gather3A_551 = tpu.vector_load_idx %arg10[%add3A_473, %broadcast_in_dim3A_549] : memref<512x16xf32, #tpu.memory_space<vmem>>[vector<16xi32>, vector<16xi32>], vector<16xf32>,
    %mul3A_552 = arith.mulf %gather3A_550, %gather3A_551 : vector<16xf32>
    %add3A_553 = arith.addf %add3A_547, %mul3A_552 : vector<16xf32>
    %broadcast_in_dim3A_554 = arith.constant 13 : i32
    %broadcast_in_dim3A_555 = vector.broadcast %broadcast_in_dim3A_554 : i32 to vector<16xi32>
    %gather3A_556 = tpu.vector_load_idx %arg9[%add3A_473, %broadcast_in_dim3A_555] : memref<512x16xf32, #tpu.memory_space<vmem>>[vector<16xi32>, vector<16xi32>], vector<16xf32>,
    %gather3A_557 = tpu.vector_load_idx %arg10[%add3A_473, %broadcast_in_dim3A_555] : memref<512x16xf32, #tpu.memory_space<vmem>>[vector<16xi32>, vector<16xi32>], vector<16xf32>,
    %mul3A_558 = arith.mulf %gather3A_556, %gather3A_557 : vector<16xf32>
    %add3A_559 = arith.addf %add3A_553, %mul3A_558 : vector<16xf32>
    %broadcast_in_dim3A_560 = arith.constant 14 : i32
    %broadcast_in_dim3A_561 = vector.broadcast %broadcast_in_dim3A_560 : i32 to vector<16xi32>
    %gather3A_562 = tpu.vector_load_idx %arg9[%add3A_473, %broadcast_in_dim3A_561] : memref<512x16xf32, #tpu.memory_space<vmem>>[vector<16xi32>, vector<16xi32>], vector<16xf32>,
    %gather3A_563 = tpu.vector_load_idx %arg10[%add3A_473, %broadcast_in_dim3A_561] : memref<512x16xf32, #tpu.memory_space<vmem>>[vector<16xi32>, vector<16xi32>], vector<16xf32>,
    %mul3A_564 = arith.mulf %gather3A_562, %gather3A_563 : vector<16xf32>
    %add3A_565 = arith.addf %add3A_559, %mul3A_564 : vector<16xf32>
    %broadcast_in_dim3A_566 = arith.constant 15 : i32
    %broadcast_in_dim3A_567 = vector.broadcast %broadcast_in_dim3A_566 : i32 to vector<16xi32>
    %gather3A_568 = tpu.vector_load_idx %arg9[%add3A_473, %broadcast_in_dim3A_567] : memref<512x16xf32, #tpu.memory_space<vmem>>[vector<16xi32>, vector<16xi32>], vector<16xf32>,
    %gather3A_569 = tpu.vector_load_idx %arg10[%add3A_473, %broadcast_in_dim3A_567] : memref<512x16xf32, #tpu.memory_space<vmem>>[vector<16xi32>, vector<16xi32>], vector<16xf32>,
    %mul3A_570 = arith.mulf %gather3A_568, %gather3A_569 : vector<16xf32>
    %add3A_571 = arith.addf %add3A_565, %mul3A_570 : vector<16xf32>
    %swap3A_572 = arith.constant 48 : index
    %swap3A_573 = tpu.vector_load %arg11[%swap3A_572] {strides = array<i32>} : memref<512xf32, #tpu.memory_space<vmem>>, vector<16xf32>,
    tpu.vector_store %arg11[%swap3A_572], %add3A_571 {strides = array<i32>} : memref<512xf32, #tpu.memory_space<vmem>>, vector<16xf32>,
    %add3A_574 = arith.constant 64 : i32
    %add3A_575 = vector.broadcast %add3A_574 : i32 to vector<16xi32>
    %add3A_576 = arith.addi %add3A_575, %iota3A : vector<16xi32>
    %broadcast_in_dim3A_577 = arith.constant 0.000000e+00 : f32
    %broadcast_in_dim3A_578 = vector.broadcast %broadcast_in_dim3A_577 : f32 to vector<16xf32>
    %broadcast_in_dim3A_579 = arith.constant 0 : i32
    %broadcast_in_dim3A_580 = vector.broadcast %broadcast_in_dim3A_579 : i32 to vector<16xi32>
    %gather3A_581 = tpu.vector_load_idx %arg9[%add3A_576, %broadcast_in_dim3A_580] : memref<512x16xf32, #tpu.memory_space<vmem>>[vector<16xi32>, vector<16xi32>], vector<16xf32>,
    %gather3A_582 = tpu.vector_load_idx %arg10[%add3A_576, %broadcast_in_dim3A_580] : memref<512x16xf32, #tpu.memory_space<vmem>>[vector<16xi32>, vector<16xi32>], vector<16xf32>,
    %mul3A_583 = arith.mulf %gather3A_581, %gather3A_582 : vector<16xf32>
    %add3A_584 = arith.addf %broadcast_in_dim3A_578, %mul3A_583 : vector<16xf32>
    %broadcast_in_dim3A_585 = arith.constant 1 : i32
    %broadcast_in_dim3A_586 = vector.broadcast %broadcast_in_dim3A_585 : i32 to vector<16xi32>
    %gather3A_587 = tpu.vector_load_idx %arg9[%add3A_576, %broadcast_in_dim3A_586] : memref<512x16xf32, #tpu.memory_space<vmem>>[vector<16xi32>, vector<16xi32>], vector<16xf32>,
    %gather3A_588 = tpu.vector_load_idx %arg10[%add3A_576, %broadcast_in_dim3A_586] : memref<512x16xf32, #tpu.memory_space<vmem>>[vector<16xi32>, vector<16xi32>], vector<16xf32>,
    %mul3A_589 = arith.mulf %gather3A_587, %gather3A_588 : vector<16xf32>
    %add3A_590 = arith.addf %add3A_584, %mul3A_589 : vector<16xf32>
    %broadcast_in_dim3A_591 = arith.constant 2 : i32
    %broadcast_in_dim3A_592 = vector.broadcast %broadcast_in_dim3A_591 : i32 to vector<16xi32>
    %gather3A_593 = tpu.vector_load_idx %arg9[%add3A_576, %broadcast_in_dim3A_592] : memref<512x16xf32, #tpu.memory_space<vmem>>[vector<16xi32>, vector<16xi32>], vector<16xf32>,
    %gather3A_594 = tpu.vector_load_idx %arg10[%add3A_576, %broadcast_in_dim3A_592] : memref<512x16xf32, #tpu.memory_space<vmem>>[vector<16xi32>, vector<16xi32>], vector<16xf32>,
    %mul3A_595 = arith.mulf %gather3A_593, %gather3A_594 : vector<16xf32>
    %add3A_596 = arith.addf %add3A_590, %mul3A_595 : vector<16xf32>
    %broadcast_in_dim3A_597 = arith.constant 3 : i32
    %broadcast_in_dim3A_598 = vector.broadcast %broadcast_in_dim3A_597 : i32 to vector<16xi32>
    %gather3A_599 = tpu.vector_load_idx %arg9[%add3A_576, %broadcast_in_dim3A_598] : memref<512x16xf32, #tpu.memory_space<vmem>>[vector<16xi32>, vector<16xi32>], vector<16xf32>,
    %gather3A_600 = tpu.vector_load_idx %arg10[%add3A_576, %broadcast_in_dim3A_598] : memref<512x16xf32, #tpu.memory_space<vmem>>[vector<16xi32>, vector<16xi32>], vector<16xf32>,
    %mul3A_601 = arith.mulf %gather3A_599, %gather3A_600 : vector<16xf32>
    %add3A_602 = arith.addf %add3A_596, %mul3A_601 : vector<16xf32>
    %broadcast_in_dim3A_603 = arith.constant 4 : i32
    %broadcast_in_dim3A_604 = vector.broadcast %broadcast_in_dim3A_603 : i32 to vector<16xi32>
    %gather3A_605 = tpu.vector_load_idx %arg9[%add3A_576, %broadcast_in_dim3A_604] : memref<512x16xf32, #tpu.memory_space<vmem>>[vector<16xi32>, vector<16xi32>], vector<16xf32>,
    %gather3A_606 = tpu.vector_load_idx %arg10[%add3A_576, %broadcast_in_dim3A_604] : memref<512x16xf32, #tpu.memory_space<vmem>>[vector<16xi32>, vector<16xi32>], vector<16xf32>,
    %mul3A_607 = arith.mulf %gather3A_605, %gather3A_606 : vector<16xf32>
    %add3A_608 = arith.addf %add3A_602, %mul3A_607 : vector<16xf32>
    %broadcast_in_dim3A_609 = arith.constant 5 : i32
    %broadcast_in_dim3A_610 = vector.broadcast %broadcast_in_dim3A_609 : i32 to vector<16xi32>
    %gather3A_611 = tpu.vector_load_idx %arg9[%add3A_576, %broadcast_in_dim3A_610] : memref<512x16xf32, #tpu.memory_space<vmem>>[vector<16xi32>, vector<16xi32>], vector<16xf32>,
    %gather3A_612 = tpu.vector_load_idx %arg10[%add3A_576, %broadcast_in_dim3A_610] : memref<512x16xf32, #tpu.memory_space<vmem>>[vector<16xi32>, vector<16xi32>], vector<16xf32>,
    %mul3A_613 = arith.mulf %gather3A_611, %gather3A_612 : vector<16xf32>
    %add3A_614 = arith.addf %add3A_608, %mul3A_613 : vector<16xf32>
    %broadcast_in_dim3A_615 = arith.constant 6 : i32
    %broadcast_in_dim3A_616 = vector.broadcast %broadcast_in_dim3A_615 : i32 to vector<16xi32>
    %gather3A_617 = tpu.vector_load_idx %arg9[%add3A_576, %broadcast_in_dim3A_616] : memref<512x16xf32, #tpu.memory_space<vmem>>[vector<16xi32>, vector<16xi32>], vector<16xf32>,
    %gather3A_618 = tpu.vector_load_idx %arg10[%add3A_576, %broadcast_in_dim3A_616] : memref<512x16xf32, #tpu.memory_space<vmem>>[vector<16xi32>, vector<16xi32>], vector<16xf32>,
    %mul3A_619 = arith.mulf %gather3A_617, %gather3A_618 : vector<16xf32>
    %add3A_620 = arith.addf %add3A_614, %mul3A_619 : vector<16xf32>
    %broadcast_in_dim3A_621 = arith.constant 7 : i32
    %broadcast_in_dim3A_622 = vector.broadcast %broadcast_in_dim3A_621 : i32 to vector<16xi32>
    %gather3A_623 = tpu.vector_load_idx %arg9[%add3A_576, %broadcast_in_dim3A_622] : memref<512x16xf32, #tpu.memory_space<vmem>>[vector<16xi32>, vector<16xi32>], vector<16xf32>,
    %gather3A_624 = tpu.vector_load_idx %arg10[%add3A_576, %broadcast_in_dim3A_622] : memref<512x16xf32, #tpu.memory_space<vmem>>[vector<16xi32>, vector<16xi32>], vector<16xf32>,
    %mul3A_625 = arith.mulf %gather3A_623, %gather3A_624 : vector<16xf32>
    %add3A_626 = arith.addf %add3A_620, %mul3A_625 : vector<16xf32>
    %broadcast_in_dim3A_627 = arith.constant 8 : i32
    %broadcast_in_dim3A_628 = vector.broadcast %broadcast_in_dim3A_627 : i32 to vector<16xi32>
    %gather3A_629 = tpu.vector_load_idx %arg9[%add3A_576, %broadcast_in_dim3A_628] : memref<512x16xf32, #tpu.memory_space<vmem>>[vector<16xi32>, vector<16xi32>], vector<16xf32>,
    %gather3A_630 = tpu.vector_load_idx %arg10[%add3A_576, %broadcast_in_dim3A_628] : memref<512x16xf32, #tpu.memory_space<vmem>>[vector<16xi32>, vector<16xi32>], vector<16xf32>,
    %mul3A_631 = arith.mulf %gather3A_629, %gather3A_630 : vector<16xf32>
    %add3A_632 = arith.addf %add3A_626, %mul3A_631 : vector<16xf32>
    %broadcast_in_dim3A_633 = arith.constant 9 : i32
    %broadcast_in_dim3A_634 = vector.broadcast %broadcast_in_dim3A_633 : i32 to vector<16xi32>
    %gather3A_635 = tpu.vector_load_idx %arg9[%add3A_576, %broadcast_in_dim3A_634] : memref<512x16xf32, #tpu.memory_space<vmem>>[vector<16xi32>, vector<16xi32>], vector<16xf32>,
    %gather3A_636 = tpu.vector_load_idx %arg10[%add3A_576, %broadcast_in_dim3A_634] : memref<512x16xf32, #tpu.memory_space<vmem>>[vector<16xi32>, vector<16xi32>], vector<16xf32>,
    %mul3A_637 = arith.mulf %gather3A_635, %gather3A_636 : vector<16xf32>
    %add3A_638 = arith.addf %add3A_632, %mul3A_637 : vector<16xf32>
    %broadcast_in_dim3A_639 = arith.constant 10 : i32
    %broadcast_in_dim3A_640 = vector.broadcast %broadcast_in_dim3A_639 : i32 to vector<16xi32>
    %gather3A_641 = tpu.vector_load_idx %arg9[%add3A_576, %broadcast_in_dim3A_640] : memref<512x16xf32, #tpu.memory_space<vmem>>[vector<16xi32>, vector<16xi32>], vector<16xf32>,
    %gather3A_642 = tpu.vector_load_idx %arg10[%add3A_576, %broadcast_in_dim3A_640] : memref<512x16xf32, #tpu.memory_space<vmem>>[vector<16xi32>, vector<16xi32>], vector<16xf32>,
    %mul3A_643 = arith.mulf %gather3A_641, %gather3A_642 : vector<16xf32>
    %add3A_644 = arith.addf %add3A_638, %mul3A_643 : vector<16xf32>
    %broadcast_in_dim3A_645 = arith.constant 11 : i32
    %broadcast_in_dim3A_646 = vector.broadcast %broadcast_in_dim3A_645 : i32 to vector<16xi32>
    %gather3A_647 = tpu.vector_load_idx %arg9[%add3A_576, %broadcast_in_dim3A_646] : memref<512x16xf32, #tpu.memory_space<vmem>>[vector<16xi32>, vector<16xi32>], vector<16xf32>,
    %gather3A_648 = tpu.vector_load_idx %arg10[%add3A_576, %broadcast_in_dim3A_646] : memref<512x16xf32, #tpu.memory_space<vmem>>[vector<16xi32>, vector<16xi32>], vector<16xf32>,
    %mul3A_649 = arith.mulf %gather3A_647, %gather3A_648 : vector<16xf32>
    %add3A_650 = arith.addf %add3A_644, %mul3A_649 : vector<16xf32>
    %broadcast_in_dim3A_651 = arith.constant 12 : i32
    %broadcast_in_dim3A_652 = vector.broadcast %broadcast_in_dim3A_651 : i32 to vector<16xi32>
    %gather3A_653 = tpu.vector_load_idx %arg9[%add3A_576, %broadcast_in_dim3A_652] : memref<512x16xf32, #tpu.memory_space<vmem>>[vector<16xi32>, vector<16xi32>], vector<16xf32>,
    %gather3A_654 = tpu.vector_load_idx %arg10[%add3A_576, %broadcast_in_dim3A_652] : memref<512x16xf32, #tpu.memory_space<vmem>>[vector<16xi32>, vector<16xi32>], vector<16xf32>,
    %mul3A_655 = arith.mulf %gather3A_653, %gather3A_654 : vector<16xf32>
    %add3A_656 = arith.addf %add3A_650, %mul3A_655 : vector<16xf32>
    %broadcast_in_dim3A_657 = arith.constant 13 : i32
    %broadcast_in_dim3A_658 = vector.broadcast %broadcast_in_dim3A_657 : i32 to vector<16xi32>
    %gather3A_659 = tpu.vector_load_idx %arg9[%add3A_576, %broadcast_in_dim3A_658] : memref<512x16xf32, #tpu.memory_space<vmem>>[vector<16xi32>, vector<16xi32>], vector<16xf32>,
    %gather3A_660 = tpu.vector_load_idx %arg10[%add3A_576, %broadcast_in_dim3A_658] : memref<512x16xf32, #tpu.memory_space<vmem>>[vector<16xi32>, vector<16xi32>], vector<16xf32>,
    %mul3A_661 = arith.mulf %gather3A_659, %gather3A_660 : vector<16xf32>
    %add3A_662 = arith.addf %add3A_656, %mul3A_661 : vector<16xf32>
    %broadcast_in_dim3A_663 = arith.constant 14 : i32
    %broadcast_in_dim3A_664 = vector.broadcast %broadcast_in_dim3A_663 : i32 to vector<16xi32>
    %gather3A_665 = tpu.vector_load_idx %arg9[%add3A_576, %broadcast_in_dim3A_664] : memref<512x16xf32, #tpu.memory_space<vmem>>[vector<16xi32>, vector<16xi32>], vector<16xf32>,
    %gather3A_666 = tpu.vector_load_idx %arg10[%add3A_576, %broadcast_in_dim3A_664] : memref<512x16xf32, #tpu.memory_space<vmem>>[vector<16xi32>, vector<16xi32>], vector<16xf32>,
    %mul3A_667 = arith.mulf %gather3A_665, %gather3A_666 : vector<16xf32>
    %add3A_668 = arith.addf %add3A_662, %mul3A_667 : vector<16xf32>
    %broadcast_in_dim3A_669 = arith.constant 15 : i32
    %broadcast_in_dim3A_670 = vector.broadcast %broadcast_in_dim3A_669 : i32 to vector<16xi32>
    %gather3A_671 = tpu.vector_load_idx %arg9[%add3A_576, %broadcast_in_dim3A_670] : memref<512x16xf32, #tpu.memory_space<vmem>>[vector<16xi32>, vector<16xi32>], vector<16xf32>,
    %gather3A_672 = tpu.vector_load_idx %arg10[%add3A_576, %broadcast_in_dim3A_670] : memref<512x16xf32, #tpu.memory_space<vmem>>[vector<16xi32>, vector<16xi32>], vector<16xf32>,
    %mul3A_673 = arith.mulf %gather3A_671, %gather3A_672 : vector<16xf32>
    %add3A_674 = arith.addf %add3A_668, %mul3A_673 : vector<16xf32>
    %swap3A_675 = arith.constant 64 : index
    %swap3A_676 = tpu.vector_load %arg11[%swap3A_675] {strides = array<i32>} : memref<512xf32, #tpu.memory_space<vmem>>, vector<16xf32>,
    tpu.vector_store %arg11[%swap3A_675], %add3A_674 {strides = array<i32>} : memref<512xf32, #tpu.memory_space<vmem>>, vector<16xf32>,
    %add3A_677 = arith.constant 80 : i32
    %add3A_678 = vector.broadcast %add3A_677 : i32 to vector<16xi32>
    %add3A_679 = arith.addi %add3A_678, %iota3A : vector<16xi32>
    %broadcast_in_dim3A_680 = arith.constant 0.000000e+00 : f32
    %broadcast_in_dim3A_681 = vector.broadcast %broadcast_in_dim3A_680 : f32 to vector<16xf32>
    %broadcast_in_dim3A_682 = arith.constant 0 : i32
    %broadcast_in_dim3A_683 = vector.broadcast %broadcast_in_dim3A_682 : i32 to vector<16xi32>
    %gather3A_684 = tpu.vector_load_idx %arg9[%add3A_679, %broadcast_in_dim3A_683] : memref<512x16xf32, #tpu.memory_space<vmem>>[vector<16xi32>, vector<16xi32>], vector<16xf32>,
    %gather3A_685 = tpu.vector_load_idx %arg10[%add3A_679, %broadcast_in_dim3A_683] : memref<512x16xf32, #tpu.memory_space<vmem>>[vector<16xi32>, vector<16xi32>], vector<16xf32>,
    %mul3A_686 = arith.mulf %gather3A_684, %gather3A_685 : vector<16xf32>
    %add3A_687 = arith.addf %broadcast_in_dim3A_681, %mul3A_686 : vector<16xf32>
    %broadcast_in_dim3A_688 = arith.constant 1 : i32
    %broadcast_in_dim3A_689 = vector.broadcast %broadcast_in_dim3A_688 : i32 to vector<16xi32>
    %gather3A_690 = tpu.vector_load_idx %arg9[%add3A_679, %broadcast_in_dim3A_689] : memref<512x16xf32, #tpu.memory_space<vmem>>[vector<16xi32>, vector<16xi32>], vector<16xf32>,
    %gather3A_691 = tpu.vector_load_idx %arg10[%add3A_679, %broadcast_in_dim3A_689] : memref<512x16xf32, #tpu.memory_space<vmem>>[vector<16xi32>, vector<16xi32>], vector<16xf32>,
    %mul3A_692 = arith.mulf %gather3A_690, %gather3A_691 : vector<16xf32>
    %add3A_693 = arith.addf %add3A_687, %mul3A_692 : vector<16xf32>
    %broadcast_in_dim3A_694 = arith.constant 2 : i32
    %broadcast_in_dim3A_695 = vector.broadcast %broadcast_in_dim3A_694 : i32 to vector<16xi32>
    %gather3A_696 = tpu.vector_load_idx %arg9[%add3A_679, %broadcast_in_dim3A_695] : memref<512x16xf32, #tpu.memory_space<vmem>>[vector<16xi32>, vector<16xi32>], vector<16xf32>,
    %gather3A_697 = tpu.vector_load_idx %arg10[%add3A_679, %broadcast_in_dim3A_695] : memref<512x16xf32, #tpu.memory_space<vmem>>[vector<16xi32>, vector<16xi32>], vector<16xf32>,
    %mul3A_698 = arith.mulf %gather3A_696, %gather3A_697 : vector<16xf32>
    %add3A_699 = arith.addf %add3A_693, %mul3A_698 : vector<16xf32>
    %broadcast_in_dim3A_700 = arith.constant 3 : i32
    %broadcast_in_dim3A_701 = vector.broadcast %broadcast_in_dim3A_700 : i32 to vector<16xi32>
    %gather3A_702 = tpu.vector_load_idx %arg9[%add3A_679, %broadcast_in_dim3A_701] : memref<512x16xf32, #tpu.memory_space<vmem>>[vector<16xi32>, vector<16xi32>], vector<16xf32>,
    %gather3A_703 = tpu.vector_load_idx %arg10[%add3A_679, %broadcast_in_dim3A_701] : memref<512x16xf32, #tpu.memory_space<vmem>>[vector<16xi32>, vector<16xi32>], vector<16xf32>,
    %mul3A_704 = arith.mulf %gather3A_702, %gather3A_703 : vector<16xf32>
    %add3A_705 = arith.addf %add3A_699, %mul3A_704 : vector<16xf32>
    %broadcast_in_dim3A_706 = arith.constant 4 : i32
    %broadcast_in_dim3A_707 = vector.broadcast %broadcast_in_dim3A_706 : i32 to vector<16xi32>
    %gather3A_708 = tpu.vector_load_idx %arg9[%add3A_679, %broadcast_in_dim3A_707] : memref<512x16xf32, #tpu.memory_space<vmem>>[vector<16xi32>, vector<16xi32>], vector<16xf32>,
    %gather3A_709 = tpu.vector_load_idx %arg10[%add3A_679, %broadcast_in_dim3A_707] : memref<512x16xf32, #tpu.memory_space<vmem>>[vector<16xi32>, vector<16xi32>], vector<16xf32>,
    %mul3A_710 = arith.mulf %gather3A_708, %gather3A_709 : vector<16xf32>
    %add3A_711 = arith.addf %add3A_705, %mul3A_710 : vector<16xf32>
    %broadcast_in_dim3A_712 = arith.constant 5 : i32
    %broadcast_in_dim3A_713 = vector.broadcast %broadcast_in_dim3A_712 : i32 to vector<16xi32>
    %gather3A_714 = tpu.vector_load_idx %arg9[%add3A_679, %broadcast_in_dim3A_713] : memref<512x16xf32, #tpu.memory_space<vmem>>[vector<16xi32>, vector<16xi32>], vector<16xf32>,
    %gather3A_715 = tpu.vector_load_idx %arg10[%add3A_679, %broadcast_in_dim3A_713] : memref<512x16xf32, #tpu.memory_space<vmem>>[vector<16xi32>, vector<16xi32>], vector<16xf32>,
    %mul3A_716 = arith.mulf %gather3A_714, %gather3A_715 : vector<16xf32>
    %add3A_717 = arith.addf %add3A_711, %mul3A_716 : vector<16xf32>
    %broadcast_in_dim3A_718 = arith.constant 6 : i32
    %broadcast_in_dim3A_719 = vector.broadcast %broadcast_in_dim3A_718 : i32 to vector<16xi32>
    %gather3A_720 = tpu.vector_load_idx %arg9[%add3A_679, %broadcast_in_dim3A_719] : memref<512x16xf32, #tpu.memory_space<vmem>>[vector<16xi32>, vector<16xi32>], vector<16xf32>,
    %gather3A_721 = tpu.vector_load_idx %arg10[%add3A_679, %broadcast_in_dim3A_719] : memref<512x16xf32, #tpu.memory_space<vmem>>[vector<16xi32>, vector<16xi32>], vector<16xf32>,
    %mul3A_722 = arith.mulf %gather3A_720, %gather3A_721 : vector<16xf32>
    %add3A_723 = arith.addf %add3A_717, %mul3A_722 : vector<16xf32>
    %broadcast_in_dim3A_724 = arith.constant 7 : i32
    %broadcast_in_dim3A_725 = vector.broadcast %broadcast_in_dim3A_724 : i32 to vector<16xi32>
    %gather3A_726 = tpu.vector_load_idx %arg9[%add3A_679, %broadcast_in_dim3A_725] : memref<512x16xf32, #tpu.memory_space<vmem>>[vector<16xi32>, vector<16xi32>], vector<16xf32>,
    %gather3A_727 = tpu.vector_load_idx %arg10[%add3A_679, %broadcast_in_dim3A_725] : memref<512x16xf32, #tpu.memory_space<vmem>>[vector<16xi32>, vector<16xi32>], vector<16xf32>,
    %mul3A_728 = arith.mulf %gather3A_726, %gather3A_727 : vector<16xf32>
    %add3A_729 = arith.addf %add3A_723, %mul3A_728 : vector<16xf32>
    %broadcast_in_dim3A_730 = arith.constant 8 : i32
    %broadcast_in_dim3A_731 = vector.broadcast %broadcast_in_dim3A_730 : i32 to vector<16xi32>
    %gather3A_732 = tpu.vector_load_idx %arg9[%add3A_679, %broadcast_in_dim3A_731] : memref<512x16xf32, #tpu.memory_space<vmem>>[vector<16xi32>, vector<16xi32>], vector<16xf32>,
    %gather3A_733 = tpu.vector_load_idx %arg10[%add3A_679, %broadcast_in_dim3A_731] : memref<512x16xf32, #tpu.memory_space<vmem>>[vector<16xi32>, vector<16xi32>], vector<16xf32>,
    %mul3A_734 = arith.mulf %gather3A_732, %gather3A_733 : vector<16xf32>
    %add3A_735 = arith.addf %add3A_729, %mul3A_734 : vector<16xf32>
    %broadcast_in_dim3A_736 = arith.constant 9 : i32
    %broadcast_in_dim3A_737 = vector.broadcast %broadcast_in_dim3A_736 : i32 to vector<16xi32>
    %gather3A_738 = tpu.vector_load_idx %arg9[%add3A_679, %broadcast_in_dim3A_737] : memref<512x16xf32, #tpu.memory_space<vmem>>[vector<16xi32>, vector<16xi32>], vector<16xf32>,
    %gather3A_739 = tpu.vector_load_idx %arg10[%add3A_679, %broadcast_in_dim3A_737] : memref<512x16xf32, #tpu.memory_space<vmem>>[vector<16xi32>, vector<16xi32>], vector<16xf32>,
    %mul3A_740 = arith.mulf %gather3A_738, %gather3A_739 : vector<16xf32>
    %add3A_741 = arith.addf %add3A_735, %mul3A_740 : vector<16xf32>
    %broadcast_in_dim3A_742 = arith.constant 10 : i32
    %broadcast_in_dim3A_743 = vector.broadcast %broadcast_in_dim3A_742 : i32 to vector<16xi32>
    %gather3A_744 = tpu.vector_load_idx %arg9[%add3A_679, %broadcast_in_dim3A_743] : memref<512x16xf32, #tpu.memory_space<vmem>>[vector<16xi32>, vector<16xi32>], vector<16xf32>,
    %gather3A_745 = tpu.vector_load_idx %arg10[%add3A_679, %broadcast_in_dim3A_743] : memref<512x16xf32, #tpu.memory_space<vmem>>[vector<16xi32>, vector<16xi32>], vector<16xf32>,
    %mul3A_746 = arith.mulf %gather3A_744, %gather3A_745 : vector<16xf32>
    %add3A_747 = arith.addf %add3A_741, %mul3A_746 : vector<16xf32>
    %broadcast_in_dim3A_748 = arith.constant 11 : i32
    %broadcast_in_dim3A_749 = vector.broadcast %broadcast_in_dim3A_748 : i32 to vector<16xi32>
    %gather3A_750 = tpu.vector_load_idx %arg9[%add3A_679, %broadcast_in_dim3A_749] : memref<512x16xf32, #tpu.memory_space<vmem>>[vector<16xi32>, vector<16xi32>], vector<16xf32>,
    %gather3A_751 = tpu.vector_load_idx %arg10[%add3A_679, %broadcast_in_dim3A_749] : memref<512x16xf32, #tpu.memory_space<vmem>>[vector<16xi32>, vector<16xi32>], vector<16xf32>,
    %mul3A_752 = arith.mulf %gather3A_750, %gather3A_751 : vector<16xf32>
    %add3A_753 = arith.addf %add3A_747, %mul3A_752 : vector<16xf32>
    %broadcast_in_dim3A_754 = arith.constant 12 : i32
    %broadcast_in_dim3A_755 = vector.broadcast %broadcast_in_dim3A_754 : i32 to vector<16xi32>
    %gather3A_756 = tpu.vector_load_idx %arg9[%add3A_679, %broadcast_in_dim3A_755] : memref<512x16xf32, #tpu.memory_space<vmem>>[vector<16xi32>, vector<16xi32>], vector<16xf32>,
    %gather3A_757 = tpu.vector_load_idx %arg10[%add3A_679, %broadcast_in_dim3A_755] : memref<512x16xf32, #tpu.memory_space<vmem>>[vector<16xi32>, vector<16xi32>], vector<16xf32>,
    %mul3A_758 = arith.mulf %gather3A_756, %gather3A_757 : vector<16xf32>
    %add3A_759 = arith.addf %add3A_753, %mul3A_758 : vector<16xf32>
    %broadcast_in_dim3A_760 = arith.constant 13 : i32
    %broadcast_in_dim3A_761 = vector.broadcast %broadcast_in_dim3A_760 : i32 to vector<16xi32>
    %gather3A_762 = tpu.vector_load_idx %arg9[%add3A_679, %broadcast_in_dim3A_761] : memref<512x16xf32, #tpu.memory_space<vmem>>[vector<16xi32>, vector<16xi32>], vector<16xf32>,
    %gather3A_763 = tpu.vector_load_idx %arg10[%add3A_679, %broadcast_in_dim3A_761] : memref<512x16xf32, #tpu.memory_space<vmem>>[vector<16xi32>, vector<16xi32>], vector<16xf32>,
    %mul3A_764 = arith.mulf %gather3A_762, %gather3A_763 : vector<16xf32>
    %add3A_765 = arith.addf %add3A_759, %mul3A_764 : vector<16xf32>
    %broadcast_in_dim3A_766 = arith.constant 14 : i32
    %broadcast_in_dim3A_767 = vector.broadcast %broadcast_in_dim3A_766 : i32 to vector<16xi32>
    %gather3A_768 = tpu.vector_load_idx %arg9[%add3A_679, %broadcast_in_dim3A_767] : memref<512x16xf32, #tpu.memory_space<vmem>>[vector<16xi32>, vector<16xi32>], vector<16xf32>,
    %gather3A_769 = tpu.vector_load_idx %arg10[%add3A_679, %broadcast_in_dim3A_767] : memref<512x16xf32, #tpu.memory_space<vmem>>[vector<16xi32>, vector<16xi32>], vector<16xf32>,
    %mul3A_770 = arith.mulf %gather3A_768, %gather3A_769 : vector<16xf32>
    %add3A_771 = arith.addf %add3A_765, %mul3A_770 : vector<16xf32>
    %broadcast_in_dim3A_772 = arith.constant 15 : i32
    %broadcast_in_dim3A_773 = vector.broadcast %broadcast_in_dim3A_772 : i32 to vector<16xi32>
    %gather3A_774 = tpu.vector_load_idx %arg9[%add3A_679, %broadcast_in_dim3A_773] : memref<512x16xf32, #tpu.memory_space<vmem>>[vector<16xi32>, vector<16xi32>], vector<16xf32>,
    %gather3A_775 = tpu.vector_load_idx %arg10[%add3A_679, %broadcast_in_dim3A_773] : memref<512x16xf32, #tpu.memory_space<vmem>>[vector<16xi32>, vector<16xi32>], vector<16xf32>,
    %mul3A_776 = arith.mulf %gather3A_774, %gather3A_775 : vector<16xf32>
    %add3A_777 = arith.addf %add3A_771, %mul3A_776 : vector<16xf32>
    %swap3A_778 = arith.constant 80 : index
    %swap3A_779 = tpu.vector_load %arg11[%swap3A_778] {strides = array<i32>} : memref<512xf32, #tpu.memory_space<vmem>>, vector<16xf32>,
    tpu.vector_store %arg11[%swap3A_778], %add3A_777 {strides = array<i32>} : memref<512xf32, #tpu.memory_space<vmem>>, vector<16xf32>,
    %add3A_780 = arith.constant 96 : i32
    %add3A_781 = vector.broadcast %add3A_780 : i32 to vector<16xi32>
    %add3A_782 = arith.addi %add3A_781, %iota3A : vector<16xi32>
    %broadcast_in_dim3A_783 = arith.constant 0.000000e+00 : f32
    %broadcast_in_dim3A_784 = vector.broadcast %broadcast_in_dim3A_783 : f32 to vector<16xf32>
    %broadcast_in_dim3A_785 = arith.constant 0 : i32
    %broadcast_in_dim3A_786 = vector.broadcast %broadcast_in_dim3A_785 : i32 to vector<16xi32>
    %gather3A_787 = tpu.vector_load_idx %arg9[%add3A_782, %broadcast_in_dim3A_786] : memref<512x16xf32, #tpu.memory_space<vmem>>[vector<16xi32>, vector<16xi32>], vector<16xf32>,
    %gather3A_788 = tpu.vector_load_idx %arg10[%add3A_782, %broadcast_in_dim3A_786] : memref<512x16xf32, #tpu.memory_space<vmem>>[vector<16xi32>, vector<16xi32>], vector<16xf32>,
    %mul3A_789 = arith.mulf %gather3A_787, %gather3A_788 : vector<16xf32>
    %add3A_790 = arith.addf %broadcast_in_dim3A_784, %mul3A_789 : vector<16xf32>
    %broadcast_in_dim3A_791 = arith.constant 1 : i32
    %broadcast_in_dim3A_792 = vector.broadcast %broadcast_in_dim3A_791 : i32 to vector<16xi32>
    %gather3A_793 = tpu.vector_load_idx %arg9[%add3A_782, %broadcast_in_dim3A_792] : memref<512x16xf32, #tpu.memory_space<vmem>>[vector<16xi32>, vector<16xi32>], vector<16xf32>,
    %gather3A_794 = tpu.vector_load_idx %arg10[%add3A_782, %broadcast_in_dim3A_792] : memref<512x16xf32, #tpu.memory_space<vmem>>[vector<16xi32>, vector<16xi32>], vector<16xf32>,
    %mul3A_795 = arith.mulf %gather3A_793, %gather3A_794 : vector<16xf32>
    %add3A_796 = arith.addf %add3A_790, %mul3A_795 : vector<16xf32>
    %broadcast_in_dim3A_797 = arith.constant 2 : i32
    %broadcast_in_dim3A_798 = vector.broadcast %broadcast_in_dim3A_797 : i32 to vector<16xi32>
    %gather3A_799 = tpu.vector_load_idx %arg9[%add3A_782, %broadcast_in_dim3A_798] : memref<512x16xf32, #tpu.memory_space<vmem>>[vector<16xi32>, vector<16xi32>], vector<16xf32>,
    %gather3A_800 = tpu.vector_load_idx %arg10[%add3A_782, %broadcast_in_dim3A_798] : memref<512x16xf32, #tpu.memory_space<vmem>>[vector<16xi32>, vector<16xi32>], vector<16xf32>,
    %mul3A_801 = arith.mulf %gather3A_799, %gather3A_800 : vector<16xf32>
    %add3A_802 = arith.addf %add3A_796, %mul3A_801 : vector<16xf32>
    %broadcast_in_dim3A_803 = arith.constant 3 : i32
    %broadcast_in_dim3A_804 = vector.broadcast %broadcast_in_dim3A_803 : i32 to vector<16xi32>
    %gather3A_805 = tpu.vector_load_idx %arg9[%add3A_782, %broadcast_in_dim3A_804] : memref<512x16xf32, #tpu.memory_space<vmem>>[vector<16xi32>, vector<16xi32>], vector<16xf32>,
    %gather3A_806 = tpu.vector_load_idx %arg10[%add3A_782, %broadcast_in_dim3A_804] : memref<512x16xf32, #tpu.memory_space<vmem>>[vector<16xi32>, vector<16xi32>], vector<16xf32>,
    %mul3A_807 = arith.mulf %gather3A_805, %gather3A_806 : vector<16xf32>
    %add3A_808 = arith.addf %add3A_802, %mul3A_807 : vector<16xf32>
    %broadcast_in_dim3A_809 = arith.constant 4 : i32
    %broadcast_in_dim3A_810 = vector.broadcast %broadcast_in_dim3A_809 : i32 to vector<16xi32>
    %gather3A_811 = tpu.vector_load_idx %arg9[%add3A_782, %broadcast_in_dim3A_810] : memref<512x16xf32, #tpu.memory_space<vmem>>[vector<16xi32>, vector<16xi32>], vector<16xf32>,
    %gather3A_812 = tpu.vector_load_idx %arg10[%add3A_782, %broadcast_in_dim3A_810] : memref<512x16xf32, #tpu.memory_space<vmem>>[vector<16xi32>, vector<16xi32>], vector<16xf32>,
    %mul3A_813 = arith.mulf %gather3A_811, %gather3A_812 : vector<16xf32>
    %add3A_814 = arith.addf %add3A_808, %mul3A_813 : vector<16xf32>
    %broadcast_in_dim3A_815 = arith.constant 5 : i32
    %broadcast_in_dim3A_816 = vector.broadcast %broadcast_in_dim3A_815 : i32 to vector<16xi32>
    %gather3A_817 = tpu.vector_load_idx %arg9[%add3A_782, %broadcast_in_dim3A_816] : memref<512x16xf32, #tpu.memory_space<vmem>>[vector<16xi32>, vector<16xi32>], vector<16xf32>,
    %gather3A_818 = tpu.vector_load_idx %arg10[%add3A_782, %broadcast_in_dim3A_816] : memref<512x16xf32, #tpu.memory_space<vmem>>[vector<16xi32>, vector<16xi32>], vector<16xf32>,
    %mul3A_819 = arith.mulf %gather3A_817, %gather3A_818 : vector<16xf32>
    %add3A_820 = arith.addf %add3A_814, %mul3A_819 : vector<16xf32>
    %broadcast_in_dim3A_821 = arith.constant 6 : i32
    %broadcast_in_dim3A_822 = vector.broadcast %broadcast_in_dim3A_821 : i32 to vector<16xi32>
    %gather3A_823 = tpu.vector_load_idx %arg9[%add3A_782, %broadcast_in_dim3A_822] : memref<512x16xf32, #tpu.memory_space<vmem>>[vector<16xi32>, vector<16xi32>], vector<16xf32>,
    %gather3A_824 = tpu.vector_load_idx %arg10[%add3A_782, %broadcast_in_dim3A_822] : memref<512x16xf32, #tpu.memory_space<vmem>>[vector<16xi32>, vector<16xi32>], vector<16xf32>,
    %mul3A_825 = arith.mulf %gather3A_823, %gather3A_824 : vector<16xf32>
    %add3A_826 = arith.addf %add3A_820, %mul3A_825 : vector<16xf32>
    %broadcast_in_dim3A_827 = arith.constant 7 : i32
    %broadcast_in_dim3A_828 = vector.broadcast %broadcast_in_dim3A_827 : i32 to vector<16xi32>
    %gather3A_829 = tpu.vector_load_idx %arg9[%add3A_782, %broadcast_in_dim3A_828] : memref<512x16xf32, #tpu.memory_space<vmem>>[vector<16xi32>, vector<16xi32>], vector<16xf32>,
    %gather3A_830 = tpu.vector_load_idx %arg10[%add3A_782, %broadcast_in_dim3A_828] : memref<512x16xf32, #tpu.memory_space<vmem>>[vector<16xi32>, vector<16xi32>], vector<16xf32>,
    %mul3A_831 = arith.mulf %gather3A_829, %gather3A_830 : vector<16xf32>
    %add3A_832 = arith.addf %add3A_826, %mul3A_831 : vector<16xf32>
    %broadcast_in_dim3A_833 = arith.constant 8 : i32
    %broadcast_in_dim3A_834 = vector.broadcast %broadcast_in_dim3A_833 : i32 to vector<16xi32>
    %gather3A_835 = tpu.vector_load_idx %arg9[%add3A_782, %broadcast_in_dim3A_834] : memref<512x16xf32, #tpu.memory_space<vmem>>[vector<16xi32>, vector<16xi32>], vector<16xf32>,
    %gather3A_836 = tpu.vector_load_idx %arg10[%add3A_782, %broadcast_in_dim3A_834] : memref<512x16xf32, #tpu.memory_space<vmem>>[vector<16xi32>, vector<16xi32>], vector<16xf32>,
    %mul3A_837 = arith.mulf %gather3A_835, %gather3A_836 : vector<16xf32>
    %add3A_838 = arith.addf %add3A_832, %mul3A_837 : vector<16xf32>
    %broadcast_in_dim3A_839 = arith.constant 9 : i32
    %broadcast_in_dim3A_840 = vector.broadcast %broadcast_in_dim3A_839 : i32 to vector<16xi32>
    %gather3A_841 = tpu.vector_load_idx %arg9[%add3A_782, %broadcast_in_dim3A_840] : memref<512x16xf32, #tpu.memory_space<vmem>>[vector<16xi32>, vector<16xi32>], vector<16xf32>,
    %gather3A_842 = tpu.vector_load_idx %arg10[%add3A_782, %broadcast_in_dim3A_840] : memref<512x16xf32, #tpu.memory_space<vmem>>[vector<16xi32>, vector<16xi32>], vector<16xf32>,
    %mul3A_843 = arith.mulf %gather3A_841, %gather3A_842 : vector<16xf32>
    %add3A_844 = arith.addf %add3A_838, %mul3A_843 : vector<16xf32>
    %broadcast_in_dim3A_845 = arith.constant 10 : i32
    %broadcast_in_dim3A_846 = vector.broadcast %broadcast_in_dim3A_845 : i32 to vector<16xi32>
    %gather3A_847 = tpu.vector_load_idx %arg9[%add3A_782, %broadcast_in_dim3A_846] : memref<512x16xf32, #tpu.memory_space<vmem>>[vector<16xi32>, vector<16xi32>], vector<16xf32>,
    %gather3A_848 = tpu.vector_load_idx %arg10[%add3A_782, %broadcast_in_dim3A_846] : memref<512x16xf32, #tpu.memory_space<vmem>>[vector<16xi32>, vector<16xi32>], vector<16xf32>,
    %mul3A_849 = arith.mulf %gather3A_847, %gather3A_848 : vector<16xf32>
    %add3A_850 = arith.addf %add3A_844, %mul3A_849 : vector<16xf32>
    %broadcast_in_dim3A_851 = arith.constant 11 : i32
    %broadcast_in_dim3A_852 = vector.broadcast %broadcast_in_dim3A_851 : i32 to vector<16xi32>
    %gather3A_853 = tpu.vector_load_idx %arg9[%add3A_782, %broadcast_in_dim3A_852] : memref<512x16xf32, #tpu.memory_space<vmem>>[vector<16xi32>, vector<16xi32>], vector<16xf32>,
    %gather3A_854 = tpu.vector_load_idx %arg10[%add3A_782, %broadcast_in_dim3A_852] : memref<512x16xf32, #tpu.memory_space<vmem>>[vector<16xi32>, vector<16xi32>], vector<16xf32>,
    %mul3A_855 = arith.mulf %gather3A_853, %gather3A_854 : vector<16xf32>
    %add3A_856 = arith.addf %add3A_850, %mul3A_855 : vector<16xf32>
    %broadcast_in_dim3A_857 = arith.constant 12 : i32
    %broadcast_in_dim3A_858 = vector.broadcast %broadcast_in_dim3A_857 : i32 to vector<16xi32>
    %gather3A_859 = tpu.vector_load_idx %arg9[%add3A_782, %broadcast_in_dim3A_858] : memref<512x16xf32, #tpu.memory_space<vmem>>[vector<16xi32>, vector<16xi32>], vector<16xf32>,
    %gather3A_860 = tpu.vector_load_idx %arg10[%add3A_782, %broadcast_in_dim3A_858] : memref<512x16xf32, #tpu.memory_space<vmem>>[vector<16xi32>, vector<16xi32>], vector<16xf32>,
    %mul3A_861 = arith.mulf %gather3A_859, %gather3A_860 : vector<16xf32>
    %add3A_862 = arith.addf %add3A_856, %mul3A_861 : vector<16xf32>
    %broadcast_in_dim3A_863 = arith.constant 13 : i32
    %broadcast_in_dim3A_864 = vector.broadcast %broadcast_in_dim3A_863 : i32 to vector<16xi32>
    %gather3A_865 = tpu.vector_load_idx %arg9[%add3A_782, %broadcast_in_dim3A_864] : memref<512x16xf32, #tpu.memory_space<vmem>>[vector<16xi32>, vector<16xi32>], vector<16xf32>,
    %gather3A_866 = tpu.vector_load_idx %arg10[%add3A_782, %broadcast_in_dim3A_864] : memref<512x16xf32, #tpu.memory_space<vmem>>[vector<16xi32>, vector<16xi32>], vector<16xf32>,
    %mul3A_867 = arith.mulf %gather3A_865, %gather3A_866 : vector<16xf32>
    %add3A_868 = arith.addf %add3A_862, %mul3A_867 : vector<16xf32>
    %broadcast_in_dim3A_869 = arith.constant 14 : i32
    %broadcast_in_dim3A_870 = vector.broadcast %broadcast_in_dim3A_869 : i32 to vector<16xi32>
    %gather3A_871 = tpu.vector_load_idx %arg9[%add3A_782, %broadcast_in_dim3A_870] : memref<512x16xf32, #tpu.memory_space<vmem>>[vector<16xi32>, vector<16xi32>], vector<16xf32>,
    %gather3A_872 = tpu.vector_load_idx %arg10[%add3A_782, %broadcast_in_dim3A_870] : memref<512x16xf32, #tpu.memory_space<vmem>>[vector<16xi32>, vector<16xi32>], vector<16xf32>,
    %mul3A_873 = arith.mulf %gather3A_871, %gather3A_872 : vector<16xf32>
    %add3A_874 = arith.addf %add3A_868, %mul3A_873 : vector<16xf32>
    %broadcast_in_dim3A_875 = arith.constant 15 : i32
    %broadcast_in_dim3A_876 = vector.broadcast %broadcast_in_dim3A_875 : i32 to vector<16xi32>
    %gather3A_877 = tpu.vector_load_idx %arg9[%add3A_782, %broadcast_in_dim3A_876] : memref<512x16xf32, #tpu.memory_space<vmem>>[vector<16xi32>, vector<16xi32>], vector<16xf32>,
    %gather3A_878 = tpu.vector_load_idx %arg10[%add3A_782, %broadcast_in_dim3A_876] : memref<512x16xf32, #tpu.memory_space<vmem>>[vector<16xi32>, vector<16xi32>], vector<16xf32>,
    %mul3A_879 = arith.mulf %gather3A_877, %gather3A_878 : vector<16xf32>
    %add3A_880 = arith.addf %add3A_874, %mul3A_879 : vector<16xf32>
    %swap3A_881 = arith.constant 96 : index
    %swap3A_882 = tpu.vector_load %arg11[%swap3A_881] {strides = array<i32>} : memref<512xf32, #tpu.memory_space<vmem>>, vector<16xf32>,
    tpu.vector_store %arg11[%swap3A_881], %add3A_880 {strides = array<i32>} : memref<512xf32, #tpu.memory_space<vmem>>, vector<16xf32>,
    %add3A_883 = arith.constant 112 : i32
    %add3A_884 = vector.broadcast %add3A_883 : i32 to vector<16xi32>
    %add3A_885 = arith.addi %add3A_884, %iota3A : vector<16xi32>
    %broadcast_in_dim3A_886 = arith.constant 0.000000e+00 : f32
    %broadcast_in_dim3A_887 = vector.broadcast %broadcast_in_dim3A_886 : f32 to vector<16xf32>
    %broadcast_in_dim3A_888 = arith.constant 0 : i32
    %broadcast_in_dim3A_889 = vector.broadcast %broadcast_in_dim3A_888 : i32 to vector<16xi32>
    %gather3A_890 = tpu.vector_load_idx %arg9[%add3A_885, %broadcast_in_dim3A_889] : memref<512x16xf32, #tpu.memory_space<vmem>>[vector<16xi32>, vector<16xi32>], vector<16xf32>,
    %gather3A_891 = tpu.vector_load_idx %arg10[%add3A_885, %broadcast_in_dim3A_889] : memref<512x16xf32, #tpu.memory_space<vmem>>[vector<16xi32>, vector<16xi32>], vector<16xf32>,
    %mul3A_892 = arith.mulf %gather3A_890, %gather3A_891 : vector<16xf32>
    %add3A_893 = arith.addf %broadcast_in_dim3A_887, %mul3A_892 : vector<16xf32>
    %broadcast_in_dim3A_894 = arith.constant 1 : i32
    %broadcast_in_dim3A_895 = vector.broadcast %broadcast_in_dim3A_894 : i32 to vector<16xi32>
    %gather3A_896 = tpu.vector_load_idx %arg9[%add3A_885, %broadcast_in_dim3A_895] : memref<512x16xf32, #tpu.memory_space<vmem>>[vector<16xi32>, vector<16xi32>], vector<16xf32>,
    %gather3A_897 = tpu.vector_load_idx %arg10[%add3A_885, %broadcast_in_dim3A_895] : memref<512x16xf32, #tpu.memory_space<vmem>>[vector<16xi32>, vector<16xi32>], vector<16xf32>,
    %mul3A_898 = arith.mulf %gather3A_896, %gather3A_897 : vector<16xf32>
    %add3A_899 = arith.addf %add3A_893, %mul3A_898 : vector<16xf32>
    %broadcast_in_dim3A_900 = arith.constant 2 : i32
    %broadcast_in_dim3A_901 = vector.broadcast %broadcast_in_dim3A_900 : i32 to vector<16xi32>
    %gather3A_902 = tpu.vector_load_idx %arg9[%add3A_885, %broadcast_in_dim3A_901] : memref<512x16xf32, #tpu.memory_space<vmem>>[vector<16xi32>, vector<16xi32>], vector<16xf32>,
    %gather3A_903 = tpu.vector_load_idx %arg10[%add3A_885, %broadcast_in_dim3A_901] : memref<512x16xf32, #tpu.memory_space<vmem>>[vector<16xi32>, vector<16xi32>], vector<16xf32>,
    %mul3A_904 = arith.mulf %gather3A_902, %gather3A_903 : vector<16xf32>
    %add3A_905 = arith.addf %add3A_899, %mul3A_904 : vector<16xf32>
    %broadcast_in_dim3A_906 = arith.constant 3 : i32
    %broadcast_in_dim3A_907 = vector.broadcast %broadcast_in_dim3A_906 : i32 to vector<16xi32>
    %gather3A_908 = tpu.vector_load_idx %arg9[%add3A_885, %broadcast_in_dim3A_907] : memref<512x16xf32, #tpu.memory_space<vmem>>[vector<16xi32>, vector<16xi32>], vector<16xf32>,
    %gather3A_909 = tpu.vector_load_idx %arg10[%add3A_885, %broadcast_in_dim3A_907] : memref<512x16xf32, #tpu.memory_space<vmem>>[vector<16xi32>, vector<16xi32>], vector<16xf32>,
    %mul3A_910 = arith.mulf %gather3A_908, %gather3A_909 : vector<16xf32>
    %add3A_911 = arith.addf %add3A_905, %mul3A_910 : vector<16xf32>
    %broadcast_in_dim3A_912 = arith.constant 4 : i32
    %broadcast_in_dim3A_913 = vector.broadcast %broadcast_in_dim3A_912 : i32 to vector<16xi32>
    %gather3A_914 = tpu.vector_load_idx %arg9[%add3A_885, %broadcast_in_dim3A_913] : memref<512x16xf32, #tpu.memory_space<vmem>>[vector<16xi32>, vector<16xi32>], vector<16xf32>,
    %gather3A_915 = tpu.vector_load_idx %arg10[%add3A_885, %broadcast_in_dim3A_913] : memref<512x16xf32, #tpu.memory_space<vmem>>[vector<16xi32>, vector<16xi32>], vector<16xf32>,
    %mul3A_916 = arith.mulf %gather3A_914, %gather3A_915 : vector<16xf32>
    %add3A_917 = arith.addf %add3A_911, %mul3A_916 : vector<16xf32>
    %broadcast_in_dim3A_918 = arith.constant 5 : i32
    %broadcast_in_dim3A_919 = vector.broadcast %broadcast_in_dim3A_918 : i32 to vector<16xi32>
    %gather3A_920 = tpu.vector_load_idx %arg9[%add3A_885, %broadcast_in_dim3A_919] : memref<512x16xf32, #tpu.memory_space<vmem>>[vector<16xi32>, vector<16xi32>], vector<16xf32>,
    %gather3A_921 = tpu.vector_load_idx %arg10[%add3A_885, %broadcast_in_dim3A_919] : memref<512x16xf32, #tpu.memory_space<vmem>>[vector<16xi32>, vector<16xi32>], vector<16xf32>,
    %mul3A_922 = arith.mulf %gather3A_920, %gather3A_921 : vector<16xf32>
    %add3A_923 = arith.addf %add3A_917, %mul3A_922 : vector<16xf32>
    %broadcast_in_dim3A_924 = arith.constant 6 : i32
    %broadcast_in_dim3A_925 = vector.broadcast %broadcast_in_dim3A_924 : i32 to vector<16xi32>
    %gather3A_926 = tpu.vector_load_idx %arg9[%add3A_885, %broadcast_in_dim3A_925] : memref<512x16xf32, #tpu.memory_space<vmem>>[vector<16xi32>, vector<16xi32>], vector<16xf32>,
    %gather3A_927 = tpu.vector_load_idx %arg10[%add3A_885, %broadcast_in_dim3A_925] : memref<512x16xf32, #tpu.memory_space<vmem>>[vector<16xi32>, vector<16xi32>], vector<16xf32>,
    %mul3A_928 = arith.mulf %gather3A_926, %gather3A_927 : vector<16xf32>
    %add3A_929 = arith.addf %add3A_923, %mul3A_928 : vector<16xf32>
    %broadcast_in_dim3A_930 = arith.constant 7 : i32
    %broadcast_in_dim3A_931 = vector.broadcast %broadcast_in_dim3A_930 : i32 to vector<16xi32>
    %gather3A_932 = tpu.vector_load_idx %arg9[%add3A_885, %broadcast_in_dim3A_931] : memref<512x16xf32, #tpu.memory_space<vmem>>[vector<16xi32>, vector<16xi32>], vector<16xf32>,
    %gather3A_933 = tpu.vector_load_idx %arg10[%add3A_885, %broadcast_in_dim3A_931] : memref<512x16xf32, #tpu.memory_space<vmem>>[vector<16xi32>, vector<16xi32>], vector<16xf32>,
    %mul3A_934 = arith.mulf %gather3A_932, %gather3A_933 : vector<16xf32>
    %add3A_935 = arith.addf %add3A_929, %mul3A_934 : vector<16xf32>
    %broadcast_in_dim3A_936 = arith.constant 8 : i32
    %broadcast_in_dim3A_937 = vector.broadcast %broadcast_in_dim3A_936 : i32 to vector<16xi32>
    %gather3A_938 = tpu.vector_load_idx %arg9[%add3A_885, %broadcast_in_dim3A_937] : memref<512x16xf32, #tpu.memory_space<vmem>>[vector<16xi32>, vector<16xi32>], vector<16xf32>,
    %gather3A_939 = tpu.vector_load_idx %arg10[%add3A_885, %broadcast_in_dim3A_937] : memref<512x16xf32, #tpu.memory_space<vmem>>[vector<16xi32>, vector<16xi32>], vector<16xf32>,
    %mul3A_940 = arith.mulf %gather3A_938, %gather3A_939 : vector<16xf32>
    %add3A_941 = arith.addf %add3A_935, %mul3A_940 : vector<16xf32>
    %broadcast_in_dim3A_942 = arith.constant 9 : i32
    %broadcast_in_dim3A_943 = vector.broadcast %broadcast_in_dim3A_942 : i32 to vector<16xi32>
    %gather3A_944 = tpu.vector_load_idx %arg9[%add3A_885, %broadcast_in_dim3A_943] : memref<512x16xf32, #tpu.memory_space<vmem>>[vector<16xi32>, vector<16xi32>], vector<16xf32>,
    %gather3A_945 = tpu.vector_load_idx %arg10[%add3A_885, %broadcast_in_dim3A_943] : memref<512x16xf32, #tpu.memory_space<vmem>>[vector<16xi32>, vector<16xi32>], vector<16xf32>,
    %mul3A_946 = arith.mulf %gather3A_944, %gather3A_945 : vector<16xf32>
    %add3A_947 = arith.addf %add3A_941, %mul3A_946 : vector<16xf32>
    %broadcast_in_dim3A_948 = arith.constant 10 : i32
    %broadcast_in_dim3A_949 = vector.broadcast %broadcast_in_dim3A_948 : i32 to vector<16xi32>
    %gather3A_950 = tpu.vector_load_idx %arg9[%add3A_885, %broadcast_in_dim3A_949] : memref<512x16xf32, #tpu.memory_space<vmem>>[vector<16xi32>, vector<16xi32>], vector<16xf32>,
    %gather3A_951 = tpu.vector_load_idx %arg10[%add3A_885, %broadcast_in_dim3A_949] : memref<512x16xf32, #tpu.memory_space<vmem>>[vector<16xi32>, vector<16xi32>], vector<16xf32>,
    %mul3A_952 = arith.mulf %gather3A_950, %gather3A_951 : vector<16xf32>
    %add3A_953 = arith.addf %add3A_947, %mul3A_952 : vector<16xf32>
    %broadcast_in_dim3A_954 = arith.constant 11 : i32
    %broadcast_in_dim3A_955 = vector.broadcast %broadcast_in_dim3A_954 : i32 to vector<16xi32>
    %gather3A_956 = tpu.vector_load_idx %arg9[%add3A_885, %broadcast_in_dim3A_955] : memref<512x16xf32, #tpu.memory_space<vmem>>[vector<16xi32>, vector<16xi32>], vector<16xf32>,
    %gather3A_957 = tpu.vector_load_idx %arg10[%add3A_885, %broadcast_in_dim3A_955] : memref<512x16xf32, #tpu.memory_space<vmem>>[vector<16xi32>, vector<16xi32>], vector<16xf32>,
    %mul3A_958 = arith.mulf %gather3A_956, %gather3A_957 : vector<16xf32>
    %add3A_959 = arith.addf %add3A_953, %mul3A_958 : vector<16xf32>
    %broadcast_in_dim3A_960 = arith.constant 12 : i32
    %broadcast_in_dim3A_961 = vector.broadcast %broadcast_in_dim3A_960 : i32 to vector<16xi32>
    %gather3A_962 = tpu.vector_load_idx %arg9[%add3A_885, %broadcast_in_dim3A_961] : memref<512x16xf32, #tpu.memory_space<vmem>>[vector<16xi32>, vector<16xi32>], vector<16xf32>,
    %gather3A_963 = tpu.vector_load_idx %arg10[%add3A_885, %broadcast_in_dim3A_961] : memref<512x16xf32, #tpu.memory_space<vmem>>[vector<16xi32>, vector<16xi32>], vector<16xf32>,
    %mul3A_964 = arith.mulf %gather3A_962, %gather3A_963 : vector<16xf32>
    %add3A_965 = arith.addf %add3A_959, %mul3A_964 : vector<16xf32>
    %broadcast_in_dim3A_966 = arith.constant 13 : i32
    %broadcast_in_dim3A_967 = vector.broadcast %broadcast_in_dim3A_966 : i32 to vector<16xi32>
    %gather3A_968 = tpu.vector_load_idx %arg9[%add3A_885, %broadcast_in_dim3A_967] : memref<512x16xf32, #tpu.memory_space<vmem>>[vector<16xi32>, vector<16xi32>], vector<16xf32>,
    %gather3A_969 = tpu.vector_load_idx %arg10[%add3A_885, %broadcast_in_dim3A_967] : memref<512x16xf32, #tpu.memory_space<vmem>>[vector<16xi32>, vector<16xi32>], vector<16xf32>,
    %mul3A_970 = arith.mulf %gather3A_968, %gather3A_969 : vector<16xf32>
    %add3A_971 = arith.addf %add3A_965, %mul3A_970 : vector<16xf32>
    %broadcast_in_dim3A_972 = arith.constant 14 : i32
    %broadcast_in_dim3A_973 = vector.broadcast %broadcast_in_dim3A_972 : i32 to vector<16xi32>
    %gather3A_974 = tpu.vector_load_idx %arg9[%add3A_885, %broadcast_in_dim3A_973] : memref<512x16xf32, #tpu.memory_space<vmem>>[vector<16xi32>, vector<16xi32>], vector<16xf32>,
    %gather3A_975 = tpu.vector_load_idx %arg10[%add3A_885, %broadcast_in_dim3A_973] : memref<512x16xf32, #tpu.memory_space<vmem>>[vector<16xi32>, vector<16xi32>], vector<16xf32>,
    %mul3A_976 = arith.mulf %gather3A_974, %gather3A_975 : vector<16xf32>
    %add3A_977 = arith.addf %add3A_971, %mul3A_976 : vector<16xf32>
    %broadcast_in_dim3A_978 = arith.constant 15 : i32
    %broadcast_in_dim3A_979 = vector.broadcast %broadcast_in_dim3A_978 : i32 to vector<16xi32>
    %gather3A_980 = tpu.vector_load_idx %arg9[%add3A_885, %broadcast_in_dim3A_979] : memref<512x16xf32, #tpu.memory_space<vmem>>[vector<16xi32>, vector<16xi32>], vector<16xf32>,
    %gather3A_981 = tpu.vector_load_idx %arg10[%add3A_885, %broadcast_in_dim3A_979] : memref<512x16xf32, #tpu.memory_space<vmem>>[vector<16xi32>, vector<16xi32>], vector<16xf32>,
    %mul3A_982 = arith.mulf %gather3A_980, %gather3A_981 : vector<16xf32>
    %add3A_983 = arith.addf %add3A_977, %mul3A_982 : vector<16xf32>
    %swap3A_984 = arith.constant 112 : index
    %swap3A_985 = tpu.vector_load %arg11[%swap3A_984] {strides = array<i32>} : memref<512xf32, #tpu.memory_space<vmem>>, vector<16xf32>,
    tpu.vector_store %arg11[%swap3A_984], %add3A_983 {strides = array<i32>} : memref<512xf32, #tpu.memory_space<vmem>>, vector<16xf32>,
    %add3A_986 = arith.constant 128 : i32
    %add3A_987 = vector.broadcast %add3A_986 : i32 to vector<16xi32>
    %add3A_988 = arith.addi %add3A_987, %iota3A : vector<16xi32>
    %broadcast_in_dim3A_989 = arith.constant 0.000000e+00 : f32
    %broadcast_in_dim3A_990 = vector.broadcast %broadcast_in_dim3A_989 : f32 to vector<16xf32>
    %broadcast_in_dim3A_991 = arith.constant 0 : i32
    %broadcast_in_dim3A_992 = vector.broadcast %broadcast_in_dim3A_991 : i32 to vector<16xi32>
    %gather3A_993 = tpu.vector_load_idx %arg9[%add3A_988, %broadcast_in_dim3A_992] : memref<512x16xf32, #tpu.memory_space<vmem>>[vector<16xi32>, vector<16xi32>], vector<16xf32>,
    %gather3A_994 = tpu.vector_load_idx %arg10[%add3A_988, %broadcast_in_dim3A_992] : memref<512x16xf32, #tpu.memory_space<vmem>>[vector<16xi32>, vector<16xi32>], vector<16xf32>,
    %mul3A_995 = arith.mulf %gather3A_993, %gather3A_994 : vector<16xf32>
    %add3A_996 = arith.addf %broadcast_in_dim3A_990, %mul3A_995 : vector<16xf32>
    %broadcast_in_dim3A_997 = arith.constant 1 : i32
    %broadcast_in_dim3A_998 = vector.broadcast %broadcast_in_dim3A_997 : i32 to vector<16xi32>
    %gather3A_999 = tpu.vector_load_idx %arg9[%add3A_988, %broadcast_in_dim3A_998] : memref<512x16xf32, #tpu.memory_space<vmem>>[vector<16xi32>, vector<16xi32>], vector<16xf32>,
    %gather3A_1000 = tpu.vector_load_idx %arg10[%add3A_988, %broadcast_in_dim3A_998] : memref<512x16xf32, #tpu.memory_space<vmem>>[vector<16xi32>, vector<16xi32>], vector<16xf32>,
    %mul3A_1001 = arith.mulf %gather3A_999, %gather3A_1000 : vector<16xf32>
    %add3A_1002 = arith.addf %add3A_996, %mul3A_1001 : vector<16xf32>
    %broadcast_in_dim3A_1003 = arith.constant 2 : i32
    %broadcast_in_dim3A_1004 = vector.broadcast %broadcast_in_dim3A_1003 : i32 to vector<16xi32>
    %gather3A_1005 = tpu.vector_load_idx %arg9[%add3A_988, %broadcast_in_dim3A_1004] : memref<512x16xf32, #tpu.memory_space<vmem>>[vector<16xi32>, vector<16xi32>], vector<16xf32>,
    %gather3A_1006 = tpu.vector_load_idx %arg10[%add3A_988, %broadcast_in_dim3A_1004] : memref<512x16xf32, #tpu.memory_space<vmem>>[vector<16xi32>, vector<16xi32>], vector<16xf32>,
    %mul3A_1007 = arith.mulf %gather3A_1005, %gather3A_1006 : vector<16xf32>
    %add3A_1008 = arith.addf %add3A_1002, %mul3A_1007 : vector<16xf32>
    %broadcast_in_dim3A_1009 = arith.constant 3 : i32
    %broadcast_in_dim3A_1010 = vector.broadcast %broadcast_in_dim3A_1009 : i32 to vector<16xi32>
    %gather3A_1011 = tpu.vector_load_idx %arg9[%add3A_988, %broadcast_in_dim3A_1010] : memref<512x16xf32, #tpu.memory_space<vmem>>[vector<16xi32>, vector<16xi32>], vector<16xf32>,
    %gather3A_1012 = tpu.vector_load_idx %arg10[%add3A_988, %broadcast_in_dim3A_1010] : memref<512x16xf32, #tpu.memory_space<vmem>>[vector<16xi32>, vector<16xi32>], vector<16xf32>,
    %mul3A_1013 = arith.mulf %gather3A_1011, %gather3A_1012 : vector<16xf32>
    %add3A_1014 = arith.addf %add3A_1008, %mul3A_1013 : vector<16xf32>
    %broadcast_in_dim3A_1015 = arith.constant 4 : i32
    %broadcast_in_dim3A_1016 = vector.broadcast %broadcast_in_dim3A_1015 : i32 to vector<16xi32>
    %gather3A_1017 = tpu.vector_load_idx %arg9[%add3A_988, %broadcast_in_dim3A_1016] : memref<512x16xf32, #tpu.memory_space<vmem>>[vector<16xi32>, vector<16xi32>], vector<16xf32>,
    %gather3A_1018 = tpu.vector_load_idx %arg10[%add3A_988, %broadcast_in_dim3A_1016] : memref<512x16xf32, #tpu.memory_space<vmem>>[vector<16xi32>, vector<16xi32>], vector<16xf32>,
    %mul3A_1019 = arith.mulf %gather3A_1017, %gather3A_1018 : vector<16xf32>
    %add3A_1020 = arith.addf %add3A_1014, %mul3A_1019 : vector<16xf32>
    %broadcast_in_dim3A_1021 = arith.constant 5 : i32
    %broadcast_in_dim3A_1022 = vector.broadcast %broadcast_in_dim3A_1021 : i32 to vector<16xi32>
    %gather3A_1023 = tpu.vector_load_idx %arg9[%add3A_988, %broadcast_in_dim3A_1022] : memref<512x16xf32, #tpu.memory_space<vmem>>[vector<16xi32>, vector<16xi32>], vector<16xf32>,
    %gather3A_1024 = tpu.vector_load_idx %arg10[%add3A_988, %broadcast_in_dim3A_1022] : memref<512x16xf32, #tpu.memory_space<vmem>>[vector<16xi32>, vector<16xi32>], vector<16xf32>,
    %mul3A_1025 = arith.mulf %gather3A_1023, %gather3A_1024 : vector<16xf32>
    %add3A_1026 = arith.addf %add3A_1020, %mul3A_1025 : vector<16xf32>
    %broadcast_in_dim3A_1027 = arith.constant 6 : i32
    %broadcast_in_dim3A_1028 = vector.broadcast %broadcast_in_dim3A_1027 : i32 to vector<16xi32>
    %gather3A_1029 = tpu.vector_load_idx %arg9[%add3A_988, %broadcast_in_dim3A_1028] : memref<512x16xf32, #tpu.memory_space<vmem>>[vector<16xi32>, vector<16xi32>], vector<16xf32>,
    %gather3A_1030 = tpu.vector_load_idx %arg10[%add3A_988, %broadcast_in_dim3A_1028] : memref<512x16xf32, #tpu.memory_space<vmem>>[vector<16xi32>, vector<16xi32>], vector<16xf32>,
    %mul3A_1031 = arith.mulf %gather3A_1029, %gather3A_1030 : vector<16xf32>
    %add3A_1032 = arith.addf %add3A_1026, %mul3A_1031 : vector<16xf32>
    %broadcast_in_dim3A_1033 = arith.constant 7 : i32
    %broadcast_in_dim3A_1034 = vector.broadcast %broadcast_in_dim3A_1033 : i32 to vector<16xi32>
    %gather3A_1035 = tpu.vector_load_idx %arg9[%add3A_988, %broadcast_in_dim3A_1034] : memref<512x16xf32, #tpu.memory_space<vmem>>[vector<16xi32>, vector<16xi32>], vector<16xf32>,
    %gather3A_1036 = tpu.vector_load_idx %arg10[%add3A_988, %broadcast_in_dim3A_1034] : memref<512x16xf32, #tpu.memory_space<vmem>>[vector<16xi32>, vector<16xi32>], vector<16xf32>,
    %mul3A_1037 = arith.mulf %gather3A_1035, %gather3A_1036 : vector<16xf32>
    %add3A_1038 = arith.addf %add3A_1032, %mul3A_1037 : vector<16xf32>
    %broadcast_in_dim3A_1039 = arith.constant 8 : i32
    %broadcast_in_dim3A_1040 = vector.broadcast %broadcast_in_dim3A_1039 : i32 to vector<16xi32>
    %gather3A_1041 = tpu.vector_load_idx %arg9[%add3A_988, %broadcast_in_dim3A_1040] : memref<512x16xf32, #tpu.memory_space<vmem>>[vector<16xi32>, vector<16xi32>], vector<16xf32>,
    %gather3A_1042 = tpu.vector_load_idx %arg10[%add3A_988, %broadcast_in_dim3A_1040] : memref<512x16xf32, #tpu.memory_space<vmem>>[vector<16xi32>, vector<16xi32>], vector<16xf32>,
    %mul3A_1043 = arith.mulf %gather3A_1041, %gather3A_1042 : vector<16xf32>
    %add3A_1044 = arith.addf %add3A_1038, %mul3A_1043 : vector<16xf32>
    %broadcast_in_dim3A_1045 = arith.constant 9 : i32
    %broadcast_in_dim3A_1046 = vector.broadcast %broadcast_in_dim3A_1045 : i32 to vector<16xi32>
    %gather3A_1047 = tpu.vector_load_idx %arg9[%add3A_988, %broadcast_in_dim3A_1046] : memref<512x16xf32, #tpu.memory_space<vmem>>[vector<16xi32>, vector<16xi32>], vector<16xf32>,
    %gather3A_1048 = tpu.vector_load_idx %arg10[%add3A_988, %broadcast_in_dim3A_1046] : memref<512x16xf32, #tpu.memory_space<vmem>>[vector<16xi32>, vector<16xi32>], vector<16xf32>,
    %mul3A_1049 = arith.mulf %gather3A_1047, %gather3A_1048 : vector<16xf32>
    %add3A_1050 = arith.addf %add3A_1044, %mul3A_1049 : vector<16xf32>
    %broadcast_in_dim3A_1051 = arith.constant 10 : i32
    %broadcast_in_dim3A_1052 = vector.broadcast %broadcast_in_dim3A_1051 : i32 to vector<16xi32>
    %gather3A_1053 = tpu.vector_load_idx %arg9[%add3A_988, %broadcast_in_dim3A_1052] : memref<512x16xf32, #tpu.memory_space<vmem>>[vector<16xi32>, vector<16xi32>], vector<16xf32>,
    %gather3A_1054 = tpu.vector_load_idx %arg10[%add3A_988, %broadcast_in_dim3A_1052] : memref<512x16xf32, #tpu.memory_space<vmem>>[vector<16xi32>, vector<16xi32>], vector<16xf32>,
    %mul3A_1055 = arith.mulf %gather3A_1053, %gather3A_1054 : vector<16xf32>
    %add3A_1056 = arith.addf %add3A_1050, %mul3A_1055 : vector<16xf32>
    %broadcast_in_dim3A_1057 = arith.constant 11 : i32
    %broadcast_in_dim3A_1058 = vector.broadcast %broadcast_in_dim3A_1057 : i32 to vector<16xi32>
    %gather3A_1059 = tpu.vector_load_idx %arg9[%add3A_988, %broadcast_in_dim3A_1058] : memref<512x16xf32, #tpu.memory_space<vmem>>[vector<16xi32>, vector<16xi32>], vector<16xf32>,
    %gather3A_1060 = tpu.vector_load_idx %arg10[%add3A_988, %broadcast_in_dim3A_1058] : memref<512x16xf32, #tpu.memory_space<vmem>>[vector<16xi32>, vector<16xi32>], vector<16xf32>,
    %mul3A_1061 = arith.mulf %gather3A_1059, %gather3A_1060 : vector<16xf32>
    %add3A_1062 = arith.addf %add3A_1056, %mul3A_1061 : vector<16xf32>
    %broadcast_in_dim3A_1063 = arith.constant 12 : i32
    %broadcast_in_dim3A_1064 = vector.broadcast %broadcast_in_dim3A_1063 : i32 to vector<16xi32>
    %gather3A_1065 = tpu.vector_load_idx %arg9[%add3A_988, %broadcast_in_dim3A_1064] : memref<512x16xf32, #tpu.memory_space<vmem>>[vector<16xi32>, vector<16xi32>], vector<16xf32>,
    %gather3A_1066 = tpu.vector_load_idx %arg10[%add3A_988, %broadcast_in_dim3A_1064] : memref<512x16xf32, #tpu.memory_space<vmem>>[vector<16xi32>, vector<16xi32>], vector<16xf32>,
    %mul3A_1067 = arith.mulf %gather3A_1065, %gather3A_1066 : vector<16xf32>
    %add3A_1068 = arith.addf %add3A_1062, %mul3A_1067 : vector<16xf32>
    %broadcast_in_dim3A_1069 = arith.constant 13 : i32
    %broadcast_in_dim3A_1070 = vector.broadcast %broadcast_in_dim3A_1069 : i32 to vector<16xi32>
    %gather3A_1071 = tpu.vector_load_idx %arg9[%add3A_988, %broadcast_in_dim3A_1070] : memref<512x16xf32, #tpu.memory_space<vmem>>[vector<16xi32>, vector<16xi32>], vector<16xf32>,
    %gather3A_1072 = tpu.vector_load_idx %arg10[%add3A_988, %broadcast_in_dim3A_1070] : memref<512x16xf32, #tpu.memory_space<vmem>>[vector<16xi32>, vector<16xi32>], vector<16xf32>,
    %mul3A_1073 = arith.mulf %gather3A_1071, %gather3A_1072 : vector<16xf32>
    %add3A_1074 = arith.addf %add3A_1068, %mul3A_1073 : vector<16xf32>
    %broadcast_in_dim3A_1075 = arith.constant 14 : i32
    %broadcast_in_dim3A_1076 = vector.broadcast %broadcast_in_dim3A_1075 : i32 to vector<16xi32>
    %gather3A_1077 = tpu.vector_load_idx %arg9[%add3A_988, %broadcast_in_dim3A_1076] : memref<512x16xf32, #tpu.memory_space<vmem>>[vector<16xi32>, vector<16xi32>], vector<16xf32>,
    %gather3A_1078 = tpu.vector_load_idx %arg10[%add3A_988, %broadcast_in_dim3A_1076] : memref<512x16xf32, #tpu.memory_space<vmem>>[vector<16xi32>, vector<16xi32>], vector<16xf32>,
    %mul3A_1079 = arith.mulf %gather3A_1077, %gather3A_1078 : vector<16xf32>
    %add3A_1080 = arith.addf %add3A_1074, %mul3A_1079 : vector<16xf32>
    %broadcast_in_dim3A_1081 = arith.constant 15 : i32
    %broadcast_in_dim3A_1082 = vector.broadcast %broadcast_in_dim3A_1081 : i32 to vector<16xi32>
    %gather3A_1083 = tpu.vector_load_idx %arg9[%add3A_988, %broadcast_in_dim3A_1082] : memref<512x16xf32, #tpu.memory_space<vmem>>[vector<16xi32>, vector<16xi32>], vector<16xf32>,
    %gather3A_1084 = tpu.vector_load_idx %arg10[%add3A_988, %broadcast_in_dim3A_1082] : memref<512x16xf32, #tpu.memory_space<vmem>>[vector<16xi32>, vector<16xi32>], vector<16xf32>,
    %mul3A_1085 = arith.mulf %gather3A_1083, %gather3A_1084 : vector<16xf32>
    %add3A_1086 = arith.addf %add3A_1080, %mul3A_1085 : vector<16xf32>
    %swap3A_1087 = arith.constant 128 : index
    %swap3A_1088 = tpu.vector_load %arg11[%swap3A_1087] {strides = array<i32>} : memref<512xf32, #tpu.memory_space<vmem>>, vector<16xf32>,
    tpu.vector_store %arg11[%swap3A_1087], %add3A_1086 {strides = array<i32>} : memref<512xf32, #tpu.memory_space<vmem>>, vector<16xf32>,
    %add3A_1089 = arith.constant 144 : i32
    %add3A_1090 = vector.broadcast %add3A_1089 : i32 to vector<16xi32>
    %add3A_1091 = arith.addi %add3A_1090, %iota3A : vector<16xi32>
    %broadcast_in_dim3A_1092 = arith.constant 0.000000e+00 : f32
    %broadcast_in_dim3A_1093 = vector.broadcast %broadcast_in_dim3A_1092 : f32 to vector<16xf32>
    %broadcast_in_dim3A_1094 = arith.constant 0 : i32
    %broadcast_in_dim3A_1095 = vector.broadcast %broadcast_in_dim3A_1094 : i32 to vector<16xi32>
    %gather3A_1096 = tpu.vector_load_idx %arg9[%add3A_1091, %broadcast_in_dim3A_1095] : memref<512x16xf32, #tpu.memory_space<vmem>>[vector<16xi32>, vector<16xi32>], vector<16xf32>,
    %gather3A_1097 = tpu.vector_load_idx %arg10[%add3A_1091, %broadcast_in_dim3A_1095] : memref<512x16xf32, #tpu.memory_space<vmem>>[vector<16xi32>, vector<16xi32>], vector<16xf32>,
    %mul3A_1098 = arith.mulf %gather3A_1096, %gather3A_1097 : vector<16xf32>
    %add3A_1099 = arith.addf %broadcast_in_dim3A_1093, %mul3A_1098 : vector<16xf32>
    %broadcast_in_dim3A_1100 = arith.constant 1 : i32
    %broadcast_in_dim3A_1101 = vector.broadcast %broadcast_in_dim3A_1100 : i32 to vector<16xi32>
    %gather3A_1102 = tpu.vector_load_idx %arg9[%add3A_1091, %broadcast_in_dim3A_1101] : memref<512x16xf32, #tpu.memory_space<vmem>>[vector<16xi32>, vector<16xi32>], vector<16xf32>,
    %gather3A_1103 = tpu.vector_load_idx %arg10[%add3A_1091, %broadcast_in_dim3A_1101] : memref<512x16xf32, #tpu.memory_space<vmem>>[vector<16xi32>, vector<16xi32>], vector<16xf32>,
    %mul3A_1104 = arith.mulf %gather3A_1102, %gather3A_1103 : vector<16xf32>
    %add3A_1105 = arith.addf %add3A_1099, %mul3A_1104 : vector<16xf32>
    %broadcast_in_dim3A_1106 = arith.constant 2 : i32
    %broadcast_in_dim3A_1107 = vector.broadcast %broadcast_in_dim3A_1106 : i32 to vector<16xi32>
    %gather3A_1108 = tpu.vector_load_idx %arg9[%add3A_1091, %broadcast_in_dim3A_1107] : memref<512x16xf32, #tpu.memory_space<vmem>>[vector<16xi32>, vector<16xi32>], vector<16xf32>,
    %gather3A_1109 = tpu.vector_load_idx %arg10[%add3A_1091, %broadcast_in_dim3A_1107] : memref<512x16xf32, #tpu.memory_space<vmem>>[vector<16xi32>, vector<16xi32>], vector<16xf32>,
    %mul3A_1110 = arith.mulf %gather3A_1108, %gather3A_1109 : vector<16xf32>
    %add3A_1111 = arith.addf %add3A_1105, %mul3A_1110 : vector<16xf32>
    %broadcast_in_dim3A_1112 = arith.constant 3 : i32
    %broadcast_in_dim3A_1113 = vector.broadcast %broadcast_in_dim3A_1112 : i32 to vector<16xi32>
    %gather3A_1114 = tpu.vector_load_idx %arg9[%add3A_1091, %broadcast_in_dim3A_1113] : memref<512x16xf32, #tpu.memory_space<vmem>>[vector<16xi32>, vector<16xi32>], vector<16xf32>,
    %gather3A_1115 = tpu.vector_load_idx %arg10[%add3A_1091, %broadcast_in_dim3A_1113] : memref<512x16xf32, #tpu.memory_space<vmem>>[vector<16xi32>, vector<16xi32>], vector<16xf32>,
    %mul3A_1116 = arith.mulf %gather3A_1114, %gather3A_1115 : vector<16xf32>
    %add3A_1117 = arith.addf %add3A_1111, %mul3A_1116 : vector<16xf32>
    %broadcast_in_dim3A_1118 = arith.constant 4 : i32
    %broadcast_in_dim3A_1119 = vector.broadcast %broadcast_in_dim3A_1118 : i32 to vector<16xi32>
    %gather3A_1120 = tpu.vector_load_idx %arg9[%add3A_1091, %broadcast_in_dim3A_1119] : memref<512x16xf32, #tpu.memory_space<vmem>>[vector<16xi32>, vector<16xi32>], vector<16xf32>,
    %gather3A_1121 = tpu.vector_load_idx %arg10[%add3A_1091, %broadcast_in_dim3A_1119] : memref<512x16xf32, #tpu.memory_space<vmem>>[vector<16xi32>, vector<16xi32>], vector<16xf32>,
    %mul3A_1122 = arith.mulf %gather3A_1120, %gather3A_1121 : vector<16xf32>
    %add3A_1123 = arith.addf %add3A_1117, %mul3A_1122 : vector<16xf32>
    %broadcast_in_dim3A_1124 = arith.constant 5 : i32
    %broadcast_in_dim3A_1125 = vector.broadcast %broadcast_in_dim3A_1124 : i32 to vector<16xi32>
    %gather3A_1126 = tpu.vector_load_idx %arg9[%add3A_1091, %broadcast_in_dim3A_1125] : memref<512x16xf32, #tpu.memory_space<vmem>>[vector<16xi32>, vector<16xi32>], vector<16xf32>,
    %gather3A_1127 = tpu.vector_load_idx %arg10[%add3A_1091, %broadcast_in_dim3A_1125] : memref<512x16xf32, #tpu.memory_space<vmem>>[vector<16xi32>, vector<16xi32>], vector<16xf32>,
    %mul3A_1128 = arith.mulf %gather3A_1126, %gather3A_1127 : vector<16xf32>
    %add3A_1129 = arith.addf %add3A_1123, %mul3A_1128 : vector<16xf32>
    %broadcast_in_dim3A_1130 = arith.constant 6 : i32
    %broadcast_in_dim3A_1131 = vector.broadcast %broadcast_in_dim3A_1130 : i32 to vector<16xi32>
    %gather3A_1132 = tpu.vector_load_idx %arg9[%add3A_1091, %broadcast_in_dim3A_1131] : memref<512x16xf32, #tpu.memory_space<vmem>>[vector<16xi32>, vector<16xi32>], vector<16xf32>,
    %gather3A_1133 = tpu.vector_load_idx %arg10[%add3A_1091, %broadcast_in_dim3A_1131] : memref<512x16xf32, #tpu.memory_space<vmem>>[vector<16xi32>, vector<16xi32>], vector<16xf32>,
    %mul3A_1134 = arith.mulf %gather3A_1132, %gather3A_1133 : vector<16xf32>
    %add3A_1135 = arith.addf %add3A_1129, %mul3A_1134 : vector<16xf32>
    %broadcast_in_dim3A_1136 = arith.constant 7 : i32
    %broadcast_in_dim3A_1137 = vector.broadcast %broadcast_in_dim3A_1136 : i32 to vector<16xi32>
    %gather3A_1138 = tpu.vector_load_idx %arg9[%add3A_1091, %broadcast_in_dim3A_1137] : memref<512x16xf32, #tpu.memory_space<vmem>>[vector<16xi32>, vector<16xi32>], vector<16xf32>,
    %gather3A_1139 = tpu.vector_load_idx %arg10[%add3A_1091, %broadcast_in_dim3A_1137] : memref<512x16xf32, #tpu.memory_space<vmem>>[vector<16xi32>, vector<16xi32>], vector<16xf32>,
    %mul3A_1140 = arith.mulf %gather3A_1138, %gather3A_1139 : vector<16xf32>
    %add3A_1141 = arith.addf %add3A_1135, %mul3A_1140 : vector<16xf32>
    %broadcast_in_dim3A_1142 = arith.constant 8 : i32
    %broadcast_in_dim3A_1143 = vector.broadcast %broadcast_in_dim3A_1142 : i32 to vector<16xi32>
    %gather3A_1144 = tpu.vector_load_idx %arg9[%add3A_1091, %broadcast_in_dim3A_1143] : memref<512x16xf32, #tpu.memory_space<vmem>>[vector<16xi32>, vector<16xi32>], vector<16xf32>,
    %gather3A_1145 = tpu.vector_load_idx %arg10[%add3A_1091, %broadcast_in_dim3A_1143] : memref<512x16xf32, #tpu.memory_space<vmem>>[vector<16xi32>, vector<16xi32>], vector<16xf32>,
    %mul3A_1146 = arith.mulf %gather3A_1144, %gather3A_1145 : vector<16xf32>
    %add3A_1147 = arith.addf %add3A_1141, %mul3A_1146 : vector<16xf32>
    %broadcast_in_dim3A_1148 = arith.constant 9 : i32
    %broadcast_in_dim3A_1149 = vector.broadcast %broadcast_in_dim3A_1148 : i32 to vector<16xi32>
    %gather3A_1150 = tpu.vector_load_idx %arg9[%add3A_1091, %broadcast_in_dim3A_1149] : memref<512x16xf32, #tpu.memory_space<vmem>>[vector<16xi32>, vector<16xi32>], vector<16xf32>,
    %gather3A_1151 = tpu.vector_load_idx %arg10[%add3A_1091, %broadcast_in_dim3A_1149] : memref<512x16xf32, #tpu.memory_space<vmem>>[vector<16xi32>, vector<16xi32>], vector<16xf32>,
    %mul3A_1152 = arith.mulf %gather3A_1150, %gather3A_1151 : vector<16xf32>
    %add3A_1153 = arith.addf %add3A_1147, %mul3A_1152 : vector<16xf32>
    %broadcast_in_dim3A_1154 = arith.constant 10 : i32
    %broadcast_in_dim3A_1155 = vector.broadcast %broadcast_in_dim3A_1154 : i32 to vector<16xi32>
    %gather3A_1156 = tpu.vector_load_idx %arg9[%add3A_1091, %broadcast_in_dim3A_1155] : memref<512x16xf32, #tpu.memory_space<vmem>>[vector<16xi32>, vector<16xi32>], vector<16xf32>,
    %gather3A_1157 = tpu.vector_load_idx %arg10[%add3A_1091, %broadcast_in_dim3A_1155] : memref<512x16xf32, #tpu.memory_space<vmem>>[vector<16xi32>, vector<16xi32>], vector<16xf32>,
    %mul3A_1158 = arith.mulf %gather3A_1156, %gather3A_1157 : vector<16xf32>
    %add3A_1159 = arith.addf %add3A_1153, %mul3A_1158 : vector<16xf32>
    %broadcast_in_dim3A_1160 = arith.constant 11 : i32
    %broadcast_in_dim3A_1161 = vector.broadcast %broadcast_in_dim3A_1160 : i32 to vector<16xi32>
    %gather3A_1162 = tpu.vector_load_idx %arg9[%add3A_1091, %broadcast_in_dim3A_1161] : memref<512x16xf32, #tpu.memory_space<vmem>>[vector<16xi32>, vector<16xi32>], vector<16xf32>,
    %gather3A_1163 = tpu.vector_load_idx %arg10[%add3A_1091, %broadcast_in_dim3A_1161] : memref<512x16xf32, #tpu.memory_space<vmem>>[vector<16xi32>, vector<16xi32>], vector<16xf32>,
    %mul3A_1164 = arith.mulf %gather3A_1162, %gather3A_1163 : vector<16xf32>
    %add3A_1165 = arith.addf %add3A_1159, %mul3A_1164 : vector<16xf32>
    %broadcast_in_dim3A_1166 = arith.constant 12 : i32
    %broadcast_in_dim3A_1167 = vector.broadcast %broadcast_in_dim3A_1166 : i32 to vector<16xi32>
    %gather3A_1168 = tpu.vector_load_idx %arg9[%add3A_1091, %broadcast_in_dim3A_1167] : memref<512x16xf32, #tpu.memory_space<vmem>>[vector<16xi32>, vector<16xi32>], vector<16xf32>,
    %gather3A_1169 = tpu.vector_load_idx %arg10[%add3A_1091, %broadcast_in_dim3A_1167] : memref<512x16xf32, #tpu.memory_space<vmem>>[vector<16xi32>, vector<16xi32>], vector<16xf32>,
    %mul3A_1170 = arith.mulf %gather3A_1168, %gather3A_1169 : vector<16xf32>
    %add3A_1171 = arith.addf %add3A_1165, %mul3A_1170 : vector<16xf32>
    %broadcast_in_dim3A_1172 = arith.constant 13 : i32
    %broadcast_in_dim3A_1173 = vector.broadcast %broadcast_in_dim3A_1172 : i32 to vector<16xi32>
    %gather3A_1174 = tpu.vector_load_idx %arg9[%add3A_1091, %broadcast_in_dim3A_1173] : memref<512x16xf32, #tpu.memory_space<vmem>>[vector<16xi32>, vector<16xi32>], vector<16xf32>,
    %gather3A_1175 = tpu.vector_load_idx %arg10[%add3A_1091, %broadcast_in_dim3A_1173] : memref<512x16xf32, #tpu.memory_space<vmem>>[vector<16xi32>, vector<16xi32>], vector<16xf32>,
    %mul3A_1176 = arith.mulf %gather3A_1174, %gather3A_1175 : vector<16xf32>
    %add3A_1177 = arith.addf %add3A_1171, %mul3A_1176 : vector<16xf32>
    %broadcast_in_dim3A_1178 = arith.constant 14 : i32
    %broadcast_in_dim3A_1179 = vector.broadcast %broadcast_in_dim3A_1178 : i32 to vector<16xi32>
    %gather3A_1180 = tpu.vector_load_idx %arg9[%add3A_1091, %broadcast_in_dim3A_1179] : memref<512x16xf32, #tpu.memory_space<vmem>>[vector<16xi32>, vector<16xi32>], vector<16xf32>,
    %gather3A_1181 = tpu.vector_load_idx %arg10[%add3A_1091, %broadcast_in_dim3A_1179] : memref<512x16xf32, #tpu.memory_space<vmem>>[vector<16xi32>, vector<16xi32>], vector<16xf32>,
    %mul3A_1182 = arith.mulf %gather3A_1180, %gather3A_1181 : vector<16xf32>
    %add3A_1183 = arith.addf %add3A_1177, %mul3A_1182 : vector<16xf32>
    %broadcast_in_dim3A_1184 = arith.constant 15 : i32
    %broadcast_in_dim3A_1185 = vector.broadcast %broadcast_in_dim3A_1184 : i32 to vector<16xi32>
    %gather3A_1186 = tpu.vector_load_idx %arg9[%add3A_1091, %broadcast_in_dim3A_1185] : memref<512x16xf32, #tpu.memory_space<vmem>>[vector<16xi32>, vector<16xi32>], vector<16xf32>,
    %gather3A_1187 = tpu.vector_load_idx %arg10[%add3A_1091, %broadcast_in_dim3A_1185] : memref<512x16xf32, #tpu.memory_space<vmem>>[vector<16xi32>, vector<16xi32>], vector<16xf32>,
    %mul3A_1188 = arith.mulf %gather3A_1186, %gather3A_1187 : vector<16xf32>
    %add3A_1189 = arith.addf %add3A_1183, %mul3A_1188 : vector<16xf32>
    %swap3A_1190 = arith.constant 144 : index
    %swap3A_1191 = tpu.vector_load %arg11[%swap3A_1190] {strides = array<i32>} : memref<512xf32, #tpu.memory_space<vmem>>, vector<16xf32>,
    tpu.vector_store %arg11[%swap3A_1190], %add3A_1189 {strides = array<i32>} : memref<512xf32, #tpu.memory_space<vmem>>, vector<16xf32>,
    %add3A_1192 = arith.constant 160 : i32
    %add3A_1193 = vector.broadcast %add3A_1192 : i32 to vector<16xi32>
    %add3A_1194 = arith.addi %add3A_1193, %iota3A : vector<16xi32>
    %broadcast_in_dim3A_1195 = arith.constant 0.000000e+00 : f32
    %broadcast_in_dim3A_1196 = vector.broadcast %broadcast_in_dim3A_1195 : f32 to vector<16xf32>
    %broadcast_in_dim3A_1197 = arith.constant 0 : i32
    %broadcast_in_dim3A_1198 = vector.broadcast %broadcast_in_dim3A_1197 : i32 to vector<16xi32>
    %gather3A_1199 = tpu.vector_load_idx %arg9[%add3A_1194, %broadcast_in_dim3A_1198] : memref<512x16xf32, #tpu.memory_space<vmem>>[vector<16xi32>, vector<16xi32>], vector<16xf32>,
    %gather3A_1200 = tpu.vector_load_idx %arg10[%add3A_1194, %broadcast_in_dim3A_1198] : memref<512x16xf32, #tpu.memory_space<vmem>>[vector<16xi32>, vector<16xi32>], vector<16xf32>,
    %mul3A_1201 = arith.mulf %gather3A_1199, %gather3A_1200 : vector<16xf32>
    %add3A_1202 = arith.addf %broadcast_in_dim3A_1196, %mul3A_1201 : vector<16xf32>
    %broadcast_in_dim3A_1203 = arith.constant 1 : i32
    %broadcast_in_dim3A_1204 = vector.broadcast %broadcast_in_dim3A_1203 : i32 to vector<16xi32>
    %gather3A_1205 = tpu.vector_load_idx %arg9[%add3A_1194, %broadcast_in_dim3A_1204] : memref<512x16xf32, #tpu.memory_space<vmem>>[vector<16xi32>, vector<16xi32>], vector<16xf32>,
    %gather3A_1206 = tpu.vector_load_idx %arg10[%add3A_1194, %broadcast_in_dim3A_1204] : memref<512x16xf32, #tpu.memory_space<vmem>>[vector<16xi32>, vector<16xi32>], vector<16xf32>,
    %mul3A_1207 = arith.mulf %gather3A_1205, %gather3A_1206 : vector<16xf32>
    %add3A_1208 = arith.addf %add3A_1202, %mul3A_1207 : vector<16xf32>
    %broadcast_in_dim3A_1209 = arith.constant 2 : i32
    %broadcast_in_dim3A_1210 = vector.broadcast %broadcast_in_dim3A_1209 : i32 to vector<16xi32>
    %gather3A_1211 = tpu.vector_load_idx %arg9[%add3A_1194, %broadcast_in_dim3A_1210] : memref<512x16xf32, #tpu.memory_space<vmem>>[vector<16xi32>, vector<16xi32>], vector<16xf32>,
    %gather3A_1212 = tpu.vector_load_idx %arg10[%add3A_1194, %broadcast_in_dim3A_1210] : memref<512x16xf32, #tpu.memory_space<vmem>>[vector<16xi32>, vector<16xi32>], vector<16xf32>,
    %mul3A_1213 = arith.mulf %gather3A_1211, %gather3A_1212 : vector<16xf32>
    %add3A_1214 = arith.addf %add3A_1208, %mul3A_1213 : vector<16xf32>
    %broadcast_in_dim3A_1215 = arith.constant 3 : i32
    %broadcast_in_dim3A_1216 = vector.broadcast %broadcast_in_dim3A_1215 : i32 to vector<16xi32>
    %gather3A_1217 = tpu.vector_load_idx %arg9[%add3A_1194, %broadcast_in_dim3A_1216] : memref<512x16xf32, #tpu.memory_space<vmem>>[vector<16xi32>, vector<16xi32>], vector<16xf32>,
    %gather3A_1218 = tpu.vector_load_idx %arg10[%add3A_1194, %broadcast_in_dim3A_1216] : memref<512x16xf32, #tpu.memory_space<vmem>>[vector<16xi32>, vector<16xi32>], vector<16xf32>,
    %mul3A_1219 = arith.mulf %gather3A_1217, %gather3A_1218 : vector<16xf32>
    %add3A_1220 = arith.addf %add3A_1214, %mul3A_1219 : vector<16xf32>
    %broadcast_in_dim3A_1221 = arith.constant 4 : i32
    %broadcast_in_dim3A_1222 = vector.broadcast %broadcast_in_dim3A_1221 : i32 to vector<16xi32>
    %gather3A_1223 = tpu.vector_load_idx %arg9[%add3A_1194, %broadcast_in_dim3A_1222] : memref<512x16xf32, #tpu.memory_space<vmem>>[vector<16xi32>, vector<16xi32>], vector<16xf32>,
    %gather3A_1224 = tpu.vector_load_idx %arg10[%add3A_1194, %broadcast_in_dim3A_1222] : memref<512x16xf32, #tpu.memory_space<vmem>>[vector<16xi32>, vector<16xi32>], vector<16xf32>,
    %mul3A_1225 = arith.mulf %gather3A_1223, %gather3A_1224 : vector<16xf32>
    %add3A_1226 = arith.addf %add3A_1220, %mul3A_1225 : vector<16xf32>
    %broadcast_in_dim3A_1227 = arith.constant 5 : i32
    %broadcast_in_dim3A_1228 = vector.broadcast %broadcast_in_dim3A_1227 : i32 to vector<16xi32>
    %gather3A_1229 = tpu.vector_load_idx %arg9[%add3A_1194, %broadcast_in_dim3A_1228] : memref<512x16xf32, #tpu.memory_space<vmem>>[vector<16xi32>, vector<16xi32>], vector<16xf32>,
    %gather3A_1230 = tpu.vector_load_idx %arg10[%add3A_1194, %broadcast_in_dim3A_1228] : memref<512x16xf32, #tpu.memory_space<vmem>>[vector<16xi32>, vector<16xi32>], vector<16xf32>,
    %mul3A_1231 = arith.mulf %gather3A_1229, %gather3A_1230 : vector<16xf32>
    %add3A_1232 = arith.addf %add3A_1226, %mul3A_1231 : vector<16xf32>
    %broadcast_in_dim3A_1233 = arith.constant 6 : i32
    %broadcast_in_dim3A_1234 = vector.broadcast %broadcast_in_dim3A_1233 : i32 to vector<16xi32>
    %gather3A_1235 = tpu.vector_load_idx %arg9[%add3A_1194, %broadcast_in_dim3A_1234] : memref<512x16xf32, #tpu.memory_space<vmem>>[vector<16xi32>, vector<16xi32>], vector<16xf32>,
    %gather3A_1236 = tpu.vector_load_idx %arg10[%add3A_1194, %broadcast_in_dim3A_1234] : memref<512x16xf32, #tpu.memory_space<vmem>>[vector<16xi32>, vector<16xi32>], vector<16xf32>,
    %mul3A_1237 = arith.mulf %gather3A_1235, %gather3A_1236 : vector<16xf32>
    %add3A_1238 = arith.addf %add3A_1232, %mul3A_1237 : vector<16xf32>
    %broadcast_in_dim3A_1239 = arith.constant 7 : i32
    %broadcast_in_dim3A_1240 = vector.broadcast %broadcast_in_dim3A_1239 : i32 to vector<16xi32>
    %gather3A_1241 = tpu.vector_load_idx %arg9[%add3A_1194, %broadcast_in_dim3A_1240] : memref<512x16xf32, #tpu.memory_space<vmem>>[vector<16xi32>, vector<16xi32>], vector<16xf32>,
    %gather3A_1242 = tpu.vector_load_idx %arg10[%add3A_1194, %broadcast_in_dim3A_1240] : memref<512x16xf32, #tpu.memory_space<vmem>>[vector<16xi32>, vector<16xi32>], vector<16xf32>,
    %mul3A_1243 = arith.mulf %gather3A_1241, %gather3A_1242 : vector<16xf32>
    %add3A_1244 = arith.addf %add3A_1238, %mul3A_1243 : vector<16xf32>
    %broadcast_in_dim3A_1245 = arith.constant 8 : i32
    %broadcast_in_dim3A_1246 = vector.broadcast %broadcast_in_dim3A_1245 : i32 to vector<16xi32>
    %gather3A_1247 = tpu.vector_load_idx %arg9[%add3A_1194, %broadcast_in_dim3A_1246] : memref<512x16xf32, #tpu.memory_space<vmem>>[vector<16xi32>, vector<16xi32>], vector<16xf32>,
    %gather3A_1248 = tpu.vector_load_idx %arg10[%add3A_1194, %broadcast_in_dim3A_1246] : memref<512x16xf32, #tpu.memory_space<vmem>>[vector<16xi32>, vector<16xi32>], vector<16xf32>,
    %mul3A_1249 = arith.mulf %gather3A_1247, %gather3A_1248 : vector<16xf32>
    %add3A_1250 = arith.addf %add3A_1244, %mul3A_1249 : vector<16xf32>
    %broadcast_in_dim3A_1251 = arith.constant 9 : i32
    %broadcast_in_dim3A_1252 = vector.broadcast %broadcast_in_dim3A_1251 : i32 to vector<16xi32>
    %gather3A_1253 = tpu.vector_load_idx %arg9[%add3A_1194, %broadcast_in_dim3A_1252] : memref<512x16xf32, #tpu.memory_space<vmem>>[vector<16xi32>, vector<16xi32>], vector<16xf32>,
    %gather3A_1254 = tpu.vector_load_idx %arg10[%add3A_1194, %broadcast_in_dim3A_1252] : memref<512x16xf32, #tpu.memory_space<vmem>>[vector<16xi32>, vector<16xi32>], vector<16xf32>,
    %mul3A_1255 = arith.mulf %gather3A_1253, %gather3A_1254 : vector<16xf32>
    %add3A_1256 = arith.addf %add3A_1250, %mul3A_1255 : vector<16xf32>
    %broadcast_in_dim3A_1257 = arith.constant 10 : i32
    %broadcast_in_dim3A_1258 = vector.broadcast %broadcast_in_dim3A_1257 : i32 to vector<16xi32>
    %gather3A_1259 = tpu.vector_load_idx %arg9[%add3A_1194, %broadcast_in_dim3A_1258] : memref<512x16xf32, #tpu.memory_space<vmem>>[vector<16xi32>, vector<16xi32>], vector<16xf32>,
    %gather3A_1260 = tpu.vector_load_idx %arg10[%add3A_1194, %broadcast_in_dim3A_1258] : memref<512x16xf32, #tpu.memory_space<vmem>>[vector<16xi32>, vector<16xi32>], vector<16xf32>,
    %mul3A_1261 = arith.mulf %gather3A_1259, %gather3A_1260 : vector<16xf32>
    %add3A_1262 = arith.addf %add3A_1256, %mul3A_1261 : vector<16xf32>
    %broadcast_in_dim3A_1263 = arith.constant 11 : i32
    %broadcast_in_dim3A_1264 = vector.broadcast %broadcast_in_dim3A_1263 : i32 to vector<16xi32>
    %gather3A_1265 = tpu.vector_load_idx %arg9[%add3A_1194, %broadcast_in_dim3A_1264] : memref<512x16xf32, #tpu.memory_space<vmem>>[vector<16xi32>, vector<16xi32>], vector<16xf32>,
    %gather3A_1266 = tpu.vector_load_idx %arg10[%add3A_1194, %broadcast_in_dim3A_1264] : memref<512x16xf32, #tpu.memory_space<vmem>>[vector<16xi32>, vector<16xi32>], vector<16xf32>,
    %mul3A_1267 = arith.mulf %gather3A_1265, %gather3A_1266 : vector<16xf32>
    %add3A_1268 = arith.addf %add3A_1262, %mul3A_1267 : vector<16xf32>
    %broadcast_in_dim3A_1269 = arith.constant 12 : i32
    %broadcast_in_dim3A_1270 = vector.broadcast %broadcast_in_dim3A_1269 : i32 to vector<16xi32>
    %gather3A_1271 = tpu.vector_load_idx %arg9[%add3A_1194, %broadcast_in_dim3A_1270] : memref<512x16xf32, #tpu.memory_space<vmem>>[vector<16xi32>, vector<16xi32>], vector<16xf32>,
    %gather3A_1272 = tpu.vector_load_idx %arg10[%add3A_1194, %broadcast_in_dim3A_1270] : memref<512x16xf32, #tpu.memory_space<vmem>>[vector<16xi32>, vector<16xi32>], vector<16xf32>,
    %mul3A_1273 = arith.mulf %gather3A_1271, %gather3A_1272 : vector<16xf32>
    %add3A_1274 = arith.addf %add3A_1268, %mul3A_1273 : vector<16xf32>
    %broadcast_in_dim3A_1275 = arith.constant 13 : i32
    %broadcast_in_dim3A_1276 = vector.broadcast %broadcast_in_dim3A_1275 : i32 to vector<16xi32>
    %gather3A_1277 = tpu.vector_load_idx %arg9[%add3A_1194, %broadcast_in_dim3A_1276] : memref<512x16xf32, #tpu.memory_space<vmem>>[vector<16xi32>, vector<16xi32>], vector<16xf32>,
    %gather3A_1278 = tpu.vector_load_idx %arg10[%add3A_1194, %broadcast_in_dim3A_1276] : memref<512x16xf32, #tpu.memory_space<vmem>>[vector<16xi32>, vector<16xi32>], vector<16xf32>,
    %mul3A_1279 = arith.mulf %gather3A_1277, %gather3A_1278 : vector<16xf32>
    %add3A_1280 = arith.addf %add3A_1274, %mul3A_1279 : vector<16xf32>
    %broadcast_in_dim3A_1281 = arith.constant 14 : i32
    %broadcast_in_dim3A_1282 = vector.broadcast %broadcast_in_dim3A_1281 : i32 to vector<16xi32>
    %gather3A_1283 = tpu.vector_load_idx %arg9[%add3A_1194, %broadcast_in_dim3A_1282] : memref<512x16xf32, #tpu.memory_space<vmem>>[vector<16xi32>, vector<16xi32>], vector<16xf32>,
    %gather3A_1284 = tpu.vector_load_idx %arg10[%add3A_1194, %broadcast_in_dim3A_1282] : memref<512x16xf32, #tpu.memory_space<vmem>>[vector<16xi32>, vector<16xi32>], vector<16xf32>,
    %mul3A_1285 = arith.mulf %gather3A_1283, %gather3A_1284 : vector<16xf32>
    %add3A_1286 = arith.addf %add3A_1280, %mul3A_1285 : vector<16xf32>
    %broadcast_in_dim3A_1287 = arith.constant 15 : i32
    %broadcast_in_dim3A_1288 = vector.broadcast %broadcast_in_dim3A_1287 : i32 to vector<16xi32>
    %gather3A_1289 = tpu.vector_load_idx %arg9[%add3A_1194, %broadcast_in_dim3A_1288] : memref<512x16xf32, #tpu.memory_space<vmem>>[vector<16xi32>, vector<16xi32>], vector<16xf32>,
    %gather3A_1290 = tpu.vector_load_idx %arg10[%add3A_1194, %broadcast_in_dim3A_1288] : memref<512x16xf32, #tpu.memory_space<vmem>>[vector<16xi32>, vector<16xi32>], vector<16xf32>,
    %mul3A_1291 = arith.mulf %gather3A_1289, %gather3A_1290 : vector<16xf32>
    %add3A_1292 = arith.addf %add3A_1286, %mul3A_1291 : vector<16xf32>
    %swap3A_1293 = arith.constant 160 : index
    %swap3A_1294 = tpu.vector_load %arg11[%swap3A_1293] {strides = array<i32>} : memref<512xf32, #tpu.memory_space<vmem>>, vector<16xf32>,
    tpu.vector_store %arg11[%swap3A_1293], %add3A_1292 {strides = array<i32>} : memref<512xf32, #tpu.memory_space<vmem>>, vector<16xf32>,
    %add3A_1295 = arith.constant 176 : i32
    %add3A_1296 = vector.broadcast %add3A_1295 : i32 to vector<16xi32>
    %add3A_1297 = arith.addi %add3A_1296, %iota3A : vector<16xi32>
    %broadcast_in_dim3A_1298 = arith.constant 0.000000e+00 : f32
    %broadcast_in_dim3A_1299 = vector.broadcast %broadcast_in_dim3A_1298 : f32 to vector<16xf32>
    %broadcast_in_dim3A_1300 = arith.constant 0 : i32
    %broadcast_in_dim3A_1301 = vector.broadcast %broadcast_in_dim3A_1300 : i32 to vector<16xi32>
    %gather3A_1302 = tpu.vector_load_idx %arg9[%add3A_1297, %broadcast_in_dim3A_1301] : memref<512x16xf32, #tpu.memory_space<vmem>>[vector<16xi32>, vector<16xi32>], vector<16xf32>,
    %gather3A_1303 = tpu.vector_load_idx %arg10[%add3A_1297, %broadcast_in_dim3A_1301] : memref<512x16xf32, #tpu.memory_space<vmem>>[vector<16xi32>, vector<16xi32>], vector<16xf32>,
    %mul3A_1304 = arith.mulf %gather3A_1302, %gather3A_1303 : vector<16xf32>
    %add3A_1305 = arith.addf %broadcast_in_dim3A_1299, %mul3A_1304 : vector<16xf32>
    %broadcast_in_dim3A_1306 = arith.constant 1 : i32
    %broadcast_in_dim3A_1307 = vector.broadcast %broadcast_in_dim3A_1306 : i32 to vector<16xi32>
    %gather3A_1308 = tpu.vector_load_idx %arg9[%add3A_1297, %broadcast_in_dim3A_1307] : memref<512x16xf32, #tpu.memory_space<vmem>>[vector<16xi32>, vector<16xi32>], vector<16xf32>,
    %gather3A_1309 = tpu.vector_load_idx %arg10[%add3A_1297, %broadcast_in_dim3A_1307] : memref<512x16xf32, #tpu.memory_space<vmem>>[vector<16xi32>, vector<16xi32>], vector<16xf32>,
    %mul3A_1310 = arith.mulf %gather3A_1308, %gather3A_1309 : vector<16xf32>
    %add3A_1311 = arith.addf %add3A_1305, %mul3A_1310 : vector<16xf32>
    %broadcast_in_dim3A_1312 = arith.constant 2 : i32
    %broadcast_in_dim3A_1313 = vector.broadcast %broadcast_in_dim3A_1312 : i32 to vector<16xi32>
    %gather3A_1314 = tpu.vector_load_idx %arg9[%add3A_1297, %broadcast_in_dim3A_1313] : memref<512x16xf32, #tpu.memory_space<vmem>>[vector<16xi32>, vector<16xi32>], vector<16xf32>,
    %gather3A_1315 = tpu.vector_load_idx %arg10[%add3A_1297, %broadcast_in_dim3A_1313] : memref<512x16xf32, #tpu.memory_space<vmem>>[vector<16xi32>, vector<16xi32>], vector<16xf32>,
    %mul3A_1316 = arith.mulf %gather3A_1314, %gather3A_1315 : vector<16xf32>
    %add3A_1317 = arith.addf %add3A_1311, %mul3A_1316 : vector<16xf32>
    %broadcast_in_dim3A_1318 = arith.constant 3 : i32
    %broadcast_in_dim3A_1319 = vector.broadcast %broadcast_in_dim3A_1318 : i32 to vector<16xi32>
    %gather3A_1320 = tpu.vector_load_idx %arg9[%add3A_1297, %broadcast_in_dim3A_1319] : memref<512x16xf32, #tpu.memory_space<vmem>>[vector<16xi32>, vector<16xi32>], vector<16xf32>,
    %gather3A_1321 = tpu.vector_load_idx %arg10[%add3A_1297, %broadcast_in_dim3A_1319] : memref<512x16xf32, #tpu.memory_space<vmem>>[vector<16xi32>, vector<16xi32>], vector<16xf32>,
    %mul3A_1322 = arith.mulf %gather3A_1320, %gather3A_1321 : vector<16xf32>
    %add3A_1323 = arith.addf %add3A_1317, %mul3A_1322 : vector<16xf32>
    %broadcast_in_dim3A_1324 = arith.constant 4 : i32
    %broadcast_in_dim3A_1325 = vector.broadcast %broadcast_in_dim3A_1324 : i32 to vector<16xi32>
    %gather3A_1326 = tpu.vector_load_idx %arg9[%add3A_1297, %broadcast_in_dim3A_1325] : memref<512x16xf32, #tpu.memory_space<vmem>>[vector<16xi32>, vector<16xi32>], vector<16xf32>,
    %gather3A_1327 = tpu.vector_load_idx %arg10[%add3A_1297, %broadcast_in_dim3A_1325] : memref<512x16xf32, #tpu.memory_space<vmem>>[vector<16xi32>, vector<16xi32>], vector<16xf32>,
    %mul3A_1328 = arith.mulf %gather3A_1326, %gather3A_1327 : vector<16xf32>
    %add3A_1329 = arith.addf %add3A_1323, %mul3A_1328 : vector<16xf32>
    %broadcast_in_dim3A_1330 = arith.constant 5 : i32
    %broadcast_in_dim3A_1331 = vector.broadcast %broadcast_in_dim3A_1330 : i32 to vector<16xi32>
    %gather3A_1332 = tpu.vector_load_idx %arg9[%add3A_1297, %broadcast_in_dim3A_1331] : memref<512x16xf32, #tpu.memory_space<vmem>>[vector<16xi32>, vector<16xi32>], vector<16xf32>,
    %gather3A_1333 = tpu.vector_load_idx %arg10[%add3A_1297, %broadcast_in_dim3A_1331] : memref<512x16xf32, #tpu.memory_space<vmem>>[vector<16xi32>, vector<16xi32>], vector<16xf32>,
    %mul3A_1334 = arith.mulf %gather3A_1332, %gather3A_1333 : vector<16xf32>
    %add3A_1335 = arith.addf %add3A_1329, %mul3A_1334 : vector<16xf32>
    %broadcast_in_dim3A_1336 = arith.constant 6 : i32
    %broadcast_in_dim3A_1337 = vector.broadcast %broadcast_in_dim3A_1336 : i32 to vector<16xi32>
    %gather3A_1338 = tpu.vector_load_idx %arg9[%add3A_1297, %broadcast_in_dim3A_1337] : memref<512x16xf32, #tpu.memory_space<vmem>>[vector<16xi32>, vector<16xi32>], vector<16xf32>,
    %gather3A_1339 = tpu.vector_load_idx %arg10[%add3A_1297, %broadcast_in_dim3A_1337] : memref<512x16xf32, #tpu.memory_space<vmem>>[vector<16xi32>, vector<16xi32>], vector<16xf32>,
    %mul3A_1340 = arith.mulf %gather3A_1338, %gather3A_1339 : vector<16xf32>
    %add3A_1341 = arith.addf %add3A_1335, %mul3A_1340 : vector<16xf32>
    %broadcast_in_dim3A_1342 = arith.constant 7 : i32
    %broadcast_in_dim3A_1343 = vector.broadcast %broadcast_in_dim3A_1342 : i32 to vector<16xi32>
    %gather3A_1344 = tpu.vector_load_idx %arg9[%add3A_1297, %broadcast_in_dim3A_1343] : memref<512x16xf32, #tpu.memory_space<vmem>>[vector<16xi32>, vector<16xi32>], vector<16xf32>,
    %gather3A_1345 = tpu.vector_load_idx %arg10[%add3A_1297, %broadcast_in_dim3A_1343] : memref<512x16xf32, #tpu.memory_space<vmem>>[vector<16xi32>, vector<16xi32>], vector<16xf32>,
    %mul3A_1346 = arith.mulf %gather3A_1344, %gather3A_1345 : vector<16xf32>
    %add3A_1347 = arith.addf %add3A_1341, %mul3A_1346 : vector<16xf32>
    %broadcast_in_dim3A_1348 = arith.constant 8 : i32
    %broadcast_in_dim3A_1349 = vector.broadcast %broadcast_in_dim3A_1348 : i32 to vector<16xi32>
    %gather3A_1350 = tpu.vector_load_idx %arg9[%add3A_1297, %broadcast_in_dim3A_1349] : memref<512x16xf32, #tpu.memory_space<vmem>>[vector<16xi32>, vector<16xi32>], vector<16xf32>,
    %gather3A_1351 = tpu.vector_load_idx %arg10[%add3A_1297, %broadcast_in_dim3A_1349] : memref<512x16xf32, #tpu.memory_space<vmem>>[vector<16xi32>, vector<16xi32>], vector<16xf32>,
    %mul3A_1352 = arith.mulf %gather3A_1350, %gather3A_1351 : vector<16xf32>
    %add3A_1353 = arith.addf %add3A_1347, %mul3A_1352 : vector<16xf32>
    %broadcast_in_dim3A_1354 = arith.constant 9 : i32
    %broadcast_in_dim3A_1355 = vector.broadcast %broadcast_in_dim3A_1354 : i32 to vector<16xi32>
    %gather3A_1356 = tpu.vector_load_idx %arg9[%add3A_1297, %broadcast_in_dim3A_1355] : memref<512x16xf32, #tpu.memory_space<vmem>>[vector<16xi32>, vector<16xi32>], vector<16xf32>,
    %gather3A_1357 = tpu.vector_load_idx %arg10[%add3A_1297, %broadcast_in_dim3A_1355] : memref<512x16xf32, #tpu.memory_space<vmem>>[vector<16xi32>, vector<16xi32>], vector<16xf32>,
    %mul3A_1358 = arith.mulf %gather3A_1356, %gather3A_1357 : vector<16xf32>
    %add3A_1359 = arith.addf %add3A_1353, %mul3A_1358 : vector<16xf32>
    %broadcast_in_dim3A_1360 = arith.constant 10 : i32
    %broadcast_in_dim3A_1361 = vector.broadcast %broadcast_in_dim3A_1360 : i32 to vector<16xi32>
    %gather3A_1362 = tpu.vector_load_idx %arg9[%add3A_1297, %broadcast_in_dim3A_1361] : memref<512x16xf32, #tpu.memory_space<vmem>>[vector<16xi32>, vector<16xi32>], vector<16xf32>,
    %gather3A_1363 = tpu.vector_load_idx %arg10[%add3A_1297, %broadcast_in_dim3A_1361] : memref<512x16xf32, #tpu.memory_space<vmem>>[vector<16xi32>, vector<16xi32>], vector<16xf32>,
    %mul3A_1364 = arith.mulf %gather3A_1362, %gather3A_1363 : vector<16xf32>
    %add3A_1365 = arith.addf %add3A_1359, %mul3A_1364 : vector<16xf32>
    %broadcast_in_dim3A_1366 = arith.constant 11 : i32
    %broadcast_in_dim3A_1367 = vector.broadcast %broadcast_in_dim3A_1366 : i32 to vector<16xi32>
    %gather3A_1368 = tpu.vector_load_idx %arg9[%add3A_1297, %broadcast_in_dim3A_1367] : memref<512x16xf32, #tpu.memory_space<vmem>>[vector<16xi32>, vector<16xi32>], vector<16xf32>,
    %gather3A_1369 = tpu.vector_load_idx %arg10[%add3A_1297, %broadcast_in_dim3A_1367] : memref<512x16xf32, #tpu.memory_space<vmem>>[vector<16xi32>, vector<16xi32>], vector<16xf32>,
    %mul3A_1370 = arith.mulf %gather3A_1368, %gather3A_1369 : vector<16xf32>
    %add3A_1371 = arith.addf %add3A_1365, %mul3A_1370 : vector<16xf32>
    %broadcast_in_dim3A_1372 = arith.constant 12 : i32
    %broadcast_in_dim3A_1373 = vector.broadcast %broadcast_in_dim3A_1372 : i32 to vector<16xi32>
    %gather3A_1374 = tpu.vector_load_idx %arg9[%add3A_1297, %broadcast_in_dim3A_1373] : memref<512x16xf32, #tpu.memory_space<vmem>>[vector<16xi32>, vector<16xi32>], vector<16xf32>,
    %gather3A_1375 = tpu.vector_load_idx %arg10[%add3A_1297, %broadcast_in_dim3A_1373] : memref<512x16xf32, #tpu.memory_space<vmem>>[vector<16xi32>, vector<16xi32>], vector<16xf32>,
    %mul3A_1376 = arith.mulf %gather3A_1374, %gather3A_1375 : vector<16xf32>
    %add3A_1377 = arith.addf %add3A_1371, %mul3A_1376 : vector<16xf32>
    %broadcast_in_dim3A_1378 = arith.constant 13 : i32
    %broadcast_in_dim3A_1379 = vector.broadcast %broadcast_in_dim3A_1378 : i32 to vector<16xi32>
    %gather3A_1380 = tpu.vector_load_idx %arg9[%add3A_1297, %broadcast_in_dim3A_1379] : memref<512x16xf32, #tpu.memory_space<vmem>>[vector<16xi32>, vector<16xi32>], vector<16xf32>,
    %gather3A_1381 = tpu.vector_load_idx %arg10[%add3A_1297, %broadcast_in_dim3A_1379] : memref<512x16xf32, #tpu.memory_space<vmem>>[vector<16xi32>, vector<16xi32>], vector<16xf32>,
    %mul3A_1382 = arith.mulf %gather3A_1380, %gather3A_1381 : vector<16xf32>
    %add3A_1383 = arith.addf %add3A_1377, %mul3A_1382 : vector<16xf32>
    %broadcast_in_dim3A_1384 = arith.constant 14 : i32
    %broadcast_in_dim3A_1385 = vector.broadcast %broadcast_in_dim3A_1384 : i32 to vector<16xi32>
    %gather3A_1386 = tpu.vector_load_idx %arg9[%add3A_1297, %broadcast_in_dim3A_1385] : memref<512x16xf32, #tpu.memory_space<vmem>>[vector<16xi32>, vector<16xi32>], vector<16xf32>,
    %gather3A_1387 = tpu.vector_load_idx %arg10[%add3A_1297, %broadcast_in_dim3A_1385] : memref<512x16xf32, #tpu.memory_space<vmem>>[vector<16xi32>, vector<16xi32>], vector<16xf32>,
    %mul3A_1388 = arith.mulf %gather3A_1386, %gather3A_1387 : vector<16xf32>
    %add3A_1389 = arith.addf %add3A_1383, %mul3A_1388 : vector<16xf32>
    %broadcast_in_dim3A_1390 = arith.constant 15 : i32
    %broadcast_in_dim3A_1391 = vector.broadcast %broadcast_in_dim3A_1390 : i32 to vector<16xi32>
    %gather3A_1392 = tpu.vector_load_idx %arg9[%add3A_1297, %broadcast_in_dim3A_1391] : memref<512x16xf32, #tpu.memory_space<vmem>>[vector<16xi32>, vector<16xi32>], vector<16xf32>,
    %gather3A_1393 = tpu.vector_load_idx %arg10[%add3A_1297, %broadcast_in_dim3A_1391] : memref<512x16xf32, #tpu.memory_space<vmem>>[vector<16xi32>, vector<16xi32>], vector<16xf32>,
    %mul3A_1394 = arith.mulf %gather3A_1392, %gather3A_1393 : vector<16xf32>
    %add3A_1395 = arith.addf %add3A_1389, %mul3A_1394 : vector<16xf32>
    %swap3A_1396 = arith.constant 176 : index
    %swap3A_1397 = tpu.vector_load %arg11[%swap3A_1396] {strides = array<i32>} : memref<512xf32, #tpu.memory_space<vmem>>, vector<16xf32>,
    tpu.vector_store %arg11[%swap3A_1396], %add3A_1395 {strides = array<i32>} : memref<512xf32, #tpu.memory_space<vmem>>, vector<16xf32>,
    %add3A_1398 = arith.constant 192 : i32
    %add3A_1399 = vector.broadcast %add3A_1398 : i32 to vector<16xi32>
    %add3A_1400 = arith.addi %add3A_1399, %iota3A : vector<16xi32>
    %broadcast_in_dim3A_1401 = arith.constant 0.000000e+00 : f32
    %broadcast_in_dim3A_1402 = vector.broadcast %broadcast_in_dim3A_1401 : f32 to vector<16xf32>
    %broadcast_in_dim3A_1403 = arith.constant 0 : i32
    %broadcast_in_dim3A_1404 = vector.broadcast %broadcast_in_dim3A_1403 : i32 to vector<16xi32>
    %gather3A_1405 = tpu.vector_load_idx %arg9[%add3A_1400, %broadcast_in_dim3A_1404] : memref<512x16xf32, #tpu.memory_space<vmem>>[vector<16xi32>, vector<16xi32>], vector<16xf32>,
    %gather3A_1406 = tpu.vector_load_idx %arg10[%add3A_1400, %broadcast_in_dim3A_1404] : memref<512x16xf32, #tpu.memory_space<vmem>>[vector<16xi32>, vector<16xi32>], vector<16xf32>,
    %mul3A_1407 = arith.mulf %gather3A_1405, %gather3A_1406 : vector<16xf32>
    %add3A_1408 = arith.addf %broadcast_in_dim3A_1402, %mul3A_1407 : vector<16xf32>
    %broadcast_in_dim3A_1409 = arith.constant 1 : i32
    %broadcast_in_dim3A_1410 = vector.broadcast %broadcast_in_dim3A_1409 : i32 to vector<16xi32>
    %gather3A_1411 = tpu.vector_load_idx %arg9[%add3A_1400, %broadcast_in_dim3A_1410] : memref<512x16xf32, #tpu.memory_space<vmem>>[vector<16xi32>, vector<16xi32>], vector<16xf32>,
    %gather3A_1412 = tpu.vector_load_idx %arg10[%add3A_1400, %broadcast_in_dim3A_1410] : memref<512x16xf32, #tpu.memory_space<vmem>>[vector<16xi32>, vector<16xi32>], vector<16xf32>,
    %mul3A_1413 = arith.mulf %gather3A_1411, %gather3A_1412 : vector<16xf32>
    %add3A_1414 = arith.addf %add3A_1408, %mul3A_1413 : vector<16xf32>
    %broadcast_in_dim3A_1415 = arith.constant 2 : i32
    %broadcast_in_dim3A_1416 = vector.broadcast %broadcast_in_dim3A_1415 : i32 to vector<16xi32>
    %gather3A_1417 = tpu.vector_load_idx %arg9[%add3A_1400, %broadcast_in_dim3A_1416] : memref<512x16xf32, #tpu.memory_space<vmem>>[vector<16xi32>, vector<16xi32>], vector<16xf32>,
    %gather3A_1418 = tpu.vector_load_idx %arg10[%add3A_1400, %broadcast_in_dim3A_1416] : memref<512x16xf32, #tpu.memory_space<vmem>>[vector<16xi32>, vector<16xi32>], vector<16xf32>,
    %mul3A_1419 = arith.mulf %gather3A_1417, %gather3A_1418 : vector<16xf32>
    %add3A_1420 = arith.addf %add3A_1414, %mul3A_1419 : vector<16xf32>
    %broadcast_in_dim3A_1421 = arith.constant 3 : i32
    %broadcast_in_dim3A_1422 = vector.broadcast %broadcast_in_dim3A_1421 : i32 to vector<16xi32>
    %gather3A_1423 = tpu.vector_load_idx %arg9[%add3A_1400, %broadcast_in_dim3A_1422] : memref<512x16xf32, #tpu.memory_space<vmem>>[vector<16xi32>, vector<16xi32>], vector<16xf32>,
    %gather3A_1424 = tpu.vector_load_idx %arg10[%add3A_1400, %broadcast_in_dim3A_1422] : memref<512x16xf32, #tpu.memory_space<vmem>>[vector<16xi32>, vector<16xi32>], vector<16xf32>,
    %mul3A_1425 = arith.mulf %gather3A_1423, %gather3A_1424 : vector<16xf32>
    %add3A_1426 = arith.addf %add3A_1420, %mul3A_1425 : vector<16xf32>
    %broadcast_in_dim3A_1427 = arith.constant 4 : i32
    %broadcast_in_dim3A_1428 = vector.broadcast %broadcast_in_dim3A_1427 : i32 to vector<16xi32>
    %gather3A_1429 = tpu.vector_load_idx %arg9[%add3A_1400, %broadcast_in_dim3A_1428] : memref<512x16xf32, #tpu.memory_space<vmem>>[vector<16xi32>, vector<16xi32>], vector<16xf32>,
    %gather3A_1430 = tpu.vector_load_idx %arg10[%add3A_1400, %broadcast_in_dim3A_1428] : memref<512x16xf32, #tpu.memory_space<vmem>>[vector<16xi32>, vector<16xi32>], vector<16xf32>,
    %mul3A_1431 = arith.mulf %gather3A_1429, %gather3A_1430 : vector<16xf32>
    %add3A_1432 = arith.addf %add3A_1426, %mul3A_1431 : vector<16xf32>
    %broadcast_in_dim3A_1433 = arith.constant 5 : i32
    %broadcast_in_dim3A_1434 = vector.broadcast %broadcast_in_dim3A_1433 : i32 to vector<16xi32>
    %gather3A_1435 = tpu.vector_load_idx %arg9[%add3A_1400, %broadcast_in_dim3A_1434] : memref<512x16xf32, #tpu.memory_space<vmem>>[vector<16xi32>, vector<16xi32>], vector<16xf32>,
    %gather3A_1436 = tpu.vector_load_idx %arg10[%add3A_1400, %broadcast_in_dim3A_1434] : memref<512x16xf32, #tpu.memory_space<vmem>>[vector<16xi32>, vector<16xi32>], vector<16xf32>,
    %mul3A_1437 = arith.mulf %gather3A_1435, %gather3A_1436 : vector<16xf32>
    %add3A_1438 = arith.addf %add3A_1432, %mul3A_1437 : vector<16xf32>
    %broadcast_in_dim3A_1439 = arith.constant 6 : i32
    %broadcast_in_dim3A_1440 = vector.broadcast %broadcast_in_dim3A_1439 : i32 to vector<16xi32>
    %gather3A_1441 = tpu.vector_load_idx %arg9[%add3A_1400, %broadcast_in_dim3A_1440] : memref<512x16xf32, #tpu.memory_space<vmem>>[vector<16xi32>, vector<16xi32>], vector<16xf32>,
    %gather3A_1442 = tpu.vector_load_idx %arg10[%add3A_1400, %broadcast_in_dim3A_1440] : memref<512x16xf32, #tpu.memory_space<vmem>>[vector<16xi32>, vector<16xi32>], vector<16xf32>,
    %mul3A_1443 = arith.mulf %gather3A_1441, %gather3A_1442 : vector<16xf32>
    %add3A_1444 = arith.addf %add3A_1438, %mul3A_1443 : vector<16xf32>
    %broadcast_in_dim3A_1445 = arith.constant 7 : i32
    %broadcast_in_dim3A_1446 = vector.broadcast %broadcast_in_dim3A_1445 : i32 to vector<16xi32>
    %gather3A_1447 = tpu.vector_load_idx %arg9[%add3A_1400, %broadcast_in_dim3A_1446] : memref<512x16xf32, #tpu.memory_space<vmem>>[vector<16xi32>, vector<16xi32>], vector<16xf32>,
    %gather3A_1448 = tpu.vector_load_idx %arg10[%add3A_1400, %broadcast_in_dim3A_1446] : memref<512x16xf32, #tpu.memory_space<vmem>>[vector<16xi32>, vector<16xi32>], vector<16xf32>,
    %mul3A_1449 = arith.mulf %gather3A_1447, %gather3A_1448 : vector<16xf32>
    %add3A_1450 = arith.addf %add3A_1444, %mul3A_1449 : vector<16xf32>
    %broadcast_in_dim3A_1451 = arith.constant 8 : i32
    %broadcast_in_dim3A_1452 = vector.broadcast %broadcast_in_dim3A_1451 : i32 to vector<16xi32>
    %gather3A_1453 = tpu.vector_load_idx %arg9[%add3A_1400, %broadcast_in_dim3A_1452] : memref<512x16xf32, #tpu.memory_space<vmem>>[vector<16xi32>, vector<16xi32>], vector<16xf32>,
    %gather3A_1454 = tpu.vector_load_idx %arg10[%add3A_1400, %broadcast_in_dim3A_1452] : memref<512x16xf32, #tpu.memory_space<vmem>>[vector<16xi32>, vector<16xi32>], vector<16xf32>,
    %mul3A_1455 = arith.mulf %gather3A_1453, %gather3A_1454 : vector<16xf32>
    %add3A_1456 = arith.addf %add3A_1450, %mul3A_1455 : vector<16xf32>
    %broadcast_in_dim3A_1457 = arith.constant 9 : i32
    %broadcast_in_dim3A_1458 = vector.broadcast %broadcast_in_dim3A_1457 : i32 to vector<16xi32>
    %gather3A_1459 = tpu.vector_load_idx %arg9[%add3A_1400, %broadcast_in_dim3A_1458] : memref<512x16xf32, #tpu.memory_space<vmem>>[vector<16xi32>, vector<16xi32>], vector<16xf32>,
    %gather3A_1460 = tpu.vector_load_idx %arg10[%add3A_1400, %broadcast_in_dim3A_1458] : memref<512x16xf32, #tpu.memory_space<vmem>>[vector<16xi32>, vector<16xi32>], vector<16xf32>,
    %mul3A_1461 = arith.mulf %gather3A_1459, %gather3A_1460 : vector<16xf32>
    %add3A_1462 = arith.addf %add3A_1456, %mul3A_1461 : vector<16xf32>
    %broadcast_in_dim3A_1463 = arith.constant 10 : i32
    %broadcast_in_dim3A_1464 = vector.broadcast %broadcast_in_dim3A_1463 : i32 to vector<16xi32>
    %gather3A_1465 = tpu.vector_load_idx %arg9[%add3A_1400, %broadcast_in_dim3A_1464] : memref<512x16xf32, #tpu.memory_space<vmem>>[vector<16xi32>, vector<16xi32>], vector<16xf32>,
    %gather3A_1466 = tpu.vector_load_idx %arg10[%add3A_1400, %broadcast_in_dim3A_1464] : memref<512x16xf32, #tpu.memory_space<vmem>>[vector<16xi32>, vector<16xi32>], vector<16xf32>,
    %mul3A_1467 = arith.mulf %gather3A_1465, %gather3A_1466 : vector<16xf32>
    %add3A_1468 = arith.addf %add3A_1462, %mul3A_1467 : vector<16xf32>
    %broadcast_in_dim3A_1469 = arith.constant 11 : i32
    %broadcast_in_dim3A_1470 = vector.broadcast %broadcast_in_dim3A_1469 : i32 to vector<16xi32>
    %gather3A_1471 = tpu.vector_load_idx %arg9[%add3A_1400, %broadcast_in_dim3A_1470] : memref<512x16xf32, #tpu.memory_space<vmem>>[vector<16xi32>, vector<16xi32>], vector<16xf32>,
    %gather3A_1472 = tpu.vector_load_idx %arg10[%add3A_1400, %broadcast_in_dim3A_1470] : memref<512x16xf32, #tpu.memory_space<vmem>>[vector<16xi32>, vector<16xi32>], vector<16xf32>,
    %mul3A_1473 = arith.mulf %gather3A_1471, %gather3A_1472 : vector<16xf32>
    %add3A_1474 = arith.addf %add3A_1468, %mul3A_1473 : vector<16xf32>
    %broadcast_in_dim3A_1475 = arith.constant 12 : i32
    %broadcast_in_dim3A_1476 = vector.broadcast %broadcast_in_dim3A_1475 : i32 to vector<16xi32>
    %gather3A_1477 = tpu.vector_load_idx %arg9[%add3A_1400, %broadcast_in_dim3A_1476] : memref<512x16xf32, #tpu.memory_space<vmem>>[vector<16xi32>, vector<16xi32>], vector<16xf32>,
    %gather3A_1478 = tpu.vector_load_idx %arg10[%add3A_1400, %broadcast_in_dim3A_1476] : memref<512x16xf32, #tpu.memory_space<vmem>>[vector<16xi32>, vector<16xi32>], vector<16xf32>,
    %mul3A_1479 = arith.mulf %gather3A_1477, %gather3A_1478 : vector<16xf32>
    %add3A_1480 = arith.addf %add3A_1474, %mul3A_1479 : vector<16xf32>
    %broadcast_in_dim3A_1481 = arith.constant 13 : i32
    %broadcast_in_dim3A_1482 = vector.broadcast %broadcast_in_dim3A_1481 : i32 to vector<16xi32>
    %gather3A_1483 = tpu.vector_load_idx %arg9[%add3A_1400, %broadcast_in_dim3A_1482] : memref<512x16xf32, #tpu.memory_space<vmem>>[vector<16xi32>, vector<16xi32>], vector<16xf32>,
    %gather3A_1484 = tpu.vector_load_idx %arg10[%add3A_1400, %broadcast_in_dim3A_1482] : memref<512x16xf32, #tpu.memory_space<vmem>>[vector<16xi32>, vector<16xi32>], vector<16xf32>,
    %mul3A_1485 = arith.mulf %gather3A_1483, %gather3A_1484 : vector<16xf32>
    %add3A_1486 = arith.addf %add3A_1480, %mul3A_1485 : vector<16xf32>
    %broadcast_in_dim3A_1487 = arith.constant 14 : i32
    %broadcast_in_dim3A_1488 = vector.broadcast %broadcast_in_dim3A_1487 : i32 to vector<16xi32>
    %gather3A_1489 = tpu.vector_load_idx %arg9[%add3A_1400, %broadcast_in_dim3A_1488] : memref<512x16xf32, #tpu.memory_space<vmem>>[vector<16xi32>, vector<16xi32>], vector<16xf32>,
    %gather3A_1490 = tpu.vector_load_idx %arg10[%add3A_1400, %broadcast_in_dim3A_1488] : memref<512x16xf32, #tpu.memory_space<vmem>>[vector<16xi32>, vector<16xi32>], vector<16xf32>,
    %mul3A_1491 = arith.mulf %gather3A_1489, %gather3A_1490 : vector<16xf32>
    %add3A_1492 = arith.addf %add3A_1486, %mul3A_1491 : vector<16xf32>
    %broadcast_in_dim3A_1493 = arith.constant 15 : i32
    %broadcast_in_dim3A_1494 = vector.broadcast %broadcast_in_dim3A_1493 : i32 to vector<16xi32>
    %gather3A_1495 = tpu.vector_load_idx %arg9[%add3A_1400, %broadcast_in_dim3A_1494] : memref<512x16xf32, #tpu.memory_space<vmem>>[vector<16xi32>, vector<16xi32>], vector<16xf32>,
    %gather3A_1496 = tpu.vector_load_idx %arg10[%add3A_1400, %broadcast_in_dim3A_1494] : memref<512x16xf32, #tpu.memory_space<vmem>>[vector<16xi32>, vector<16xi32>], vector<16xf32>,
    %mul3A_1497 = arith.mulf %gather3A_1495, %gather3A_1496 : vector<16xf32>
    %add3A_1498 = arith.addf %add3A_1492, %mul3A_1497 : vector<16xf32>
    %swap3A_1499 = arith.constant 192 : index
    %swap3A_1500 = tpu.vector_load %arg11[%swap3A_1499] {strides = array<i32>} : memref<512xf32, #tpu.memory_space<vmem>>, vector<16xf32>,
    tpu.vector_store %arg11[%swap3A_1499], %add3A_1498 {strides = array<i32>} : memref<512xf32, #tpu.memory_space<vmem>>, vector<16xf32>,
    %add3A_1501 = arith.constant 208 : i32
    %add3A_1502 = vector.broadcast %add3A_1501 : i32 to vector<16xi32>
    %add3A_1503 = arith.addi %add3A_1502, %iota3A : vector<16xi32>
    %broadcast_in_dim3A_1504 = arith.constant 0.000000e+00 : f32
    %broadcast_in_dim3A_1505 = vector.broadcast %broadcast_in_dim3A_1504 : f32 to vector<16xf32>
    %broadcast_in_dim3A_1506 = arith.constant 0 : i32
    %broadcast_in_dim3A_1507 = vector.broadcast %broadcast_in_dim3A_1506 : i32 to vector<16xi32>
    %gather3A_1508 = tpu.vector_load_idx %arg9[%add3A_1503, %broadcast_in_dim3A_1507] : memref<512x16xf32, #tpu.memory_space<vmem>>[vector<16xi32>, vector<16xi32>], vector<16xf32>,
    %gather3A_1509 = tpu.vector_load_idx %arg10[%add3A_1503, %broadcast_in_dim3A_1507] : memref<512x16xf32, #tpu.memory_space<vmem>>[vector<16xi32>, vector<16xi32>], vector<16xf32>,
    %mul3A_1510 = arith.mulf %gather3A_1508, %gather3A_1509 : vector<16xf32>
    %add3A_1511 = arith.addf %broadcast_in_dim3A_1505, %mul3A_1510 : vector<16xf32>
    %broadcast_in_dim3A_1512 = arith.constant 1 : i32
    %broadcast_in_dim3A_1513 = vector.broadcast %broadcast_in_dim3A_1512 : i32 to vector<16xi32>
    %gather3A_1514 = tpu.vector_load_idx %arg9[%add3A_1503, %broadcast_in_dim3A_1513] : memref<512x16xf32, #tpu.memory_space<vmem>>[vector<16xi32>, vector<16xi32>], vector<16xf32>,
    %gather3A_1515 = tpu.vector_load_idx %arg10[%add3A_1503, %broadcast_in_dim3A_1513] : memref<512x16xf32, #tpu.memory_space<vmem>>[vector<16xi32>, vector<16xi32>], vector<16xf32>,
    %mul3A_1516 = arith.mulf %gather3A_1514, %gather3A_1515 : vector<16xf32>
    %add3A_1517 = arith.addf %add3A_1511, %mul3A_1516 : vector<16xf32>
    %broadcast_in_dim3A_1518 = arith.constant 2 : i32
    %broadcast_in_dim3A_1519 = vector.broadcast %broadcast_in_dim3A_1518 : i32 to vector<16xi32>
    %gather3A_1520 = tpu.vector_load_idx %arg9[%add3A_1503, %broadcast_in_dim3A_1519] : memref<512x16xf32, #tpu.memory_space<vmem>>[vector<16xi32>, vector<16xi32>], vector<16xf32>,
    %gather3A_1521 = tpu.vector_load_idx %arg10[%add3A_1503, %broadcast_in_dim3A_1519] : memref<512x16xf32, #tpu.memory_space<vmem>>[vector<16xi32>, vector<16xi32>], vector<16xf32>,
    %mul3A_1522 = arith.mulf %gather3A_1520, %gather3A_1521 : vector<16xf32>
    %add3A_1523 = arith.addf %add3A_1517, %mul3A_1522 : vector<16xf32>
    %broadcast_in_dim3A_1524 = arith.constant 3 : i32
    %broadcast_in_dim3A_1525 = vector.broadcast %broadcast_in_dim3A_1524 : i32 to vector<16xi32>
    %gather3A_1526 = tpu.vector_load_idx %arg9[%add3A_1503, %broadcast_in_dim3A_1525] : memref<512x16xf32, #tpu.memory_space<vmem>>[vector<16xi32>, vector<16xi32>], vector<16xf32>,
    %gather3A_1527 = tpu.vector_load_idx %arg10[%add3A_1503, %broadcast_in_dim3A_1525] : memref<512x16xf32, #tpu.memory_space<vmem>>[vector<16xi32>, vector<16xi32>], vector<16xf32>,
    %mul3A_1528 = arith.mulf %gather3A_1526, %gather3A_1527 : vector<16xf32>
    %add3A_1529 = arith.addf %add3A_1523, %mul3A_1528 : vector<16xf32>
    %broadcast_in_dim3A_1530 = arith.constant 4 : i32
    %broadcast_in_dim3A_1531 = vector.broadcast %broadcast_in_dim3A_1530 : i32 to vector<16xi32>
    %gather3A_1532 = tpu.vector_load_idx %arg9[%add3A_1503, %broadcast_in_dim3A_1531] : memref<512x16xf32, #tpu.memory_space<vmem>>[vector<16xi32>, vector<16xi32>], vector<16xf32>,
    %gather3A_1533 = tpu.vector_load_idx %arg10[%add3A_1503, %broadcast_in_dim3A_1531] : memref<512x16xf32, #tpu.memory_space<vmem>>[vector<16xi32>, vector<16xi32>], vector<16xf32>,
    %mul3A_1534 = arith.mulf %gather3A_1532, %gather3A_1533 : vector<16xf32>
    %add3A_1535 = arith.addf %add3A_1529, %mul3A_1534 : vector<16xf32>
    %broadcast_in_dim3A_1536 = arith.constant 5 : i32
    %broadcast_in_dim3A_1537 = vector.broadcast %broadcast_in_dim3A_1536 : i32 to vector<16xi32>
    %gather3A_1538 = tpu.vector_load_idx %arg9[%add3A_1503, %broadcast_in_dim3A_1537] : memref<512x16xf32, #tpu.memory_space<vmem>>[vector<16xi32>, vector<16xi32>], vector<16xf32>,
    %gather3A_1539 = tpu.vector_load_idx %arg10[%add3A_1503, %broadcast_in_dim3A_1537] : memref<512x16xf32, #tpu.memory_space<vmem>>[vector<16xi32>, vector<16xi32>], vector<16xf32>,
    %mul3A_1540 = arith.mulf %gather3A_1538, %gather3A_1539 : vector<16xf32>
    %add3A_1541 = arith.addf %add3A_1535, %mul3A_1540 : vector<16xf32>
    %broadcast_in_dim3A_1542 = arith.constant 6 : i32
    %broadcast_in_dim3A_1543 = vector.broadcast %broadcast_in_dim3A_1542 : i32 to vector<16xi32>
    %gather3A_1544 = tpu.vector_load_idx %arg9[%add3A_1503, %broadcast_in_dim3A_1543] : memref<512x16xf32, #tpu.memory_space<vmem>>[vector<16xi32>, vector<16xi32>], vector<16xf32>,
    %gather3A_1545 = tpu.vector_load_idx %arg10[%add3A_1503, %broadcast_in_dim3A_1543] : memref<512x16xf32, #tpu.memory_space<vmem>>[vector<16xi32>, vector<16xi32>], vector<16xf32>,
    %mul3A_1546 = arith.mulf %gather3A_1544, %gather3A_1545 : vector<16xf32>
    %add3A_1547 = arith.addf %add3A_1541, %mul3A_1546 : vector<16xf32>
    %broadcast_in_dim3A_1548 = arith.constant 7 : i32
    %broadcast_in_dim3A_1549 = vector.broadcast %broadcast_in_dim3A_1548 : i32 to vector<16xi32>
    %gather3A_1550 = tpu.vector_load_idx %arg9[%add3A_1503, %broadcast_in_dim3A_1549] : memref<512x16xf32, #tpu.memory_space<vmem>>[vector<16xi32>, vector<16xi32>], vector<16xf32>,
    %gather3A_1551 = tpu.vector_load_idx %arg10[%add3A_1503, %broadcast_in_dim3A_1549] : memref<512x16xf32, #tpu.memory_space<vmem>>[vector<16xi32>, vector<16xi32>], vector<16xf32>,
    %mul3A_1552 = arith.mulf %gather3A_1550, %gather3A_1551 : vector<16xf32>
    %add3A_1553 = arith.addf %add3A_1547, %mul3A_1552 : vector<16xf32>
    %broadcast_in_dim3A_1554 = arith.constant 8 : i32
    %broadcast_in_dim3A_1555 = vector.broadcast %broadcast_in_dim3A_1554 : i32 to vector<16xi32>
    %gather3A_1556 = tpu.vector_load_idx %arg9[%add3A_1503, %broadcast_in_dim3A_1555] : memref<512x16xf32, #tpu.memory_space<vmem>>[vector<16xi32>, vector<16xi32>], vector<16xf32>,
    %gather3A_1557 = tpu.vector_load_idx %arg10[%add3A_1503, %broadcast_in_dim3A_1555] : memref<512x16xf32, #tpu.memory_space<vmem>>[vector<16xi32>, vector<16xi32>], vector<16xf32>,
    %mul3A_1558 = arith.mulf %gather3A_1556, %gather3A_1557 : vector<16xf32>
    %add3A_1559 = arith.addf %add3A_1553, %mul3A_1558 : vector<16xf32>
    %broadcast_in_dim3A_1560 = arith.constant 9 : i32
    %broadcast_in_dim3A_1561 = vector.broadcast %broadcast_in_dim3A_1560 : i32 to vector<16xi32>
    %gather3A_1562 = tpu.vector_load_idx %arg9[%add3A_1503, %broadcast_in_dim3A_1561] : memref<512x16xf32, #tpu.memory_space<vmem>>[vector<16xi32>, vector<16xi32>], vector<16xf32>,
    %gather3A_1563 = tpu.vector_load_idx %arg10[%add3A_1503, %broadcast_in_dim3A_1561] : memref<512x16xf32, #tpu.memory_space<vmem>>[vector<16xi32>, vector<16xi32>], vector<16xf32>,
    %mul3A_1564 = arith.mulf %gather3A_1562, %gather3A_1563 : vector<16xf32>
    %add3A_1565 = arith.addf %add3A_1559, %mul3A_1564 : vector<16xf32>
    %broadcast_in_dim3A_1566 = arith.constant 10 : i32
    %broadcast_in_dim3A_1567 = vector.broadcast %broadcast_in_dim3A_1566 : i32 to vector<16xi32>
    %gather3A_1568 = tpu.vector_load_idx %arg9[%add3A_1503, %broadcast_in_dim3A_1567] : memref<512x16xf32, #tpu.memory_space<vmem>>[vector<16xi32>, vector<16xi32>], vector<16xf32>,
    %gather3A_1569 = tpu.vector_load_idx %arg10[%add3A_1503, %broadcast_in_dim3A_1567] : memref<512x16xf32, #tpu.memory_space<vmem>>[vector<16xi32>, vector<16xi32>], vector<16xf32>,
    %mul3A_1570 = arith.mulf %gather3A_1568, %gather3A_1569 : vector<16xf32>
    %add3A_1571 = arith.addf %add3A_1565, %mul3A_1570 : vector<16xf32>
    %broadcast_in_dim3A_1572 = arith.constant 11 : i32
    %broadcast_in_dim3A_1573 = vector.broadcast %broadcast_in_dim3A_1572 : i32 to vector<16xi32>
    %gather3A_1574 = tpu.vector_load_idx %arg9[%add3A_1503, %broadcast_in_dim3A_1573] : memref<512x16xf32, #tpu.memory_space<vmem>>[vector<16xi32>, vector<16xi32>], vector<16xf32>,
    %gather3A_1575 = tpu.vector_load_idx %arg10[%add3A_1503, %broadcast_in_dim3A_1573] : memref<512x16xf32, #tpu.memory_space<vmem>>[vector<16xi32>, vector<16xi32>], vector<16xf32>,
    %mul3A_1576 = arith.mulf %gather3A_1574, %gather3A_1575 : vector<16xf32>
    %add3A_1577 = arith.addf %add3A_1571, %mul3A_1576 : vector<16xf32>
    %broadcast_in_dim3A_1578 = arith.constant 12 : i32
    %broadcast_in_dim3A_1579 = vector.broadcast %broadcast_in_dim3A_1578 : i32 to vector<16xi32>
    %gather3A_1580 = tpu.vector_load_idx %arg9[%add3A_1503, %broadcast_in_dim3A_1579] : memref<512x16xf32, #tpu.memory_space<vmem>>[vector<16xi32>, vector<16xi32>], vector<16xf32>,
    %gather3A_1581 = tpu.vector_load_idx %arg10[%add3A_1503, %broadcast_in_dim3A_1579] : memref<512x16xf32, #tpu.memory_space<vmem>>[vector<16xi32>, vector<16xi32>], vector<16xf32>,
    %mul3A_1582 = arith.mulf %gather3A_1580, %gather3A_1581 : vector<16xf32>
    %add3A_1583 = arith.addf %add3A_1577, %mul3A_1582 : vector<16xf32>
    %broadcast_in_dim3A_1584 = arith.constant 13 : i32
    %broadcast_in_dim3A_1585 = vector.broadcast %broadcast_in_dim3A_1584 : i32 to vector<16xi32>
    %gather3A_1586 = tpu.vector_load_idx %arg9[%add3A_1503, %broadcast_in_dim3A_1585] : memref<512x16xf32, #tpu.memory_space<vmem>>[vector<16xi32>, vector<16xi32>], vector<16xf32>,
    %gather3A_1587 = tpu.vector_load_idx %arg10[%add3A_1503, %broadcast_in_dim3A_1585] : memref<512x16xf32, #tpu.memory_space<vmem>>[vector<16xi32>, vector<16xi32>], vector<16xf32>,
    %mul3A_1588 = arith.mulf %gather3A_1586, %gather3A_1587 : vector<16xf32>
    %add3A_1589 = arith.addf %add3A_1583, %mul3A_1588 : vector<16xf32>
    %broadcast_in_dim3A_1590 = arith.constant 14 : i32
    %broadcast_in_dim3A_1591 = vector.broadcast %broadcast_in_dim3A_1590 : i32 to vector<16xi32>
    %gather3A_1592 = tpu.vector_load_idx %arg9[%add3A_1503, %broadcast_in_dim3A_1591] : memref<512x16xf32, #tpu.memory_space<vmem>>[vector<16xi32>, vector<16xi32>], vector<16xf32>,
    %gather3A_1593 = tpu.vector_load_idx %arg10[%add3A_1503, %broadcast_in_dim3A_1591] : memref<512x16xf32, #tpu.memory_space<vmem>>[vector<16xi32>, vector<16xi32>], vector<16xf32>,
    %mul3A_1594 = arith.mulf %gather3A_1592, %gather3A_1593 : vector<16xf32>
    %add3A_1595 = arith.addf %add3A_1589, %mul3A_1594 : vector<16xf32>
    %broadcast_in_dim3A_1596 = arith.constant 15 : i32
    %broadcast_in_dim3A_1597 = vector.broadcast %broadcast_in_dim3A_1596 : i32 to vector<16xi32>
    %gather3A_1598 = tpu.vector_load_idx %arg9[%add3A_1503, %broadcast_in_dim3A_1597] : memref<512x16xf32, #tpu.memory_space<vmem>>[vector<16xi32>, vector<16xi32>], vector<16xf32>,
    %gather3A_1599 = tpu.vector_load_idx %arg10[%add3A_1503, %broadcast_in_dim3A_1597] : memref<512x16xf32, #tpu.memory_space<vmem>>[vector<16xi32>, vector<16xi32>], vector<16xf32>,
    %mul3A_1600 = arith.mulf %gather3A_1598, %gather3A_1599 : vector<16xf32>
    %add3A_1601 = arith.addf %add3A_1595, %mul3A_1600 : vector<16xf32>
    %swap3A_1602 = arith.constant 208 : index
    %swap3A_1603 = tpu.vector_load %arg11[%swap3A_1602] {strides = array<i32>} : memref<512xf32, #tpu.memory_space<vmem>>, vector<16xf32>,
    tpu.vector_store %arg11[%swap3A_1602], %add3A_1601 {strides = array<i32>} : memref<512xf32, #tpu.memory_space<vmem>>, vector<16xf32>,
    %add3A_1604 = arith.constant 224 : i32
    %add3A_1605 = vector.broadcast %add3A_1604 : i32 to vector<16xi32>
    %add3A_1606 = arith.addi %add3A_1605, %iota3A : vector<16xi32>
    %broadcast_in_dim3A_1607 = arith.constant 0.000000e+00 : f32
    %broadcast_in_dim3A_1608 = vector.broadcast %broadcast_in_dim3A_1607 : f32 to vector<16xf32>
    %broadcast_in_dim3A_1609 = arith.constant 0 : i32
    %broadcast_in_dim3A_1610 = vector.broadcast %broadcast_in_dim3A_1609 : i32 to vector<16xi32>
    %gather3A_1611 = tpu.vector_load_idx %arg9[%add3A_1606, %broadcast_in_dim3A_1610] : memref<512x16xf32, #tpu.memory_space<vmem>>[vector<16xi32>, vector<16xi32>], vector<16xf32>,
    %gather3A_1612 = tpu.vector_load_idx %arg10[%add3A_1606, %broadcast_in_dim3A_1610] : memref<512x16xf32, #tpu.memory_space<vmem>>[vector<16xi32>, vector<16xi32>], vector<16xf32>,
    %mul3A_1613 = arith.mulf %gather3A_1611, %gather3A_1612 : vector<16xf32>
    %add3A_1614 = arith.addf %broadcast_in_dim3A_1608, %mul3A_1613 : vector<16xf32>
    %broadcast_in_dim3A_1615 = arith.constant 1 : i32
    %broadcast_in_dim3A_1616 = vector.broadcast %broadcast_in_dim3A_1615 : i32 to vector<16xi32>
    %gather3A_1617 = tpu.vector_load_idx %arg9[%add3A_1606, %broadcast_in_dim3A_1616] : memref<512x16xf32, #tpu.memory_space<vmem>>[vector<16xi32>, vector<16xi32>], vector<16xf32>,
    %gather3A_1618 = tpu.vector_load_idx %arg10[%add3A_1606, %broadcast_in_dim3A_1616] : memref<512x16xf32, #tpu.memory_space<vmem>>[vector<16xi32>, vector<16xi32>], vector<16xf32>,
    %mul3A_1619 = arith.mulf %gather3A_1617, %gather3A_1618 : vector<16xf32>
    %add3A_1620 = arith.addf %add3A_1614, %mul3A_1619 : vector<16xf32>
    %broadcast_in_dim3A_1621 = arith.constant 2 : i32
    %broadcast_in_dim3A_1622 = vector.broadcast %broadcast_in_dim3A_1621 : i32 to vector<16xi32>
    %gather3A_1623 = tpu.vector_load_idx %arg9[%add3A_1606, %broadcast_in_dim3A_1622] : memref<512x16xf32, #tpu.memory_space<vmem>>[vector<16xi32>, vector<16xi32>], vector<16xf32>,
    %gather3A_1624 = tpu.vector_load_idx %arg10[%add3A_1606, %broadcast_in_dim3A_1622] : memref<512x16xf32, #tpu.memory_space<vmem>>[vector<16xi32>, vector<16xi32>], vector<16xf32>,
    %mul3A_1625 = arith.mulf %gather3A_1623, %gather3A_1624 : vector<16xf32>
    %add3A_1626 = arith.addf %add3A_1620, %mul3A_1625 : vector<16xf32>
    %broadcast_in_dim3A_1627 = arith.constant 3 : i32
    %broadcast_in_dim3A_1628 = vector.broadcast %broadcast_in_dim3A_1627 : i32 to vector<16xi32>
    %gather3A_1629 = tpu.vector_load_idx %arg9[%add3A_1606, %broadcast_in_dim3A_1628] : memref<512x16xf32, #tpu.memory_space<vmem>>[vector<16xi32>, vector<16xi32>], vector<16xf32>,
    %gather3A_1630 = tpu.vector_load_idx %arg10[%add3A_1606, %broadcast_in_dim3A_1628] : memref<512x16xf32, #tpu.memory_space<vmem>>[vector<16xi32>, vector<16xi32>], vector<16xf32>,
    %mul3A_1631 = arith.mulf %gather3A_1629, %gather3A_1630 : vector<16xf32>
    %add3A_1632 = arith.addf %add3A_1626, %mul3A_1631 : vector<16xf32>
    %broadcast_in_dim3A_1633 = arith.constant 4 : i32
    %broadcast_in_dim3A_1634 = vector.broadcast %broadcast_in_dim3A_1633 : i32 to vector<16xi32>
    %gather3A_1635 = tpu.vector_load_idx %arg9[%add3A_1606, %broadcast_in_dim3A_1634] : memref<512x16xf32, #tpu.memory_space<vmem>>[vector<16xi32>, vector<16xi32>], vector<16xf32>,
    %gather3A_1636 = tpu.vector_load_idx %arg10[%add3A_1606, %broadcast_in_dim3A_1634] : memref<512x16xf32, #tpu.memory_space<vmem>>[vector<16xi32>, vector<16xi32>], vector<16xf32>,
    %mul3A_1637 = arith.mulf %gather3A_1635, %gather3A_1636 : vector<16xf32>
    %add3A_1638 = arith.addf %add3A_1632, %mul3A_1637 : vector<16xf32>
    %broadcast_in_dim3A_1639 = arith.constant 5 : i32
    %broadcast_in_dim3A_1640 = vector.broadcast %broadcast_in_dim3A_1639 : i32 to vector<16xi32>
    %gather3A_1641 = tpu.vector_load_idx %arg9[%add3A_1606, %broadcast_in_dim3A_1640] : memref<512x16xf32, #tpu.memory_space<vmem>>[vector<16xi32>, vector<16xi32>], vector<16xf32>,
    %gather3A_1642 = tpu.vector_load_idx %arg10[%add3A_1606, %broadcast_in_dim3A_1640] : memref<512x16xf32, #tpu.memory_space<vmem>>[vector<16xi32>, vector<16xi32>], vector<16xf32>,
    %mul3A_1643 = arith.mulf %gather3A_1641, %gather3A_1642 : vector<16xf32>
    %add3A_1644 = arith.addf %add3A_1638, %mul3A_1643 : vector<16xf32>
    %broadcast_in_dim3A_1645 = arith.constant 6 : i32
    %broadcast_in_dim3A_1646 = vector.broadcast %broadcast_in_dim3A_1645 : i32 to vector<16xi32>
    %gather3A_1647 = tpu.vector_load_idx %arg9[%add3A_1606, %broadcast_in_dim3A_1646] : memref<512x16xf32, #tpu.memory_space<vmem>>[vector<16xi32>, vector<16xi32>], vector<16xf32>,
    %gather3A_1648 = tpu.vector_load_idx %arg10[%add3A_1606, %broadcast_in_dim3A_1646] : memref<512x16xf32, #tpu.memory_space<vmem>>[vector<16xi32>, vector<16xi32>], vector<16xf32>,
    %mul3A_1649 = arith.mulf %gather3A_1647, %gather3A_1648 : vector<16xf32>
    %add3A_1650 = arith.addf %add3A_1644, %mul3A_1649 : vector<16xf32>
    %broadcast_in_dim3A_1651 = arith.constant 7 : i32
    %broadcast_in_dim3A_1652 = vector.broadcast %broadcast_in_dim3A_1651 : i32 to vector<16xi32>
    %gather3A_1653 = tpu.vector_load_idx %arg9[%add3A_1606, %broadcast_in_dim3A_1652] : memref<512x16xf32, #tpu.memory_space<vmem>>[vector<16xi32>, vector<16xi32>], vector<16xf32>,
    %gather3A_1654 = tpu.vector_load_idx %arg10[%add3A_1606, %broadcast_in_dim3A_1652] : memref<512x16xf32, #tpu.memory_space<vmem>>[vector<16xi32>, vector<16xi32>], vector<16xf32>,
    %mul3A_1655 = arith.mulf %gather3A_1653, %gather3A_1654 : vector<16xf32>
    %add3A_1656 = arith.addf %add3A_1650, %mul3A_1655 : vector<16xf32>
    %broadcast_in_dim3A_1657 = arith.constant 8 : i32
    %broadcast_in_dim3A_1658 = vector.broadcast %broadcast_in_dim3A_1657 : i32 to vector<16xi32>
    %gather3A_1659 = tpu.vector_load_idx %arg9[%add3A_1606, %broadcast_in_dim3A_1658] : memref<512x16xf32, #tpu.memory_space<vmem>>[vector<16xi32>, vector<16xi32>], vector<16xf32>,
    %gather3A_1660 = tpu.vector_load_idx %arg10[%add3A_1606, %broadcast_in_dim3A_1658] : memref<512x16xf32, #tpu.memory_space<vmem>>[vector<16xi32>, vector<16xi32>], vector<16xf32>,
    %mul3A_1661 = arith.mulf %gather3A_1659, %gather3A_1660 : vector<16xf32>
    %add3A_1662 = arith.addf %add3A_1656, %mul3A_1661 : vector<16xf32>
    %broadcast_in_dim3A_1663 = arith.constant 9 : i32
    %broadcast_in_dim3A_1664 = vector.broadcast %broadcast_in_dim3A_1663 : i32 to vector<16xi32>
    %gather3A_1665 = tpu.vector_load_idx %arg9[%add3A_1606, %broadcast_in_dim3A_1664] : memref<512x16xf32, #tpu.memory_space<vmem>>[vector<16xi32>, vector<16xi32>], vector<16xf32>,
    %gather3A_1666 = tpu.vector_load_idx %arg10[%add3A_1606, %broadcast_in_dim3A_1664] : memref<512x16xf32, #tpu.memory_space<vmem>>[vector<16xi32>, vector<16xi32>], vector<16xf32>,
    %mul3A_1667 = arith.mulf %gather3A_1665, %gather3A_1666 : vector<16xf32>
    %add3A_1668 = arith.addf %add3A_1662, %mul3A_1667 : vector<16xf32>
    %broadcast_in_dim3A_1669 = arith.constant 10 : i32
    %broadcast_in_dim3A_1670 = vector.broadcast %broadcast_in_dim3A_1669 : i32 to vector<16xi32>
    %gather3A_1671 = tpu.vector_load_idx %arg9[%add3A_1606, %broadcast_in_dim3A_1670] : memref<512x16xf32, #tpu.memory_space<vmem>>[vector<16xi32>, vector<16xi32>], vector<16xf32>,
    %gather3A_1672 = tpu.vector_load_idx %arg10[%add3A_1606, %broadcast_in_dim3A_1670] : memref<512x16xf32, #tpu.memory_space<vmem>>[vector<16xi32>, vector<16xi32>], vector<16xf32>,
    %mul3A_1673 = arith.mulf %gather3A_1671, %gather3A_1672 : vector<16xf32>
    %add3A_1674 = arith.addf %add3A_1668, %mul3A_1673 : vector<16xf32>
    %broadcast_in_dim3A_1675 = arith.constant 11 : i32
    %broadcast_in_dim3A_1676 = vector.broadcast %broadcast_in_dim3A_1675 : i32 to vector<16xi32>
    %gather3A_1677 = tpu.vector_load_idx %arg9[%add3A_1606, %broadcast_in_dim3A_1676] : memref<512x16xf32, #tpu.memory_space<vmem>>[vector<16xi32>, vector<16xi32>], vector<16xf32>,
    %gather3A_1678 = tpu.vector_load_idx %arg10[%add3A_1606, %broadcast_in_dim3A_1676] : memref<512x16xf32, #tpu.memory_space<vmem>>[vector<16xi32>, vector<16xi32>], vector<16xf32>,
    %mul3A_1679 = arith.mulf %gather3A_1677, %gather3A_1678 : vector<16xf32>
    %add3A_1680 = arith.addf %add3A_1674, %mul3A_1679 : vector<16xf32>
    %broadcast_in_dim3A_1681 = arith.constant 12 : i32
    %broadcast_in_dim3A_1682 = vector.broadcast %broadcast_in_dim3A_1681 : i32 to vector<16xi32>
    %gather3A_1683 = tpu.vector_load_idx %arg9[%add3A_1606, %broadcast_in_dim3A_1682] : memref<512x16xf32, #tpu.memory_space<vmem>>[vector<16xi32>, vector<16xi32>], vector<16xf32>,
    %gather3A_1684 = tpu.vector_load_idx %arg10[%add3A_1606, %broadcast_in_dim3A_1682] : memref<512x16xf32, #tpu.memory_space<vmem>>[vector<16xi32>, vector<16xi32>], vector<16xf32>,
    %mul3A_1685 = arith.mulf %gather3A_1683, %gather3A_1684 : vector<16xf32>
    %add3A_1686 = arith.addf %add3A_1680, %mul3A_1685 : vector<16xf32>
    %broadcast_in_dim3A_1687 = arith.constant 13 : i32
    %broadcast_in_dim3A_1688 = vector.broadcast %broadcast_in_dim3A_1687 : i32 to vector<16xi32>
    %gather3A_1689 = tpu.vector_load_idx %arg9[%add3A_1606, %broadcast_in_dim3A_1688] : memref<512x16xf32, #tpu.memory_space<vmem>>[vector<16xi32>, vector<16xi32>], vector<16xf32>,
    %gather3A_1690 = tpu.vector_load_idx %arg10[%add3A_1606, %broadcast_in_dim3A_1688] : memref<512x16xf32, #tpu.memory_space<vmem>>[vector<16xi32>, vector<16xi32>], vector<16xf32>,
    %mul3A_1691 = arith.mulf %gather3A_1689, %gather3A_1690 : vector<16xf32>
    %add3A_1692 = arith.addf %add3A_1686, %mul3A_1691 : vector<16xf32>
    %broadcast_in_dim3A_1693 = arith.constant 14 : i32
    %broadcast_in_dim3A_1694 = vector.broadcast %broadcast_in_dim3A_1693 : i32 to vector<16xi32>
    %gather3A_1695 = tpu.vector_load_idx %arg9[%add3A_1606, %broadcast_in_dim3A_1694] : memref<512x16xf32, #tpu.memory_space<vmem>>[vector<16xi32>, vector<16xi32>], vector<16xf32>,
    %gather3A_1696 = tpu.vector_load_idx %arg10[%add3A_1606, %broadcast_in_dim3A_1694] : memref<512x16xf32, #tpu.memory_space<vmem>>[vector<16xi32>, vector<16xi32>], vector<16xf32>,
    %mul3A_1697 = arith.mulf %gather3A_1695, %gather3A_1696 : vector<16xf32>
    %add3A_1698 = arith.addf %add3A_1692, %mul3A_1697 : vector<16xf32>
    %broadcast_in_dim3A_1699 = arith.constant 15 : i32
    %broadcast_in_dim3A_1700 = vector.broadcast %broadcast_in_dim3A_1699 : i32 to vector<16xi32>
    %gather3A_1701 = tpu.vector_load_idx %arg9[%add3A_1606, %broadcast_in_dim3A_1700] : memref<512x16xf32, #tpu.memory_space<vmem>>[vector<16xi32>, vector<16xi32>], vector<16xf32>,
    %gather3A_1702 = tpu.vector_load_idx %arg10[%add3A_1606, %broadcast_in_dim3A_1700] : memref<512x16xf32, #tpu.memory_space<vmem>>[vector<16xi32>, vector<16xi32>], vector<16xf32>,
    %mul3A_1703 = arith.mulf %gather3A_1701, %gather3A_1702 : vector<16xf32>
    %add3A_1704 = arith.addf %add3A_1698, %mul3A_1703 : vector<16xf32>
    %swap3A_1705 = arith.constant 224 : index
    %swap3A_1706 = tpu.vector_load %arg11[%swap3A_1705] {strides = array<i32>} : memref<512xf32, #tpu.memory_space<vmem>>, vector<16xf32>,
    tpu.vector_store %arg11[%swap3A_1705], %add3A_1704 {strides = array<i32>} : memref<512xf32, #tpu.memory_space<vmem>>, vector<16xf32>,
    %add3A_1707 = arith.constant 240 : i32
    %add3A_1708 = vector.broadcast %add3A_1707 : i32 to vector<16xi32>
    %add3A_1709 = arith.addi %add3A_1708, %iota3A : vector<16xi32>
    %broadcast_in_dim3A_1710 = arith.constant 0.000000e+00 : f32
    %broadcast_in_dim3A_1711 = vector.broadcast %broadcast_in_dim3A_1710 : f32 to vector<16xf32>
    %broadcast_in_dim3A_1712 = arith.constant 0 : i32
    %broadcast_in_dim3A_1713 = vector.broadcast %broadcast_in_dim3A_1712 : i32 to vector<16xi32>
    %gather3A_1714 = tpu.vector_load_idx %arg9[%add3A_1709, %broadcast_in_dim3A_1713] : memref<512x16xf32, #tpu.memory_space<vmem>>[vector<16xi32>, vector<16xi32>], vector<16xf32>,
    %gather3A_1715 = tpu.vector_load_idx %arg10[%add3A_1709, %broadcast_in_dim3A_1713] : memref<512x16xf32, #tpu.memory_space<vmem>>[vector<16xi32>, vector<16xi32>], vector<16xf32>,
    %mul3A_1716 = arith.mulf %gather3A_1714, %gather3A_1715 : vector<16xf32>
    %add3A_1717 = arith.addf %broadcast_in_dim3A_1711, %mul3A_1716 : vector<16xf32>
    %broadcast_in_dim3A_1718 = arith.constant 1 : i32
    %broadcast_in_dim3A_1719 = vector.broadcast %broadcast_in_dim3A_1718 : i32 to vector<16xi32>
    %gather3A_1720 = tpu.vector_load_idx %arg9[%add3A_1709, %broadcast_in_dim3A_1719] : memref<512x16xf32, #tpu.memory_space<vmem>>[vector<16xi32>, vector<16xi32>], vector<16xf32>,
    %gather3A_1721 = tpu.vector_load_idx %arg10[%add3A_1709, %broadcast_in_dim3A_1719] : memref<512x16xf32, #tpu.memory_space<vmem>>[vector<16xi32>, vector<16xi32>], vector<16xf32>,
    %mul3A_1722 = arith.mulf %gather3A_1720, %gather3A_1721 : vector<16xf32>
    %add3A_1723 = arith.addf %add3A_1717, %mul3A_1722 : vector<16xf32>
    %broadcast_in_dim3A_1724 = arith.constant 2 : i32
    %broadcast_in_dim3A_1725 = vector.broadcast %broadcast_in_dim3A_1724 : i32 to vector<16xi32>
    %gather3A_1726 = tpu.vector_load_idx %arg9[%add3A_1709, %broadcast_in_dim3A_1725] : memref<512x16xf32, #tpu.memory_space<vmem>>[vector<16xi32>, vector<16xi32>], vector<16xf32>,
    %gather3A_1727 = tpu.vector_load_idx %arg10[%add3A_1709, %broadcast_in_dim3A_1725] : memref<512x16xf32, #tpu.memory_space<vmem>>[vector<16xi32>, vector<16xi32>], vector<16xf32>,
    %mul3A_1728 = arith.mulf %gather3A_1726, %gather3A_1727 : vector<16xf32>
    %add3A_1729 = arith.addf %add3A_1723, %mul3A_1728 : vector<16xf32>
    %broadcast_in_dim3A_1730 = arith.constant 3 : i32
    %broadcast_in_dim3A_1731 = vector.broadcast %broadcast_in_dim3A_1730 : i32 to vector<16xi32>
    %gather3A_1732 = tpu.vector_load_idx %arg9[%add3A_1709, %broadcast_in_dim3A_1731] : memref<512x16xf32, #tpu.memory_space<vmem>>[vector<16xi32>, vector<16xi32>], vector<16xf32>,
    %gather3A_1733 = tpu.vector_load_idx %arg10[%add3A_1709, %broadcast_in_dim3A_1731] : memref<512x16xf32, #tpu.memory_space<vmem>>[vector<16xi32>, vector<16xi32>], vector<16xf32>,
    %mul3A_1734 = arith.mulf %gather3A_1732, %gather3A_1733 : vector<16xf32>
    %add3A_1735 = arith.addf %add3A_1729, %mul3A_1734 : vector<16xf32>
    %broadcast_in_dim3A_1736 = arith.constant 4 : i32
    %broadcast_in_dim3A_1737 = vector.broadcast %broadcast_in_dim3A_1736 : i32 to vector<16xi32>
    %gather3A_1738 = tpu.vector_load_idx %arg9[%add3A_1709, %broadcast_in_dim3A_1737] : memref<512x16xf32, #tpu.memory_space<vmem>>[vector<16xi32>, vector<16xi32>], vector<16xf32>,
    %gather3A_1739 = tpu.vector_load_idx %arg10[%add3A_1709, %broadcast_in_dim3A_1737] : memref<512x16xf32, #tpu.memory_space<vmem>>[vector<16xi32>, vector<16xi32>], vector<16xf32>,
    %mul3A_1740 = arith.mulf %gather3A_1738, %gather3A_1739 : vector<16xf32>
    %add3A_1741 = arith.addf %add3A_1735, %mul3A_1740 : vector<16xf32>
    %broadcast_in_dim3A_1742 = arith.constant 5 : i32
    %broadcast_in_dim3A_1743 = vector.broadcast %broadcast_in_dim3A_1742 : i32 to vector<16xi32>
    %gather3A_1744 = tpu.vector_load_idx %arg9[%add3A_1709, %broadcast_in_dim3A_1743] : memref<512x16xf32, #tpu.memory_space<vmem>>[vector<16xi32>, vector<16xi32>], vector<16xf32>,
    %gather3A_1745 = tpu.vector_load_idx %arg10[%add3A_1709, %broadcast_in_dim3A_1743] : memref<512x16xf32, #tpu.memory_space<vmem>>[vector<16xi32>, vector<16xi32>], vector<16xf32>,
    %mul3A_1746 = arith.mulf %gather3A_1744, %gather3A_1745 : vector<16xf32>
    %add3A_1747 = arith.addf %add3A_1741, %mul3A_1746 : vector<16xf32>
    %broadcast_in_dim3A_1748 = arith.constant 6 : i32
    %broadcast_in_dim3A_1749 = vector.broadcast %broadcast_in_dim3A_1748 : i32 to vector<16xi32>
    %gather3A_1750 = tpu.vector_load_idx %arg9[%add3A_1709, %broadcast_in_dim3A_1749] : memref<512x16xf32, #tpu.memory_space<vmem>>[vector<16xi32>, vector<16xi32>], vector<16xf32>,
    %gather3A_1751 = tpu.vector_load_idx %arg10[%add3A_1709, %broadcast_in_dim3A_1749] : memref<512x16xf32, #tpu.memory_space<vmem>>[vector<16xi32>, vector<16xi32>], vector<16xf32>,
    %mul3A_1752 = arith.mulf %gather3A_1750, %gather3A_1751 : vector<16xf32>
    %add3A_1753 = arith.addf %add3A_1747, %mul3A_1752 : vector<16xf32>
    %broadcast_in_dim3A_1754 = arith.constant 7 : i32
    %broadcast_in_dim3A_1755 = vector.broadcast %broadcast_in_dim3A_1754 : i32 to vector<16xi32>
    %gather3A_1756 = tpu.vector_load_idx %arg9[%add3A_1709, %broadcast_in_dim3A_1755] : memref<512x16xf32, #tpu.memory_space<vmem>>[vector<16xi32>, vector<16xi32>], vector<16xf32>,
    %gather3A_1757 = tpu.vector_load_idx %arg10[%add3A_1709, %broadcast_in_dim3A_1755] : memref<512x16xf32, #tpu.memory_space<vmem>>[vector<16xi32>, vector<16xi32>], vector<16xf32>,
    %mul3A_1758 = arith.mulf %gather3A_1756, %gather3A_1757 : vector<16xf32>
    %add3A_1759 = arith.addf %add3A_1753, %mul3A_1758 : vector<16xf32>
    %broadcast_in_dim3A_1760 = arith.constant 8 : i32
    %broadcast_in_dim3A_1761 = vector.broadcast %broadcast_in_dim3A_1760 : i32 to vector<16xi32>
    %gather3A_1762 = tpu.vector_load_idx %arg9[%add3A_1709, %broadcast_in_dim3A_1761] : memref<512x16xf32, #tpu.memory_space<vmem>>[vector<16xi32>, vector<16xi32>], vector<16xf32>,
    %gather3A_1763 = tpu.vector_load_idx %arg10[%add3A_1709, %broadcast_in_dim3A_1761] : memref<512x16xf32, #tpu.memory_space<vmem>>[vector<16xi32>, vector<16xi32>], vector<16xf32>,
    %mul3A_1764 = arith.mulf %gather3A_1762, %gather3A_1763 : vector<16xf32>
    %add3A_1765 = arith.addf %add3A_1759, %mul3A_1764 : vector<16xf32>
    %broadcast_in_dim3A_1766 = arith.constant 9 : i32
    %broadcast_in_dim3A_1767 = vector.broadcast %broadcast_in_dim3A_1766 : i32 to vector<16xi32>
    %gather3A_1768 = tpu.vector_load_idx %arg9[%add3A_1709, %broadcast_in_dim3A_1767] : memref<512x16xf32, #tpu.memory_space<vmem>>[vector<16xi32>, vector<16xi32>], vector<16xf32>,
    %gather3A_1769 = tpu.vector_load_idx %arg10[%add3A_1709, %broadcast_in_dim3A_1767] : memref<512x16xf32, #tpu.memory_space<vmem>>[vector<16xi32>, vector<16xi32>], vector<16xf32>,
    %mul3A_1770 = arith.mulf %gather3A_1768, %gather3A_1769 : vector<16xf32>
    %add3A_1771 = arith.addf %add3A_1765, %mul3A_1770 : vector<16xf32>
    %broadcast_in_dim3A_1772 = arith.constant 10 : i32
    %broadcast_in_dim3A_1773 = vector.broadcast %broadcast_in_dim3A_1772 : i32 to vector<16xi32>
    %gather3A_1774 = tpu.vector_load_idx %arg9[%add3A_1709, %broadcast_in_dim3A_1773] : memref<512x16xf32, #tpu.memory_space<vmem>>[vector<16xi32>, vector<16xi32>], vector<16xf32>,
    %gather3A_1775 = tpu.vector_load_idx %arg10[%add3A_1709, %broadcast_in_dim3A_1773] : memref<512x16xf32, #tpu.memory_space<vmem>>[vector<16xi32>, vector<16xi32>], vector<16xf32>,
    %mul3A_1776 = arith.mulf %gather3A_1774, %gather3A_1775 : vector<16xf32>
    %add3A_1777 = arith.addf %add3A_1771, %mul3A_1776 : vector<16xf32>
    %broadcast_in_dim3A_1778 = arith.constant 11 : i32
    %broadcast_in_dim3A_1779 = vector.broadcast %broadcast_in_dim3A_1778 : i32 to vector<16xi32>
    %gather3A_1780 = tpu.vector_load_idx %arg9[%add3A_1709, %broadcast_in_dim3A_1779] : memref<512x16xf32, #tpu.memory_space<vmem>>[vector<16xi32>, vector<16xi32>], vector<16xf32>,
    %gather3A_1781 = tpu.vector_load_idx %arg10[%add3A_1709, %broadcast_in_dim3A_1779] : memref<512x16xf32, #tpu.memory_space<vmem>>[vector<16xi32>, vector<16xi32>], vector<16xf32>,
    %mul3A_1782 = arith.mulf %gather3A_1780, %gather3A_1781 : vector<16xf32>
    %add3A_1783 = arith.addf %add3A_1777, %mul3A_1782 : vector<16xf32>
    %broadcast_in_dim3A_1784 = arith.constant 12 : i32
    %broadcast_in_dim3A_1785 = vector.broadcast %broadcast_in_dim3A_1784 : i32 to vector<16xi32>
    %gather3A_1786 = tpu.vector_load_idx %arg9[%add3A_1709, %broadcast_in_dim3A_1785] : memref<512x16xf32, #tpu.memory_space<vmem>>[vector<16xi32>, vector<16xi32>], vector<16xf32>,
    %gather3A_1787 = tpu.vector_load_idx %arg10[%add3A_1709, %broadcast_in_dim3A_1785] : memref<512x16xf32, #tpu.memory_space<vmem>>[vector<16xi32>, vector<16xi32>], vector<16xf32>,
    %mul3A_1788 = arith.mulf %gather3A_1786, %gather3A_1787 : vector<16xf32>
    %add3A_1789 = arith.addf %add3A_1783, %mul3A_1788 : vector<16xf32>
    %broadcast_in_dim3A_1790 = arith.constant 13 : i32
    %broadcast_in_dim3A_1791 = vector.broadcast %broadcast_in_dim3A_1790 : i32 to vector<16xi32>
    %gather3A_1792 = tpu.vector_load_idx %arg9[%add3A_1709, %broadcast_in_dim3A_1791] : memref<512x16xf32, #tpu.memory_space<vmem>>[vector<16xi32>, vector<16xi32>], vector<16xf32>,
    %gather3A_1793 = tpu.vector_load_idx %arg10[%add3A_1709, %broadcast_in_dim3A_1791] : memref<512x16xf32, #tpu.memory_space<vmem>>[vector<16xi32>, vector<16xi32>], vector<16xf32>,
    %mul3A_1794 = arith.mulf %gather3A_1792, %gather3A_1793 : vector<16xf32>
    %add3A_1795 = arith.addf %add3A_1789, %mul3A_1794 : vector<16xf32>
    %broadcast_in_dim3A_1796 = arith.constant 14 : i32
    %broadcast_in_dim3A_1797 = vector.broadcast %broadcast_in_dim3A_1796 : i32 to vector<16xi32>
    %gather3A_1798 = tpu.vector_load_idx %arg9[%add3A_1709, %broadcast_in_dim3A_1797] : memref<512x16xf32, #tpu.memory_space<vmem>>[vector<16xi32>, vector<16xi32>], vector<16xf32>,
    %gather3A_1799 = tpu.vector_load_idx %arg10[%add3A_1709, %broadcast_in_dim3A_1797] : memref<512x16xf32, #tpu.memory_space<vmem>>[vector<16xi32>, vector<16xi32>], vector<16xf32>,
    %mul3A_1800 = arith.mulf %gather3A_1798, %gather3A_1799 : vector<16xf32>
    %add3A_1801 = arith.addf %add3A_1795, %mul3A_1800 : vector<16xf32>
    %broadcast_in_dim3A_1802 = arith.constant 15 : i32
    %broadcast_in_dim3A_1803 = vector.broadcast %broadcast_in_dim3A_1802 : i32 to vector<16xi32>
    %gather3A_1804 = tpu.vector_load_idx %arg9[%add3A_1709, %broadcast_in_dim3A_1803] : memref<512x16xf32, #tpu.memory_space<vmem>>[vector<16xi32>, vector<16xi32>], vector<16xf32>,
    %gather3A_1805 = tpu.vector_load_idx %arg10[%add3A_1709, %broadcast_in_dim3A_1803] : memref<512x16xf32, #tpu.memory_space<vmem>>[vector<16xi32>, vector<16xi32>], vector<16xf32>,
    %mul3A_1806 = arith.mulf %gather3A_1804, %gather3A_1805 : vector<16xf32>
    %add3A_1807 = arith.addf %add3A_1801, %mul3A_1806 : vector<16xf32>
    %swap3A_1808 = arith.constant 240 : index
    %swap3A_1809 = tpu.vector_load %arg11[%swap3A_1808] {strides = array<i32>} : memref<512xf32, #tpu.memory_space<vmem>>, vector<16xf32>,
    tpu.vector_store %arg11[%swap3A_1808], %add3A_1807 {strides = array<i32>} : memref<512xf32, #tpu.memory_space<vmem>>, vector<16xf32>,
    %add3A_1810 = arith.constant 256 : i32
    %add3A_1811 = vector.broadcast %add3A_1810 : i32 to vector<16xi32>
    %add3A_1812 = arith.addi %add3A_1811, %iota3A : vector<16xi32>
    %broadcast_in_dim3A_1813 = arith.constant 0.000000e+00 : f32
    %broadcast_in_dim3A_1814 = vector.broadcast %broadcast_in_dim3A_1813 : f32 to vector<16xf32>
    %broadcast_in_dim3A_1815 = arith.constant 0 : i32
    %broadcast_in_dim3A_1816 = vector.broadcast %broadcast_in_dim3A_1815 : i32 to vector<16xi32>
    %gather3A_1817 = tpu.vector_load_idx %arg9[%add3A_1812, %broadcast_in_dim3A_1816] : memref<512x16xf32, #tpu.memory_space<vmem>>[vector<16xi32>, vector<16xi32>], vector<16xf32>,
    %gather3A_1818 = tpu.vector_load_idx %arg10[%add3A_1812, %broadcast_in_dim3A_1816] : memref<512x16xf32, #tpu.memory_space<vmem>>[vector<16xi32>, vector<16xi32>], vector<16xf32>,
    %mul3A_1819 = arith.mulf %gather3A_1817, %gather3A_1818 : vector<16xf32>
    %add3A_1820 = arith.addf %broadcast_in_dim3A_1814, %mul3A_1819 : vector<16xf32>
    %broadcast_in_dim3A_1821 = arith.constant 1 : i32
    %broadcast_in_dim3A_1822 = vector.broadcast %broadcast_in_dim3A_1821 : i32 to vector<16xi32>
    %gather3A_1823 = tpu.vector_load_idx %arg9[%add3A_1812, %broadcast_in_dim3A_1822] : memref<512x16xf32, #tpu.memory_space<vmem>>[vector<16xi32>, vector<16xi32>], vector<16xf32>,
    %gather3A_1824 = tpu.vector_load_idx %arg10[%add3A_1812, %broadcast_in_dim3A_1822] : memref<512x16xf32, #tpu.memory_space<vmem>>[vector<16xi32>, vector<16xi32>], vector<16xf32>,
    %mul3A_1825 = arith.mulf %gather3A_1823, %gather3A_1824 : vector<16xf32>
    %add3A_1826 = arith.addf %add3A_1820, %mul3A_1825 : vector<16xf32>
    %broadcast_in_dim3A_1827 = arith.constant 2 : i32
    %broadcast_in_dim3A_1828 = vector.broadcast %broadcast_in_dim3A_1827 : i32 to vector<16xi32>
    %gather3A_1829 = tpu.vector_load_idx %arg9[%add3A_1812, %broadcast_in_dim3A_1828] : memref<512x16xf32, #tpu.memory_space<vmem>>[vector<16xi32>, vector<16xi32>], vector<16xf32>,
    %gather3A_1830 = tpu.vector_load_idx %arg10[%add3A_1812, %broadcast_in_dim3A_1828] : memref<512x16xf32, #tpu.memory_space<vmem>>[vector<16xi32>, vector<16xi32>], vector<16xf32>,
    %mul3A_1831 = arith.mulf %gather3A_1829, %gather3A_1830 : vector<16xf32>
    %add3A_1832 = arith.addf %add3A_1826, %mul3A_1831 : vector<16xf32>
    %broadcast_in_dim3A_1833 = arith.constant 3 : i32
    %broadcast_in_dim3A_1834 = vector.broadcast %broadcast_in_dim3A_1833 : i32 to vector<16xi32>
    %gather3A_1835 = tpu.vector_load_idx %arg9[%add3A_1812, %broadcast_in_dim3A_1834] : memref<512x16xf32, #tpu.memory_space<vmem>>[vector<16xi32>, vector<16xi32>], vector<16xf32>,
    %gather3A_1836 = tpu.vector_load_idx %arg10[%add3A_1812, %broadcast_in_dim3A_1834] : memref<512x16xf32, #tpu.memory_space<vmem>>[vector<16xi32>, vector<16xi32>], vector<16xf32>,
    %mul3A_1837 = arith.mulf %gather3A_1835, %gather3A_1836 : vector<16xf32>
    %add3A_1838 = arith.addf %add3A_1832, %mul3A_1837 : vector<16xf32>
    %broadcast_in_dim3A_1839 = arith.constant 4 : i32
    %broadcast_in_dim3A_1840 = vector.broadcast %broadcast_in_dim3A_1839 : i32 to vector<16xi32>
    %gather3A_1841 = tpu.vector_load_idx %arg9[%add3A_1812, %broadcast_in_dim3A_1840] : memref<512x16xf32, #tpu.memory_space<vmem>>[vector<16xi32>, vector<16xi32>], vector<16xf32>,
    %gather3A_1842 = tpu.vector_load_idx %arg10[%add3A_1812, %broadcast_in_dim3A_1840] : memref<512x16xf32, #tpu.memory_space<vmem>>[vector<16xi32>, vector<16xi32>], vector<16xf32>,
    %mul3A_1843 = arith.mulf %gather3A_1841, %gather3A_1842 : vector<16xf32>
    %add3A_1844 = arith.addf %add3A_1838, %mul3A_1843 : vector<16xf32>
    %broadcast_in_dim3A_1845 = arith.constant 5 : i32
    %broadcast_in_dim3A_1846 = vector.broadcast %broadcast_in_dim3A_1845 : i32 to vector<16xi32>
    %gather3A_1847 = tpu.vector_load_idx %arg9[%add3A_1812, %broadcast_in_dim3A_1846] : memref<512x16xf32, #tpu.memory_space<vmem>>[vector<16xi32>, vector<16xi32>], vector<16xf32>,
    %gather3A_1848 = tpu.vector_load_idx %arg10[%add3A_1812, %broadcast_in_dim3A_1846] : memref<512x16xf32, #tpu.memory_space<vmem>>[vector<16xi32>, vector<16xi32>], vector<16xf32>,
    %mul3A_1849 = arith.mulf %gather3A_1847, %gather3A_1848 : vector<16xf32>
    %add3A_1850 = arith.addf %add3A_1844, %mul3A_1849 : vector<16xf32>
    %broadcast_in_dim3A_1851 = arith.constant 6 : i32
    %broadcast_in_dim3A_1852 = vector.broadcast %broadcast_in_dim3A_1851 : i32 to vector<16xi32>
    %gather3A_1853 = tpu.vector_load_idx %arg9[%add3A_1812, %broadcast_in_dim3A_1852] : memref<512x16xf32, #tpu.memory_space<vmem>>[vector<16xi32>, vector<16xi32>], vector<16xf32>,
    %gather3A_1854 = tpu.vector_load_idx %arg10[%add3A_1812, %broadcast_in_dim3A_1852] : memref<512x16xf32, #tpu.memory_space<vmem>>[vector<16xi32>, vector<16xi32>], vector<16xf32>,
    %mul3A_1855 = arith.mulf %gather3A_1853, %gather3A_1854 : vector<16xf32>
    %add3A_1856 = arith.addf %add3A_1850, %mul3A_1855 : vector<16xf32>
    %broadcast_in_dim3A_1857 = arith.constant 7 : i32
    %broadcast_in_dim3A_1858 = vector.broadcast %broadcast_in_dim3A_1857 : i32 to vector<16xi32>
    %gather3A_1859 = tpu.vector_load_idx %arg9[%add3A_1812, %broadcast_in_dim3A_1858] : memref<512x16xf32, #tpu.memory_space<vmem>>[vector<16xi32>, vector<16xi32>], vector<16xf32>,
    %gather3A_1860 = tpu.vector_load_idx %arg10[%add3A_1812, %broadcast_in_dim3A_1858] : memref<512x16xf32, #tpu.memory_space<vmem>>[vector<16xi32>, vector<16xi32>], vector<16xf32>,
    %mul3A_1861 = arith.mulf %gather3A_1859, %gather3A_1860 : vector<16xf32>
    %add3A_1862 = arith.addf %add3A_1856, %mul3A_1861 : vector<16xf32>
    %broadcast_in_dim3A_1863 = arith.constant 8 : i32
    %broadcast_in_dim3A_1864 = vector.broadcast %broadcast_in_dim3A_1863 : i32 to vector<16xi32>
    %gather3A_1865 = tpu.vector_load_idx %arg9[%add3A_1812, %broadcast_in_dim3A_1864] : memref<512x16xf32, #tpu.memory_space<vmem>>[vector<16xi32>, vector<16xi32>], vector<16xf32>,
    %gather3A_1866 = tpu.vector_load_idx %arg10[%add3A_1812, %broadcast_in_dim3A_1864] : memref<512x16xf32, #tpu.memory_space<vmem>>[vector<16xi32>, vector<16xi32>], vector<16xf32>,
    %mul3A_1867 = arith.mulf %gather3A_1865, %gather3A_1866 : vector<16xf32>
    %add3A_1868 = arith.addf %add3A_1862, %mul3A_1867 : vector<16xf32>
    %broadcast_in_dim3A_1869 = arith.constant 9 : i32
    %broadcast_in_dim3A_1870 = vector.broadcast %broadcast_in_dim3A_1869 : i32 to vector<16xi32>
    %gather3A_1871 = tpu.vector_load_idx %arg9[%add3A_1812, %broadcast_in_dim3A_1870] : memref<512x16xf32, #tpu.memory_space<vmem>>[vector<16xi32>, vector<16xi32>], vector<16xf32>,
    %gather3A_1872 = tpu.vector_load_idx %arg10[%add3A_1812, %broadcast_in_dim3A_1870] : memref<512x16xf32, #tpu.memory_space<vmem>>[vector<16xi32>, vector<16xi32>], vector<16xf32>,
    %mul3A_1873 = arith.mulf %gather3A_1871, %gather3A_1872 : vector<16xf32>
    %add3A_1874 = arith.addf %add3A_1868, %mul3A_1873 : vector<16xf32>
    %broadcast_in_dim3A_1875 = arith.constant 10 : i32
    %broadcast_in_dim3A_1876 = vector.broadcast %broadcast_in_dim3A_1875 : i32 to vector<16xi32>
    %gather3A_1877 = tpu.vector_load_idx %arg9[%add3A_1812, %broadcast_in_dim3A_1876] : memref<512x16xf32, #tpu.memory_space<vmem>>[vector<16xi32>, vector<16xi32>], vector<16xf32>,
    %gather3A_1878 = tpu.vector_load_idx %arg10[%add3A_1812, %broadcast_in_dim3A_1876] : memref<512x16xf32, #tpu.memory_space<vmem>>[vector<16xi32>, vector<16xi32>], vector<16xf32>,
    %mul3A_1879 = arith.mulf %gather3A_1877, %gather3A_1878 : vector<16xf32>
    %add3A_1880 = arith.addf %add3A_1874, %mul3A_1879 : vector<16xf32>
    %broadcast_in_dim3A_1881 = arith.constant 11 : i32
    %broadcast_in_dim3A_1882 = vector.broadcast %broadcast_in_dim3A_1881 : i32 to vector<16xi32>
    %gather3A_1883 = tpu.vector_load_idx %arg9[%add3A_1812, %broadcast_in_dim3A_1882] : memref<512x16xf32, #tpu.memory_space<vmem>>[vector<16xi32>, vector<16xi32>], vector<16xf32>,
    %gather3A_1884 = tpu.vector_load_idx %arg10[%add3A_1812, %broadcast_in_dim3A_1882] : memref<512x16xf32, #tpu.memory_space<vmem>>[vector<16xi32>, vector<16xi32>], vector<16xf32>,
    %mul3A_1885 = arith.mulf %gather3A_1883, %gather3A_1884 : vector<16xf32>
    %add3A_1886 = arith.addf %add3A_1880, %mul3A_1885 : vector<16xf32>
    %broadcast_in_dim3A_1887 = arith.constant 12 : i32
    %broadcast_in_dim3A_1888 = vector.broadcast %broadcast_in_dim3A_1887 : i32 to vector<16xi32>
    %gather3A_1889 = tpu.vector_load_idx %arg9[%add3A_1812, %broadcast_in_dim3A_1888] : memref<512x16xf32, #tpu.memory_space<vmem>>[vector<16xi32>, vector<16xi32>], vector<16xf32>,
    %gather3A_1890 = tpu.vector_load_idx %arg10[%add3A_1812, %broadcast_in_dim3A_1888] : memref<512x16xf32, #tpu.memory_space<vmem>>[vector<16xi32>, vector<16xi32>], vector<16xf32>,
    %mul3A_1891 = arith.mulf %gather3A_1889, %gather3A_1890 : vector<16xf32>
    %add3A_1892 = arith.addf %add3A_1886, %mul3A_1891 : vector<16xf32>
    %broadcast_in_dim3A_1893 = arith.constant 13 : i32
    %broadcast_in_dim3A_1894 = vector.broadcast %broadcast_in_dim3A_1893 : i32 to vector<16xi32>
    %gather3A_1895 = tpu.vector_load_idx %arg9[%add3A_1812, %broadcast_in_dim3A_1894] : memref<512x16xf32, #tpu.memory_space<vmem>>[vector<16xi32>, vector<16xi32>], vector<16xf32>,
    %gather3A_1896 = tpu.vector_load_idx %arg10[%add3A_1812, %broadcast_in_dim3A_1894] : memref<512x16xf32, #tpu.memory_space<vmem>>[vector<16xi32>, vector<16xi32>], vector<16xf32>,
    %mul3A_1897 = arith.mulf %gather3A_1895, %gather3A_1896 : vector<16xf32>
    %add3A_1898 = arith.addf %add3A_1892, %mul3A_1897 : vector<16xf32>
    %broadcast_in_dim3A_1899 = arith.constant 14 : i32
    %broadcast_in_dim3A_1900 = vector.broadcast %broadcast_in_dim3A_1899 : i32 to vector<16xi32>
    %gather3A_1901 = tpu.vector_load_idx %arg9[%add3A_1812, %broadcast_in_dim3A_1900] : memref<512x16xf32, #tpu.memory_space<vmem>>[vector<16xi32>, vector<16xi32>], vector<16xf32>,
    %gather3A_1902 = tpu.vector_load_idx %arg10[%add3A_1812, %broadcast_in_dim3A_1900] : memref<512x16xf32, #tpu.memory_space<vmem>>[vector<16xi32>, vector<16xi32>], vector<16xf32>,
    %mul3A_1903 = arith.mulf %gather3A_1901, %gather3A_1902 : vector<16xf32>
    %add3A_1904 = arith.addf %add3A_1898, %mul3A_1903 : vector<16xf32>
    %broadcast_in_dim3A_1905 = arith.constant 15 : i32
    %broadcast_in_dim3A_1906 = vector.broadcast %broadcast_in_dim3A_1905 : i32 to vector<16xi32>
    %gather3A_1907 = tpu.vector_load_idx %arg9[%add3A_1812, %broadcast_in_dim3A_1906] : memref<512x16xf32, #tpu.memory_space<vmem>>[vector<16xi32>, vector<16xi32>], vector<16xf32>,
    %gather3A_1908 = tpu.vector_load_idx %arg10[%add3A_1812, %broadcast_in_dim3A_1906] : memref<512x16xf32, #tpu.memory_space<vmem>>[vector<16xi32>, vector<16xi32>], vector<16xf32>,
    %mul3A_1909 = arith.mulf %gather3A_1907, %gather3A_1908 : vector<16xf32>
    %add3A_1910 = arith.addf %add3A_1904, %mul3A_1909 : vector<16xf32>
    %swap3A_1911 = arith.constant 256 : index
    %swap3A_1912 = tpu.vector_load %arg11[%swap3A_1911] {strides = array<i32>} : memref<512xf32, #tpu.memory_space<vmem>>, vector<16xf32>,
    tpu.vector_store %arg11[%swap3A_1911], %add3A_1910 {strides = array<i32>} : memref<512xf32, #tpu.memory_space<vmem>>, vector<16xf32>,
    %add3A_1913 = arith.constant 272 : i32
    %add3A_1914 = vector.broadcast %add3A_1913 : i32 to vector<16xi32>
    %add3A_1915 = arith.addi %add3A_1914, %iota3A : vector<16xi32>
    %broadcast_in_dim3A_1916 = arith.constant 0.000000e+00 : f32
    %broadcast_in_dim3A_1917 = vector.broadcast %broadcast_in_dim3A_1916 : f32 to vector<16xf32>
    %broadcast_in_dim3A_1918 = arith.constant 0 : i32
    %broadcast_in_dim3A_1919 = vector.broadcast %broadcast_in_dim3A_1918 : i32 to vector<16xi32>
    %gather3A_1920 = tpu.vector_load_idx %arg9[%add3A_1915, %broadcast_in_dim3A_1919] : memref<512x16xf32, #tpu.memory_space<vmem>>[vector<16xi32>, vector<16xi32>], vector<16xf32>,
    %gather3A_1921 = tpu.vector_load_idx %arg10[%add3A_1915, %broadcast_in_dim3A_1919] : memref<512x16xf32, #tpu.memory_space<vmem>>[vector<16xi32>, vector<16xi32>], vector<16xf32>,
    %mul3A_1922 = arith.mulf %gather3A_1920, %gather3A_1921 : vector<16xf32>
    %add3A_1923 = arith.addf %broadcast_in_dim3A_1917, %mul3A_1922 : vector<16xf32>
    %broadcast_in_dim3A_1924 = arith.constant 1 : i32
    %broadcast_in_dim3A_1925 = vector.broadcast %broadcast_in_dim3A_1924 : i32 to vector<16xi32>
    %gather3A_1926 = tpu.vector_load_idx %arg9[%add3A_1915, %broadcast_in_dim3A_1925] : memref<512x16xf32, #tpu.memory_space<vmem>>[vector<16xi32>, vector<16xi32>], vector<16xf32>,
    %gather3A_1927 = tpu.vector_load_idx %arg10[%add3A_1915, %broadcast_in_dim3A_1925] : memref<512x16xf32, #tpu.memory_space<vmem>>[vector<16xi32>, vector<16xi32>], vector<16xf32>,
    %mul3A_1928 = arith.mulf %gather3A_1926, %gather3A_1927 : vector<16xf32>
    %add3A_1929 = arith.addf %add3A_1923, %mul3A_1928 : vector<16xf32>
    %broadcast_in_dim3A_1930 = arith.constant 2 : i32
    %broadcast_in_dim3A_1931 = vector.broadcast %broadcast_in_dim3A_1930 : i32 to vector<16xi32>
    %gather3A_1932 = tpu.vector_load_idx %arg9[%add3A_1915, %broadcast_in_dim3A_1931] : memref<512x16xf32, #tpu.memory_space<vmem>>[vector<16xi32>, vector<16xi32>], vector<16xf32>,
    %gather3A_1933 = tpu.vector_load_idx %arg10[%add3A_1915, %broadcast_in_dim3A_1931] : memref<512x16xf32, #tpu.memory_space<vmem>>[vector<16xi32>, vector<16xi32>], vector<16xf32>,
    %mul3A_1934 = arith.mulf %gather3A_1932, %gather3A_1933 : vector<16xf32>
    %add3A_1935 = arith.addf %add3A_1929, %mul3A_1934 : vector<16xf32>
    %broadcast_in_dim3A_1936 = arith.constant 3 : i32
    %broadcast_in_dim3A_1937 = vector.broadcast %broadcast_in_dim3A_1936 : i32 to vector<16xi32>
    %gather3A_1938 = tpu.vector_load_idx %arg9[%add3A_1915, %broadcast_in_dim3A_1937] : memref<512x16xf32, #tpu.memory_space<vmem>>[vector<16xi32>, vector<16xi32>], vector<16xf32>,
    %gather3A_1939 = tpu.vector_load_idx %arg10[%add3A_1915, %broadcast_in_dim3A_1937] : memref<512x16xf32, #tpu.memory_space<vmem>>[vector<16xi32>, vector<16xi32>], vector<16xf32>,
    %mul3A_1940 = arith.mulf %gather3A_1938, %gather3A_1939 : vector<16xf32>
    %add3A_1941 = arith.addf %add3A_1935, %mul3A_1940 : vector<16xf32>
    %broadcast_in_dim3A_1942 = arith.constant 4 : i32
    %broadcast_in_dim3A_1943 = vector.broadcast %broadcast_in_dim3A_1942 : i32 to vector<16xi32>
    %gather3A_1944 = tpu.vector_load_idx %arg9[%add3A_1915, %broadcast_in_dim3A_1943] : memref<512x16xf32, #tpu.memory_space<vmem>>[vector<16xi32>, vector<16xi32>], vector<16xf32>,
    %gather3A_1945 = tpu.vector_load_idx %arg10[%add3A_1915, %broadcast_in_dim3A_1943] : memref<512x16xf32, #tpu.memory_space<vmem>>[vector<16xi32>, vector<16xi32>], vector<16xf32>,
    %mul3A_1946 = arith.mulf %gather3A_1944, %gather3A_1945 : vector<16xf32>
    %add3A_1947 = arith.addf %add3A_1941, %mul3A_1946 : vector<16xf32>
    %broadcast_in_dim3A_1948 = arith.constant 5 : i32
    %broadcast_in_dim3A_1949 = vector.broadcast %broadcast_in_dim3A_1948 : i32 to vector<16xi32>
    %gather3A_1950 = tpu.vector_load_idx %arg9[%add3A_1915, %broadcast_in_dim3A_1949] : memref<512x16xf32, #tpu.memory_space<vmem>>[vector<16xi32>, vector<16xi32>], vector<16xf32>,
    %gather3A_1951 = tpu.vector_load_idx %arg10[%add3A_1915, %broadcast_in_dim3A_1949] : memref<512x16xf32, #tpu.memory_space<vmem>>[vector<16xi32>, vector<16xi32>], vector<16xf32>,
    %mul3A_1952 = arith.mulf %gather3A_1950, %gather3A_1951 : vector<16xf32>
    %add3A_1953 = arith.addf %add3A_1947, %mul3A_1952 : vector<16xf32>
    %broadcast_in_dim3A_1954 = arith.constant 6 : i32
    %broadcast_in_dim3A_1955 = vector.broadcast %broadcast_in_dim3A_1954 : i32 to vector<16xi32>
    %gather3A_1956 = tpu.vector_load_idx %arg9[%add3A_1915, %broadcast_in_dim3A_1955] : memref<512x16xf32, #tpu.memory_space<vmem>>[vector<16xi32>, vector<16xi32>], vector<16xf32>,
    %gather3A_1957 = tpu.vector_load_idx %arg10[%add3A_1915, %broadcast_in_dim3A_1955] : memref<512x16xf32, #tpu.memory_space<vmem>>[vector<16xi32>, vector<16xi32>], vector<16xf32>,
    %mul3A_1958 = arith.mulf %gather3A_1956, %gather3A_1957 : vector<16xf32>
    %add3A_1959 = arith.addf %add3A_1953, %mul3A_1958 : vector<16xf32>
    %broadcast_in_dim3A_1960 = arith.constant 7 : i32
    %broadcast_in_dim3A_1961 = vector.broadcast %broadcast_in_dim3A_1960 : i32 to vector<16xi32>
    %gather3A_1962 = tpu.vector_load_idx %arg9[%add3A_1915, %broadcast_in_dim3A_1961] : memref<512x16xf32, #tpu.memory_space<vmem>>[vector<16xi32>, vector<16xi32>], vector<16xf32>,
    %gather3A_1963 = tpu.vector_load_idx %arg10[%add3A_1915, %broadcast_in_dim3A_1961] : memref<512x16xf32, #tpu.memory_space<vmem>>[vector<16xi32>, vector<16xi32>], vector<16xf32>,
    %mul3A_1964 = arith.mulf %gather3A_1962, %gather3A_1963 : vector<16xf32>
    %add3A_1965 = arith.addf %add3A_1959, %mul3A_1964 : vector<16xf32>
    %broadcast_in_dim3A_1966 = arith.constant 8 : i32
    %broadcast_in_dim3A_1967 = vector.broadcast %broadcast_in_dim3A_1966 : i32 to vector<16xi32>
    %gather3A_1968 = tpu.vector_load_idx %arg9[%add3A_1915, %broadcast_in_dim3A_1967] : memref<512x16xf32, #tpu.memory_space<vmem>>[vector<16xi32>, vector<16xi32>], vector<16xf32>,
    %gather3A_1969 = tpu.vector_load_idx %arg10[%add3A_1915, %broadcast_in_dim3A_1967] : memref<512x16xf32, #tpu.memory_space<vmem>>[vector<16xi32>, vector<16xi32>], vector<16xf32>,
    %mul3A_1970 = arith.mulf %gather3A_1968, %gather3A_1969 : vector<16xf32>
    %add3A_1971 = arith.addf %add3A_1965, %mul3A_1970 : vector<16xf32>
    %broadcast_in_dim3A_1972 = arith.constant 9 : i32
    %broadcast_in_dim3A_1973 = vector.broadcast %broadcast_in_dim3A_1972 : i32 to vector<16xi32>
    %gather3A_1974 = tpu.vector_load_idx %arg9[%add3A_1915, %broadcast_in_dim3A_1973] : memref<512x16xf32, #tpu.memory_space<vmem>>[vector<16xi32>, vector<16xi32>], vector<16xf32>,
    %gather3A_1975 = tpu.vector_load_idx %arg10[%add3A_1915, %broadcast_in_dim3A_1973] : memref<512x16xf32, #tpu.memory_space<vmem>>[vector<16xi32>, vector<16xi32>], vector<16xf32>,
    %mul3A_1976 = arith.mulf %gather3A_1974, %gather3A_1975 : vector<16xf32>
    %add3A_1977 = arith.addf %add3A_1971, %mul3A_1976 : vector<16xf32>
    %broadcast_in_dim3A_1978 = arith.constant 10 : i32
    %broadcast_in_dim3A_1979 = vector.broadcast %broadcast_in_dim3A_1978 : i32 to vector<16xi32>
    %gather3A_1980 = tpu.vector_load_idx %arg9[%add3A_1915, %broadcast_in_dim3A_1979] : memref<512x16xf32, #tpu.memory_space<vmem>>[vector<16xi32>, vector<16xi32>], vector<16xf32>,
    %gather3A_1981 = tpu.vector_load_idx %arg10[%add3A_1915, %broadcast_in_dim3A_1979] : memref<512x16xf32, #tpu.memory_space<vmem>>[vector<16xi32>, vector<16xi32>], vector<16xf32>,
    %mul3A_1982 = arith.mulf %gather3A_1980, %gather3A_1981 : vector<16xf32>
    %add3A_1983 = arith.addf %add3A_1977, %mul3A_1982 : vector<16xf32>
    %broadcast_in_dim3A_1984 = arith.constant 11 : i32
    %broadcast_in_dim3A_1985 = vector.broadcast %broadcast_in_dim3A_1984 : i32 to vector<16xi32>
    %gather3A_1986 = tpu.vector_load_idx %arg9[%add3A_1915, %broadcast_in_dim3A_1985] : memref<512x16xf32, #tpu.memory_space<vmem>>[vector<16xi32>, vector<16xi32>], vector<16xf32>,
    %gather3A_1987 = tpu.vector_load_idx %arg10[%add3A_1915, %broadcast_in_dim3A_1985] : memref<512x16xf32, #tpu.memory_space<vmem>>[vector<16xi32>, vector<16xi32>], vector<16xf32>,
    %mul3A_1988 = arith.mulf %gather3A_1986, %gather3A_1987 : vector<16xf32>
    %add3A_1989 = arith.addf %add3A_1983, %mul3A_1988 : vector<16xf32>
    %broadcast_in_dim3A_1990 = arith.constant 12 : i32
    %broadcast_in_dim3A_1991 = vector.broadcast %broadcast_in_dim3A_1990 : i32 to vector<16xi32>
    %gather3A_1992 = tpu.vector_load_idx %arg9[%add3A_1915, %broadcast_in_dim3A_1991] : memref<512x16xf32, #tpu.memory_space<vmem>>[vector<16xi32>, vector<16xi32>], vector<16xf32>,
    %gather3A_1993 = tpu.vector_load_idx %arg10[%add3A_1915, %broadcast_in_dim3A_1991] : memref<512x16xf32, #tpu.memory_space<vmem>>[vector<16xi32>, vector<16xi32>], vector<16xf32>,
    %mul3A_1994 = arith.mulf %gather3A_1992, %gather3A_1993 : vector<16xf32>
    %add3A_1995 = arith.addf %add3A_1989, %mul3A_1994 : vector<16xf32>
    %broadcast_in_dim3A_1996 = arith.constant 13 : i32
    %broadcast_in_dim3A_1997 = vector.broadcast %broadcast_in_dim3A_1996 : i32 to vector<16xi32>
    %gather3A_1998 = tpu.vector_load_idx %arg9[%add3A_1915, %broadcast_in_dim3A_1997] : memref<512x16xf32, #tpu.memory_space<vmem>>[vector<16xi32>, vector<16xi32>], vector<16xf32>,
    %gather3A_1999 = tpu.vector_load_idx %arg10[%add3A_1915, %broadcast_in_dim3A_1997] : memref<512x16xf32, #tpu.memory_space<vmem>>[vector<16xi32>, vector<16xi32>], vector<16xf32>,
    %mul3A_2000 = arith.mulf %gather3A_1998, %gather3A_1999 : vector<16xf32>
    %add3A_2001 = arith.addf %add3A_1995, %mul3A_2000 : vector<16xf32>
    %broadcast_in_dim3A_2002 = arith.constant 14 : i32
    %broadcast_in_dim3A_2003 = vector.broadcast %broadcast_in_dim3A_2002 : i32 to vector<16xi32>
    %gather3A_2004 = tpu.vector_load_idx %arg9[%add3A_1915, %broadcast_in_dim3A_2003] : memref<512x16xf32, #tpu.memory_space<vmem>>[vector<16xi32>, vector<16xi32>], vector<16xf32>,
    %gather3A_2005 = tpu.vector_load_idx %arg10[%add3A_1915, %broadcast_in_dim3A_2003] : memref<512x16xf32, #tpu.memory_space<vmem>>[vector<16xi32>, vector<16xi32>], vector<16xf32>,
    %mul3A_2006 = arith.mulf %gather3A_2004, %gather3A_2005 : vector<16xf32>
    %add3A_2007 = arith.addf %add3A_2001, %mul3A_2006 : vector<16xf32>
    %broadcast_in_dim3A_2008 = arith.constant 15 : i32
    %broadcast_in_dim3A_2009 = vector.broadcast %broadcast_in_dim3A_2008 : i32 to vector<16xi32>
    %gather3A_2010 = tpu.vector_load_idx %arg9[%add3A_1915, %broadcast_in_dim3A_2009] : memref<512x16xf32, #tpu.memory_space<vmem>>[vector<16xi32>, vector<16xi32>], vector<16xf32>,
    %gather3A_2011 = tpu.vector_load_idx %arg10[%add3A_1915, %broadcast_in_dim3A_2009] : memref<512x16xf32, #tpu.memory_space<vmem>>[vector<16xi32>, vector<16xi32>], vector<16xf32>,
    %mul3A_2012 = arith.mulf %gather3A_2010, %gather3A_2011 : vector<16xf32>
    %add3A_2013 = arith.addf %add3A_2007, %mul3A_2012 : vector<16xf32>
    %swap3A_2014 = arith.constant 272 : index
    %swap3A_2015 = tpu.vector_load %arg11[%swap3A_2014] {strides = array<i32>} : memref<512xf32, #tpu.memory_space<vmem>>, vector<16xf32>,
    tpu.vector_store %arg11[%swap3A_2014], %add3A_2013 {strides = array<i32>} : memref<512xf32, #tpu.memory_space<vmem>>, vector<16xf32>,
    %add3A_2016 = arith.constant 288 : i32
    %add3A_2017 = vector.broadcast %add3A_2016 : i32 to vector<16xi32>
    %add3A_2018 = arith.addi %add3A_2017, %iota3A : vector<16xi32>
    %broadcast_in_dim3A_2019 = arith.constant 0.000000e+00 : f32
    %broadcast_in_dim3A_2020 = vector.broadcast %broadcast_in_dim3A_2019 : f32 to vector<16xf32>
    %broadcast_in_dim3A_2021 = arith.constant 0 : i32
    %broadcast_in_dim3A_2022 = vector.broadcast %broadcast_in_dim3A_2021 : i32 to vector<16xi32>
    %gather3A_2023 = tpu.vector_load_idx %arg9[%add3A_2018, %broadcast_in_dim3A_2022] : memref<512x16xf32, #tpu.memory_space<vmem>>[vector<16xi32>, vector<16xi32>], vector<16xf32>,
    %gather3A_2024 = tpu.vector_load_idx %arg10[%add3A_2018, %broadcast_in_dim3A_2022] : memref<512x16xf32, #tpu.memory_space<vmem>>[vector<16xi32>, vector<16xi32>], vector<16xf32>,
    %mul3A_2025 = arith.mulf %gather3A_2023, %gather3A_2024 : vector<16xf32>
    %add3A_2026 = arith.addf %broadcast_in_dim3A_2020, %mul3A_2025 : vector<16xf32>
    %broadcast_in_dim3A_2027 = arith.constant 1 : i32
    %broadcast_in_dim3A_2028 = vector.broadcast %broadcast_in_dim3A_2027 : i32 to vector<16xi32>
    %gather3A_2029 = tpu.vector_load_idx %arg9[%add3A_2018, %broadcast_in_dim3A_2028] : memref<512x16xf32, #tpu.memory_space<vmem>>[vector<16xi32>, vector<16xi32>], vector<16xf32>,
    %gather3A_2030 = tpu.vector_load_idx %arg10[%add3A_2018, %broadcast_in_dim3A_2028] : memref<512x16xf32, #tpu.memory_space<vmem>>[vector<16xi32>, vector<16xi32>], vector<16xf32>,
    %mul3A_2031 = arith.mulf %gather3A_2029, %gather3A_2030 : vector<16xf32>
    %add3A_2032 = arith.addf %add3A_2026, %mul3A_2031 : vector<16xf32>
    %broadcast_in_dim3A_2033 = arith.constant 2 : i32
    %broadcast_in_dim3A_2034 = vector.broadcast %broadcast_in_dim3A_2033 : i32 to vector<16xi32>
    %gather3A_2035 = tpu.vector_load_idx %arg9[%add3A_2018, %broadcast_in_dim3A_2034] : memref<512x16xf32, #tpu.memory_space<vmem>>[vector<16xi32>, vector<16xi32>], vector<16xf32>,
    %gather3A_2036 = tpu.vector_load_idx %arg10[%add3A_2018, %broadcast_in_dim3A_2034] : memref<512x16xf32, #tpu.memory_space<vmem>>[vector<16xi32>, vector<16xi32>], vector<16xf32>,
    %mul3A_2037 = arith.mulf %gather3A_2035, %gather3A_2036 : vector<16xf32>
    %add3A_2038 = arith.addf %add3A_2032, %mul3A_2037 : vector<16xf32>
    %broadcast_in_dim3A_2039 = arith.constant 3 : i32
    %broadcast_in_dim3A_2040 = vector.broadcast %broadcast_in_dim3A_2039 : i32 to vector<16xi32>
    %gather3A_2041 = tpu.vector_load_idx %arg9[%add3A_2018, %broadcast_in_dim3A_2040] : memref<512x16xf32, #tpu.memory_space<vmem>>[vector<16xi32>, vector<16xi32>], vector<16xf32>,
    %gather3A_2042 = tpu.vector_load_idx %arg10[%add3A_2018, %broadcast_in_dim3A_2040] : memref<512x16xf32, #tpu.memory_space<vmem>>[vector<16xi32>, vector<16xi32>], vector<16xf32>,
    %mul3A_2043 = arith.mulf %gather3A_2041, %gather3A_2042 : vector<16xf32>
    %add3A_2044 = arith.addf %add3A_2038, %mul3A_2043 : vector<16xf32>
    %broadcast_in_dim3A_2045 = arith.constant 4 : i32
    %broadcast_in_dim3A_2046 = vector.broadcast %broadcast_in_dim3A_2045 : i32 to vector<16xi32>
    %gather3A_2047 = tpu.vector_load_idx %arg9[%add3A_2018, %broadcast_in_dim3A_2046] : memref<512x16xf32, #tpu.memory_space<vmem>>[vector<16xi32>, vector<16xi32>], vector<16xf32>,
    %gather3A_2048 = tpu.vector_load_idx %arg10[%add3A_2018, %broadcast_in_dim3A_2046] : memref<512x16xf32, #tpu.memory_space<vmem>>[vector<16xi32>, vector<16xi32>], vector<16xf32>,
    %mul3A_2049 = arith.mulf %gather3A_2047, %gather3A_2048 : vector<16xf32>
    %add3A_2050 = arith.addf %add3A_2044, %mul3A_2049 : vector<16xf32>
    %broadcast_in_dim3A_2051 = arith.constant 5 : i32
    %broadcast_in_dim3A_2052 = vector.broadcast %broadcast_in_dim3A_2051 : i32 to vector<16xi32>
    %gather3A_2053 = tpu.vector_load_idx %arg9[%add3A_2018, %broadcast_in_dim3A_2052] : memref<512x16xf32, #tpu.memory_space<vmem>>[vector<16xi32>, vector<16xi32>], vector<16xf32>,
    %gather3A_2054 = tpu.vector_load_idx %arg10[%add3A_2018, %broadcast_in_dim3A_2052] : memref<512x16xf32, #tpu.memory_space<vmem>>[vector<16xi32>, vector<16xi32>], vector<16xf32>,
    %mul3A_2055 = arith.mulf %gather3A_2053, %gather3A_2054 : vector<16xf32>
    %add3A_2056 = arith.addf %add3A_2050, %mul3A_2055 : vector<16xf32>
    %broadcast_in_dim3A_2057 = arith.constant 6 : i32
    %broadcast_in_dim3A_2058 = vector.broadcast %broadcast_in_dim3A_2057 : i32 to vector<16xi32>
    %gather3A_2059 = tpu.vector_load_idx %arg9[%add3A_2018, %broadcast_in_dim3A_2058] : memref<512x16xf32, #tpu.memory_space<vmem>>[vector<16xi32>, vector<16xi32>], vector<16xf32>,
    %gather3A_2060 = tpu.vector_load_idx %arg10[%add3A_2018, %broadcast_in_dim3A_2058] : memref<512x16xf32, #tpu.memory_space<vmem>>[vector<16xi32>, vector<16xi32>], vector<16xf32>,
    %mul3A_2061 = arith.mulf %gather3A_2059, %gather3A_2060 : vector<16xf32>
    %add3A_2062 = arith.addf %add3A_2056, %mul3A_2061 : vector<16xf32>
    %broadcast_in_dim3A_2063 = arith.constant 7 : i32
    %broadcast_in_dim3A_2064 = vector.broadcast %broadcast_in_dim3A_2063 : i32 to vector<16xi32>
    %gather3A_2065 = tpu.vector_load_idx %arg9[%add3A_2018, %broadcast_in_dim3A_2064] : memref<512x16xf32, #tpu.memory_space<vmem>>[vector<16xi32>, vector<16xi32>], vector<16xf32>,
    %gather3A_2066 = tpu.vector_load_idx %arg10[%add3A_2018, %broadcast_in_dim3A_2064] : memref<512x16xf32, #tpu.memory_space<vmem>>[vector<16xi32>, vector<16xi32>], vector<16xf32>,
    %mul3A_2067 = arith.mulf %gather3A_2065, %gather3A_2066 : vector<16xf32>
    %add3A_2068 = arith.addf %add3A_2062, %mul3A_2067 : vector<16xf32>
    %broadcast_in_dim3A_2069 = arith.constant 8 : i32
    %broadcast_in_dim3A_2070 = vector.broadcast %broadcast_in_dim3A_2069 : i32 to vector<16xi32>
    %gather3A_2071 = tpu.vector_load_idx %arg9[%add3A_2018, %broadcast_in_dim3A_2070] : memref<512x16xf32, #tpu.memory_space<vmem>>[vector<16xi32>, vector<16xi32>], vector<16xf32>,
    %gather3A_2072 = tpu.vector_load_idx %arg10[%add3A_2018, %broadcast_in_dim3A_2070] : memref<512x16xf32, #tpu.memory_space<vmem>>[vector<16xi32>, vector<16xi32>], vector<16xf32>,
    %mul3A_2073 = arith.mulf %gather3A_2071, %gather3A_2072 : vector<16xf32>
    %add3A_2074 = arith.addf %add3A_2068, %mul3A_2073 : vector<16xf32>
    %broadcast_in_dim3A_2075 = arith.constant 9 : i32
    %broadcast_in_dim3A_2076 = vector.broadcast %broadcast_in_dim3A_2075 : i32 to vector<16xi32>
    %gather3A_2077 = tpu.vector_load_idx %arg9[%add3A_2018, %broadcast_in_dim3A_2076] : memref<512x16xf32, #tpu.memory_space<vmem>>[vector<16xi32>, vector<16xi32>], vector<16xf32>,
    %gather3A_2078 = tpu.vector_load_idx %arg10[%add3A_2018, %broadcast_in_dim3A_2076] : memref<512x16xf32, #tpu.memory_space<vmem>>[vector<16xi32>, vector<16xi32>], vector<16xf32>,
    %mul3A_2079 = arith.mulf %gather3A_2077, %gather3A_2078 : vector<16xf32>
    %add3A_2080 = arith.addf %add3A_2074, %mul3A_2079 : vector<16xf32>
    %broadcast_in_dim3A_2081 = arith.constant 10 : i32
    %broadcast_in_dim3A_2082 = vector.broadcast %broadcast_in_dim3A_2081 : i32 to vector<16xi32>
    %gather3A_2083 = tpu.vector_load_idx %arg9[%add3A_2018, %broadcast_in_dim3A_2082] : memref<512x16xf32, #tpu.memory_space<vmem>>[vector<16xi32>, vector<16xi32>], vector<16xf32>,
    %gather3A_2084 = tpu.vector_load_idx %arg10[%add3A_2018, %broadcast_in_dim3A_2082] : memref<512x16xf32, #tpu.memory_space<vmem>>[vector<16xi32>, vector<16xi32>], vector<16xf32>,
    %mul3A_2085 = arith.mulf %gather3A_2083, %gather3A_2084 : vector<16xf32>
    %add3A_2086 = arith.addf %add3A_2080, %mul3A_2085 : vector<16xf32>
    %broadcast_in_dim3A_2087 = arith.constant 11 : i32
    %broadcast_in_dim3A_2088 = vector.broadcast %broadcast_in_dim3A_2087 : i32 to vector<16xi32>
    %gather3A_2089 = tpu.vector_load_idx %arg9[%add3A_2018, %broadcast_in_dim3A_2088] : memref<512x16xf32, #tpu.memory_space<vmem>>[vector<16xi32>, vector<16xi32>], vector<16xf32>,
    %gather3A_2090 = tpu.vector_load_idx %arg10[%add3A_2018, %broadcast_in_dim3A_2088] : memref<512x16xf32, #tpu.memory_space<vmem>>[vector<16xi32>, vector<16xi32>], vector<16xf32>,
    %mul3A_2091 = arith.mulf %gather3A_2089, %gather3A_2090 : vector<16xf32>
    %add3A_2092 = arith.addf %add3A_2086, %mul3A_2091 : vector<16xf32>
    %broadcast_in_dim3A_2093 = arith.constant 12 : i32
    %broadcast_in_dim3A_2094 = vector.broadcast %broadcast_in_dim3A_2093 : i32 to vector<16xi32>
    %gather3A_2095 = tpu.vector_load_idx %arg9[%add3A_2018, %broadcast_in_dim3A_2094] : memref<512x16xf32, #tpu.memory_space<vmem>>[vector<16xi32>, vector<16xi32>], vector<16xf32>,
    %gather3A_2096 = tpu.vector_load_idx %arg10[%add3A_2018, %broadcast_in_dim3A_2094] : memref<512x16xf32, #tpu.memory_space<vmem>>[vector<16xi32>, vector<16xi32>], vector<16xf32>,
    %mul3A_2097 = arith.mulf %gather3A_2095, %gather3A_2096 : vector<16xf32>
    %add3A_2098 = arith.addf %add3A_2092, %mul3A_2097 : vector<16xf32>
    %broadcast_in_dim3A_2099 = arith.constant 13 : i32
    %broadcast_in_dim3A_2100 = vector.broadcast %broadcast_in_dim3A_2099 : i32 to vector<16xi32>
    %gather3A_2101 = tpu.vector_load_idx %arg9[%add3A_2018, %broadcast_in_dim3A_2100] : memref<512x16xf32, #tpu.memory_space<vmem>>[vector<16xi32>, vector<16xi32>], vector<16xf32>,
    %gather3A_2102 = tpu.vector_load_idx %arg10[%add3A_2018, %broadcast_in_dim3A_2100] : memref<512x16xf32, #tpu.memory_space<vmem>>[vector<16xi32>, vector<16xi32>], vector<16xf32>,
    %mul3A_2103 = arith.mulf %gather3A_2101, %gather3A_2102 : vector<16xf32>
    %add3A_2104 = arith.addf %add3A_2098, %mul3A_2103 : vector<16xf32>
    %broadcast_in_dim3A_2105 = arith.constant 14 : i32
    %broadcast_in_dim3A_2106 = vector.broadcast %broadcast_in_dim3A_2105 : i32 to vector<16xi32>
    %gather3A_2107 = tpu.vector_load_idx %arg9[%add3A_2018, %broadcast_in_dim3A_2106] : memref<512x16xf32, #tpu.memory_space<vmem>>[vector<16xi32>, vector<16xi32>], vector<16xf32>,
    %gather3A_2108 = tpu.vector_load_idx %arg10[%add3A_2018, %broadcast_in_dim3A_2106] : memref<512x16xf32, #tpu.memory_space<vmem>>[vector<16xi32>, vector<16xi32>], vector<16xf32>,
    %mul3A_2109 = arith.mulf %gather3A_2107, %gather3A_2108 : vector<16xf32>
    %add3A_2110 = arith.addf %add3A_2104, %mul3A_2109 : vector<16xf32>
    %broadcast_in_dim3A_2111 = arith.constant 15 : i32
    %broadcast_in_dim3A_2112 = vector.broadcast %broadcast_in_dim3A_2111 : i32 to vector<16xi32>
    %gather3A_2113 = tpu.vector_load_idx %arg9[%add3A_2018, %broadcast_in_dim3A_2112] : memref<512x16xf32, #tpu.memory_space<vmem>>[vector<16xi32>, vector<16xi32>], vector<16xf32>,
    %gather3A_2114 = tpu.vector_load_idx %arg10[%add3A_2018, %broadcast_in_dim3A_2112] : memref<512x16xf32, #tpu.memory_space<vmem>>[vector<16xi32>, vector<16xi32>], vector<16xf32>,
    %mul3A_2115 = arith.mulf %gather3A_2113, %gather3A_2114 : vector<16xf32>
    %add3A_2116 = arith.addf %add3A_2110, %mul3A_2115 : vector<16xf32>
    %swap3A_2117 = arith.constant 288 : index
    %swap3A_2118 = tpu.vector_load %arg11[%swap3A_2117] {strides = array<i32>} : memref<512xf32, #tpu.memory_space<vmem>>, vector<16xf32>,
    tpu.vector_store %arg11[%swap3A_2117], %add3A_2116 {strides = array<i32>} : memref<512xf32, #tpu.memory_space<vmem>>, vector<16xf32>,
    %add3A_2119 = arith.constant 304 : i32
    %add3A_2120 = vector.broadcast %add3A_2119 : i32 to vector<16xi32>
    %add3A_2121 = arith.addi %add3A_2120, %iota3A : vector<16xi32>
    %broadcast_in_dim3A_2122 = arith.constant 0.000000e+00 : f32
    %broadcast_in_dim3A_2123 = vector.broadcast %broadcast_in_dim3A_2122 : f32 to vector<16xf32>
    %broadcast_in_dim3A_2124 = arith.constant 0 : i32
    %broadcast_in_dim3A_2125 = vector.broadcast %broadcast_in_dim3A_2124 : i32 to vector<16xi32>
    %gather3A_2126 = tpu.vector_load_idx %arg9[%add3A_2121, %broadcast_in_dim3A_2125] : memref<512x16xf32, #tpu.memory_space<vmem>>[vector<16xi32>, vector<16xi32>], vector<16xf32>,
    %gather3A_2127 = tpu.vector_load_idx %arg10[%add3A_2121, %broadcast_in_dim3A_2125] : memref<512x16xf32, #tpu.memory_space<vmem>>[vector<16xi32>, vector<16xi32>], vector<16xf32>,
    %mul3A_2128 = arith.mulf %gather3A_2126, %gather3A_2127 : vector<16xf32>
    %add3A_2129 = arith.addf %broadcast_in_dim3A_2123, %mul3A_2128 : vector<16xf32>
    %broadcast_in_dim3A_2130 = arith.constant 1 : i32
    %broadcast_in_dim3A_2131 = vector.broadcast %broadcast_in_dim3A_2130 : i32 to vector<16xi32>
    %gather3A_2132 = tpu.vector_load_idx %arg9[%add3A_2121, %broadcast_in_dim3A_2131] : memref<512x16xf32, #tpu.memory_space<vmem>>[vector<16xi32>, vector<16xi32>], vector<16xf32>,
    %gather3A_2133 = tpu.vector_load_idx %arg10[%add3A_2121, %broadcast_in_dim3A_2131] : memref<512x16xf32, #tpu.memory_space<vmem>>[vector<16xi32>, vector<16xi32>], vector<16xf32>,
    %mul3A_2134 = arith.mulf %gather3A_2132, %gather3A_2133 : vector<16xf32>
    %add3A_2135 = arith.addf %add3A_2129, %mul3A_2134 : vector<16xf32>
    %broadcast_in_dim3A_2136 = arith.constant 2 : i32
    %broadcast_in_dim3A_2137 = vector.broadcast %broadcast_in_dim3A_2136 : i32 to vector<16xi32>
    %gather3A_2138 = tpu.vector_load_idx %arg9[%add3A_2121, %broadcast_in_dim3A_2137] : memref<512x16xf32, #tpu.memory_space<vmem>>[vector<16xi32>, vector<16xi32>], vector<16xf32>,
    %gather3A_2139 = tpu.vector_load_idx %arg10[%add3A_2121, %broadcast_in_dim3A_2137] : memref<512x16xf32, #tpu.memory_space<vmem>>[vector<16xi32>, vector<16xi32>], vector<16xf32>,
    %mul3A_2140 = arith.mulf %gather3A_2138, %gather3A_2139 : vector<16xf32>
    %add3A_2141 = arith.addf %add3A_2135, %mul3A_2140 : vector<16xf32>
    %broadcast_in_dim3A_2142 = arith.constant 3 : i32
    %broadcast_in_dim3A_2143 = vector.broadcast %broadcast_in_dim3A_2142 : i32 to vector<16xi32>
    %gather3A_2144 = tpu.vector_load_idx %arg9[%add3A_2121, %broadcast_in_dim3A_2143] : memref<512x16xf32, #tpu.memory_space<vmem>>[vector<16xi32>, vector<16xi32>], vector<16xf32>,
    %gather3A_2145 = tpu.vector_load_idx %arg10[%add3A_2121, %broadcast_in_dim3A_2143] : memref<512x16xf32, #tpu.memory_space<vmem>>[vector<16xi32>, vector<16xi32>], vector<16xf32>,
    %mul3A_2146 = arith.mulf %gather3A_2144, %gather3A_2145 : vector<16xf32>
    %add3A_2147 = arith.addf %add3A_2141, %mul3A_2146 : vector<16xf32>
    %broadcast_in_dim3A_2148 = arith.constant 4 : i32
    %broadcast_in_dim3A_2149 = vector.broadcast %broadcast_in_dim3A_2148 : i32 to vector<16xi32>
    %gather3A_2150 = tpu.vector_load_idx %arg9[%add3A_2121, %broadcast_in_dim3A_2149] : memref<512x16xf32, #tpu.memory_space<vmem>>[vector<16xi32>, vector<16xi32>], vector<16xf32>,
    %gather3A_2151 = tpu.vector_load_idx %arg10[%add3A_2121, %broadcast_in_dim3A_2149] : memref<512x16xf32, #tpu.memory_space<vmem>>[vector<16xi32>, vector<16xi32>], vector<16xf32>,
    %mul3A_2152 = arith.mulf %gather3A_2150, %gather3A_2151 : vector<16xf32>
    %add3A_2153 = arith.addf %add3A_2147, %mul3A_2152 : vector<16xf32>
    %broadcast_in_dim3A_2154 = arith.constant 5 : i32
    %broadcast_in_dim3A_2155 = vector.broadcast %broadcast_in_dim3A_2154 : i32 to vector<16xi32>
    %gather3A_2156 = tpu.vector_load_idx %arg9[%add3A_2121, %broadcast_in_dim3A_2155] : memref<512x16xf32, #tpu.memory_space<vmem>>[vector<16xi32>, vector<16xi32>], vector<16xf32>,
    %gather3A_2157 = tpu.vector_load_idx %arg10[%add3A_2121, %broadcast_in_dim3A_2155] : memref<512x16xf32, #tpu.memory_space<vmem>>[vector<16xi32>, vector<16xi32>], vector<16xf32>,
    %mul3A_2158 = arith.mulf %gather3A_2156, %gather3A_2157 : vector<16xf32>
    %add3A_2159 = arith.addf %add3A_2153, %mul3A_2158 : vector<16xf32>
    %broadcast_in_dim3A_2160 = arith.constant 6 : i32
    %broadcast_in_dim3A_2161 = vector.broadcast %broadcast_in_dim3A_2160 : i32 to vector<16xi32>
    %gather3A_2162 = tpu.vector_load_idx %arg9[%add3A_2121, %broadcast_in_dim3A_2161] : memref<512x16xf32, #tpu.memory_space<vmem>>[vector<16xi32>, vector<16xi32>], vector<16xf32>,
    %gather3A_2163 = tpu.vector_load_idx %arg10[%add3A_2121, %broadcast_in_dim3A_2161] : memref<512x16xf32, #tpu.memory_space<vmem>>[vector<16xi32>, vector<16xi32>], vector<16xf32>,
    %mul3A_2164 = arith.mulf %gather3A_2162, %gather3A_2163 : vector<16xf32>
    %add3A_2165 = arith.addf %add3A_2159, %mul3A_2164 : vector<16xf32>
    %broadcast_in_dim3A_2166 = arith.constant 7 : i32
    %broadcast_in_dim3A_2167 = vector.broadcast %broadcast_in_dim3A_2166 : i32 to vector<16xi32>
    %gather3A_2168 = tpu.vector_load_idx %arg9[%add3A_2121, %broadcast_in_dim3A_2167] : memref<512x16xf32, #tpu.memory_space<vmem>>[vector<16xi32>, vector<16xi32>], vector<16xf32>,
    %gather3A_2169 = tpu.vector_load_idx %arg10[%add3A_2121, %broadcast_in_dim3A_2167] : memref<512x16xf32, #tpu.memory_space<vmem>>[vector<16xi32>, vector<16xi32>], vector<16xf32>,
    %mul3A_2170 = arith.mulf %gather3A_2168, %gather3A_2169 : vector<16xf32>
    %add3A_2171 = arith.addf %add3A_2165, %mul3A_2170 : vector<16xf32>
    %broadcast_in_dim3A_2172 = arith.constant 8 : i32
    %broadcast_in_dim3A_2173 = vector.broadcast %broadcast_in_dim3A_2172 : i32 to vector<16xi32>
    %gather3A_2174 = tpu.vector_load_idx %arg9[%add3A_2121, %broadcast_in_dim3A_2173] : memref<512x16xf32, #tpu.memory_space<vmem>>[vector<16xi32>, vector<16xi32>], vector<16xf32>,
    %gather3A_2175 = tpu.vector_load_idx %arg10[%add3A_2121, %broadcast_in_dim3A_2173] : memref<512x16xf32, #tpu.memory_space<vmem>>[vector<16xi32>, vector<16xi32>], vector<16xf32>,
    %mul3A_2176 = arith.mulf %gather3A_2174, %gather3A_2175 : vector<16xf32>
    %add3A_2177 = arith.addf %add3A_2171, %mul3A_2176 : vector<16xf32>
    %broadcast_in_dim3A_2178 = arith.constant 9 : i32
    %broadcast_in_dim3A_2179 = vector.broadcast %broadcast_in_dim3A_2178 : i32 to vector<16xi32>
    %gather3A_2180 = tpu.vector_load_idx %arg9[%add3A_2121, %broadcast_in_dim3A_2179] : memref<512x16xf32, #tpu.memory_space<vmem>>[vector<16xi32>, vector<16xi32>], vector<16xf32>,
    %gather3A_2181 = tpu.vector_load_idx %arg10[%add3A_2121, %broadcast_in_dim3A_2179] : memref<512x16xf32, #tpu.memory_space<vmem>>[vector<16xi32>, vector<16xi32>], vector<16xf32>,
    %mul3A_2182 = arith.mulf %gather3A_2180, %gather3A_2181 : vector<16xf32>
    %add3A_2183 = arith.addf %add3A_2177, %mul3A_2182 : vector<16xf32>
    %broadcast_in_dim3A_2184 = arith.constant 10 : i32
    %broadcast_in_dim3A_2185 = vector.broadcast %broadcast_in_dim3A_2184 : i32 to vector<16xi32>
    %gather3A_2186 = tpu.vector_load_idx %arg9[%add3A_2121, %broadcast_in_dim3A_2185] : memref<512x16xf32, #tpu.memory_space<vmem>>[vector<16xi32>, vector<16xi32>], vector<16xf32>,
    %gather3A_2187 = tpu.vector_load_idx %arg10[%add3A_2121, %broadcast_in_dim3A_2185] : memref<512x16xf32, #tpu.memory_space<vmem>>[vector<16xi32>, vector<16xi32>], vector<16xf32>,
    %mul3A_2188 = arith.mulf %gather3A_2186, %gather3A_2187 : vector<16xf32>
    %add3A_2189 = arith.addf %add3A_2183, %mul3A_2188 : vector<16xf32>
    %broadcast_in_dim3A_2190 = arith.constant 11 : i32
    %broadcast_in_dim3A_2191 = vector.broadcast %broadcast_in_dim3A_2190 : i32 to vector<16xi32>
    %gather3A_2192 = tpu.vector_load_idx %arg9[%add3A_2121, %broadcast_in_dim3A_2191] : memref<512x16xf32, #tpu.memory_space<vmem>>[vector<16xi32>, vector<16xi32>], vector<16xf32>,
    %gather3A_2193 = tpu.vector_load_idx %arg10[%add3A_2121, %broadcast_in_dim3A_2191] : memref<512x16xf32, #tpu.memory_space<vmem>>[vector<16xi32>, vector<16xi32>], vector<16xf32>,
    %mul3A_2194 = arith.mulf %gather3A_2192, %gather3A_2193 : vector<16xf32>
    %add3A_2195 = arith.addf %add3A_2189, %mul3A_2194 : vector<16xf32>
    %broadcast_in_dim3A_2196 = arith.constant 12 : i32
    %broadcast_in_dim3A_2197 = vector.broadcast %broadcast_in_dim3A_2196 : i32 to vector<16xi32>
    %gather3A_2198 = tpu.vector_load_idx %arg9[%add3A_2121, %broadcast_in_dim3A_2197] : memref<512x16xf32, #tpu.memory_space<vmem>>[vector<16xi32>, vector<16xi32>], vector<16xf32>,
    %gather3A_2199 = tpu.vector_load_idx %arg10[%add3A_2121, %broadcast_in_dim3A_2197] : memref<512x16xf32, #tpu.memory_space<vmem>>[vector<16xi32>, vector<16xi32>], vector<16xf32>,
    %mul3A_2200 = arith.mulf %gather3A_2198, %gather3A_2199 : vector<16xf32>
    %add3A_2201 = arith.addf %add3A_2195, %mul3A_2200 : vector<16xf32>
    %broadcast_in_dim3A_2202 = arith.constant 13 : i32
    %broadcast_in_dim3A_2203 = vector.broadcast %broadcast_in_dim3A_2202 : i32 to vector<16xi32>
    %gather3A_2204 = tpu.vector_load_idx %arg9[%add3A_2121, %broadcast_in_dim3A_2203] : memref<512x16xf32, #tpu.memory_space<vmem>>[vector<16xi32>, vector<16xi32>], vector<16xf32>,
    %gather3A_2205 = tpu.vector_load_idx %arg10[%add3A_2121, %broadcast_in_dim3A_2203] : memref<512x16xf32, #tpu.memory_space<vmem>>[vector<16xi32>, vector<16xi32>], vector<16xf32>,
    %mul3A_2206 = arith.mulf %gather3A_2204, %gather3A_2205 : vector<16xf32>
    %add3A_2207 = arith.addf %add3A_2201, %mul3A_2206 : vector<16xf32>
    %broadcast_in_dim3A_2208 = arith.constant 14 : i32
    %broadcast_in_dim3A_2209 = vector.broadcast %broadcast_in_dim3A_2208 : i32 to vector<16xi32>
    %gather3A_2210 = tpu.vector_load_idx %arg9[%add3A_2121, %broadcast_in_dim3A_2209] : memref<512x16xf32, #tpu.memory_space<vmem>>[vector<16xi32>, vector<16xi32>], vector<16xf32>,
    %gather3A_2211 = tpu.vector_load_idx %arg10[%add3A_2121, %broadcast_in_dim3A_2209] : memref<512x16xf32, #tpu.memory_space<vmem>>[vector<16xi32>, vector<16xi32>], vector<16xf32>,
    %mul3A_2212 = arith.mulf %gather3A_2210, %gather3A_2211 : vector<16xf32>
    %add3A_2213 = arith.addf %add3A_2207, %mul3A_2212 : vector<16xf32>
    %broadcast_in_dim3A_2214 = arith.constant 15 : i32
    %broadcast_in_dim3A_2215 = vector.broadcast %broadcast_in_dim3A_2214 : i32 to vector<16xi32>
    %gather3A_2216 = tpu.vector_load_idx %arg9[%add3A_2121, %broadcast_in_dim3A_2215] : memref<512x16xf32, #tpu.memory_space<vmem>>[vector<16xi32>, vector<16xi32>], vector<16xf32>,
    %gather3A_2217 = tpu.vector_load_idx %arg10[%add3A_2121, %broadcast_in_dim3A_2215] : memref<512x16xf32, #tpu.memory_space<vmem>>[vector<16xi32>, vector<16xi32>], vector<16xf32>,
    %mul3A_2218 = arith.mulf %gather3A_2216, %gather3A_2217 : vector<16xf32>
    %add3A_2219 = arith.addf %add3A_2213, %mul3A_2218 : vector<16xf32>
    %swap3A_2220 = arith.constant 304 : index
    %swap3A_2221 = tpu.vector_load %arg11[%swap3A_2220] {strides = array<i32>} : memref<512xf32, #tpu.memory_space<vmem>>, vector<16xf32>,
    tpu.vector_store %arg11[%swap3A_2220], %add3A_2219 {strides = array<i32>} : memref<512xf32, #tpu.memory_space<vmem>>, vector<16xf32>,
    %add3A_2222 = arith.constant 320 : i32
    %add3A_2223 = vector.broadcast %add3A_2222 : i32 to vector<16xi32>
    %add3A_2224 = arith.addi %add3A_2223, %iota3A : vector<16xi32>
    %broadcast_in_dim3A_2225 = arith.constant 0.000000e+00 : f32
    %broadcast_in_dim3A_2226 = vector.broadcast %broadcast_in_dim3A_2225 : f32 to vector<16xf32>
    %broadcast_in_dim3A_2227 = arith.constant 0 : i32
    %broadcast_in_dim3A_2228 = vector.broadcast %broadcast_in_dim3A_2227 : i32 to vector<16xi32>
    %gather3A_2229 = tpu.vector_load_idx %arg9[%add3A_2224, %broadcast_in_dim3A_2228] : memref<512x16xf32, #tpu.memory_space<vmem>>[vector<16xi32>, vector<16xi32>], vector<16xf32>,
    %gather3A_2230 = tpu.vector_load_idx %arg10[%add3A_2224, %broadcast_in_dim3A_2228] : memref<512x16xf32, #tpu.memory_space<vmem>>[vector<16xi32>, vector<16xi32>], vector<16xf32>,
    %mul3A_2231 = arith.mulf %gather3A_2229, %gather3A_2230 : vector<16xf32>
    %add3A_2232 = arith.addf %broadcast_in_dim3A_2226, %mul3A_2231 : vector<16xf32>
    %broadcast_in_dim3A_2233 = arith.constant 1 : i32
    %broadcast_in_dim3A_2234 = vector.broadcast %broadcast_in_dim3A_2233 : i32 to vector<16xi32>
    %gather3A_2235 = tpu.vector_load_idx %arg9[%add3A_2224, %broadcast_in_dim3A_2234] : memref<512x16xf32, #tpu.memory_space<vmem>>[vector<16xi32>, vector<16xi32>], vector<16xf32>,
    %gather3A_2236 = tpu.vector_load_idx %arg10[%add3A_2224, %broadcast_in_dim3A_2234] : memref<512x16xf32, #tpu.memory_space<vmem>>[vector<16xi32>, vector<16xi32>], vector<16xf32>,
    %mul3A_2237 = arith.mulf %gather3A_2235, %gather3A_2236 : vector<16xf32>
    %add3A_2238 = arith.addf %add3A_2232, %mul3A_2237 : vector<16xf32>
    %broadcast_in_dim3A_2239 = arith.constant 2 : i32
    %broadcast_in_dim3A_2240 = vector.broadcast %broadcast_in_dim3A_2239 : i32 to vector<16xi32>
    %gather3A_2241 = tpu.vector_load_idx %arg9[%add3A_2224, %broadcast_in_dim3A_2240] : memref<512x16xf32, #tpu.memory_space<vmem>>[vector<16xi32>, vector<16xi32>], vector<16xf32>,
    %gather3A_2242 = tpu.vector_load_idx %arg10[%add3A_2224, %broadcast_in_dim3A_2240] : memref<512x16xf32, #tpu.memory_space<vmem>>[vector<16xi32>, vector<16xi32>], vector<16xf32>,
    %mul3A_2243 = arith.mulf %gather3A_2241, %gather3A_2242 : vector<16xf32>
    %add3A_2244 = arith.addf %add3A_2238, %mul3A_2243 : vector<16xf32>
    %broadcast_in_dim3A_2245 = arith.constant 3 : i32
    %broadcast_in_dim3A_2246 = vector.broadcast %broadcast_in_dim3A_2245 : i32 to vector<16xi32>
    %gather3A_2247 = tpu.vector_load_idx %arg9[%add3A_2224, %broadcast_in_dim3A_2246] : memref<512x16xf32, #tpu.memory_space<vmem>>[vector<16xi32>, vector<16xi32>], vector<16xf32>,
    %gather3A_2248 = tpu.vector_load_idx %arg10[%add3A_2224, %broadcast_in_dim3A_2246] : memref<512x16xf32, #tpu.memory_space<vmem>>[vector<16xi32>, vector<16xi32>], vector<16xf32>,
    %mul3A_2249 = arith.mulf %gather3A_2247, %gather3A_2248 : vector<16xf32>
    %add3A_2250 = arith.addf %add3A_2244, %mul3A_2249 : vector<16xf32>
    %broadcast_in_dim3A_2251 = arith.constant 4 : i32
    %broadcast_in_dim3A_2252 = vector.broadcast %broadcast_in_dim3A_2251 : i32 to vector<16xi32>
    %gather3A_2253 = tpu.vector_load_idx %arg9[%add3A_2224, %broadcast_in_dim3A_2252] : memref<512x16xf32, #tpu.memory_space<vmem>>[vector<16xi32>, vector<16xi32>], vector<16xf32>,
    %gather3A_2254 = tpu.vector_load_idx %arg10[%add3A_2224, %broadcast_in_dim3A_2252] : memref<512x16xf32, #tpu.memory_space<vmem>>[vector<16xi32>, vector<16xi32>], vector<16xf32>,
    %mul3A_2255 = arith.mulf %gather3A_2253, %gather3A_2254 : vector<16xf32>
    %add3A_2256 = arith.addf %add3A_2250, %mul3A_2255 : vector<16xf32>
    %broadcast_in_dim3A_2257 = arith.constant 5 : i32
    %broadcast_in_dim3A_2258 = vector.broadcast %broadcast_in_dim3A_2257 : i32 to vector<16xi32>
    %gather3A_2259 = tpu.vector_load_idx %arg9[%add3A_2224, %broadcast_in_dim3A_2258] : memref<512x16xf32, #tpu.memory_space<vmem>>[vector<16xi32>, vector<16xi32>], vector<16xf32>,
    %gather3A_2260 = tpu.vector_load_idx %arg10[%add3A_2224, %broadcast_in_dim3A_2258] : memref<512x16xf32, #tpu.memory_space<vmem>>[vector<16xi32>, vector<16xi32>], vector<16xf32>,
    %mul3A_2261 = arith.mulf %gather3A_2259, %gather3A_2260 : vector<16xf32>
    %add3A_2262 = arith.addf %add3A_2256, %mul3A_2261 : vector<16xf32>
    %broadcast_in_dim3A_2263 = arith.constant 6 : i32
    %broadcast_in_dim3A_2264 = vector.broadcast %broadcast_in_dim3A_2263 : i32 to vector<16xi32>
    %gather3A_2265 = tpu.vector_load_idx %arg9[%add3A_2224, %broadcast_in_dim3A_2264] : memref<512x16xf32, #tpu.memory_space<vmem>>[vector<16xi32>, vector<16xi32>], vector<16xf32>,
    %gather3A_2266 = tpu.vector_load_idx %arg10[%add3A_2224, %broadcast_in_dim3A_2264] : memref<512x16xf32, #tpu.memory_space<vmem>>[vector<16xi32>, vector<16xi32>], vector<16xf32>,
    %mul3A_2267 = arith.mulf %gather3A_2265, %gather3A_2266 : vector<16xf32>
    %add3A_2268 = arith.addf %add3A_2262, %mul3A_2267 : vector<16xf32>
    %broadcast_in_dim3A_2269 = arith.constant 7 : i32
    %broadcast_in_dim3A_2270 = vector.broadcast %broadcast_in_dim3A_2269 : i32 to vector<16xi32>
    %gather3A_2271 = tpu.vector_load_idx %arg9[%add3A_2224, %broadcast_in_dim3A_2270] : memref<512x16xf32, #tpu.memory_space<vmem>>[vector<16xi32>, vector<16xi32>], vector<16xf32>,
    %gather3A_2272 = tpu.vector_load_idx %arg10[%add3A_2224, %broadcast_in_dim3A_2270] : memref<512x16xf32, #tpu.memory_space<vmem>>[vector<16xi32>, vector<16xi32>], vector<16xf32>,
    %mul3A_2273 = arith.mulf %gather3A_2271, %gather3A_2272 : vector<16xf32>
    %add3A_2274 = arith.addf %add3A_2268, %mul3A_2273 : vector<16xf32>
    %broadcast_in_dim3A_2275 = arith.constant 8 : i32
    %broadcast_in_dim3A_2276 = vector.broadcast %broadcast_in_dim3A_2275 : i32 to vector<16xi32>
    %gather3A_2277 = tpu.vector_load_idx %arg9[%add3A_2224, %broadcast_in_dim3A_2276] : memref<512x16xf32, #tpu.memory_space<vmem>>[vector<16xi32>, vector<16xi32>], vector<16xf32>,
    %gather3A_2278 = tpu.vector_load_idx %arg10[%add3A_2224, %broadcast_in_dim3A_2276] : memref<512x16xf32, #tpu.memory_space<vmem>>[vector<16xi32>, vector<16xi32>], vector<16xf32>,
    %mul3A_2279 = arith.mulf %gather3A_2277, %gather3A_2278 : vector<16xf32>
    %add3A_2280 = arith.addf %add3A_2274, %mul3A_2279 : vector<16xf32>
    %broadcast_in_dim3A_2281 = arith.constant 9 : i32
    %broadcast_in_dim3A_2282 = vector.broadcast %broadcast_in_dim3A_2281 : i32 to vector<16xi32>
    %gather3A_2283 = tpu.vector_load_idx %arg9[%add3A_2224, %broadcast_in_dim3A_2282] : memref<512x16xf32, #tpu.memory_space<vmem>>[vector<16xi32>, vector<16xi32>], vector<16xf32>,
    %gather3A_2284 = tpu.vector_load_idx %arg10[%add3A_2224, %broadcast_in_dim3A_2282] : memref<512x16xf32, #tpu.memory_space<vmem>>[vector<16xi32>, vector<16xi32>], vector<16xf32>,
    %mul3A_2285 = arith.mulf %gather3A_2283, %gather3A_2284 : vector<16xf32>
    %add3A_2286 = arith.addf %add3A_2280, %mul3A_2285 : vector<16xf32>
    %broadcast_in_dim3A_2287 = arith.constant 10 : i32
    %broadcast_in_dim3A_2288 = vector.broadcast %broadcast_in_dim3A_2287 : i32 to vector<16xi32>
    %gather3A_2289 = tpu.vector_load_idx %arg9[%add3A_2224, %broadcast_in_dim3A_2288] : memref<512x16xf32, #tpu.memory_space<vmem>>[vector<16xi32>, vector<16xi32>], vector<16xf32>,
    %gather3A_2290 = tpu.vector_load_idx %arg10[%add3A_2224, %broadcast_in_dim3A_2288] : memref<512x16xf32, #tpu.memory_space<vmem>>[vector<16xi32>, vector<16xi32>], vector<16xf32>,
    %mul3A_2291 = arith.mulf %gather3A_2289, %gather3A_2290 : vector<16xf32>
    %add3A_2292 = arith.addf %add3A_2286, %mul3A_2291 : vector<16xf32>
    %broadcast_in_dim3A_2293 = arith.constant 11 : i32
    %broadcast_in_dim3A_2294 = vector.broadcast %broadcast_in_dim3A_2293 : i32 to vector<16xi32>
    %gather3A_2295 = tpu.vector_load_idx %arg9[%add3A_2224, %broadcast_in_dim3A_2294] : memref<512x16xf32, #tpu.memory_space<vmem>>[vector<16xi32>, vector<16xi32>], vector<16xf32>,
    %gather3A_2296 = tpu.vector_load_idx %arg10[%add3A_2224, %broadcast_in_dim3A_2294] : memref<512x16xf32, #tpu.memory_space<vmem>>[vector<16xi32>, vector<16xi32>], vector<16xf32>,
    %mul3A_2297 = arith.mulf %gather3A_2295, %gather3A_2296 : vector<16xf32>
    %add3A_2298 = arith.addf %add3A_2292, %mul3A_2297 : vector<16xf32>
    %broadcast_in_dim3A_2299 = arith.constant 12 : i32
    %broadcast_in_dim3A_2300 = vector.broadcast %broadcast_in_dim3A_2299 : i32 to vector<16xi32>
    %gather3A_2301 = tpu.vector_load_idx %arg9[%add3A_2224, %broadcast_in_dim3A_2300] : memref<512x16xf32, #tpu.memory_space<vmem>>[vector<16xi32>, vector<16xi32>], vector<16xf32>,
    %gather3A_2302 = tpu.vector_load_idx %arg10[%add3A_2224, %broadcast_in_dim3A_2300] : memref<512x16xf32, #tpu.memory_space<vmem>>[vector<16xi32>, vector<16xi32>], vector<16xf32>,
    %mul3A_2303 = arith.mulf %gather3A_2301, %gather3A_2302 : vector<16xf32>
    %add3A_2304 = arith.addf %add3A_2298, %mul3A_2303 : vector<16xf32>
    %broadcast_in_dim3A_2305 = arith.constant 13 : i32
    %broadcast_in_dim3A_2306 = vector.broadcast %broadcast_in_dim3A_2305 : i32 to vector<16xi32>
    %gather3A_2307 = tpu.vector_load_idx %arg9[%add3A_2224, %broadcast_in_dim3A_2306] : memref<512x16xf32, #tpu.memory_space<vmem>>[vector<16xi32>, vector<16xi32>], vector<16xf32>,
    %gather3A_2308 = tpu.vector_load_idx %arg10[%add3A_2224, %broadcast_in_dim3A_2306] : memref<512x16xf32, #tpu.memory_space<vmem>>[vector<16xi32>, vector<16xi32>], vector<16xf32>,
    %mul3A_2309 = arith.mulf %gather3A_2307, %gather3A_2308 : vector<16xf32>
    %add3A_2310 = arith.addf %add3A_2304, %mul3A_2309 : vector<16xf32>
    %broadcast_in_dim3A_2311 = arith.constant 14 : i32
    %broadcast_in_dim3A_2312 = vector.broadcast %broadcast_in_dim3A_2311 : i32 to vector<16xi32>
    %gather3A_2313 = tpu.vector_load_idx %arg9[%add3A_2224, %broadcast_in_dim3A_2312] : memref<512x16xf32, #tpu.memory_space<vmem>>[vector<16xi32>, vector<16xi32>], vector<16xf32>,
    %gather3A_2314 = tpu.vector_load_idx %arg10[%add3A_2224, %broadcast_in_dim3A_2312] : memref<512x16xf32, #tpu.memory_space<vmem>>[vector<16xi32>, vector<16xi32>], vector<16xf32>,
    %mul3A_2315 = arith.mulf %gather3A_2313, %gather3A_2314 : vector<16xf32>
    %add3A_2316 = arith.addf %add3A_2310, %mul3A_2315 : vector<16xf32>
    %broadcast_in_dim3A_2317 = arith.constant 15 : i32
    %broadcast_in_dim3A_2318 = vector.broadcast %broadcast_in_dim3A_2317 : i32 to vector<16xi32>
    %gather3A_2319 = tpu.vector_load_idx %arg9[%add3A_2224, %broadcast_in_dim3A_2318] : memref<512x16xf32, #tpu.memory_space<vmem>>[vector<16xi32>, vector<16xi32>], vector<16xf32>,
    %gather3A_2320 = tpu.vector_load_idx %arg10[%add3A_2224, %broadcast_in_dim3A_2318] : memref<512x16xf32, #tpu.memory_space<vmem>>[vector<16xi32>, vector<16xi32>], vector<16xf32>,
    %mul3A_2321 = arith.mulf %gather3A_2319, %gather3A_2320 : vector<16xf32>
    %add3A_2322 = arith.addf %add3A_2316, %mul3A_2321 : vector<16xf32>
    %swap3A_2323 = arith.constant 320 : index
    %swap3A_2324 = tpu.vector_load %arg11[%swap3A_2323] {strides = array<i32>} : memref<512xf32, #tpu.memory_space<vmem>>, vector<16xf32>,
    tpu.vector_store %arg11[%swap3A_2323], %add3A_2322 {strides = array<i32>} : memref<512xf32, #tpu.memory_space<vmem>>, vector<16xf32>,
    %add3A_2325 = arith.constant 336 : i32
    %add3A_2326 = vector.broadcast %add3A_2325 : i32 to vector<16xi32>
    %add3A_2327 = arith.addi %add3A_2326, %iota3A : vector<16xi32>
    %broadcast_in_dim3A_2328 = arith.constant 0.000000e+00 : f32
    %broadcast_in_dim3A_2329 = vector.broadcast %broadcast_in_dim3A_2328 : f32 to vector<16xf32>
    %broadcast_in_dim3A_2330 = arith.constant 0 : i32
    %broadcast_in_dim3A_2331 = vector.broadcast %broadcast_in_dim3A_2330 : i32 to vector<16xi32>
    %gather3A_2332 = tpu.vector_load_idx %arg9[%add3A_2327, %broadcast_in_dim3A_2331] : memref<512x16xf32, #tpu.memory_space<vmem>>[vector<16xi32>, vector<16xi32>], vector<16xf32>,
    %gather3A_2333 = tpu.vector_load_idx %arg10[%add3A_2327, %broadcast_in_dim3A_2331] : memref<512x16xf32, #tpu.memory_space<vmem>>[vector<16xi32>, vector<16xi32>], vector<16xf32>,
    %mul3A_2334 = arith.mulf %gather3A_2332, %gather3A_2333 : vector<16xf32>
    %add3A_2335 = arith.addf %broadcast_in_dim3A_2329, %mul3A_2334 : vector<16xf32>
    %broadcast_in_dim3A_2336 = arith.constant 1 : i32
    %broadcast_in_dim3A_2337 = vector.broadcast %broadcast_in_dim3A_2336 : i32 to vector<16xi32>
    %gather3A_2338 = tpu.vector_load_idx %arg9[%add3A_2327, %broadcast_in_dim3A_2337] : memref<512x16xf32, #tpu.memory_space<vmem>>[vector<16xi32>, vector<16xi32>], vector<16xf32>,
    %gather3A_2339 = tpu.vector_load_idx %arg10[%add3A_2327, %broadcast_in_dim3A_2337] : memref<512x16xf32, #tpu.memory_space<vmem>>[vector<16xi32>, vector<16xi32>], vector<16xf32>,
    %mul3A_2340 = arith.mulf %gather3A_2338, %gather3A_2339 : vector<16xf32>
    %add3A_2341 = arith.addf %add3A_2335, %mul3A_2340 : vector<16xf32>
    %broadcast_in_dim3A_2342 = arith.constant 2 : i32
    %broadcast_in_dim3A_2343 = vector.broadcast %broadcast_in_dim3A_2342 : i32 to vector<16xi32>
    %gather3A_2344 = tpu.vector_load_idx %arg9[%add3A_2327, %broadcast_in_dim3A_2343] : memref<512x16xf32, #tpu.memory_space<vmem>>[vector<16xi32>, vector<16xi32>], vector<16xf32>,
    %gather3A_2345 = tpu.vector_load_idx %arg10[%add3A_2327, %broadcast_in_dim3A_2343] : memref<512x16xf32, #tpu.memory_space<vmem>>[vector<16xi32>, vector<16xi32>], vector<16xf32>,
    %mul3A_2346 = arith.mulf %gather3A_2344, %gather3A_2345 : vector<16xf32>
    %add3A_2347 = arith.addf %add3A_2341, %mul3A_2346 : vector<16xf32>
    %broadcast_in_dim3A_2348 = arith.constant 3 : i32
    %broadcast_in_dim3A_2349 = vector.broadcast %broadcast_in_dim3A_2348 : i32 to vector<16xi32>
    %gather3A_2350 = tpu.vector_load_idx %arg9[%add3A_2327, %broadcast_in_dim3A_2349] : memref<512x16xf32, #tpu.memory_space<vmem>>[vector<16xi32>, vector<16xi32>], vector<16xf32>,
    %gather3A_2351 = tpu.vector_load_idx %arg10[%add3A_2327, %broadcast_in_dim3A_2349] : memref<512x16xf32, #tpu.memory_space<vmem>>[vector<16xi32>, vector<16xi32>], vector<16xf32>,
    %mul3A_2352 = arith.mulf %gather3A_2350, %gather3A_2351 : vector<16xf32>
    %add3A_2353 = arith.addf %add3A_2347, %mul3A_2352 : vector<16xf32>
    %broadcast_in_dim3A_2354 = arith.constant 4 : i32
    %broadcast_in_dim3A_2355 = vector.broadcast %broadcast_in_dim3A_2354 : i32 to vector<16xi32>
    %gather3A_2356 = tpu.vector_load_idx %arg9[%add3A_2327, %broadcast_in_dim3A_2355] : memref<512x16xf32, #tpu.memory_space<vmem>>[vector<16xi32>, vector<16xi32>], vector<16xf32>,
    %gather3A_2357 = tpu.vector_load_idx %arg10[%add3A_2327, %broadcast_in_dim3A_2355] : memref<512x16xf32, #tpu.memory_space<vmem>>[vector<16xi32>, vector<16xi32>], vector<16xf32>,
    %mul3A_2358 = arith.mulf %gather3A_2356, %gather3A_2357 : vector<16xf32>
    %add3A_2359 = arith.addf %add3A_2353, %mul3A_2358 : vector<16xf32>
    %broadcast_in_dim3A_2360 = arith.constant 5 : i32
    %broadcast_in_dim3A_2361 = vector.broadcast %broadcast_in_dim3A_2360 : i32 to vector<16xi32>
    %gather3A_2362 = tpu.vector_load_idx %arg9[%add3A_2327, %broadcast_in_dim3A_2361] : memref<512x16xf32, #tpu.memory_space<vmem>>[vector<16xi32>, vector<16xi32>], vector<16xf32>,
    %gather3A_2363 = tpu.vector_load_idx %arg10[%add3A_2327, %broadcast_in_dim3A_2361] : memref<512x16xf32, #tpu.memory_space<vmem>>[vector<16xi32>, vector<16xi32>], vector<16xf32>,
    %mul3A_2364 = arith.mulf %gather3A_2362, %gather3A_2363 : vector<16xf32>
    %add3A_2365 = arith.addf %add3A_2359, %mul3A_2364 : vector<16xf32>
    %broadcast_in_dim3A_2366 = arith.constant 6 : i32
    %broadcast_in_dim3A_2367 = vector.broadcast %broadcast_in_dim3A_2366 : i32 to vector<16xi32>
    %gather3A_2368 = tpu.vector_load_idx %arg9[%add3A_2327, %broadcast_in_dim3A_2367] : memref<512x16xf32, #tpu.memory_space<vmem>>[vector<16xi32>, vector<16xi32>], vector<16xf32>,
    %gather3A_2369 = tpu.vector_load_idx %arg10[%add3A_2327, %broadcast_in_dim3A_2367] : memref<512x16xf32, #tpu.memory_space<vmem>>[vector<16xi32>, vector<16xi32>], vector<16xf32>,
    %mul3A_2370 = arith.mulf %gather3A_2368, %gather3A_2369 : vector<16xf32>
    %add3A_2371 = arith.addf %add3A_2365, %mul3A_2370 : vector<16xf32>
    %broadcast_in_dim3A_2372 = arith.constant 7 : i32
    %broadcast_in_dim3A_2373 = vector.broadcast %broadcast_in_dim3A_2372 : i32 to vector<16xi32>
    %gather3A_2374 = tpu.vector_load_idx %arg9[%add3A_2327, %broadcast_in_dim3A_2373] : memref<512x16xf32, #tpu.memory_space<vmem>>[vector<16xi32>, vector<16xi32>], vector<16xf32>,
    %gather3A_2375 = tpu.vector_load_idx %arg10[%add3A_2327, %broadcast_in_dim3A_2373] : memref<512x16xf32, #tpu.memory_space<vmem>>[vector<16xi32>, vector<16xi32>], vector<16xf32>,
    %mul3A_2376 = arith.mulf %gather3A_2374, %gather3A_2375 : vector<16xf32>
    %add3A_2377 = arith.addf %add3A_2371, %mul3A_2376 : vector<16xf32>
    %broadcast_in_dim3A_2378 = arith.constant 8 : i32
    %broadcast_in_dim3A_2379 = vector.broadcast %broadcast_in_dim3A_2378 : i32 to vector<16xi32>
    %gather3A_2380 = tpu.vector_load_idx %arg9[%add3A_2327, %broadcast_in_dim3A_2379] : memref<512x16xf32, #tpu.memory_space<vmem>>[vector<16xi32>, vector<16xi32>], vector<16xf32>,
    %gather3A_2381 = tpu.vector_load_idx %arg10[%add3A_2327, %broadcast_in_dim3A_2379] : memref<512x16xf32, #tpu.memory_space<vmem>>[vector<16xi32>, vector<16xi32>], vector<16xf32>,
    %mul3A_2382 = arith.mulf %gather3A_2380, %gather3A_2381 : vector<16xf32>
    %add3A_2383 = arith.addf %add3A_2377, %mul3A_2382 : vector<16xf32>
    %broadcast_in_dim3A_2384 = arith.constant 9 : i32
    %broadcast_in_dim3A_2385 = vector.broadcast %broadcast_in_dim3A_2384 : i32 to vector<16xi32>
    %gather3A_2386 = tpu.vector_load_idx %arg9[%add3A_2327, %broadcast_in_dim3A_2385] : memref<512x16xf32, #tpu.memory_space<vmem>>[vector<16xi32>, vector<16xi32>], vector<16xf32>,
    %gather3A_2387 = tpu.vector_load_idx %arg10[%add3A_2327, %broadcast_in_dim3A_2385] : memref<512x16xf32, #tpu.memory_space<vmem>>[vector<16xi32>, vector<16xi32>], vector<16xf32>,
    %mul3A_2388 = arith.mulf %gather3A_2386, %gather3A_2387 : vector<16xf32>
    %add3A_2389 = arith.addf %add3A_2383, %mul3A_2388 : vector<16xf32>
    %broadcast_in_dim3A_2390 = arith.constant 10 : i32
    %broadcast_in_dim3A_2391 = vector.broadcast %broadcast_in_dim3A_2390 : i32 to vector<16xi32>
    %gather3A_2392 = tpu.vector_load_idx %arg9[%add3A_2327, %broadcast_in_dim3A_2391] : memref<512x16xf32, #tpu.memory_space<vmem>>[vector<16xi32>, vector<16xi32>], vector<16xf32>,
    %gather3A_2393 = tpu.vector_load_idx %arg10[%add3A_2327, %broadcast_in_dim3A_2391] : memref<512x16xf32, #tpu.memory_space<vmem>>[vector<16xi32>, vector<16xi32>], vector<16xf32>,
    %mul3A_2394 = arith.mulf %gather3A_2392, %gather3A_2393 : vector<16xf32>
    %add3A_2395 = arith.addf %add3A_2389, %mul3A_2394 : vector<16xf32>
    %broadcast_in_dim3A_2396 = arith.constant 11 : i32
    %broadcast_in_dim3A_2397 = vector.broadcast %broadcast_in_dim3A_2396 : i32 to vector<16xi32>
    %gather3A_2398 = tpu.vector_load_idx %arg9[%add3A_2327, %broadcast_in_dim3A_2397] : memref<512x16xf32, #tpu.memory_space<vmem>>[vector<16xi32>, vector<16xi32>], vector<16xf32>,
    %gather3A_2399 = tpu.vector_load_idx %arg10[%add3A_2327, %broadcast_in_dim3A_2397] : memref<512x16xf32, #tpu.memory_space<vmem>>[vector<16xi32>, vector<16xi32>], vector<16xf32>,
    %mul3A_2400 = arith.mulf %gather3A_2398, %gather3A_2399 : vector<16xf32>
    %add3A_2401 = arith.addf %add3A_2395, %mul3A_2400 : vector<16xf32>
    %broadcast_in_dim3A_2402 = arith.constant 12 : i32
    %broadcast_in_dim3A_2403 = vector.broadcast %broadcast_in_dim3A_2402 : i32 to vector<16xi32>
    %gather3A_2404 = tpu.vector_load_idx %arg9[%add3A_2327, %broadcast_in_dim3A_2403] : memref<512x16xf32, #tpu.memory_space<vmem>>[vector<16xi32>, vector<16xi32>], vector<16xf32>,
    %gather3A_2405 = tpu.vector_load_idx %arg10[%add3A_2327, %broadcast_in_dim3A_2403] : memref<512x16xf32, #tpu.memory_space<vmem>>[vector<16xi32>, vector<16xi32>], vector<16xf32>,
    %mul3A_2406 = arith.mulf %gather3A_2404, %gather3A_2405 : vector<16xf32>
    %add3A_2407 = arith.addf %add3A_2401, %mul3A_2406 : vector<16xf32>
    %broadcast_in_dim3A_2408 = arith.constant 13 : i32
    %broadcast_in_dim3A_2409 = vector.broadcast %broadcast_in_dim3A_2408 : i32 to vector<16xi32>
    %gather3A_2410 = tpu.vector_load_idx %arg9[%add3A_2327, %broadcast_in_dim3A_2409] : memref<512x16xf32, #tpu.memory_space<vmem>>[vector<16xi32>, vector<16xi32>], vector<16xf32>,
    %gather3A_2411 = tpu.vector_load_idx %arg10[%add3A_2327, %broadcast_in_dim3A_2409] : memref<512x16xf32, #tpu.memory_space<vmem>>[vector<16xi32>, vector<16xi32>], vector<16xf32>,
    %mul3A_2412 = arith.mulf %gather3A_2410, %gather3A_2411 : vector<16xf32>
    %add3A_2413 = arith.addf %add3A_2407, %mul3A_2412 : vector<16xf32>
    %broadcast_in_dim3A_2414 = arith.constant 14 : i32
    %broadcast_in_dim3A_2415 = vector.broadcast %broadcast_in_dim3A_2414 : i32 to vector<16xi32>
    %gather3A_2416 = tpu.vector_load_idx %arg9[%add3A_2327, %broadcast_in_dim3A_2415] : memref<512x16xf32, #tpu.memory_space<vmem>>[vector<16xi32>, vector<16xi32>], vector<16xf32>,
    %gather3A_2417 = tpu.vector_load_idx %arg10[%add3A_2327, %broadcast_in_dim3A_2415] : memref<512x16xf32, #tpu.memory_space<vmem>>[vector<16xi32>, vector<16xi32>], vector<16xf32>,
    %mul3A_2418 = arith.mulf %gather3A_2416, %gather3A_2417 : vector<16xf32>
    %add3A_2419 = arith.addf %add3A_2413, %mul3A_2418 : vector<16xf32>
    %broadcast_in_dim3A_2420 = arith.constant 15 : i32
    %broadcast_in_dim3A_2421 = vector.broadcast %broadcast_in_dim3A_2420 : i32 to vector<16xi32>
    %gather3A_2422 = tpu.vector_load_idx %arg9[%add3A_2327, %broadcast_in_dim3A_2421] : memref<512x16xf32, #tpu.memory_space<vmem>>[vector<16xi32>, vector<16xi32>], vector<16xf32>,
    %gather3A_2423 = tpu.vector_load_idx %arg10[%add3A_2327, %broadcast_in_dim3A_2421] : memref<512x16xf32, #tpu.memory_space<vmem>>[vector<16xi32>, vector<16xi32>], vector<16xf32>,
    %mul3A_2424 = arith.mulf %gather3A_2422, %gather3A_2423 : vector<16xf32>
    %add3A_2425 = arith.addf %add3A_2419, %mul3A_2424 : vector<16xf32>
    %swap3A_2426 = arith.constant 336 : index
    %swap3A_2427 = tpu.vector_load %arg11[%swap3A_2426] {strides = array<i32>} : memref<512xf32, #tpu.memory_space<vmem>>, vector<16xf32>,
    tpu.vector_store %arg11[%swap3A_2426], %add3A_2425 {strides = array<i32>} : memref<512xf32, #tpu.memory_space<vmem>>, vector<16xf32>,
    %add3A_2428 = arith.constant 352 : i32
    %add3A_2429 = vector.broadcast %add3A_2428 : i32 to vector<16xi32>
    %add3A_2430 = arith.addi %add3A_2429, %iota3A : vector<16xi32>
    %broadcast_in_dim3A_2431 = arith.constant 0.000000e+00 : f32
    %broadcast_in_dim3A_2432 = vector.broadcast %broadcast_in_dim3A_2431 : f32 to vector<16xf32>
    %broadcast_in_dim3A_2433 = arith.constant 0 : i32
    %broadcast_in_dim3A_2434 = vector.broadcast %broadcast_in_dim3A_2433 : i32 to vector<16xi32>
    %gather3A_2435 = tpu.vector_load_idx %arg9[%add3A_2430, %broadcast_in_dim3A_2434] : memref<512x16xf32, #tpu.memory_space<vmem>>[vector<16xi32>, vector<16xi32>], vector<16xf32>,
    %gather3A_2436 = tpu.vector_load_idx %arg10[%add3A_2430, %broadcast_in_dim3A_2434] : memref<512x16xf32, #tpu.memory_space<vmem>>[vector<16xi32>, vector<16xi32>], vector<16xf32>,
    %mul3A_2437 = arith.mulf %gather3A_2435, %gather3A_2436 : vector<16xf32>
    %add3A_2438 = arith.addf %broadcast_in_dim3A_2432, %mul3A_2437 : vector<16xf32>
    %broadcast_in_dim3A_2439 = arith.constant 1 : i32
    %broadcast_in_dim3A_2440 = vector.broadcast %broadcast_in_dim3A_2439 : i32 to vector<16xi32>
    %gather3A_2441 = tpu.vector_load_idx %arg9[%add3A_2430, %broadcast_in_dim3A_2440] : memref<512x16xf32, #tpu.memory_space<vmem>>[vector<16xi32>, vector<16xi32>], vector<16xf32>,
    %gather3A_2442 = tpu.vector_load_idx %arg10[%add3A_2430, %broadcast_in_dim3A_2440] : memref<512x16xf32, #tpu.memory_space<vmem>>[vector<16xi32>, vector<16xi32>], vector<16xf32>,
    %mul3A_2443 = arith.mulf %gather3A_2441, %gather3A_2442 : vector<16xf32>
    %add3A_2444 = arith.addf %add3A_2438, %mul3A_2443 : vector<16xf32>
    %broadcast_in_dim3A_2445 = arith.constant 2 : i32
    %broadcast_in_dim3A_2446 = vector.broadcast %broadcast_in_dim3A_2445 : i32 to vector<16xi32>
    %gather3A_2447 = tpu.vector_load_idx %arg9[%add3A_2430, %broadcast_in_dim3A_2446] : memref<512x16xf32, #tpu.memory_space<vmem>>[vector<16xi32>, vector<16xi32>], vector<16xf32>,
    %gather3A_2448 = tpu.vector_load_idx %arg10[%add3A_2430, %broadcast_in_dim3A_2446] : memref<512x16xf32, #tpu.memory_space<vmem>>[vector<16xi32>, vector<16xi32>], vector<16xf32>,
    %mul3A_2449 = arith.mulf %gather3A_2447, %gather3A_2448 : vector<16xf32>
    %add3A_2450 = arith.addf %add3A_2444, %mul3A_2449 : vector<16xf32>
    %broadcast_in_dim3A_2451 = arith.constant 3 : i32
    %broadcast_in_dim3A_2452 = vector.broadcast %broadcast_in_dim3A_2451 : i32 to vector<16xi32>
    %gather3A_2453 = tpu.vector_load_idx %arg9[%add3A_2430, %broadcast_in_dim3A_2452] : memref<512x16xf32, #tpu.memory_space<vmem>>[vector<16xi32>, vector<16xi32>], vector<16xf32>,
    %gather3A_2454 = tpu.vector_load_idx %arg10[%add3A_2430, %broadcast_in_dim3A_2452] : memref<512x16xf32, #tpu.memory_space<vmem>>[vector<16xi32>, vector<16xi32>], vector<16xf32>,
    %mul3A_2455 = arith.mulf %gather3A_2453, %gather3A_2454 : vector<16xf32>
    %add3A_2456 = arith.addf %add3A_2450, %mul3A_2455 : vector<16xf32>
    %broadcast_in_dim3A_2457 = arith.constant 4 : i32
    %broadcast_in_dim3A_2458 = vector.broadcast %broadcast_in_dim3A_2457 : i32 to vector<16xi32>
    %gather3A_2459 = tpu.vector_load_idx %arg9[%add3A_2430, %broadcast_in_dim3A_2458] : memref<512x16xf32, #tpu.memory_space<vmem>>[vector<16xi32>, vector<16xi32>], vector<16xf32>,
    %gather3A_2460 = tpu.vector_load_idx %arg10[%add3A_2430, %broadcast_in_dim3A_2458] : memref<512x16xf32, #tpu.memory_space<vmem>>[vector<16xi32>, vector<16xi32>], vector<16xf32>,
    %mul3A_2461 = arith.mulf %gather3A_2459, %gather3A_2460 : vector<16xf32>
    %add3A_2462 = arith.addf %add3A_2456, %mul3A_2461 : vector<16xf32>
    %broadcast_in_dim3A_2463 = arith.constant 5 : i32
    %broadcast_in_dim3A_2464 = vector.broadcast %broadcast_in_dim3A_2463 : i32 to vector<16xi32>
    %gather3A_2465 = tpu.vector_load_idx %arg9[%add3A_2430, %broadcast_in_dim3A_2464] : memref<512x16xf32, #tpu.memory_space<vmem>>[vector<16xi32>, vector<16xi32>], vector<16xf32>,
    %gather3A_2466 = tpu.vector_load_idx %arg10[%add3A_2430, %broadcast_in_dim3A_2464] : memref<512x16xf32, #tpu.memory_space<vmem>>[vector<16xi32>, vector<16xi32>], vector<16xf32>,
    %mul3A_2467 = arith.mulf %gather3A_2465, %gather3A_2466 : vector<16xf32>
    %add3A_2468 = arith.addf %add3A_2462, %mul3A_2467 : vector<16xf32>
    %broadcast_in_dim3A_2469 = arith.constant 6 : i32
    %broadcast_in_dim3A_2470 = vector.broadcast %broadcast_in_dim3A_2469 : i32 to vector<16xi32>
    %gather3A_2471 = tpu.vector_load_idx %arg9[%add3A_2430, %broadcast_in_dim3A_2470] : memref<512x16xf32, #tpu.memory_space<vmem>>[vector<16xi32>, vector<16xi32>], vector<16xf32>,
    %gather3A_2472 = tpu.vector_load_idx %arg10[%add3A_2430, %broadcast_in_dim3A_2470] : memref<512x16xf32, #tpu.memory_space<vmem>>[vector<16xi32>, vector<16xi32>], vector<16xf32>,
    %mul3A_2473 = arith.mulf %gather3A_2471, %gather3A_2472 : vector<16xf32>
    %add3A_2474 = arith.addf %add3A_2468, %mul3A_2473 : vector<16xf32>
    %broadcast_in_dim3A_2475 = arith.constant 7 : i32
    %broadcast_in_dim3A_2476 = vector.broadcast %broadcast_in_dim3A_2475 : i32 to vector<16xi32>
    %gather3A_2477 = tpu.vector_load_idx %arg9[%add3A_2430, %broadcast_in_dim3A_2476] : memref<512x16xf32, #tpu.memory_space<vmem>>[vector<16xi32>, vector<16xi32>], vector<16xf32>,
    %gather3A_2478 = tpu.vector_load_idx %arg10[%add3A_2430, %broadcast_in_dim3A_2476] : memref<512x16xf32, #tpu.memory_space<vmem>>[vector<16xi32>, vector<16xi32>], vector<16xf32>,
    %mul3A_2479 = arith.mulf %gather3A_2477, %gather3A_2478 : vector<16xf32>
    %add3A_2480 = arith.addf %add3A_2474, %mul3A_2479 : vector<16xf32>
    %broadcast_in_dim3A_2481 = arith.constant 8 : i32
    %broadcast_in_dim3A_2482 = vector.broadcast %broadcast_in_dim3A_2481 : i32 to vector<16xi32>
    %gather3A_2483 = tpu.vector_load_idx %arg9[%add3A_2430, %broadcast_in_dim3A_2482] : memref<512x16xf32, #tpu.memory_space<vmem>>[vector<16xi32>, vector<16xi32>], vector<16xf32>,
    %gather3A_2484 = tpu.vector_load_idx %arg10[%add3A_2430, %broadcast_in_dim3A_2482] : memref<512x16xf32, #tpu.memory_space<vmem>>[vector<16xi32>, vector<16xi32>], vector<16xf32>,
    %mul3A_2485 = arith.mulf %gather3A_2483, %gather3A_2484 : vector<16xf32>
    %add3A_2486 = arith.addf %add3A_2480, %mul3A_2485 : vector<16xf32>
    %broadcast_in_dim3A_2487 = arith.constant 9 : i32
    %broadcast_in_dim3A_2488 = vector.broadcast %broadcast_in_dim3A_2487 : i32 to vector<16xi32>
    %gather3A_2489 = tpu.vector_load_idx %arg9[%add3A_2430, %broadcast_in_dim3A_2488] : memref<512x16xf32, #tpu.memory_space<vmem>>[vector<16xi32>, vector<16xi32>], vector<16xf32>,
    %gather3A_2490 = tpu.vector_load_idx %arg10[%add3A_2430, %broadcast_in_dim3A_2488] : memref<512x16xf32, #tpu.memory_space<vmem>>[vector<16xi32>, vector<16xi32>], vector<16xf32>,
    %mul3A_2491 = arith.mulf %gather3A_2489, %gather3A_2490 : vector<16xf32>
    %add3A_2492 = arith.addf %add3A_2486, %mul3A_2491 : vector<16xf32>
    %broadcast_in_dim3A_2493 = arith.constant 10 : i32
    %broadcast_in_dim3A_2494 = vector.broadcast %broadcast_in_dim3A_2493 : i32 to vector<16xi32>
    %gather3A_2495 = tpu.vector_load_idx %arg9[%add3A_2430, %broadcast_in_dim3A_2494] : memref<512x16xf32, #tpu.memory_space<vmem>>[vector<16xi32>, vector<16xi32>], vector<16xf32>,
    %gather3A_2496 = tpu.vector_load_idx %arg10[%add3A_2430, %broadcast_in_dim3A_2494] : memref<512x16xf32, #tpu.memory_space<vmem>>[vector<16xi32>, vector<16xi32>], vector<16xf32>,
    %mul3A_2497 = arith.mulf %gather3A_2495, %gather3A_2496 : vector<16xf32>
    %add3A_2498 = arith.addf %add3A_2492, %mul3A_2497 : vector<16xf32>
    %broadcast_in_dim3A_2499 = arith.constant 11 : i32
    %broadcast_in_dim3A_2500 = vector.broadcast %broadcast_in_dim3A_2499 : i32 to vector<16xi32>
    %gather3A_2501 = tpu.vector_load_idx %arg9[%add3A_2430, %broadcast_in_dim3A_2500] : memref<512x16xf32, #tpu.memory_space<vmem>>[vector<16xi32>, vector<16xi32>], vector<16xf32>,
    %gather3A_2502 = tpu.vector_load_idx %arg10[%add3A_2430, %broadcast_in_dim3A_2500] : memref<512x16xf32, #tpu.memory_space<vmem>>[vector<16xi32>, vector<16xi32>], vector<16xf32>,
    %mul3A_2503 = arith.mulf %gather3A_2501, %gather3A_2502 : vector<16xf32>
    %add3A_2504 = arith.addf %add3A_2498, %mul3A_2503 : vector<16xf32>
    %broadcast_in_dim3A_2505 = arith.constant 12 : i32
    %broadcast_in_dim3A_2506 = vector.broadcast %broadcast_in_dim3A_2505 : i32 to vector<16xi32>
    %gather3A_2507 = tpu.vector_load_idx %arg9[%add3A_2430, %broadcast_in_dim3A_2506] : memref<512x16xf32, #tpu.memory_space<vmem>>[vector<16xi32>, vector<16xi32>], vector<16xf32>,
    %gather3A_2508 = tpu.vector_load_idx %arg10[%add3A_2430, %broadcast_in_dim3A_2506] : memref<512x16xf32, #tpu.memory_space<vmem>>[vector<16xi32>, vector<16xi32>], vector<16xf32>,
    %mul3A_2509 = arith.mulf %gather3A_2507, %gather3A_2508 : vector<16xf32>
    %add3A_2510 = arith.addf %add3A_2504, %mul3A_2509 : vector<16xf32>
    %broadcast_in_dim3A_2511 = arith.constant 13 : i32
    %broadcast_in_dim3A_2512 = vector.broadcast %broadcast_in_dim3A_2511 : i32 to vector<16xi32>
    %gather3A_2513 = tpu.vector_load_idx %arg9[%add3A_2430, %broadcast_in_dim3A_2512] : memref<512x16xf32, #tpu.memory_space<vmem>>[vector<16xi32>, vector<16xi32>], vector<16xf32>,
    %gather3A_2514 = tpu.vector_load_idx %arg10[%add3A_2430, %broadcast_in_dim3A_2512] : memref<512x16xf32, #tpu.memory_space<vmem>>[vector<16xi32>, vector<16xi32>], vector<16xf32>,
    %mul3A_2515 = arith.mulf %gather3A_2513, %gather3A_2514 : vector<16xf32>
    %add3A_2516 = arith.addf %add3A_2510, %mul3A_2515 : vector<16xf32>
    %broadcast_in_dim3A_2517 = arith.constant 14 : i32
    %broadcast_in_dim3A_2518 = vector.broadcast %broadcast_in_dim3A_2517 : i32 to vector<16xi32>
    %gather3A_2519 = tpu.vector_load_idx %arg9[%add3A_2430, %broadcast_in_dim3A_2518] : memref<512x16xf32, #tpu.memory_space<vmem>>[vector<16xi32>, vector<16xi32>], vector<16xf32>,
    %gather3A_2520 = tpu.vector_load_idx %arg10[%add3A_2430, %broadcast_in_dim3A_2518] : memref<512x16xf32, #tpu.memory_space<vmem>>[vector<16xi32>, vector<16xi32>], vector<16xf32>,
    %mul3A_2521 = arith.mulf %gather3A_2519, %gather3A_2520 : vector<16xf32>
    %add3A_2522 = arith.addf %add3A_2516, %mul3A_2521 : vector<16xf32>
    %broadcast_in_dim3A_2523 = arith.constant 15 : i32
    %broadcast_in_dim3A_2524 = vector.broadcast %broadcast_in_dim3A_2523 : i32 to vector<16xi32>
    %gather3A_2525 = tpu.vector_load_idx %arg9[%add3A_2430, %broadcast_in_dim3A_2524] : memref<512x16xf32, #tpu.memory_space<vmem>>[vector<16xi32>, vector<16xi32>], vector<16xf32>,
    %gather3A_2526 = tpu.vector_load_idx %arg10[%add3A_2430, %broadcast_in_dim3A_2524] : memref<512x16xf32, #tpu.memory_space<vmem>>[vector<16xi32>, vector<16xi32>], vector<16xf32>,
    %mul3A_2527 = arith.mulf %gather3A_2525, %gather3A_2526 : vector<16xf32>
    %add3A_2528 = arith.addf %add3A_2522, %mul3A_2527 : vector<16xf32>
    %swap3A_2529 = arith.constant 352 : index
    %swap3A_2530 = tpu.vector_load %arg11[%swap3A_2529] {strides = array<i32>} : memref<512xf32, #tpu.memory_space<vmem>>, vector<16xf32>,
    tpu.vector_store %arg11[%swap3A_2529], %add3A_2528 {strides = array<i32>} : memref<512xf32, #tpu.memory_space<vmem>>, vector<16xf32>,
    %add3A_2531 = arith.constant 368 : i32
    %add3A_2532 = vector.broadcast %add3A_2531 : i32 to vector<16xi32>
    %add3A_2533 = arith.addi %add3A_2532, %iota3A : vector<16xi32>
    %broadcast_in_dim3A_2534 = arith.constant 0.000000e+00 : f32
    %broadcast_in_dim3A_2535 = vector.broadcast %broadcast_in_dim3A_2534 : f32 to vector<16xf32>
    %broadcast_in_dim3A_2536 = arith.constant 0 : i32
    %broadcast_in_dim3A_2537 = vector.broadcast %broadcast_in_dim3A_2536 : i32 to vector<16xi32>
    %gather3A_2538 = tpu.vector_load_idx %arg9[%add3A_2533, %broadcast_in_dim3A_2537] : memref<512x16xf32, #tpu.memory_space<vmem>>[vector<16xi32>, vector<16xi32>], vector<16xf32>,
    %gather3A_2539 = tpu.vector_load_idx %arg10[%add3A_2533, %broadcast_in_dim3A_2537] : memref<512x16xf32, #tpu.memory_space<vmem>>[vector<16xi32>, vector<16xi32>], vector<16xf32>,
    %mul3A_2540 = arith.mulf %gather3A_2538, %gather3A_2539 : vector<16xf32>
    %add3A_2541 = arith.addf %broadcast_in_dim3A_2535, %mul3A_2540 : vector<16xf32>
    %broadcast_in_dim3A_2542 = arith.constant 1 : i32
    %broadcast_in_dim3A_2543 = vector.broadcast %broadcast_in_dim3A_2542 : i32 to vector<16xi32>
    %gather3A_2544 = tpu.vector_load_idx %arg9[%add3A_2533, %broadcast_in_dim3A_2543] : memref<512x16xf32, #tpu.memory_space<vmem>>[vector<16xi32>, vector<16xi32>], vector<16xf32>,
    %gather3A_2545 = tpu.vector_load_idx %arg10[%add3A_2533, %broadcast_in_dim3A_2543] : memref<512x16xf32, #tpu.memory_space<vmem>>[vector<16xi32>, vector<16xi32>], vector<16xf32>,
    %mul3A_2546 = arith.mulf %gather3A_2544, %gather3A_2545 : vector<16xf32>
    %add3A_2547 = arith.addf %add3A_2541, %mul3A_2546 : vector<16xf32>
    %broadcast_in_dim3A_2548 = arith.constant 2 : i32
    %broadcast_in_dim3A_2549 = vector.broadcast %broadcast_in_dim3A_2548 : i32 to vector<16xi32>
    %gather3A_2550 = tpu.vector_load_idx %arg9[%add3A_2533, %broadcast_in_dim3A_2549] : memref<512x16xf32, #tpu.memory_space<vmem>>[vector<16xi32>, vector<16xi32>], vector<16xf32>,
    %gather3A_2551 = tpu.vector_load_idx %arg10[%add3A_2533, %broadcast_in_dim3A_2549] : memref<512x16xf32, #tpu.memory_space<vmem>>[vector<16xi32>, vector<16xi32>], vector<16xf32>,
    %mul3A_2552 = arith.mulf %gather3A_2550, %gather3A_2551 : vector<16xf32>
    %add3A_2553 = arith.addf %add3A_2547, %mul3A_2552 : vector<16xf32>
    %broadcast_in_dim3A_2554 = arith.constant 3 : i32
    %broadcast_in_dim3A_2555 = vector.broadcast %broadcast_in_dim3A_2554 : i32 to vector<16xi32>
    %gather3A_2556 = tpu.vector_load_idx %arg9[%add3A_2533, %broadcast_in_dim3A_2555] : memref<512x16xf32, #tpu.memory_space<vmem>>[vector<16xi32>, vector<16xi32>], vector<16xf32>,
    %gather3A_2557 = tpu.vector_load_idx %arg10[%add3A_2533, %broadcast_in_dim3A_2555] : memref<512x16xf32, #tpu.memory_space<vmem>>[vector<16xi32>, vector<16xi32>], vector<16xf32>,
    %mul3A_2558 = arith.mulf %gather3A_2556, %gather3A_2557 : vector<16xf32>
    %add3A_2559 = arith.addf %add3A_2553, %mul3A_2558 : vector<16xf32>
    %broadcast_in_dim3A_2560 = arith.constant 4 : i32
    %broadcast_in_dim3A_2561 = vector.broadcast %broadcast_in_dim3A_2560 : i32 to vector<16xi32>
    %gather3A_2562 = tpu.vector_load_idx %arg9[%add3A_2533, %broadcast_in_dim3A_2561] : memref<512x16xf32, #tpu.memory_space<vmem>>[vector<16xi32>, vector<16xi32>], vector<16xf32>,
    %gather3A_2563 = tpu.vector_load_idx %arg10[%add3A_2533, %broadcast_in_dim3A_2561] : memref<512x16xf32, #tpu.memory_space<vmem>>[vector<16xi32>, vector<16xi32>], vector<16xf32>,
    %mul3A_2564 = arith.mulf %gather3A_2562, %gather3A_2563 : vector<16xf32>
    %add3A_2565 = arith.addf %add3A_2559, %mul3A_2564 : vector<16xf32>
    %broadcast_in_dim3A_2566 = arith.constant 5 : i32
    %broadcast_in_dim3A_2567 = vector.broadcast %broadcast_in_dim3A_2566 : i32 to vector<16xi32>
    %gather3A_2568 = tpu.vector_load_idx %arg9[%add3A_2533, %broadcast_in_dim3A_2567] : memref<512x16xf32, #tpu.memory_space<vmem>>[vector<16xi32>, vector<16xi32>], vector<16xf32>,
    %gather3A_2569 = tpu.vector_load_idx %arg10[%add3A_2533, %broadcast_in_dim3A_2567] : memref<512x16xf32, #tpu.memory_space<vmem>>[vector<16xi32>, vector<16xi32>], vector<16xf32>,
    %mul3A_2570 = arith.mulf %gather3A_2568, %gather3A_2569 : vector<16xf32>
    %add3A_2571 = arith.addf %add3A_2565, %mul3A_2570 : vector<16xf32>
    %broadcast_in_dim3A_2572 = arith.constant 6 : i32
    %broadcast_in_dim3A_2573 = vector.broadcast %broadcast_in_dim3A_2572 : i32 to vector<16xi32>
    %gather3A_2574 = tpu.vector_load_idx %arg9[%add3A_2533, %broadcast_in_dim3A_2573] : memref<512x16xf32, #tpu.memory_space<vmem>>[vector<16xi32>, vector<16xi32>], vector<16xf32>,
    %gather3A_2575 = tpu.vector_load_idx %arg10[%add3A_2533, %broadcast_in_dim3A_2573] : memref<512x16xf32, #tpu.memory_space<vmem>>[vector<16xi32>, vector<16xi32>], vector<16xf32>,
    %mul3A_2576 = arith.mulf %gather3A_2574, %gather3A_2575 : vector<16xf32>
    %add3A_2577 = arith.addf %add3A_2571, %mul3A_2576 : vector<16xf32>
    %broadcast_in_dim3A_2578 = arith.constant 7 : i32
    %broadcast_in_dim3A_2579 = vector.broadcast %broadcast_in_dim3A_2578 : i32 to vector<16xi32>
    %gather3A_2580 = tpu.vector_load_idx %arg9[%add3A_2533, %broadcast_in_dim3A_2579] : memref<512x16xf32, #tpu.memory_space<vmem>>[vector<16xi32>, vector<16xi32>], vector<16xf32>,
    %gather3A_2581 = tpu.vector_load_idx %arg10[%add3A_2533, %broadcast_in_dim3A_2579] : memref<512x16xf32, #tpu.memory_space<vmem>>[vector<16xi32>, vector<16xi32>], vector<16xf32>,
    %mul3A_2582 = arith.mulf %gather3A_2580, %gather3A_2581 : vector<16xf32>
    %add3A_2583 = arith.addf %add3A_2577, %mul3A_2582 : vector<16xf32>
    %broadcast_in_dim3A_2584 = arith.constant 8 : i32
    %broadcast_in_dim3A_2585 = vector.broadcast %broadcast_in_dim3A_2584 : i32 to vector<16xi32>
    %gather3A_2586 = tpu.vector_load_idx %arg9[%add3A_2533, %broadcast_in_dim3A_2585] : memref<512x16xf32, #tpu.memory_space<vmem>>[vector<16xi32>, vector<16xi32>], vector<16xf32>,
    %gather3A_2587 = tpu.vector_load_idx %arg10[%add3A_2533, %broadcast_in_dim3A_2585] : memref<512x16xf32, #tpu.memory_space<vmem>>[vector<16xi32>, vector<16xi32>], vector<16xf32>,
    %mul3A_2588 = arith.mulf %gather3A_2586, %gather3A_2587 : vector<16xf32>
    %add3A_2589 = arith.addf %add3A_2583, %mul3A_2588 : vector<16xf32>
    %broadcast_in_dim3A_2590 = arith.constant 9 : i32
    %broadcast_in_dim3A_2591 = vector.broadcast %broadcast_in_dim3A_2590 : i32 to vector<16xi32>
    %gather3A_2592 = tpu.vector_load_idx %arg9[%add3A_2533, %broadcast_in_dim3A_2591] : memref<512x16xf32, #tpu.memory_space<vmem>>[vector<16xi32>, vector<16xi32>], vector<16xf32>,
    %gather3A_2593 = tpu.vector_load_idx %arg10[%add3A_2533, %broadcast_in_dim3A_2591] : memref<512x16xf32, #tpu.memory_space<vmem>>[vector<16xi32>, vector<16xi32>], vector<16xf32>,
    %mul3A_2594 = arith.mulf %gather3A_2592, %gather3A_2593 : vector<16xf32>
    %add3A_2595 = arith.addf %add3A_2589, %mul3A_2594 : vector<16xf32>
    %broadcast_in_dim3A_2596 = arith.constant 10 : i32
    %broadcast_in_dim3A_2597 = vector.broadcast %broadcast_in_dim3A_2596 : i32 to vector<16xi32>
    %gather3A_2598 = tpu.vector_load_idx %arg9[%add3A_2533, %broadcast_in_dim3A_2597] : memref<512x16xf32, #tpu.memory_space<vmem>>[vector<16xi32>, vector<16xi32>], vector<16xf32>,
    %gather3A_2599 = tpu.vector_load_idx %arg10[%add3A_2533, %broadcast_in_dim3A_2597] : memref<512x16xf32, #tpu.memory_space<vmem>>[vector<16xi32>, vector<16xi32>], vector<16xf32>,
    %mul3A_2600 = arith.mulf %gather3A_2598, %gather3A_2599 : vector<16xf32>
    %add3A_2601 = arith.addf %add3A_2595, %mul3A_2600 : vector<16xf32>
    %broadcast_in_dim3A_2602 = arith.constant 11 : i32
    %broadcast_in_dim3A_2603 = vector.broadcast %broadcast_in_dim3A_2602 : i32 to vector<16xi32>
    %gather3A_2604 = tpu.vector_load_idx %arg9[%add3A_2533, %broadcast_in_dim3A_2603] : memref<512x16xf32, #tpu.memory_space<vmem>>[vector<16xi32>, vector<16xi32>], vector<16xf32>,
    %gather3A_2605 = tpu.vector_load_idx %arg10[%add3A_2533, %broadcast_in_dim3A_2603] : memref<512x16xf32, #tpu.memory_space<vmem>>[vector<16xi32>, vector<16xi32>], vector<16xf32>,
    %mul3A_2606 = arith.mulf %gather3A_2604, %gather3A_2605 : vector<16xf32>
    %add3A_2607 = arith.addf %add3A_2601, %mul3A_2606 : vector<16xf32>
    %broadcast_in_dim3A_2608 = arith.constant 12 : i32
    %broadcast_in_dim3A_2609 = vector.broadcast %broadcast_in_dim3A_2608 : i32 to vector<16xi32>
    %gather3A_2610 = tpu.vector_load_idx %arg9[%add3A_2533, %broadcast_in_dim3A_2609] : memref<512x16xf32, #tpu.memory_space<vmem>>[vector<16xi32>, vector<16xi32>], vector<16xf32>,
    %gather3A_2611 = tpu.vector_load_idx %arg10[%add3A_2533, %broadcast_in_dim3A_2609] : memref<512x16xf32, #tpu.memory_space<vmem>>[vector<16xi32>, vector<16xi32>], vector<16xf32>,
    %mul3A_2612 = arith.mulf %gather3A_2610, %gather3A_2611 : vector<16xf32>
    %add3A_2613 = arith.addf %add3A_2607, %mul3A_2612 : vector<16xf32>
    %broadcast_in_dim3A_2614 = arith.constant 13 : i32
    %broadcast_in_dim3A_2615 = vector.broadcast %broadcast_in_dim3A_2614 : i32 to vector<16xi32>
    %gather3A_2616 = tpu.vector_load_idx %arg9[%add3A_2533, %broadcast_in_dim3A_2615] : memref<512x16xf32, #tpu.memory_space<vmem>>[vector<16xi32>, vector<16xi32>], vector<16xf32>,
    %gather3A_2617 = tpu.vector_load_idx %arg10[%add3A_2533, %broadcast_in_dim3A_2615] : memref<512x16xf32, #tpu.memory_space<vmem>>[vector<16xi32>, vector<16xi32>], vector<16xf32>,
    %mul3A_2618 = arith.mulf %gather3A_2616, %gather3A_2617 : vector<16xf32>
    %add3A_2619 = arith.addf %add3A_2613, %mul3A_2618 : vector<16xf32>
    %broadcast_in_dim3A_2620 = arith.constant 14 : i32
    %broadcast_in_dim3A_2621 = vector.broadcast %broadcast_in_dim3A_2620 : i32 to vector<16xi32>
    %gather3A_2622 = tpu.vector_load_idx %arg9[%add3A_2533, %broadcast_in_dim3A_2621] : memref<512x16xf32, #tpu.memory_space<vmem>>[vector<16xi32>, vector<16xi32>], vector<16xf32>,
    %gather3A_2623 = tpu.vector_load_idx %arg10[%add3A_2533, %broadcast_in_dim3A_2621] : memref<512x16xf32, #tpu.memory_space<vmem>>[vector<16xi32>, vector<16xi32>], vector<16xf32>,
    %mul3A_2624 = arith.mulf %gather3A_2622, %gather3A_2623 : vector<16xf32>
    %add3A_2625 = arith.addf %add3A_2619, %mul3A_2624 : vector<16xf32>
    %broadcast_in_dim3A_2626 = arith.constant 15 : i32
    %broadcast_in_dim3A_2627 = vector.broadcast %broadcast_in_dim3A_2626 : i32 to vector<16xi32>
    %gather3A_2628 = tpu.vector_load_idx %arg9[%add3A_2533, %broadcast_in_dim3A_2627] : memref<512x16xf32, #tpu.memory_space<vmem>>[vector<16xi32>, vector<16xi32>], vector<16xf32>,
    %gather3A_2629 = tpu.vector_load_idx %arg10[%add3A_2533, %broadcast_in_dim3A_2627] : memref<512x16xf32, #tpu.memory_space<vmem>>[vector<16xi32>, vector<16xi32>], vector<16xf32>,
    %mul3A_2630 = arith.mulf %gather3A_2628, %gather3A_2629 : vector<16xf32>
    %add3A_2631 = arith.addf %add3A_2625, %mul3A_2630 : vector<16xf32>
    %swap3A_2632 = arith.constant 368 : index
    %swap3A_2633 = tpu.vector_load %arg11[%swap3A_2632] {strides = array<i32>} : memref<512xf32, #tpu.memory_space<vmem>>, vector<16xf32>,
    tpu.vector_store %arg11[%swap3A_2632], %add3A_2631 {strides = array<i32>} : memref<512xf32, #tpu.memory_space<vmem>>, vector<16xf32>,
    %add3A_2634 = arith.constant 384 : i32
    %add3A_2635 = vector.broadcast %add3A_2634 : i32 to vector<16xi32>
    %add3A_2636 = arith.addi %add3A_2635, %iota3A : vector<16xi32>
    %broadcast_in_dim3A_2637 = arith.constant 0.000000e+00 : f32
    %broadcast_in_dim3A_2638 = vector.broadcast %broadcast_in_dim3A_2637 : f32 to vector<16xf32>
    %broadcast_in_dim3A_2639 = arith.constant 0 : i32
    %broadcast_in_dim3A_2640 = vector.broadcast %broadcast_in_dim3A_2639 : i32 to vector<16xi32>
    %gather3A_2641 = tpu.vector_load_idx %arg9[%add3A_2636, %broadcast_in_dim3A_2640] : memref<512x16xf32, #tpu.memory_space<vmem>>[vector<16xi32>, vector<16xi32>], vector<16xf32>,
    %gather3A_2642 = tpu.vector_load_idx %arg10[%add3A_2636, %broadcast_in_dim3A_2640] : memref<512x16xf32, #tpu.memory_space<vmem>>[vector<16xi32>, vector<16xi32>], vector<16xf32>,
    %mul3A_2643 = arith.mulf %gather3A_2641, %gather3A_2642 : vector<16xf32>
    %add3A_2644 = arith.addf %broadcast_in_dim3A_2638, %mul3A_2643 : vector<16xf32>
    %broadcast_in_dim3A_2645 = arith.constant 1 : i32
    %broadcast_in_dim3A_2646 = vector.broadcast %broadcast_in_dim3A_2645 : i32 to vector<16xi32>
    %gather3A_2647 = tpu.vector_load_idx %arg9[%add3A_2636, %broadcast_in_dim3A_2646] : memref<512x16xf32, #tpu.memory_space<vmem>>[vector<16xi32>, vector<16xi32>], vector<16xf32>,
    %gather3A_2648 = tpu.vector_load_idx %arg10[%add3A_2636, %broadcast_in_dim3A_2646] : memref<512x16xf32, #tpu.memory_space<vmem>>[vector<16xi32>, vector<16xi32>], vector<16xf32>,
    %mul3A_2649 = arith.mulf %gather3A_2647, %gather3A_2648 : vector<16xf32>
    %add3A_2650 = arith.addf %add3A_2644, %mul3A_2649 : vector<16xf32>
    %broadcast_in_dim3A_2651 = arith.constant 2 : i32
    %broadcast_in_dim3A_2652 = vector.broadcast %broadcast_in_dim3A_2651 : i32 to vector<16xi32>
    %gather3A_2653 = tpu.vector_load_idx %arg9[%add3A_2636, %broadcast_in_dim3A_2652] : memref<512x16xf32, #tpu.memory_space<vmem>>[vector<16xi32>, vector<16xi32>], vector<16xf32>,
    %gather3A_2654 = tpu.vector_load_idx %arg10[%add3A_2636, %broadcast_in_dim3A_2652] : memref<512x16xf32, #tpu.memory_space<vmem>>[vector<16xi32>, vector<16xi32>], vector<16xf32>,
    %mul3A_2655 = arith.mulf %gather3A_2653, %gather3A_2654 : vector<16xf32>
    %add3A_2656 = arith.addf %add3A_2650, %mul3A_2655 : vector<16xf32>
    %broadcast_in_dim3A_2657 = arith.constant 3 : i32
    %broadcast_in_dim3A_2658 = vector.broadcast %broadcast_in_dim3A_2657 : i32 to vector<16xi32>
    %gather3A_2659 = tpu.vector_load_idx %arg9[%add3A_2636, %broadcast_in_dim3A_2658] : memref<512x16xf32, #tpu.memory_space<vmem>>[vector<16xi32>, vector<16xi32>], vector<16xf32>,
    %gather3A_2660 = tpu.vector_load_idx %arg10[%add3A_2636, %broadcast_in_dim3A_2658] : memref<512x16xf32, #tpu.memory_space<vmem>>[vector<16xi32>, vector<16xi32>], vector<16xf32>,
    %mul3A_2661 = arith.mulf %gather3A_2659, %gather3A_2660 : vector<16xf32>
    %add3A_2662 = arith.addf %add3A_2656, %mul3A_2661 : vector<16xf32>
    %broadcast_in_dim3A_2663 = arith.constant 4 : i32
    %broadcast_in_dim3A_2664 = vector.broadcast %broadcast_in_dim3A_2663 : i32 to vector<16xi32>
    %gather3A_2665 = tpu.vector_load_idx %arg9[%add3A_2636, %broadcast_in_dim3A_2664] : memref<512x16xf32, #tpu.memory_space<vmem>>[vector<16xi32>, vector<16xi32>], vector<16xf32>,
    %gather3A_2666 = tpu.vector_load_idx %arg10[%add3A_2636, %broadcast_in_dim3A_2664] : memref<512x16xf32, #tpu.memory_space<vmem>>[vector<16xi32>, vector<16xi32>], vector<16xf32>,
    %mul3A_2667 = arith.mulf %gather3A_2665, %gather3A_2666 : vector<16xf32>
    %add3A_2668 = arith.addf %add3A_2662, %mul3A_2667 : vector<16xf32>
    %broadcast_in_dim3A_2669 = arith.constant 5 : i32
    %broadcast_in_dim3A_2670 = vector.broadcast %broadcast_in_dim3A_2669 : i32 to vector<16xi32>
    %gather3A_2671 = tpu.vector_load_idx %arg9[%add3A_2636, %broadcast_in_dim3A_2670] : memref<512x16xf32, #tpu.memory_space<vmem>>[vector<16xi32>, vector<16xi32>], vector<16xf32>,
    %gather3A_2672 = tpu.vector_load_idx %arg10[%add3A_2636, %broadcast_in_dim3A_2670] : memref<512x16xf32, #tpu.memory_space<vmem>>[vector<16xi32>, vector<16xi32>], vector<16xf32>,
    %mul3A_2673 = arith.mulf %gather3A_2671, %gather3A_2672 : vector<16xf32>
    %add3A_2674 = arith.addf %add3A_2668, %mul3A_2673 : vector<16xf32>
    %broadcast_in_dim3A_2675 = arith.constant 6 : i32
    %broadcast_in_dim3A_2676 = vector.broadcast %broadcast_in_dim3A_2675 : i32 to vector<16xi32>
    %gather3A_2677 = tpu.vector_load_idx %arg9[%add3A_2636, %broadcast_in_dim3A_2676] : memref<512x16xf32, #tpu.memory_space<vmem>>[vector<16xi32>, vector<16xi32>], vector<16xf32>,
    %gather3A_2678 = tpu.vector_load_idx %arg10[%add3A_2636, %broadcast_in_dim3A_2676] : memref<512x16xf32, #tpu.memory_space<vmem>>[vector<16xi32>, vector<16xi32>], vector<16xf32>,
    %mul3A_2679 = arith.mulf %gather3A_2677, %gather3A_2678 : vector<16xf32>
    %add3A_2680 = arith.addf %add3A_2674, %mul3A_2679 : vector<16xf32>
    %broadcast_in_dim3A_2681 = arith.constant 7 : i32
    %broadcast_in_dim3A_2682 = vector.broadcast %broadcast_in_dim3A_2681 : i32 to vector<16xi32>
    %gather3A_2683 = tpu.vector_load_idx %arg9[%add3A_2636, %broadcast_in_dim3A_2682] : memref<512x16xf32, #tpu.memory_space<vmem>>[vector<16xi32>, vector<16xi32>], vector<16xf32>,
    %gather3A_2684 = tpu.vector_load_idx %arg10[%add3A_2636, %broadcast_in_dim3A_2682] : memref<512x16xf32, #tpu.memory_space<vmem>>[vector<16xi32>, vector<16xi32>], vector<16xf32>,
    %mul3A_2685 = arith.mulf %gather3A_2683, %gather3A_2684 : vector<16xf32>
    %add3A_2686 = arith.addf %add3A_2680, %mul3A_2685 : vector<16xf32>
    %broadcast_in_dim3A_2687 = arith.constant 8 : i32
    %broadcast_in_dim3A_2688 = vector.broadcast %broadcast_in_dim3A_2687 : i32 to vector<16xi32>
    %gather3A_2689 = tpu.vector_load_idx %arg9[%add3A_2636, %broadcast_in_dim3A_2688] : memref<512x16xf32, #tpu.memory_space<vmem>>[vector<16xi32>, vector<16xi32>], vector<16xf32>,
    %gather3A_2690 = tpu.vector_load_idx %arg10[%add3A_2636, %broadcast_in_dim3A_2688] : memref<512x16xf32, #tpu.memory_space<vmem>>[vector<16xi32>, vector<16xi32>], vector<16xf32>,
    %mul3A_2691 = arith.mulf %gather3A_2689, %gather3A_2690 : vector<16xf32>
    %add3A_2692 = arith.addf %add3A_2686, %mul3A_2691 : vector<16xf32>
    %broadcast_in_dim3A_2693 = arith.constant 9 : i32
    %broadcast_in_dim3A_2694 = vector.broadcast %broadcast_in_dim3A_2693 : i32 to vector<16xi32>
    %gather3A_2695 = tpu.vector_load_idx %arg9[%add3A_2636, %broadcast_in_dim3A_2694] : memref<512x16xf32, #tpu.memory_space<vmem>>[vector<16xi32>, vector<16xi32>], vector<16xf32>,
    %gather3A_2696 = tpu.vector_load_idx %arg10[%add3A_2636, %broadcast_in_dim3A_2694] : memref<512x16xf32, #tpu.memory_space<vmem>>[vector<16xi32>, vector<16xi32>], vector<16xf32>,
    %mul3A_2697 = arith.mulf %gather3A_2695, %gather3A_2696 : vector<16xf32>
    %add3A_2698 = arith.addf %add3A_2692, %mul3A_2697 : vector<16xf32>
    %broadcast_in_dim3A_2699 = arith.constant 10 : i32
    %broadcast_in_dim3A_2700 = vector.broadcast %broadcast_in_dim3A_2699 : i32 to vector<16xi32>
    %gather3A_2701 = tpu.vector_load_idx %arg9[%add3A_2636, %broadcast_in_dim3A_2700] : memref<512x16xf32, #tpu.memory_space<vmem>>[vector<16xi32>, vector<16xi32>], vector<16xf32>,
    %gather3A_2702 = tpu.vector_load_idx %arg10[%add3A_2636, %broadcast_in_dim3A_2700] : memref<512x16xf32, #tpu.memory_space<vmem>>[vector<16xi32>, vector<16xi32>], vector<16xf32>,
    %mul3A_2703 = arith.mulf %gather3A_2701, %gather3A_2702 : vector<16xf32>
    %add3A_2704 = arith.addf %add3A_2698, %mul3A_2703 : vector<16xf32>
    %broadcast_in_dim3A_2705 = arith.constant 11 : i32
    %broadcast_in_dim3A_2706 = vector.broadcast %broadcast_in_dim3A_2705 : i32 to vector<16xi32>
    %gather3A_2707 = tpu.vector_load_idx %arg9[%add3A_2636, %broadcast_in_dim3A_2706] : memref<512x16xf32, #tpu.memory_space<vmem>>[vector<16xi32>, vector<16xi32>], vector<16xf32>,
    %gather3A_2708 = tpu.vector_load_idx %arg10[%add3A_2636, %broadcast_in_dim3A_2706] : memref<512x16xf32, #tpu.memory_space<vmem>>[vector<16xi32>, vector<16xi32>], vector<16xf32>,
    %mul3A_2709 = arith.mulf %gather3A_2707, %gather3A_2708 : vector<16xf32>
    %add3A_2710 = arith.addf %add3A_2704, %mul3A_2709 : vector<16xf32>
    %broadcast_in_dim3A_2711 = arith.constant 12 : i32
    %broadcast_in_dim3A_2712 = vector.broadcast %broadcast_in_dim3A_2711 : i32 to vector<16xi32>
    %gather3A_2713 = tpu.vector_load_idx %arg9[%add3A_2636, %broadcast_in_dim3A_2712] : memref<512x16xf32, #tpu.memory_space<vmem>>[vector<16xi32>, vector<16xi32>], vector<16xf32>,
    %gather3A_2714 = tpu.vector_load_idx %arg10[%add3A_2636, %broadcast_in_dim3A_2712] : memref<512x16xf32, #tpu.memory_space<vmem>>[vector<16xi32>, vector<16xi32>], vector<16xf32>,
    %mul3A_2715 = arith.mulf %gather3A_2713, %gather3A_2714 : vector<16xf32>
    %add3A_2716 = arith.addf %add3A_2710, %mul3A_2715 : vector<16xf32>
    %broadcast_in_dim3A_2717 = arith.constant 13 : i32
    %broadcast_in_dim3A_2718 = vector.broadcast %broadcast_in_dim3A_2717 : i32 to vector<16xi32>
    %gather3A_2719 = tpu.vector_load_idx %arg9[%add3A_2636, %broadcast_in_dim3A_2718] : memref<512x16xf32, #tpu.memory_space<vmem>>[vector<16xi32>, vector<16xi32>], vector<16xf32>,
    %gather3A_2720 = tpu.vector_load_idx %arg10[%add3A_2636, %broadcast_in_dim3A_2718] : memref<512x16xf32, #tpu.memory_space<vmem>>[vector<16xi32>, vector<16xi32>], vector<16xf32>,
    %mul3A_2721 = arith.mulf %gather3A_2719, %gather3A_2720 : vector<16xf32>
    %add3A_2722 = arith.addf %add3A_2716, %mul3A_2721 : vector<16xf32>
    %broadcast_in_dim3A_2723 = arith.constant 14 : i32
    %broadcast_in_dim3A_2724 = vector.broadcast %broadcast_in_dim3A_2723 : i32 to vector<16xi32>
    %gather3A_2725 = tpu.vector_load_idx %arg9[%add3A_2636, %broadcast_in_dim3A_2724] : memref<512x16xf32, #tpu.memory_space<vmem>>[vector<16xi32>, vector<16xi32>], vector<16xf32>,
    %gather3A_2726 = tpu.vector_load_idx %arg10[%add3A_2636, %broadcast_in_dim3A_2724] : memref<512x16xf32, #tpu.memory_space<vmem>>[vector<16xi32>, vector<16xi32>], vector<16xf32>,
    %mul3A_2727 = arith.mulf %gather3A_2725, %gather3A_2726 : vector<16xf32>
    %add3A_2728 = arith.addf %add3A_2722, %mul3A_2727 : vector<16xf32>
    %broadcast_in_dim3A_2729 = arith.constant 15 : i32
    %broadcast_in_dim3A_2730 = vector.broadcast %broadcast_in_dim3A_2729 : i32 to vector<16xi32>
    %gather3A_2731 = tpu.vector_load_idx %arg9[%add3A_2636, %broadcast_in_dim3A_2730] : memref<512x16xf32, #tpu.memory_space<vmem>>[vector<16xi32>, vector<16xi32>], vector<16xf32>,
    %gather3A_2732 = tpu.vector_load_idx %arg10[%add3A_2636, %broadcast_in_dim3A_2730] : memref<512x16xf32, #tpu.memory_space<vmem>>[vector<16xi32>, vector<16xi32>], vector<16xf32>,
    %mul3A_2733 = arith.mulf %gather3A_2731, %gather3A_2732 : vector<16xf32>
    %add3A_2734 = arith.addf %add3A_2728, %mul3A_2733 : vector<16xf32>
    %swap3A_2735 = arith.constant 384 : index
    %swap3A_2736 = tpu.vector_load %arg11[%swap3A_2735] {strides = array<i32>} : memref<512xf32, #tpu.memory_space<vmem>>, vector<16xf32>,
    tpu.vector_store %arg11[%swap3A_2735], %add3A_2734 {strides = array<i32>} : memref<512xf32, #tpu.memory_space<vmem>>, vector<16xf32>,
    %add3A_2737 = arith.constant 400 : i32
    %add3A_2738 = vector.broadcast %add3A_2737 : i32 to vector<16xi32>
    %add3A_2739 = arith.addi %add3A_2738, %iota3A : vector<16xi32>
    %broadcast_in_dim3A_2740 = arith.constant 0.000000e+00 : f32
    %broadcast_in_dim3A_2741 = vector.broadcast %broadcast_in_dim3A_2740 : f32 to vector<16xf32>
    %broadcast_in_dim3A_2742 = arith.constant 0 : i32
    %broadcast_in_dim3A_2743 = vector.broadcast %broadcast_in_dim3A_2742 : i32 to vector<16xi32>
    %gather3A_2744 = tpu.vector_load_idx %arg9[%add3A_2739, %broadcast_in_dim3A_2743] : memref<512x16xf32, #tpu.memory_space<vmem>>[vector<16xi32>, vector<16xi32>], vector<16xf32>,
    %gather3A_2745 = tpu.vector_load_idx %arg10[%add3A_2739, %broadcast_in_dim3A_2743] : memref<512x16xf32, #tpu.memory_space<vmem>>[vector<16xi32>, vector<16xi32>], vector<16xf32>,
    %mul3A_2746 = arith.mulf %gather3A_2744, %gather3A_2745 : vector<16xf32>
    %add3A_2747 = arith.addf %broadcast_in_dim3A_2741, %mul3A_2746 : vector<16xf32>
    %broadcast_in_dim3A_2748 = arith.constant 1 : i32
    %broadcast_in_dim3A_2749 = vector.broadcast %broadcast_in_dim3A_2748 : i32 to vector<16xi32>
    %gather3A_2750 = tpu.vector_load_idx %arg9[%add3A_2739, %broadcast_in_dim3A_2749] : memref<512x16xf32, #tpu.memory_space<vmem>>[vector<16xi32>, vector<16xi32>], vector<16xf32>,
    %gather3A_2751 = tpu.vector_load_idx %arg10[%add3A_2739, %broadcast_in_dim3A_2749] : memref<512x16xf32, #tpu.memory_space<vmem>>[vector<16xi32>, vector<16xi32>], vector<16xf32>,
    %mul3A_2752 = arith.mulf %gather3A_2750, %gather3A_2751 : vector<16xf32>
    %add3A_2753 = arith.addf %add3A_2747, %mul3A_2752 : vector<16xf32>
    %broadcast_in_dim3A_2754 = arith.constant 2 : i32
    %broadcast_in_dim3A_2755 = vector.broadcast %broadcast_in_dim3A_2754 : i32 to vector<16xi32>
    %gather3A_2756 = tpu.vector_load_idx %arg9[%add3A_2739, %broadcast_in_dim3A_2755] : memref<512x16xf32, #tpu.memory_space<vmem>>[vector<16xi32>, vector<16xi32>], vector<16xf32>,
    %gather3A_2757 = tpu.vector_load_idx %arg10[%add3A_2739, %broadcast_in_dim3A_2755] : memref<512x16xf32, #tpu.memory_space<vmem>>[vector<16xi32>, vector<16xi32>], vector<16xf32>,
    %mul3A_2758 = arith.mulf %gather3A_2756, %gather3A_2757 : vector<16xf32>
    %add3A_2759 = arith.addf %add3A_2753, %mul3A_2758 : vector<16xf32>
    %broadcast_in_dim3A_2760 = arith.constant 3 : i32
    %broadcast_in_dim3A_2761 = vector.broadcast %broadcast_in_dim3A_2760 : i32 to vector<16xi32>
    %gather3A_2762 = tpu.vector_load_idx %arg9[%add3A_2739, %broadcast_in_dim3A_2761] : memref<512x16xf32, #tpu.memory_space<vmem>>[vector<16xi32>, vector<16xi32>], vector<16xf32>,
    %gather3A_2763 = tpu.vector_load_idx %arg10[%add3A_2739, %broadcast_in_dim3A_2761] : memref<512x16xf32, #tpu.memory_space<vmem>>[vector<16xi32>, vector<16xi32>], vector<16xf32>,
    %mul3A_2764 = arith.mulf %gather3A_2762, %gather3A_2763 : vector<16xf32>
    %add3A_2765 = arith.addf %add3A_2759, %mul3A_2764 : vector<16xf32>
    %broadcast_in_dim3A_2766 = arith.constant 4 : i32
    %broadcast_in_dim3A_2767 = vector.broadcast %broadcast_in_dim3A_2766 : i32 to vector<16xi32>
    %gather3A_2768 = tpu.vector_load_idx %arg9[%add3A_2739, %broadcast_in_dim3A_2767] : memref<512x16xf32, #tpu.memory_space<vmem>>[vector<16xi32>, vector<16xi32>], vector<16xf32>,
    %gather3A_2769 = tpu.vector_load_idx %arg10[%add3A_2739, %broadcast_in_dim3A_2767] : memref<512x16xf32, #tpu.memory_space<vmem>>[vector<16xi32>, vector<16xi32>], vector<16xf32>,
    %mul3A_2770 = arith.mulf %gather3A_2768, %gather3A_2769 : vector<16xf32>
    %add3A_2771 = arith.addf %add3A_2765, %mul3A_2770 : vector<16xf32>
    %broadcast_in_dim3A_2772 = arith.constant 5 : i32
    %broadcast_in_dim3A_2773 = vector.broadcast %broadcast_in_dim3A_2772 : i32 to vector<16xi32>
    %gather3A_2774 = tpu.vector_load_idx %arg9[%add3A_2739, %broadcast_in_dim3A_2773] : memref<512x16xf32, #tpu.memory_space<vmem>>[vector<16xi32>, vector<16xi32>], vector<16xf32>,
    %gather3A_2775 = tpu.vector_load_idx %arg10[%add3A_2739, %broadcast_in_dim3A_2773] : memref<512x16xf32, #tpu.memory_space<vmem>>[vector<16xi32>, vector<16xi32>], vector<16xf32>,
    %mul3A_2776 = arith.mulf %gather3A_2774, %gather3A_2775 : vector<16xf32>
    %add3A_2777 = arith.addf %add3A_2771, %mul3A_2776 : vector<16xf32>
    %broadcast_in_dim3A_2778 = arith.constant 6 : i32
    %broadcast_in_dim3A_2779 = vector.broadcast %broadcast_in_dim3A_2778 : i32 to vector<16xi32>
    %gather3A_2780 = tpu.vector_load_idx %arg9[%add3A_2739, %broadcast_in_dim3A_2779] : memref<512x16xf32, #tpu.memory_space<vmem>>[vector<16xi32>, vector<16xi32>], vector<16xf32>,
    %gather3A_2781 = tpu.vector_load_idx %arg10[%add3A_2739, %broadcast_in_dim3A_2779] : memref<512x16xf32, #tpu.memory_space<vmem>>[vector<16xi32>, vector<16xi32>], vector<16xf32>,
    %mul3A_2782 = arith.mulf %gather3A_2780, %gather3A_2781 : vector<16xf32>
    %add3A_2783 = arith.addf %add3A_2777, %mul3A_2782 : vector<16xf32>
    %broadcast_in_dim3A_2784 = arith.constant 7 : i32
    %broadcast_in_dim3A_2785 = vector.broadcast %broadcast_in_dim3A_2784 : i32 to vector<16xi32>
    %gather3A_2786 = tpu.vector_load_idx %arg9[%add3A_2739, %broadcast_in_dim3A_2785] : memref<512x16xf32, #tpu.memory_space<vmem>>[vector<16xi32>, vector<16xi32>], vector<16xf32>,
    %gather3A_2787 = tpu.vector_load_idx %arg10[%add3A_2739, %broadcast_in_dim3A_2785] : memref<512x16xf32, #tpu.memory_space<vmem>>[vector<16xi32>, vector<16xi32>], vector<16xf32>,
    %mul3A_2788 = arith.mulf %gather3A_2786, %gather3A_2787 : vector<16xf32>
    %add3A_2789 = arith.addf %add3A_2783, %mul3A_2788 : vector<16xf32>
    %broadcast_in_dim3A_2790 = arith.constant 8 : i32
    %broadcast_in_dim3A_2791 = vector.broadcast %broadcast_in_dim3A_2790 : i32 to vector<16xi32>
    %gather3A_2792 = tpu.vector_load_idx %arg9[%add3A_2739, %broadcast_in_dim3A_2791] : memref<512x16xf32, #tpu.memory_space<vmem>>[vector<16xi32>, vector<16xi32>], vector<16xf32>,
    %gather3A_2793 = tpu.vector_load_idx %arg10[%add3A_2739, %broadcast_in_dim3A_2791] : memref<512x16xf32, #tpu.memory_space<vmem>>[vector<16xi32>, vector<16xi32>], vector<16xf32>,
    %mul3A_2794 = arith.mulf %gather3A_2792, %gather3A_2793 : vector<16xf32>
    %add3A_2795 = arith.addf %add3A_2789, %mul3A_2794 : vector<16xf32>
    %broadcast_in_dim3A_2796 = arith.constant 9 : i32
    %broadcast_in_dim3A_2797 = vector.broadcast %broadcast_in_dim3A_2796 : i32 to vector<16xi32>
    %gather3A_2798 = tpu.vector_load_idx %arg9[%add3A_2739, %broadcast_in_dim3A_2797] : memref<512x16xf32, #tpu.memory_space<vmem>>[vector<16xi32>, vector<16xi32>], vector<16xf32>,
    %gather3A_2799 = tpu.vector_load_idx %arg10[%add3A_2739, %broadcast_in_dim3A_2797] : memref<512x16xf32, #tpu.memory_space<vmem>>[vector<16xi32>, vector<16xi32>], vector<16xf32>,
    %mul3A_2800 = arith.mulf %gather3A_2798, %gather3A_2799 : vector<16xf32>
    %add3A_2801 = arith.addf %add3A_2795, %mul3A_2800 : vector<16xf32>
    %broadcast_in_dim3A_2802 = arith.constant 10 : i32
    %broadcast_in_dim3A_2803 = vector.broadcast %broadcast_in_dim3A_2802 : i32 to vector<16xi32>
    %gather3A_2804 = tpu.vector_load_idx %arg9[%add3A_2739, %broadcast_in_dim3A_2803] : memref<512x16xf32, #tpu.memory_space<vmem>>[vector<16xi32>, vector<16xi32>], vector<16xf32>,
    %gather3A_2805 = tpu.vector_load_idx %arg10[%add3A_2739, %broadcast_in_dim3A_2803] : memref<512x16xf32, #tpu.memory_space<vmem>>[vector<16xi32>, vector<16xi32>], vector<16xf32>,
    %mul3A_2806 = arith.mulf %gather3A_2804, %gather3A_2805 : vector<16xf32>
    %add3A_2807 = arith.addf %add3A_2801, %mul3A_2806 : vector<16xf32>
    %broadcast_in_dim3A_2808 = arith.constant 11 : i32
    %broadcast_in_dim3A_2809 = vector.broadcast %broadcast_in_dim3A_2808 : i32 to vector<16xi32>
    %gather3A_2810 = tpu.vector_load_idx %arg9[%add3A_2739, %broadcast_in_dim3A_2809] : memref<512x16xf32, #tpu.memory_space<vmem>>[vector<16xi32>, vector<16xi32>], vector<16xf32>,
    %gather3A_2811 = tpu.vector_load_idx %arg10[%add3A_2739, %broadcast_in_dim3A_2809] : memref<512x16xf32, #tpu.memory_space<vmem>>[vector<16xi32>, vector<16xi32>], vector<16xf32>,
    %mul3A_2812 = arith.mulf %gather3A_2810, %gather3A_2811 : vector<16xf32>
    %add3A_2813 = arith.addf %add3A_2807, %mul3A_2812 : vector<16xf32>
    %broadcast_in_dim3A_2814 = arith.constant 12 : i32
    %broadcast_in_dim3A_2815 = vector.broadcast %broadcast_in_dim3A_2814 : i32 to vector<16xi32>
    %gather3A_2816 = tpu.vector_load_idx %arg9[%add3A_2739, %broadcast_in_dim3A_2815] : memref<512x16xf32, #tpu.memory_space<vmem>>[vector<16xi32>, vector<16xi32>], vector<16xf32>,
    %gather3A_2817 = tpu.vector_load_idx %arg10[%add3A_2739, %broadcast_in_dim3A_2815] : memref<512x16xf32, #tpu.memory_space<vmem>>[vector<16xi32>, vector<16xi32>], vector<16xf32>,
    %mul3A_2818 = arith.mulf %gather3A_2816, %gather3A_2817 : vector<16xf32>
    %add3A_2819 = arith.addf %add3A_2813, %mul3A_2818 : vector<16xf32>
    %broadcast_in_dim3A_2820 = arith.constant 13 : i32
    %broadcast_in_dim3A_2821 = vector.broadcast %broadcast_in_dim3A_2820 : i32 to vector<16xi32>
    %gather3A_2822 = tpu.vector_load_idx %arg9[%add3A_2739, %broadcast_in_dim3A_2821] : memref<512x16xf32, #tpu.memory_space<vmem>>[vector<16xi32>, vector<16xi32>], vector<16xf32>,
    %gather3A_2823 = tpu.vector_load_idx %arg10[%add3A_2739, %broadcast_in_dim3A_2821] : memref<512x16xf32, #tpu.memory_space<vmem>>[vector<16xi32>, vector<16xi32>], vector<16xf32>,
    %mul3A_2824 = arith.mulf %gather3A_2822, %gather3A_2823 : vector<16xf32>
    %add3A_2825 = arith.addf %add3A_2819, %mul3A_2824 : vector<16xf32>
    %broadcast_in_dim3A_2826 = arith.constant 14 : i32
    %broadcast_in_dim3A_2827 = vector.broadcast %broadcast_in_dim3A_2826 : i32 to vector<16xi32>
    %gather3A_2828 = tpu.vector_load_idx %arg9[%add3A_2739, %broadcast_in_dim3A_2827] : memref<512x16xf32, #tpu.memory_space<vmem>>[vector<16xi32>, vector<16xi32>], vector<16xf32>,
    %gather3A_2829 = tpu.vector_load_idx %arg10[%add3A_2739, %broadcast_in_dim3A_2827] : memref<512x16xf32, #tpu.memory_space<vmem>>[vector<16xi32>, vector<16xi32>], vector<16xf32>,
    %mul3A_2830 = arith.mulf %gather3A_2828, %gather3A_2829 : vector<16xf32>
    %add3A_2831 = arith.addf %add3A_2825, %mul3A_2830 : vector<16xf32>
    %broadcast_in_dim3A_2832 = arith.constant 15 : i32
    %broadcast_in_dim3A_2833 = vector.broadcast %broadcast_in_dim3A_2832 : i32 to vector<16xi32>
    %gather3A_2834 = tpu.vector_load_idx %arg9[%add3A_2739, %broadcast_in_dim3A_2833] : memref<512x16xf32, #tpu.memory_space<vmem>>[vector<16xi32>, vector<16xi32>], vector<16xf32>,
    %gather3A_2835 = tpu.vector_load_idx %arg10[%add3A_2739, %broadcast_in_dim3A_2833] : memref<512x16xf32, #tpu.memory_space<vmem>>[vector<16xi32>, vector<16xi32>], vector<16xf32>,
    %mul3A_2836 = arith.mulf %gather3A_2834, %gather3A_2835 : vector<16xf32>
    %add3A_2837 = arith.addf %add3A_2831, %mul3A_2836 : vector<16xf32>
    %swap3A_2838 = arith.constant 400 : index
    %swap3A_2839 = tpu.vector_load %arg11[%swap3A_2838] {strides = array<i32>} : memref<512xf32, #tpu.memory_space<vmem>>, vector<16xf32>,
    tpu.vector_store %arg11[%swap3A_2838], %add3A_2837 {strides = array<i32>} : memref<512xf32, #tpu.memory_space<vmem>>, vector<16xf32>,
    %add3A_2840 = arith.constant 416 : i32
    %add3A_2841 = vector.broadcast %add3A_2840 : i32 to vector<16xi32>
    %add3A_2842 = arith.addi %add3A_2841, %iota3A : vector<16xi32>
    %broadcast_in_dim3A_2843 = arith.constant 0.000000e+00 : f32
    %broadcast_in_dim3A_2844 = vector.broadcast %broadcast_in_dim3A_2843 : f32 to vector<16xf32>
    %broadcast_in_dim3A_2845 = arith.constant 0 : i32
    %broadcast_in_dim3A_2846 = vector.broadcast %broadcast_in_dim3A_2845 : i32 to vector<16xi32>
    %gather3A_2847 = tpu.vector_load_idx %arg9[%add3A_2842, %broadcast_in_dim3A_2846] : memref<512x16xf32, #tpu.memory_space<vmem>>[vector<16xi32>, vector<16xi32>], vector<16xf32>,
    %gather3A_2848 = tpu.vector_load_idx %arg10[%add3A_2842, %broadcast_in_dim3A_2846] : memref<512x16xf32, #tpu.memory_space<vmem>>[vector<16xi32>, vector<16xi32>], vector<16xf32>,
    %mul3A_2849 = arith.mulf %gather3A_2847, %gather3A_2848 : vector<16xf32>
    %add3A_2850 = arith.addf %broadcast_in_dim3A_2844, %mul3A_2849 : vector<16xf32>
    %broadcast_in_dim3A_2851 = arith.constant 1 : i32
    %broadcast_in_dim3A_2852 = vector.broadcast %broadcast_in_dim3A_2851 : i32 to vector<16xi32>
    %gather3A_2853 = tpu.vector_load_idx %arg9[%add3A_2842, %broadcast_in_dim3A_2852] : memref<512x16xf32, #tpu.memory_space<vmem>>[vector<16xi32>, vector<16xi32>], vector<16xf32>,
    %gather3A_2854 = tpu.vector_load_idx %arg10[%add3A_2842, %broadcast_in_dim3A_2852] : memref<512x16xf32, #tpu.memory_space<vmem>>[vector<16xi32>, vector<16xi32>], vector<16xf32>,
    %mul3A_2855 = arith.mulf %gather3A_2853, %gather3A_2854 : vector<16xf32>
    %add3A_2856 = arith.addf %add3A_2850, %mul3A_2855 : vector<16xf32>
    %broadcast_in_dim3A_2857 = arith.constant 2 : i32
    %broadcast_in_dim3A_2858 = vector.broadcast %broadcast_in_dim3A_2857 : i32 to vector<16xi32>
    %gather3A_2859 = tpu.vector_load_idx %arg9[%add3A_2842, %broadcast_in_dim3A_2858] : memref<512x16xf32, #tpu.memory_space<vmem>>[vector<16xi32>, vector<16xi32>], vector<16xf32>,
    %gather3A_2860 = tpu.vector_load_idx %arg10[%add3A_2842, %broadcast_in_dim3A_2858] : memref<512x16xf32, #tpu.memory_space<vmem>>[vector<16xi32>, vector<16xi32>], vector<16xf32>,
    %mul3A_2861 = arith.mulf %gather3A_2859, %gather3A_2860 : vector<16xf32>
    %add3A_2862 = arith.addf %add3A_2856, %mul3A_2861 : vector<16xf32>
    %broadcast_in_dim3A_2863 = arith.constant 3 : i32
    %broadcast_in_dim3A_2864 = vector.broadcast %broadcast_in_dim3A_2863 : i32 to vector<16xi32>
    %gather3A_2865 = tpu.vector_load_idx %arg9[%add3A_2842, %broadcast_in_dim3A_2864] : memref<512x16xf32, #tpu.memory_space<vmem>>[vector<16xi32>, vector<16xi32>], vector<16xf32>,
    %gather3A_2866 = tpu.vector_load_idx %arg10[%add3A_2842, %broadcast_in_dim3A_2864] : memref<512x16xf32, #tpu.memory_space<vmem>>[vector<16xi32>, vector<16xi32>], vector<16xf32>,
    %mul3A_2867 = arith.mulf %gather3A_2865, %gather3A_2866 : vector<16xf32>
    %add3A_2868 = arith.addf %add3A_2862, %mul3A_2867 : vector<16xf32>
    %broadcast_in_dim3A_2869 = arith.constant 4 : i32
    %broadcast_in_dim3A_2870 = vector.broadcast %broadcast_in_dim3A_2869 : i32 to vector<16xi32>
    %gather3A_2871 = tpu.vector_load_idx %arg9[%add3A_2842, %broadcast_in_dim3A_2870] : memref<512x16xf32, #tpu.memory_space<vmem>>[vector<16xi32>, vector<16xi32>], vector<16xf32>,
    %gather3A_2872 = tpu.vector_load_idx %arg10[%add3A_2842, %broadcast_in_dim3A_2870] : memref<512x16xf32, #tpu.memory_space<vmem>>[vector<16xi32>, vector<16xi32>], vector<16xf32>,
    %mul3A_2873 = arith.mulf %gather3A_2871, %gather3A_2872 : vector<16xf32>
    %add3A_2874 = arith.addf %add3A_2868, %mul3A_2873 : vector<16xf32>
    %broadcast_in_dim3A_2875 = arith.constant 5 : i32
    %broadcast_in_dim3A_2876 = vector.broadcast %broadcast_in_dim3A_2875 : i32 to vector<16xi32>
    %gather3A_2877 = tpu.vector_load_idx %arg9[%add3A_2842, %broadcast_in_dim3A_2876] : memref<512x16xf32, #tpu.memory_space<vmem>>[vector<16xi32>, vector<16xi32>], vector<16xf32>,
    %gather3A_2878 = tpu.vector_load_idx %arg10[%add3A_2842, %broadcast_in_dim3A_2876] : memref<512x16xf32, #tpu.memory_space<vmem>>[vector<16xi32>, vector<16xi32>], vector<16xf32>,
    %mul3A_2879 = arith.mulf %gather3A_2877, %gather3A_2878 : vector<16xf32>
    %add3A_2880 = arith.addf %add3A_2874, %mul3A_2879 : vector<16xf32>
    %broadcast_in_dim3A_2881 = arith.constant 6 : i32
    %broadcast_in_dim3A_2882 = vector.broadcast %broadcast_in_dim3A_2881 : i32 to vector<16xi32>
    %gather3A_2883 = tpu.vector_load_idx %arg9[%add3A_2842, %broadcast_in_dim3A_2882] : memref<512x16xf32, #tpu.memory_space<vmem>>[vector<16xi32>, vector<16xi32>], vector<16xf32>,
    %gather3A_2884 = tpu.vector_load_idx %arg10[%add3A_2842, %broadcast_in_dim3A_2882] : memref<512x16xf32, #tpu.memory_space<vmem>>[vector<16xi32>, vector<16xi32>], vector<16xf32>,
    %mul3A_2885 = arith.mulf %gather3A_2883, %gather3A_2884 : vector<16xf32>
    %add3A_2886 = arith.addf %add3A_2880, %mul3A_2885 : vector<16xf32>
    %broadcast_in_dim3A_2887 = arith.constant 7 : i32
    %broadcast_in_dim3A_2888 = vector.broadcast %broadcast_in_dim3A_2887 : i32 to vector<16xi32>
    %gather3A_2889 = tpu.vector_load_idx %arg9[%add3A_2842, %broadcast_in_dim3A_2888] : memref<512x16xf32, #tpu.memory_space<vmem>>[vector<16xi32>, vector<16xi32>], vector<16xf32>,
    %gather3A_2890 = tpu.vector_load_idx %arg10[%add3A_2842, %broadcast_in_dim3A_2888] : memref<512x16xf32, #tpu.memory_space<vmem>>[vector<16xi32>, vector<16xi32>], vector<16xf32>,
    %mul3A_2891 = arith.mulf %gather3A_2889, %gather3A_2890 : vector<16xf32>
    %add3A_2892 = arith.addf %add3A_2886, %mul3A_2891 : vector<16xf32>
    %broadcast_in_dim3A_2893 = arith.constant 8 : i32
    %broadcast_in_dim3A_2894 = vector.broadcast %broadcast_in_dim3A_2893 : i32 to vector<16xi32>
    %gather3A_2895 = tpu.vector_load_idx %arg9[%add3A_2842, %broadcast_in_dim3A_2894] : memref<512x16xf32, #tpu.memory_space<vmem>>[vector<16xi32>, vector<16xi32>], vector<16xf32>,
    %gather3A_2896 = tpu.vector_load_idx %arg10[%add3A_2842, %broadcast_in_dim3A_2894] : memref<512x16xf32, #tpu.memory_space<vmem>>[vector<16xi32>, vector<16xi32>], vector<16xf32>,
    %mul3A_2897 = arith.mulf %gather3A_2895, %gather3A_2896 : vector<16xf32>
    %add3A_2898 = arith.addf %add3A_2892, %mul3A_2897 : vector<16xf32>
    %broadcast_in_dim3A_2899 = arith.constant 9 : i32
    %broadcast_in_dim3A_2900 = vector.broadcast %broadcast_in_dim3A_2899 : i32 to vector<16xi32>
    %gather3A_2901 = tpu.vector_load_idx %arg9[%add3A_2842, %broadcast_in_dim3A_2900] : memref<512x16xf32, #tpu.memory_space<vmem>>[vector<16xi32>, vector<16xi32>], vector<16xf32>,
    %gather3A_2902 = tpu.vector_load_idx %arg10[%add3A_2842, %broadcast_in_dim3A_2900] : memref<512x16xf32, #tpu.memory_space<vmem>>[vector<16xi32>, vector<16xi32>], vector<16xf32>,
    %mul3A_2903 = arith.mulf %gather3A_2901, %gather3A_2902 : vector<16xf32>
    %add3A_2904 = arith.addf %add3A_2898, %mul3A_2903 : vector<16xf32>
    %broadcast_in_dim3A_2905 = arith.constant 10 : i32
    %broadcast_in_dim3A_2906 = vector.broadcast %broadcast_in_dim3A_2905 : i32 to vector<16xi32>
    %gather3A_2907 = tpu.vector_load_idx %arg9[%add3A_2842, %broadcast_in_dim3A_2906] : memref<512x16xf32, #tpu.memory_space<vmem>>[vector<16xi32>, vector<16xi32>], vector<16xf32>,
    %gather3A_2908 = tpu.vector_load_idx %arg10[%add3A_2842, %broadcast_in_dim3A_2906] : memref<512x16xf32, #tpu.memory_space<vmem>>[vector<16xi32>, vector<16xi32>], vector<16xf32>,
    %mul3A_2909 = arith.mulf %gather3A_2907, %gather3A_2908 : vector<16xf32>
    %add3A_2910 = arith.addf %add3A_2904, %mul3A_2909 : vector<16xf32>
    %broadcast_in_dim3A_2911 = arith.constant 11 : i32
    %broadcast_in_dim3A_2912 = vector.broadcast %broadcast_in_dim3A_2911 : i32 to vector<16xi32>
    %gather3A_2913 = tpu.vector_load_idx %arg9[%add3A_2842, %broadcast_in_dim3A_2912] : memref<512x16xf32, #tpu.memory_space<vmem>>[vector<16xi32>, vector<16xi32>], vector<16xf32>,
    %gather3A_2914 = tpu.vector_load_idx %arg10[%add3A_2842, %broadcast_in_dim3A_2912] : memref<512x16xf32, #tpu.memory_space<vmem>>[vector<16xi32>, vector<16xi32>], vector<16xf32>,
    %mul3A_2915 = arith.mulf %gather3A_2913, %gather3A_2914 : vector<16xf32>
    %add3A_2916 = arith.addf %add3A_2910, %mul3A_2915 : vector<16xf32>
    %broadcast_in_dim3A_2917 = arith.constant 12 : i32
    %broadcast_in_dim3A_2918 = vector.broadcast %broadcast_in_dim3A_2917 : i32 to vector<16xi32>
    %gather3A_2919 = tpu.vector_load_idx %arg9[%add3A_2842, %broadcast_in_dim3A_2918] : memref<512x16xf32, #tpu.memory_space<vmem>>[vector<16xi32>, vector<16xi32>], vector<16xf32>,
    %gather3A_2920 = tpu.vector_load_idx %arg10[%add3A_2842, %broadcast_in_dim3A_2918] : memref<512x16xf32, #tpu.memory_space<vmem>>[vector<16xi32>, vector<16xi32>], vector<16xf32>,
    %mul3A_2921 = arith.mulf %gather3A_2919, %gather3A_2920 : vector<16xf32>
    %add3A_2922 = arith.addf %add3A_2916, %mul3A_2921 : vector<16xf32>
    %broadcast_in_dim3A_2923 = arith.constant 13 : i32
    %broadcast_in_dim3A_2924 = vector.broadcast %broadcast_in_dim3A_2923 : i32 to vector<16xi32>
    %gather3A_2925 = tpu.vector_load_idx %arg9[%add3A_2842, %broadcast_in_dim3A_2924] : memref<512x16xf32, #tpu.memory_space<vmem>>[vector<16xi32>, vector<16xi32>], vector<16xf32>,
    %gather3A_2926 = tpu.vector_load_idx %arg10[%add3A_2842, %broadcast_in_dim3A_2924] : memref<512x16xf32, #tpu.memory_space<vmem>>[vector<16xi32>, vector<16xi32>], vector<16xf32>,
    %mul3A_2927 = arith.mulf %gather3A_2925, %gather3A_2926 : vector<16xf32>
    %add3A_2928 = arith.addf %add3A_2922, %mul3A_2927 : vector<16xf32>
    %broadcast_in_dim3A_2929 = arith.constant 14 : i32
    %broadcast_in_dim3A_2930 = vector.broadcast %broadcast_in_dim3A_2929 : i32 to vector<16xi32>
    %gather3A_2931 = tpu.vector_load_idx %arg9[%add3A_2842, %broadcast_in_dim3A_2930] : memref<512x16xf32, #tpu.memory_space<vmem>>[vector<16xi32>, vector<16xi32>], vector<16xf32>,
    %gather3A_2932 = tpu.vector_load_idx %arg10[%add3A_2842, %broadcast_in_dim3A_2930] : memref<512x16xf32, #tpu.memory_space<vmem>>[vector<16xi32>, vector<16xi32>], vector<16xf32>,
    %mul3A_2933 = arith.mulf %gather3A_2931, %gather3A_2932 : vector<16xf32>
    %add3A_2934 = arith.addf %add3A_2928, %mul3A_2933 : vector<16xf32>
    %broadcast_in_dim3A_2935 = arith.constant 15 : i32
    %broadcast_in_dim3A_2936 = vector.broadcast %broadcast_in_dim3A_2935 : i32 to vector<16xi32>
    %gather3A_2937 = tpu.vector_load_idx %arg9[%add3A_2842, %broadcast_in_dim3A_2936] : memref<512x16xf32, #tpu.memory_space<vmem>>[vector<16xi32>, vector<16xi32>], vector<16xf32>,
    %gather3A_2938 = tpu.vector_load_idx %arg10[%add3A_2842, %broadcast_in_dim3A_2936] : memref<512x16xf32, #tpu.memory_space<vmem>>[vector<16xi32>, vector<16xi32>], vector<16xf32>,
    %mul3A_2939 = arith.mulf %gather3A_2937, %gather3A_2938 : vector<16xf32>
    %add3A_2940 = arith.addf %add3A_2934, %mul3A_2939 : vector<16xf32>
    %swap3A_2941 = arith.constant 416 : index
    %swap3A_2942 = tpu.vector_load %arg11[%swap3A_2941] {strides = array<i32>} : memref<512xf32, #tpu.memory_space<vmem>>, vector<16xf32>,
    tpu.vector_store %arg11[%swap3A_2941], %add3A_2940 {strides = array<i32>} : memref<512xf32, #tpu.memory_space<vmem>>, vector<16xf32>,
    %add3A_2943 = arith.constant 432 : i32
    %add3A_2944 = vector.broadcast %add3A_2943 : i32 to vector<16xi32>
    %add3A_2945 = arith.addi %add3A_2944, %iota3A : vector<16xi32>
    %broadcast_in_dim3A_2946 = arith.constant 0.000000e+00 : f32
    %broadcast_in_dim3A_2947 = vector.broadcast %broadcast_in_dim3A_2946 : f32 to vector<16xf32>
    %broadcast_in_dim3A_2948 = arith.constant 0 : i32
    %broadcast_in_dim3A_2949 = vector.broadcast %broadcast_in_dim3A_2948 : i32 to vector<16xi32>
    %gather3A_2950 = tpu.vector_load_idx %arg9[%add3A_2945, %broadcast_in_dim3A_2949] : memref<512x16xf32, #tpu.memory_space<vmem>>[vector<16xi32>, vector<16xi32>], vector<16xf32>,
    %gather3A_2951 = tpu.vector_load_idx %arg10[%add3A_2945, %broadcast_in_dim3A_2949] : memref<512x16xf32, #tpu.memory_space<vmem>>[vector<16xi32>, vector<16xi32>], vector<16xf32>,
    %mul3A_2952 = arith.mulf %gather3A_2950, %gather3A_2951 : vector<16xf32>
    %add3A_2953 = arith.addf %broadcast_in_dim3A_2947, %mul3A_2952 : vector<16xf32>
    %broadcast_in_dim3A_2954 = arith.constant 1 : i32
    %broadcast_in_dim3A_2955 = vector.broadcast %broadcast_in_dim3A_2954 : i32 to vector<16xi32>
    %gather3A_2956 = tpu.vector_load_idx %arg9[%add3A_2945, %broadcast_in_dim3A_2955] : memref<512x16xf32, #tpu.memory_space<vmem>>[vector<16xi32>, vector<16xi32>], vector<16xf32>,
    %gather3A_2957 = tpu.vector_load_idx %arg10[%add3A_2945, %broadcast_in_dim3A_2955] : memref<512x16xf32, #tpu.memory_space<vmem>>[vector<16xi32>, vector<16xi32>], vector<16xf32>,
    %mul3A_2958 = arith.mulf %gather3A_2956, %gather3A_2957 : vector<16xf32>
    %add3A_2959 = arith.addf %add3A_2953, %mul3A_2958 : vector<16xf32>
    %broadcast_in_dim3A_2960 = arith.constant 2 : i32
    %broadcast_in_dim3A_2961 = vector.broadcast %broadcast_in_dim3A_2960 : i32 to vector<16xi32>
    %gather3A_2962 = tpu.vector_load_idx %arg9[%add3A_2945, %broadcast_in_dim3A_2961] : memref<512x16xf32, #tpu.memory_space<vmem>>[vector<16xi32>, vector<16xi32>], vector<16xf32>,
    %gather3A_2963 = tpu.vector_load_idx %arg10[%add3A_2945, %broadcast_in_dim3A_2961] : memref<512x16xf32, #tpu.memory_space<vmem>>[vector<16xi32>, vector<16xi32>], vector<16xf32>,
    %mul3A_2964 = arith.mulf %gather3A_2962, %gather3A_2963 : vector<16xf32>
    %add3A_2965 = arith.addf %add3A_2959, %mul3A_2964 : vector<16xf32>
    %broadcast_in_dim3A_2966 = arith.constant 3 : i32
    %broadcast_in_dim3A_2967 = vector.broadcast %broadcast_in_dim3A_2966 : i32 to vector<16xi32>
    %gather3A_2968 = tpu.vector_load_idx %arg9[%add3A_2945, %broadcast_in_dim3A_2967] : memref<512x16xf32, #tpu.memory_space<vmem>>[vector<16xi32>, vector<16xi32>], vector<16xf32>,
    %gather3A_2969 = tpu.vector_load_idx %arg10[%add3A_2945, %broadcast_in_dim3A_2967] : memref<512x16xf32, #tpu.memory_space<vmem>>[vector<16xi32>, vector<16xi32>], vector<16xf32>,
    %mul3A_2970 = arith.mulf %gather3A_2968, %gather3A_2969 : vector<16xf32>
    %add3A_2971 = arith.addf %add3A_2965, %mul3A_2970 : vector<16xf32>
    %broadcast_in_dim3A_2972 = arith.constant 4 : i32
    %broadcast_in_dim3A_2973 = vector.broadcast %broadcast_in_dim3A_2972 : i32 to vector<16xi32>
    %gather3A_2974 = tpu.vector_load_idx %arg9[%add3A_2945, %broadcast_in_dim3A_2973] : memref<512x16xf32, #tpu.memory_space<vmem>>[vector<16xi32>, vector<16xi32>], vector<16xf32>,
    %gather3A_2975 = tpu.vector_load_idx %arg10[%add3A_2945, %broadcast_in_dim3A_2973] : memref<512x16xf32, #tpu.memory_space<vmem>>[vector<16xi32>, vector<16xi32>], vector<16xf32>,
    %mul3A_2976 = arith.mulf %gather3A_2974, %gather3A_2975 : vector<16xf32>
    %add3A_2977 = arith.addf %add3A_2971, %mul3A_2976 : vector<16xf32>
    %broadcast_in_dim3A_2978 = arith.constant 5 : i32
    %broadcast_in_dim3A_2979 = vector.broadcast %broadcast_in_dim3A_2978 : i32 to vector<16xi32>
    %gather3A_2980 = tpu.vector_load_idx %arg9[%add3A_2945, %broadcast_in_dim3A_2979] : memref<512x16xf32, #tpu.memory_space<vmem>>[vector<16xi32>, vector<16xi32>], vector<16xf32>,
    %gather3A_2981 = tpu.vector_load_idx %arg10[%add3A_2945, %broadcast_in_dim3A_2979] : memref<512x16xf32, #tpu.memory_space<vmem>>[vector<16xi32>, vector<16xi32>], vector<16xf32>,
    %mul3A_2982 = arith.mulf %gather3A_2980, %gather3A_2981 : vector<16xf32>
    %add3A_2983 = arith.addf %add3A_2977, %mul3A_2982 : vector<16xf32>
    %broadcast_in_dim3A_2984 = arith.constant 6 : i32
    %broadcast_in_dim3A_2985 = vector.broadcast %broadcast_in_dim3A_2984 : i32 to vector<16xi32>
    %gather3A_2986 = tpu.vector_load_idx %arg9[%add3A_2945, %broadcast_in_dim3A_2985] : memref<512x16xf32, #tpu.memory_space<vmem>>[vector<16xi32>, vector<16xi32>], vector<16xf32>,
    %gather3A_2987 = tpu.vector_load_idx %arg10[%add3A_2945, %broadcast_in_dim3A_2985] : memref<512x16xf32, #tpu.memory_space<vmem>>[vector<16xi32>, vector<16xi32>], vector<16xf32>,
    %mul3A_2988 = arith.mulf %gather3A_2986, %gather3A_2987 : vector<16xf32>
    %add3A_2989 = arith.addf %add3A_2983, %mul3A_2988 : vector<16xf32>
    %broadcast_in_dim3A_2990 = arith.constant 7 : i32
    %broadcast_in_dim3A_2991 = vector.broadcast %broadcast_in_dim3A_2990 : i32 to vector<16xi32>
    %gather3A_2992 = tpu.vector_load_idx %arg9[%add3A_2945, %broadcast_in_dim3A_2991] : memref<512x16xf32, #tpu.memory_space<vmem>>[vector<16xi32>, vector<16xi32>], vector<16xf32>,
    %gather3A_2993 = tpu.vector_load_idx %arg10[%add3A_2945, %broadcast_in_dim3A_2991] : memref<512x16xf32, #tpu.memory_space<vmem>>[vector<16xi32>, vector<16xi32>], vector<16xf32>,
    %mul3A_2994 = arith.mulf %gather3A_2992, %gather3A_2993 : vector<16xf32>
    %add3A_2995 = arith.addf %add3A_2989, %mul3A_2994 : vector<16xf32>
    %broadcast_in_dim3A_2996 = arith.constant 8 : i32
    %broadcast_in_dim3A_2997 = vector.broadcast %broadcast_in_dim3A_2996 : i32 to vector<16xi32>
    %gather3A_2998 = tpu.vector_load_idx %arg9[%add3A_2945, %broadcast_in_dim3A_2997] : memref<512x16xf32, #tpu.memory_space<vmem>>[vector<16xi32>, vector<16xi32>], vector<16xf32>,
    %gather3A_2999 = tpu.vector_load_idx %arg10[%add3A_2945, %broadcast_in_dim3A_2997] : memref<512x16xf32, #tpu.memory_space<vmem>>[vector<16xi32>, vector<16xi32>], vector<16xf32>,
    %mul3A_3000 = arith.mulf %gather3A_2998, %gather3A_2999 : vector<16xf32>
    %add3A_3001 = arith.addf %add3A_2995, %mul3A_3000 : vector<16xf32>
    %broadcast_in_dim3A_3002 = arith.constant 9 : i32
    %broadcast_in_dim3A_3003 = vector.broadcast %broadcast_in_dim3A_3002 : i32 to vector<16xi32>
    %gather3A_3004 = tpu.vector_load_idx %arg9[%add3A_2945, %broadcast_in_dim3A_3003] : memref<512x16xf32, #tpu.memory_space<vmem>>[vector<16xi32>, vector<16xi32>], vector<16xf32>,
    %gather3A_3005 = tpu.vector_load_idx %arg10[%add3A_2945, %broadcast_in_dim3A_3003] : memref<512x16xf32, #tpu.memory_space<vmem>>[vector<16xi32>, vector<16xi32>], vector<16xf32>,
    %mul3A_3006 = arith.mulf %gather3A_3004, %gather3A_3005 : vector<16xf32>
    %add3A_3007 = arith.addf %add3A_3001, %mul3A_3006 : vector<16xf32>
    %broadcast_in_dim3A_3008 = arith.constant 10 : i32
    %broadcast_in_dim3A_3009 = vector.broadcast %broadcast_in_dim3A_3008 : i32 to vector<16xi32>
    %gather3A_3010 = tpu.vector_load_idx %arg9[%add3A_2945, %broadcast_in_dim3A_3009] : memref<512x16xf32, #tpu.memory_space<vmem>>[vector<16xi32>, vector<16xi32>], vector<16xf32>,
    %gather3A_3011 = tpu.vector_load_idx %arg10[%add3A_2945, %broadcast_in_dim3A_3009] : memref<512x16xf32, #tpu.memory_space<vmem>>[vector<16xi32>, vector<16xi32>], vector<16xf32>,
    %mul3A_3012 = arith.mulf %gather3A_3010, %gather3A_3011 : vector<16xf32>
    %add3A_3013 = arith.addf %add3A_3007, %mul3A_3012 : vector<16xf32>
    %broadcast_in_dim3A_3014 = arith.constant 11 : i32
    %broadcast_in_dim3A_3015 = vector.broadcast %broadcast_in_dim3A_3014 : i32 to vector<16xi32>
    %gather3A_3016 = tpu.vector_load_idx %arg9[%add3A_2945, %broadcast_in_dim3A_3015] : memref<512x16xf32, #tpu.memory_space<vmem>>[vector<16xi32>, vector<16xi32>], vector<16xf32>,
    %gather3A_3017 = tpu.vector_load_idx %arg10[%add3A_2945, %broadcast_in_dim3A_3015] : memref<512x16xf32, #tpu.memory_space<vmem>>[vector<16xi32>, vector<16xi32>], vector<16xf32>,
    %mul3A_3018 = arith.mulf %gather3A_3016, %gather3A_3017 : vector<16xf32>
    %add3A_3019 = arith.addf %add3A_3013, %mul3A_3018 : vector<16xf32>
    %broadcast_in_dim3A_3020 = arith.constant 12 : i32
    %broadcast_in_dim3A_3021 = vector.broadcast %broadcast_in_dim3A_3020 : i32 to vector<16xi32>
    %gather3A_3022 = tpu.vector_load_idx %arg9[%add3A_2945, %broadcast_in_dim3A_3021] : memref<512x16xf32, #tpu.memory_space<vmem>>[vector<16xi32>, vector<16xi32>], vector<16xf32>,
    %gather3A_3023 = tpu.vector_load_idx %arg10[%add3A_2945, %broadcast_in_dim3A_3021] : memref<512x16xf32, #tpu.memory_space<vmem>>[vector<16xi32>, vector<16xi32>], vector<16xf32>,
    %mul3A_3024 = arith.mulf %gather3A_3022, %gather3A_3023 : vector<16xf32>
    %add3A_3025 = arith.addf %add3A_3019, %mul3A_3024 : vector<16xf32>
    %broadcast_in_dim3A_3026 = arith.constant 13 : i32
    %broadcast_in_dim3A_3027 = vector.broadcast %broadcast_in_dim3A_3026 : i32 to vector<16xi32>
    %gather3A_3028 = tpu.vector_load_idx %arg9[%add3A_2945, %broadcast_in_dim3A_3027] : memref<512x16xf32, #tpu.memory_space<vmem>>[vector<16xi32>, vector<16xi32>], vector<16xf32>,
    %gather3A_3029 = tpu.vector_load_idx %arg10[%add3A_2945, %broadcast_in_dim3A_3027] : memref<512x16xf32, #tpu.memory_space<vmem>>[vector<16xi32>, vector<16xi32>], vector<16xf32>,
    %mul3A_3030 = arith.mulf %gather3A_3028, %gather3A_3029 : vector<16xf32>
    %add3A_3031 = arith.addf %add3A_3025, %mul3A_3030 : vector<16xf32>
    %broadcast_in_dim3A_3032 = arith.constant 14 : i32
    %broadcast_in_dim3A_3033 = vector.broadcast %broadcast_in_dim3A_3032 : i32 to vector<16xi32>
    %gather3A_3034 = tpu.vector_load_idx %arg9[%add3A_2945, %broadcast_in_dim3A_3033] : memref<512x16xf32, #tpu.memory_space<vmem>>[vector<16xi32>, vector<16xi32>], vector<16xf32>,
    %gather3A_3035 = tpu.vector_load_idx %arg10[%add3A_2945, %broadcast_in_dim3A_3033] : memref<512x16xf32, #tpu.memory_space<vmem>>[vector<16xi32>, vector<16xi32>], vector<16xf32>,
    %mul3A_3036 = arith.mulf %gather3A_3034, %gather3A_3035 : vector<16xf32>
    %add3A_3037 = arith.addf %add3A_3031, %mul3A_3036 : vector<16xf32>
    %broadcast_in_dim3A_3038 = arith.constant 15 : i32
    %broadcast_in_dim3A_3039 = vector.broadcast %broadcast_in_dim3A_3038 : i32 to vector<16xi32>
    %gather3A_3040 = tpu.vector_load_idx %arg9[%add3A_2945, %broadcast_in_dim3A_3039] : memref<512x16xf32, #tpu.memory_space<vmem>>[vector<16xi32>, vector<16xi32>], vector<16xf32>,
    %gather3A_3041 = tpu.vector_load_idx %arg10[%add3A_2945, %broadcast_in_dim3A_3039] : memref<512x16xf32, #tpu.memory_space<vmem>>[vector<16xi32>, vector<16xi32>], vector<16xf32>,
    %mul3A_3042 = arith.mulf %gather3A_3040, %gather3A_3041 : vector<16xf32>
    %add3A_3043 = arith.addf %add3A_3037, %mul3A_3042 : vector<16xf32>
    %swap3A_3044 = arith.constant 432 : index
    %swap3A_3045 = tpu.vector_load %arg11[%swap3A_3044] {strides = array<i32>} : memref<512xf32, #tpu.memory_space<vmem>>, vector<16xf32>,
    tpu.vector_store %arg11[%swap3A_3044], %add3A_3043 {strides = array<i32>} : memref<512xf32, #tpu.memory_space<vmem>>, vector<16xf32>,
    %add3A_3046 = arith.constant 448 : i32
    %add3A_3047 = vector.broadcast %add3A_3046 : i32 to vector<16xi32>
    %add3A_3048 = arith.addi %add3A_3047, %iota3A : vector<16xi32>
    %broadcast_in_dim3A_3049 = arith.constant 0.000000e+00 : f32
    %broadcast_in_dim3A_3050 = vector.broadcast %broadcast_in_dim3A_3049 : f32 to vector<16xf32>
    %broadcast_in_dim3A_3051 = arith.constant 0 : i32
    %broadcast_in_dim3A_3052 = vector.broadcast %broadcast_in_dim3A_3051 : i32 to vector<16xi32>
    %gather3A_3053 = tpu.vector_load_idx %arg9[%add3A_3048, %broadcast_in_dim3A_3052] : memref<512x16xf32, #tpu.memory_space<vmem>>[vector<16xi32>, vector<16xi32>], vector<16xf32>,
    %gather3A_3054 = tpu.vector_load_idx %arg10[%add3A_3048, %broadcast_in_dim3A_3052] : memref<512x16xf32, #tpu.memory_space<vmem>>[vector<16xi32>, vector<16xi32>], vector<16xf32>,
    %mul3A_3055 = arith.mulf %gather3A_3053, %gather3A_3054 : vector<16xf32>
    %add3A_3056 = arith.addf %broadcast_in_dim3A_3050, %mul3A_3055 : vector<16xf32>
    %broadcast_in_dim3A_3057 = arith.constant 1 : i32
    %broadcast_in_dim3A_3058 = vector.broadcast %broadcast_in_dim3A_3057 : i32 to vector<16xi32>
    %gather3A_3059 = tpu.vector_load_idx %arg9[%add3A_3048, %broadcast_in_dim3A_3058] : memref<512x16xf32, #tpu.memory_space<vmem>>[vector<16xi32>, vector<16xi32>], vector<16xf32>,
    %gather3A_3060 = tpu.vector_load_idx %arg10[%add3A_3048, %broadcast_in_dim3A_3058] : memref<512x16xf32, #tpu.memory_space<vmem>>[vector<16xi32>, vector<16xi32>], vector<16xf32>,
    %mul3A_3061 = arith.mulf %gather3A_3059, %gather3A_3060 : vector<16xf32>
    %add3A_3062 = arith.addf %add3A_3056, %mul3A_3061 : vector<16xf32>
    %broadcast_in_dim3A_3063 = arith.constant 2 : i32
    %broadcast_in_dim3A_3064 = vector.broadcast %broadcast_in_dim3A_3063 : i32 to vector<16xi32>
    %gather3A_3065 = tpu.vector_load_idx %arg9[%add3A_3048, %broadcast_in_dim3A_3064] : memref<512x16xf32, #tpu.memory_space<vmem>>[vector<16xi32>, vector<16xi32>], vector<16xf32>,
    %gather3A_3066 = tpu.vector_load_idx %arg10[%add3A_3048, %broadcast_in_dim3A_3064] : memref<512x16xf32, #tpu.memory_space<vmem>>[vector<16xi32>, vector<16xi32>], vector<16xf32>,
    %mul3A_3067 = arith.mulf %gather3A_3065, %gather3A_3066 : vector<16xf32>
    %add3A_3068 = arith.addf %add3A_3062, %mul3A_3067 : vector<16xf32>
    %broadcast_in_dim3A_3069 = arith.constant 3 : i32
    %broadcast_in_dim3A_3070 = vector.broadcast %broadcast_in_dim3A_3069 : i32 to vector<16xi32>
    %gather3A_3071 = tpu.vector_load_idx %arg9[%add3A_3048, %broadcast_in_dim3A_3070] : memref<512x16xf32, #tpu.memory_space<vmem>>[vector<16xi32>, vector<16xi32>], vector<16xf32>,
    %gather3A_3072 = tpu.vector_load_idx %arg10[%add3A_3048, %broadcast_in_dim3A_3070] : memref<512x16xf32, #tpu.memory_space<vmem>>[vector<16xi32>, vector<16xi32>], vector<16xf32>,
    %mul3A_3073 = arith.mulf %gather3A_3071, %gather3A_3072 : vector<16xf32>
    %add3A_3074 = arith.addf %add3A_3068, %mul3A_3073 : vector<16xf32>
    %broadcast_in_dim3A_3075 = arith.constant 4 : i32
    %broadcast_in_dim3A_3076 = vector.broadcast %broadcast_in_dim3A_3075 : i32 to vector<16xi32>
    %gather3A_3077 = tpu.vector_load_idx %arg9[%add3A_3048, %broadcast_in_dim3A_3076] : memref<512x16xf32, #tpu.memory_space<vmem>>[vector<16xi32>, vector<16xi32>], vector<16xf32>,
    %gather3A_3078 = tpu.vector_load_idx %arg10[%add3A_3048, %broadcast_in_dim3A_3076] : memref<512x16xf32, #tpu.memory_space<vmem>>[vector<16xi32>, vector<16xi32>], vector<16xf32>,
    %mul3A_3079 = arith.mulf %gather3A_3077, %gather3A_3078 : vector<16xf32>
    %add3A_3080 = arith.addf %add3A_3074, %mul3A_3079 : vector<16xf32>
    %broadcast_in_dim3A_3081 = arith.constant 5 : i32
    %broadcast_in_dim3A_3082 = vector.broadcast %broadcast_in_dim3A_3081 : i32 to vector<16xi32>
    %gather3A_3083 = tpu.vector_load_idx %arg9[%add3A_3048, %broadcast_in_dim3A_3082] : memref<512x16xf32, #tpu.memory_space<vmem>>[vector<16xi32>, vector<16xi32>], vector<16xf32>,
    %gather3A_3084 = tpu.vector_load_idx %arg10[%add3A_3048, %broadcast_in_dim3A_3082] : memref<512x16xf32, #tpu.memory_space<vmem>>[vector<16xi32>, vector<16xi32>], vector<16xf32>,
    %mul3A_3085 = arith.mulf %gather3A_3083, %gather3A_3084 : vector<16xf32>
    %add3A_3086 = arith.addf %add3A_3080, %mul3A_3085 : vector<16xf32>
    %broadcast_in_dim3A_3087 = arith.constant 6 : i32
    %broadcast_in_dim3A_3088 = vector.broadcast %broadcast_in_dim3A_3087 : i32 to vector<16xi32>
    %gather3A_3089 = tpu.vector_load_idx %arg9[%add3A_3048, %broadcast_in_dim3A_3088] : memref<512x16xf32, #tpu.memory_space<vmem>>[vector<16xi32>, vector<16xi32>], vector<16xf32>,
    %gather3A_3090 = tpu.vector_load_idx %arg10[%add3A_3048, %broadcast_in_dim3A_3088] : memref<512x16xf32, #tpu.memory_space<vmem>>[vector<16xi32>, vector<16xi32>], vector<16xf32>,
    %mul3A_3091 = arith.mulf %gather3A_3089, %gather3A_3090 : vector<16xf32>
    %add3A_3092 = arith.addf %add3A_3086, %mul3A_3091 : vector<16xf32>
    %broadcast_in_dim3A_3093 = arith.constant 7 : i32
    %broadcast_in_dim3A_3094 = vector.broadcast %broadcast_in_dim3A_3093 : i32 to vector<16xi32>
    %gather3A_3095 = tpu.vector_load_idx %arg9[%add3A_3048, %broadcast_in_dim3A_3094] : memref<512x16xf32, #tpu.memory_space<vmem>>[vector<16xi32>, vector<16xi32>], vector<16xf32>,
    %gather3A_3096 = tpu.vector_load_idx %arg10[%add3A_3048, %broadcast_in_dim3A_3094] : memref<512x16xf32, #tpu.memory_space<vmem>>[vector<16xi32>, vector<16xi32>], vector<16xf32>,
    %mul3A_3097 = arith.mulf %gather3A_3095, %gather3A_3096 : vector<16xf32>
    %add3A_3098 = arith.addf %add3A_3092, %mul3A_3097 : vector<16xf32>
    %broadcast_in_dim3A_3099 = arith.constant 8 : i32
    %broadcast_in_dim3A_3100 = vector.broadcast %broadcast_in_dim3A_3099 : i32 to vector<16xi32>
    %gather3A_3101 = tpu.vector_load_idx %arg9[%add3A_3048, %broadcast_in_dim3A_3100] : memref<512x16xf32, #tpu.memory_space<vmem>>[vector<16xi32>, vector<16xi32>], vector<16xf32>,
    %gather3A_3102 = tpu.vector_load_idx %arg10[%add3A_3048, %broadcast_in_dim3A_3100] : memref<512x16xf32, #tpu.memory_space<vmem>>[vector<16xi32>, vector<16xi32>], vector<16xf32>,
    %mul3A_3103 = arith.mulf %gather3A_3101, %gather3A_3102 : vector<16xf32>
    %add3A_3104 = arith.addf %add3A_3098, %mul3A_3103 : vector<16xf32>
    %broadcast_in_dim3A_3105 = arith.constant 9 : i32
    %broadcast_in_dim3A_3106 = vector.broadcast %broadcast_in_dim3A_3105 : i32 to vector<16xi32>
    %gather3A_3107 = tpu.vector_load_idx %arg9[%add3A_3048, %broadcast_in_dim3A_3106] : memref<512x16xf32, #tpu.memory_space<vmem>>[vector<16xi32>, vector<16xi32>], vector<16xf32>,
    %gather3A_3108 = tpu.vector_load_idx %arg10[%add3A_3048, %broadcast_in_dim3A_3106] : memref<512x16xf32, #tpu.memory_space<vmem>>[vector<16xi32>, vector<16xi32>], vector<16xf32>,
    %mul3A_3109 = arith.mulf %gather3A_3107, %gather3A_3108 : vector<16xf32>
    %add3A_3110 = arith.addf %add3A_3104, %mul3A_3109 : vector<16xf32>
    %broadcast_in_dim3A_3111 = arith.constant 10 : i32
    %broadcast_in_dim3A_3112 = vector.broadcast %broadcast_in_dim3A_3111 : i32 to vector<16xi32>
    %gather3A_3113 = tpu.vector_load_idx %arg9[%add3A_3048, %broadcast_in_dim3A_3112] : memref<512x16xf32, #tpu.memory_space<vmem>>[vector<16xi32>, vector<16xi32>], vector<16xf32>,
    %gather3A_3114 = tpu.vector_load_idx %arg10[%add3A_3048, %broadcast_in_dim3A_3112] : memref<512x16xf32, #tpu.memory_space<vmem>>[vector<16xi32>, vector<16xi32>], vector<16xf32>,
    %mul3A_3115 = arith.mulf %gather3A_3113, %gather3A_3114 : vector<16xf32>
    %add3A_3116 = arith.addf %add3A_3110, %mul3A_3115 : vector<16xf32>
    %broadcast_in_dim3A_3117 = arith.constant 11 : i32
    %broadcast_in_dim3A_3118 = vector.broadcast %broadcast_in_dim3A_3117 : i32 to vector<16xi32>
    %gather3A_3119 = tpu.vector_load_idx %arg9[%add3A_3048, %broadcast_in_dim3A_3118] : memref<512x16xf32, #tpu.memory_space<vmem>>[vector<16xi32>, vector<16xi32>], vector<16xf32>,
    %gather3A_3120 = tpu.vector_load_idx %arg10[%add3A_3048, %broadcast_in_dim3A_3118] : memref<512x16xf32, #tpu.memory_space<vmem>>[vector<16xi32>, vector<16xi32>], vector<16xf32>,
    %mul3A_3121 = arith.mulf %gather3A_3119, %gather3A_3120 : vector<16xf32>
    %add3A_3122 = arith.addf %add3A_3116, %mul3A_3121 : vector<16xf32>
    %broadcast_in_dim3A_3123 = arith.constant 12 : i32
    %broadcast_in_dim3A_3124 = vector.broadcast %broadcast_in_dim3A_3123 : i32 to vector<16xi32>
    %gather3A_3125 = tpu.vector_load_idx %arg9[%add3A_3048, %broadcast_in_dim3A_3124] : memref<512x16xf32, #tpu.memory_space<vmem>>[vector<16xi32>, vector<16xi32>], vector<16xf32>,
    %gather3A_3126 = tpu.vector_load_idx %arg10[%add3A_3048, %broadcast_in_dim3A_3124] : memref<512x16xf32, #tpu.memory_space<vmem>>[vector<16xi32>, vector<16xi32>], vector<16xf32>,
    %mul3A_3127 = arith.mulf %gather3A_3125, %gather3A_3126 : vector<16xf32>
    %add3A_3128 = arith.addf %add3A_3122, %mul3A_3127 : vector<16xf32>
    %broadcast_in_dim3A_3129 = arith.constant 13 : i32
    %broadcast_in_dim3A_3130 = vector.broadcast %broadcast_in_dim3A_3129 : i32 to vector<16xi32>
    %gather3A_3131 = tpu.vector_load_idx %arg9[%add3A_3048, %broadcast_in_dim3A_3130] : memref<512x16xf32, #tpu.memory_space<vmem>>[vector<16xi32>, vector<16xi32>], vector<16xf32>,
    %gather3A_3132 = tpu.vector_load_idx %arg10[%add3A_3048, %broadcast_in_dim3A_3130] : memref<512x16xf32, #tpu.memory_space<vmem>>[vector<16xi32>, vector<16xi32>], vector<16xf32>,
    %mul3A_3133 = arith.mulf %gather3A_3131, %gather3A_3132 : vector<16xf32>
    %add3A_3134 = arith.addf %add3A_3128, %mul3A_3133 : vector<16xf32>
    %broadcast_in_dim3A_3135 = arith.constant 14 : i32
    %broadcast_in_dim3A_3136 = vector.broadcast %broadcast_in_dim3A_3135 : i32 to vector<16xi32>
    %gather3A_3137 = tpu.vector_load_idx %arg9[%add3A_3048, %broadcast_in_dim3A_3136] : memref<512x16xf32, #tpu.memory_space<vmem>>[vector<16xi32>, vector<16xi32>], vector<16xf32>,
    %gather3A_3138 = tpu.vector_load_idx %arg10[%add3A_3048, %broadcast_in_dim3A_3136] : memref<512x16xf32, #tpu.memory_space<vmem>>[vector<16xi32>, vector<16xi32>], vector<16xf32>,
    %mul3A_3139 = arith.mulf %gather3A_3137, %gather3A_3138 : vector<16xf32>
    %add3A_3140 = arith.addf %add3A_3134, %mul3A_3139 : vector<16xf32>
    %broadcast_in_dim3A_3141 = arith.constant 15 : i32
    %broadcast_in_dim3A_3142 = vector.broadcast %broadcast_in_dim3A_3141 : i32 to vector<16xi32>
    %gather3A_3143 = tpu.vector_load_idx %arg9[%add3A_3048, %broadcast_in_dim3A_3142] : memref<512x16xf32, #tpu.memory_space<vmem>>[vector<16xi32>, vector<16xi32>], vector<16xf32>,
    %gather3A_3144 = tpu.vector_load_idx %arg10[%add3A_3048, %broadcast_in_dim3A_3142] : memref<512x16xf32, #tpu.memory_space<vmem>>[vector<16xi32>, vector<16xi32>], vector<16xf32>,
    %mul3A_3145 = arith.mulf %gather3A_3143, %gather3A_3144 : vector<16xf32>
    %add3A_3146 = arith.addf %add3A_3140, %mul3A_3145 : vector<16xf32>
    %swap3A_3147 = arith.constant 448 : index
    %swap3A_3148 = tpu.vector_load %arg11[%swap3A_3147] {strides = array<i32>} : memref<512xf32, #tpu.memory_space<vmem>>, vector<16xf32>,
    tpu.vector_store %arg11[%swap3A_3147], %add3A_3146 {strides = array<i32>} : memref<512xf32, #tpu.memory_space<vmem>>, vector<16xf32>,
    %add3A_3149 = arith.constant 464 : i32
    %add3A_3150 = vector.broadcast %add3A_3149 : i32 to vector<16xi32>
    %add3A_3151 = arith.addi %add3A_3150, %iota3A : vector<16xi32>
    %broadcast_in_dim3A_3152 = arith.constant 0.000000e+00 : f32
    %broadcast_in_dim3A_3153 = vector.broadcast %broadcast_in_dim3A_3152 : f32 to vector<16xf32>
    %broadcast_in_dim3A_3154 = arith.constant 0 : i32
    %broadcast_in_dim3A_3155 = vector.broadcast %broadcast_in_dim3A_3154 : i32 to vector<16xi32>
    %gather3A_3156 = tpu.vector_load_idx %arg9[%add3A_3151, %broadcast_in_dim3A_3155] : memref<512x16xf32, #tpu.memory_space<vmem>>[vector<16xi32>, vector<16xi32>], vector<16xf32>,
    %gather3A_3157 = tpu.vector_load_idx %arg10[%add3A_3151, %broadcast_in_dim3A_3155] : memref<512x16xf32, #tpu.memory_space<vmem>>[vector<16xi32>, vector<16xi32>], vector<16xf32>,
    %mul3A_3158 = arith.mulf %gather3A_3156, %gather3A_3157 : vector<16xf32>
    %add3A_3159 = arith.addf %broadcast_in_dim3A_3153, %mul3A_3158 : vector<16xf32>
    %broadcast_in_dim3A_3160 = arith.constant 1 : i32
    %broadcast_in_dim3A_3161 = vector.broadcast %broadcast_in_dim3A_3160 : i32 to vector<16xi32>
    %gather3A_3162 = tpu.vector_load_idx %arg9[%add3A_3151, %broadcast_in_dim3A_3161] : memref<512x16xf32, #tpu.memory_space<vmem>>[vector<16xi32>, vector<16xi32>], vector<16xf32>,
    %gather3A_3163 = tpu.vector_load_idx %arg10[%add3A_3151, %broadcast_in_dim3A_3161] : memref<512x16xf32, #tpu.memory_space<vmem>>[vector<16xi32>, vector<16xi32>], vector<16xf32>,
    %mul3A_3164 = arith.mulf %gather3A_3162, %gather3A_3163 : vector<16xf32>
    %add3A_3165 = arith.addf %add3A_3159, %mul3A_3164 : vector<16xf32>
    %broadcast_in_dim3A_3166 = arith.constant 2 : i32
    %broadcast_in_dim3A_3167 = vector.broadcast %broadcast_in_dim3A_3166 : i32 to vector<16xi32>
    %gather3A_3168 = tpu.vector_load_idx %arg9[%add3A_3151, %broadcast_in_dim3A_3167] : memref<512x16xf32, #tpu.memory_space<vmem>>[vector<16xi32>, vector<16xi32>], vector<16xf32>,
    %gather3A_3169 = tpu.vector_load_idx %arg10[%add3A_3151, %broadcast_in_dim3A_3167] : memref<512x16xf32, #tpu.memory_space<vmem>>[vector<16xi32>, vector<16xi32>], vector<16xf32>,
    %mul3A_3170 = arith.mulf %gather3A_3168, %gather3A_3169 : vector<16xf32>
    %add3A_3171 = arith.addf %add3A_3165, %mul3A_3170 : vector<16xf32>
    %broadcast_in_dim3A_3172 = arith.constant 3 : i32
    %broadcast_in_dim3A_3173 = vector.broadcast %broadcast_in_dim3A_3172 : i32 to vector<16xi32>
    %gather3A_3174 = tpu.vector_load_idx %arg9[%add3A_3151, %broadcast_in_dim3A_3173] : memref<512x16xf32, #tpu.memory_space<vmem>>[vector<16xi32>, vector<16xi32>], vector<16xf32>,
    %gather3A_3175 = tpu.vector_load_idx %arg10[%add3A_3151, %broadcast_in_dim3A_3173] : memref<512x16xf32, #tpu.memory_space<vmem>>[vector<16xi32>, vector<16xi32>], vector<16xf32>,
    %mul3A_3176 = arith.mulf %gather3A_3174, %gather3A_3175 : vector<16xf32>
    %add3A_3177 = arith.addf %add3A_3171, %mul3A_3176 : vector<16xf32>
    %broadcast_in_dim3A_3178 = arith.constant 4 : i32
    %broadcast_in_dim3A_3179 = vector.broadcast %broadcast_in_dim3A_3178 : i32 to vector<16xi32>
    %gather3A_3180 = tpu.vector_load_idx %arg9[%add3A_3151, %broadcast_in_dim3A_3179] : memref<512x16xf32, #tpu.memory_space<vmem>>[vector<16xi32>, vector<16xi32>], vector<16xf32>,
    %gather3A_3181 = tpu.vector_load_idx %arg10[%add3A_3151, %broadcast_in_dim3A_3179] : memref<512x16xf32, #tpu.memory_space<vmem>>[vector<16xi32>, vector<16xi32>], vector<16xf32>,
    %mul3A_3182 = arith.mulf %gather3A_3180, %gather3A_3181 : vector<16xf32>
    %add3A_3183 = arith.addf %add3A_3177, %mul3A_3182 : vector<16xf32>
    %broadcast_in_dim3A_3184 = arith.constant 5 : i32
    %broadcast_in_dim3A_3185 = vector.broadcast %broadcast_in_dim3A_3184 : i32 to vector<16xi32>
    %gather3A_3186 = tpu.vector_load_idx %arg9[%add3A_3151, %broadcast_in_dim3A_3185] : memref<512x16xf32, #tpu.memory_space<vmem>>[vector<16xi32>, vector<16xi32>], vector<16xf32>,
    %gather3A_3187 = tpu.vector_load_idx %arg10[%add3A_3151, %broadcast_in_dim3A_3185] : memref<512x16xf32, #tpu.memory_space<vmem>>[vector<16xi32>, vector<16xi32>], vector<16xf32>,
    %mul3A_3188 = arith.mulf %gather3A_3186, %gather3A_3187 : vector<16xf32>
    %add3A_3189 = arith.addf %add3A_3183, %mul3A_3188 : vector<16xf32>
    %broadcast_in_dim3A_3190 = arith.constant 6 : i32
    %broadcast_in_dim3A_3191 = vector.broadcast %broadcast_in_dim3A_3190 : i32 to vector<16xi32>
    %gather3A_3192 = tpu.vector_load_idx %arg9[%add3A_3151, %broadcast_in_dim3A_3191] : memref<512x16xf32, #tpu.memory_space<vmem>>[vector<16xi32>, vector<16xi32>], vector<16xf32>,
    %gather3A_3193 = tpu.vector_load_idx %arg10[%add3A_3151, %broadcast_in_dim3A_3191] : memref<512x16xf32, #tpu.memory_space<vmem>>[vector<16xi32>, vector<16xi32>], vector<16xf32>,
    %mul3A_3194 = arith.mulf %gather3A_3192, %gather3A_3193 : vector<16xf32>
    %add3A_3195 = arith.addf %add3A_3189, %mul3A_3194 : vector<16xf32>
    %broadcast_in_dim3A_3196 = arith.constant 7 : i32
    %broadcast_in_dim3A_3197 = vector.broadcast %broadcast_in_dim3A_3196 : i32 to vector<16xi32>
    %gather3A_3198 = tpu.vector_load_idx %arg9[%add3A_3151, %broadcast_in_dim3A_3197] : memref<512x16xf32, #tpu.memory_space<vmem>>[vector<16xi32>, vector<16xi32>], vector<16xf32>,
    %gather3A_3199 = tpu.vector_load_idx %arg10[%add3A_3151, %broadcast_in_dim3A_3197] : memref<512x16xf32, #tpu.memory_space<vmem>>[vector<16xi32>, vector<16xi32>], vector<16xf32>,
    %mul3A_3200 = arith.mulf %gather3A_3198, %gather3A_3199 : vector<16xf32>
    %add3A_3201 = arith.addf %add3A_3195, %mul3A_3200 : vector<16xf32>
    %broadcast_in_dim3A_3202 = arith.constant 8 : i32
    %broadcast_in_dim3A_3203 = vector.broadcast %broadcast_in_dim3A_3202 : i32 to vector<16xi32>
    %gather3A_3204 = tpu.vector_load_idx %arg9[%add3A_3151, %broadcast_in_dim3A_3203] : memref<512x16xf32, #tpu.memory_space<vmem>>[vector<16xi32>, vector<16xi32>], vector<16xf32>,
    %gather3A_3205 = tpu.vector_load_idx %arg10[%add3A_3151, %broadcast_in_dim3A_3203] : memref<512x16xf32, #tpu.memory_space<vmem>>[vector<16xi32>, vector<16xi32>], vector<16xf32>,
    %mul3A_3206 = arith.mulf %gather3A_3204, %gather3A_3205 : vector<16xf32>
    %add3A_3207 = arith.addf %add3A_3201, %mul3A_3206 : vector<16xf32>
    %broadcast_in_dim3A_3208 = arith.constant 9 : i32
    %broadcast_in_dim3A_3209 = vector.broadcast %broadcast_in_dim3A_3208 : i32 to vector<16xi32>
    %gather3A_3210 = tpu.vector_load_idx %arg9[%add3A_3151, %broadcast_in_dim3A_3209] : memref<512x16xf32, #tpu.memory_space<vmem>>[vector<16xi32>, vector<16xi32>], vector<16xf32>,
    %gather3A_3211 = tpu.vector_load_idx %arg10[%add3A_3151, %broadcast_in_dim3A_3209] : memref<512x16xf32, #tpu.memory_space<vmem>>[vector<16xi32>, vector<16xi32>], vector<16xf32>,
    %mul3A_3212 = arith.mulf %gather3A_3210, %gather3A_3211 : vector<16xf32>
    %add3A_3213 = arith.addf %add3A_3207, %mul3A_3212 : vector<16xf32>
    %broadcast_in_dim3A_3214 = arith.constant 10 : i32
    %broadcast_in_dim3A_3215 = vector.broadcast %broadcast_in_dim3A_3214 : i32 to vector<16xi32>
    %gather3A_3216 = tpu.vector_load_idx %arg9[%add3A_3151, %broadcast_in_dim3A_3215] : memref<512x16xf32, #tpu.memory_space<vmem>>[vector<16xi32>, vector<16xi32>], vector<16xf32>,
    %gather3A_3217 = tpu.vector_load_idx %arg10[%add3A_3151, %broadcast_in_dim3A_3215] : memref<512x16xf32, #tpu.memory_space<vmem>>[vector<16xi32>, vector<16xi32>], vector<16xf32>,
    %mul3A_3218 = arith.mulf %gather3A_3216, %gather3A_3217 : vector<16xf32>
    %add3A_3219 = arith.addf %add3A_3213, %mul3A_3218 : vector<16xf32>
    %broadcast_in_dim3A_3220 = arith.constant 11 : i32
    %broadcast_in_dim3A_3221 = vector.broadcast %broadcast_in_dim3A_3220 : i32 to vector<16xi32>
    %gather3A_3222 = tpu.vector_load_idx %arg9[%add3A_3151, %broadcast_in_dim3A_3221] : memref<512x16xf32, #tpu.memory_space<vmem>>[vector<16xi32>, vector<16xi32>], vector<16xf32>,
    %gather3A_3223 = tpu.vector_load_idx %arg10[%add3A_3151, %broadcast_in_dim3A_3221] : memref<512x16xf32, #tpu.memory_space<vmem>>[vector<16xi32>, vector<16xi32>], vector<16xf32>,
    %mul3A_3224 = arith.mulf %gather3A_3222, %gather3A_3223 : vector<16xf32>
    %add3A_3225 = arith.addf %add3A_3219, %mul3A_3224 : vector<16xf32>
    %broadcast_in_dim3A_3226 = arith.constant 12 : i32
    %broadcast_in_dim3A_3227 = vector.broadcast %broadcast_in_dim3A_3226 : i32 to vector<16xi32>
    %gather3A_3228 = tpu.vector_load_idx %arg9[%add3A_3151, %broadcast_in_dim3A_3227] : memref<512x16xf32, #tpu.memory_space<vmem>>[vector<16xi32>, vector<16xi32>], vector<16xf32>,
    %gather3A_3229 = tpu.vector_load_idx %arg10[%add3A_3151, %broadcast_in_dim3A_3227] : memref<512x16xf32, #tpu.memory_space<vmem>>[vector<16xi32>, vector<16xi32>], vector<16xf32>,
    %mul3A_3230 = arith.mulf %gather3A_3228, %gather3A_3229 : vector<16xf32>
    %add3A_3231 = arith.addf %add3A_3225, %mul3A_3230 : vector<16xf32>
    %broadcast_in_dim3A_3232 = arith.constant 13 : i32
    %broadcast_in_dim3A_3233 = vector.broadcast %broadcast_in_dim3A_3232 : i32 to vector<16xi32>
    %gather3A_3234 = tpu.vector_load_idx %arg9[%add3A_3151, %broadcast_in_dim3A_3233] : memref<512x16xf32, #tpu.memory_space<vmem>>[vector<16xi32>, vector<16xi32>], vector<16xf32>,
    %gather3A_3235 = tpu.vector_load_idx %arg10[%add3A_3151, %broadcast_in_dim3A_3233] : memref<512x16xf32, #tpu.memory_space<vmem>>[vector<16xi32>, vector<16xi32>], vector<16xf32>,
    %mul3A_3236 = arith.mulf %gather3A_3234, %gather3A_3235 : vector<16xf32>
    %add3A_3237 = arith.addf %add3A_3231, %mul3A_3236 : vector<16xf32>
    %broadcast_in_dim3A_3238 = arith.constant 14 : i32
    %broadcast_in_dim3A_3239 = vector.broadcast %broadcast_in_dim3A_3238 : i32 to vector<16xi32>
    %gather3A_3240 = tpu.vector_load_idx %arg9[%add3A_3151, %broadcast_in_dim3A_3239] : memref<512x16xf32, #tpu.memory_space<vmem>>[vector<16xi32>, vector<16xi32>], vector<16xf32>,
    %gather3A_3241 = tpu.vector_load_idx %arg10[%add3A_3151, %broadcast_in_dim3A_3239] : memref<512x16xf32, #tpu.memory_space<vmem>>[vector<16xi32>, vector<16xi32>], vector<16xf32>,
    %mul3A_3242 = arith.mulf %gather3A_3240, %gather3A_3241 : vector<16xf32>
    %add3A_3243 = arith.addf %add3A_3237, %mul3A_3242 : vector<16xf32>
    %broadcast_in_dim3A_3244 = arith.constant 15 : i32
    %broadcast_in_dim3A_3245 = vector.broadcast %broadcast_in_dim3A_3244 : i32 to vector<16xi32>
    %gather3A_3246 = tpu.vector_load_idx %arg9[%add3A_3151, %broadcast_in_dim3A_3245] : memref<512x16xf32, #tpu.memory_space<vmem>>[vector<16xi32>, vector<16xi32>], vector<16xf32>,
    %gather3A_3247 = tpu.vector_load_idx %arg10[%add3A_3151, %broadcast_in_dim3A_3245] : memref<512x16xf32, #tpu.memory_space<vmem>>[vector<16xi32>, vector<16xi32>], vector<16xf32>,
    %mul3A_3248 = arith.mulf %gather3A_3246, %gather3A_3247 : vector<16xf32>
    %add3A_3249 = arith.addf %add3A_3243, %mul3A_3248 : vector<16xf32>
    %swap3A_3250 = arith.constant 464 : index
    %swap3A_3251 = tpu.vector_load %arg11[%swap3A_3250] {strides = array<i32>} : memref<512xf32, #tpu.memory_space<vmem>>, vector<16xf32>,
    tpu.vector_store %arg11[%swap3A_3250], %add3A_3249 {strides = array<i32>} : memref<512xf32, #tpu.memory_space<vmem>>, vector<16xf32>,
    %add3A_3252 = arith.constant 480 : i32
    %add3A_3253 = vector.broadcast %add3A_3252 : i32 to vector<16xi32>
    %add3A_3254 = arith.addi %add3A_3253, %iota3A : vector<16xi32>
    %broadcast_in_dim3A_3255 = arith.constant 0.000000e+00 : f32
    %broadcast_in_dim3A_3256 = vector.broadcast %broadcast_in_dim3A_3255 : f32 to vector<16xf32>
    %broadcast_in_dim3A_3257 = arith.constant 0 : i32
    %broadcast_in_dim3A_3258 = vector.broadcast %broadcast_in_dim3A_3257 : i32 to vector<16xi32>
    %gather3A_3259 = tpu.vector_load_idx %arg9[%add3A_3254, %broadcast_in_dim3A_3258] : memref<512x16xf32, #tpu.memory_space<vmem>>[vector<16xi32>, vector<16xi32>], vector<16xf32>,
    %gather3A_3260 = tpu.vector_load_idx %arg10[%add3A_3254, %broadcast_in_dim3A_3258] : memref<512x16xf32, #tpu.memory_space<vmem>>[vector<16xi32>, vector<16xi32>], vector<16xf32>,
    %mul3A_3261 = arith.mulf %gather3A_3259, %gather3A_3260 : vector<16xf32>
    %add3A_3262 = arith.addf %broadcast_in_dim3A_3256, %mul3A_3261 : vector<16xf32>
    %broadcast_in_dim3A_3263 = arith.constant 1 : i32
    %broadcast_in_dim3A_3264 = vector.broadcast %broadcast_in_dim3A_3263 : i32 to vector<16xi32>
    %gather3A_3265 = tpu.vector_load_idx %arg9[%add3A_3254, %broadcast_in_dim3A_3264] : memref<512x16xf32, #tpu.memory_space<vmem>>[vector<16xi32>, vector<16xi32>], vector<16xf32>,
    %gather3A_3266 = tpu.vector_load_idx %arg10[%add3A_3254, %broadcast_in_dim3A_3264] : memref<512x16xf32, #tpu.memory_space<vmem>>[vector<16xi32>, vector<16xi32>], vector<16xf32>,
    %mul3A_3267 = arith.mulf %gather3A_3265, %gather3A_3266 : vector<16xf32>
    %add3A_3268 = arith.addf %add3A_3262, %mul3A_3267 : vector<16xf32>
    %broadcast_in_dim3A_3269 = arith.constant 2 : i32
    %broadcast_in_dim3A_3270 = vector.broadcast %broadcast_in_dim3A_3269 : i32 to vector<16xi32>
    %gather3A_3271 = tpu.vector_load_idx %arg9[%add3A_3254, %broadcast_in_dim3A_3270] : memref<512x16xf32, #tpu.memory_space<vmem>>[vector<16xi32>, vector<16xi32>], vector<16xf32>,
    %gather3A_3272 = tpu.vector_load_idx %arg10[%add3A_3254, %broadcast_in_dim3A_3270] : memref<512x16xf32, #tpu.memory_space<vmem>>[vector<16xi32>, vector<16xi32>], vector<16xf32>,
    %mul3A_3273 = arith.mulf %gather3A_3271, %gather3A_3272 : vector<16xf32>
    %add3A_3274 = arith.addf %add3A_3268, %mul3A_3273 : vector<16xf32>
    %broadcast_in_dim3A_3275 = arith.constant 3 : i32
    %broadcast_in_dim3A_3276 = vector.broadcast %broadcast_in_dim3A_3275 : i32 to vector<16xi32>
    %gather3A_3277 = tpu.vector_load_idx %arg9[%add3A_3254, %broadcast_in_dim3A_3276] : memref<512x16xf32, #tpu.memory_space<vmem>>[vector<16xi32>, vector<16xi32>], vector<16xf32>,
    %gather3A_3278 = tpu.vector_load_idx %arg10[%add3A_3254, %broadcast_in_dim3A_3276] : memref<512x16xf32, #tpu.memory_space<vmem>>[vector<16xi32>, vector<16xi32>], vector<16xf32>,
    %mul3A_3279 = arith.mulf %gather3A_3277, %gather3A_3278 : vector<16xf32>
    %add3A_3280 = arith.addf %add3A_3274, %mul3A_3279 : vector<16xf32>
    %broadcast_in_dim3A_3281 = arith.constant 4 : i32
    %broadcast_in_dim3A_3282 = vector.broadcast %broadcast_in_dim3A_3281 : i32 to vector<16xi32>
    %gather3A_3283 = tpu.vector_load_idx %arg9[%add3A_3254, %broadcast_in_dim3A_3282] : memref<512x16xf32, #tpu.memory_space<vmem>>[vector<16xi32>, vector<16xi32>], vector<16xf32>,
    %gather3A_3284 = tpu.vector_load_idx %arg10[%add3A_3254, %broadcast_in_dim3A_3282] : memref<512x16xf32, #tpu.memory_space<vmem>>[vector<16xi32>, vector<16xi32>], vector<16xf32>,
    %mul3A_3285 = arith.mulf %gather3A_3283, %gather3A_3284 : vector<16xf32>
    %add3A_3286 = arith.addf %add3A_3280, %mul3A_3285 : vector<16xf32>
    %broadcast_in_dim3A_3287 = arith.constant 5 : i32
    %broadcast_in_dim3A_3288 = vector.broadcast %broadcast_in_dim3A_3287 : i32 to vector<16xi32>
    %gather3A_3289 = tpu.vector_load_idx %arg9[%add3A_3254, %broadcast_in_dim3A_3288] : memref<512x16xf32, #tpu.memory_space<vmem>>[vector<16xi32>, vector<16xi32>], vector<16xf32>,
    %gather3A_3290 = tpu.vector_load_idx %arg10[%add3A_3254, %broadcast_in_dim3A_3288] : memref<512x16xf32, #tpu.memory_space<vmem>>[vector<16xi32>, vector<16xi32>], vector<16xf32>,
    %mul3A_3291 = arith.mulf %gather3A_3289, %gather3A_3290 : vector<16xf32>
    %add3A_3292 = arith.addf %add3A_3286, %mul3A_3291 : vector<16xf32>
    %broadcast_in_dim3A_3293 = arith.constant 6 : i32
    %broadcast_in_dim3A_3294 = vector.broadcast %broadcast_in_dim3A_3293 : i32 to vector<16xi32>
    %gather3A_3295 = tpu.vector_load_idx %arg9[%add3A_3254, %broadcast_in_dim3A_3294] : memref<512x16xf32, #tpu.memory_space<vmem>>[vector<16xi32>, vector<16xi32>], vector<16xf32>,
    %gather3A_3296 = tpu.vector_load_idx %arg10[%add3A_3254, %broadcast_in_dim3A_3294] : memref<512x16xf32, #tpu.memory_space<vmem>>[vector<16xi32>, vector<16xi32>], vector<16xf32>,
    %mul3A_3297 = arith.mulf %gather3A_3295, %gather3A_3296 : vector<16xf32>
    %add3A_3298 = arith.addf %add3A_3292, %mul3A_3297 : vector<16xf32>
    %broadcast_in_dim3A_3299 = arith.constant 7 : i32
    %broadcast_in_dim3A_3300 = vector.broadcast %broadcast_in_dim3A_3299 : i32 to vector<16xi32>
    %gather3A_3301 = tpu.vector_load_idx %arg9[%add3A_3254, %broadcast_in_dim3A_3300] : memref<512x16xf32, #tpu.memory_space<vmem>>[vector<16xi32>, vector<16xi32>], vector<16xf32>,
    %gather3A_3302 = tpu.vector_load_idx %arg10[%add3A_3254, %broadcast_in_dim3A_3300] : memref<512x16xf32, #tpu.memory_space<vmem>>[vector<16xi32>, vector<16xi32>], vector<16xf32>,
    %mul3A_3303 = arith.mulf %gather3A_3301, %gather3A_3302 : vector<16xf32>
    %add3A_3304 = arith.addf %add3A_3298, %mul3A_3303 : vector<16xf32>
    %broadcast_in_dim3A_3305 = arith.constant 8 : i32
    %broadcast_in_dim3A_3306 = vector.broadcast %broadcast_in_dim3A_3305 : i32 to vector<16xi32>
    %gather3A_3307 = tpu.vector_load_idx %arg9[%add3A_3254, %broadcast_in_dim3A_3306] : memref<512x16xf32, #tpu.memory_space<vmem>>[vector<16xi32>, vector<16xi32>], vector<16xf32>,
    %gather3A_3308 = tpu.vector_load_idx %arg10[%add3A_3254, %broadcast_in_dim3A_3306] : memref<512x16xf32, #tpu.memory_space<vmem>>[vector<16xi32>, vector<16xi32>], vector<16xf32>,
    %mul3A_3309 = arith.mulf %gather3A_3307, %gather3A_3308 : vector<16xf32>
    %add3A_3310 = arith.addf %add3A_3304, %mul3A_3309 : vector<16xf32>
    %broadcast_in_dim3A_3311 = arith.constant 9 : i32
    %broadcast_in_dim3A_3312 = vector.broadcast %broadcast_in_dim3A_3311 : i32 to vector<16xi32>
    %gather3A_3313 = tpu.vector_load_idx %arg9[%add3A_3254, %broadcast_in_dim3A_3312] : memref<512x16xf32, #tpu.memory_space<vmem>>[vector<16xi32>, vector<16xi32>], vector<16xf32>,
    %gather3A_3314 = tpu.vector_load_idx %arg10[%add3A_3254, %broadcast_in_dim3A_3312] : memref<512x16xf32, #tpu.memory_space<vmem>>[vector<16xi32>, vector<16xi32>], vector<16xf32>,
    %mul3A_3315 = arith.mulf %gather3A_3313, %gather3A_3314 : vector<16xf32>
    %add3A_3316 = arith.addf %add3A_3310, %mul3A_3315 : vector<16xf32>
    %broadcast_in_dim3A_3317 = arith.constant 10 : i32
    %broadcast_in_dim3A_3318 = vector.broadcast %broadcast_in_dim3A_3317 : i32 to vector<16xi32>
    %gather3A_3319 = tpu.vector_load_idx %arg9[%add3A_3254, %broadcast_in_dim3A_3318] : memref<512x16xf32, #tpu.memory_space<vmem>>[vector<16xi32>, vector<16xi32>], vector<16xf32>,
    %gather3A_3320 = tpu.vector_load_idx %arg10[%add3A_3254, %broadcast_in_dim3A_3318] : memref<512x16xf32, #tpu.memory_space<vmem>>[vector<16xi32>, vector<16xi32>], vector<16xf32>,
    %mul3A_3321 = arith.mulf %gather3A_3319, %gather3A_3320 : vector<16xf32>
    %add3A_3322 = arith.addf %add3A_3316, %mul3A_3321 : vector<16xf32>
    %broadcast_in_dim3A_3323 = arith.constant 11 : i32
    %broadcast_in_dim3A_3324 = vector.broadcast %broadcast_in_dim3A_3323 : i32 to vector<16xi32>
    %gather3A_3325 = tpu.vector_load_idx %arg9[%add3A_3254, %broadcast_in_dim3A_3324] : memref<512x16xf32, #tpu.memory_space<vmem>>[vector<16xi32>, vector<16xi32>], vector<16xf32>,
    %gather3A_3326 = tpu.vector_load_idx %arg10[%add3A_3254, %broadcast_in_dim3A_3324] : memref<512x16xf32, #tpu.memory_space<vmem>>[vector<16xi32>, vector<16xi32>], vector<16xf32>,
    %mul3A_3327 = arith.mulf %gather3A_3325, %gather3A_3326 : vector<16xf32>
    %add3A_3328 = arith.addf %add3A_3322, %mul3A_3327 : vector<16xf32>
    %broadcast_in_dim3A_3329 = arith.constant 12 : i32
    %broadcast_in_dim3A_3330 = vector.broadcast %broadcast_in_dim3A_3329 : i32 to vector<16xi32>
    %gather3A_3331 = tpu.vector_load_idx %arg9[%add3A_3254, %broadcast_in_dim3A_3330] : memref<512x16xf32, #tpu.memory_space<vmem>>[vector<16xi32>, vector<16xi32>], vector<16xf32>,
    %gather3A_3332 = tpu.vector_load_idx %arg10[%add3A_3254, %broadcast_in_dim3A_3330] : memref<512x16xf32, #tpu.memory_space<vmem>>[vector<16xi32>, vector<16xi32>], vector<16xf32>,
    %mul3A_3333 = arith.mulf %gather3A_3331, %gather3A_3332 : vector<16xf32>
    %add3A_3334 = arith.addf %add3A_3328, %mul3A_3333 : vector<16xf32>
    %broadcast_in_dim3A_3335 = arith.constant 13 : i32
    %broadcast_in_dim3A_3336 = vector.broadcast %broadcast_in_dim3A_3335 : i32 to vector<16xi32>
    %gather3A_3337 = tpu.vector_load_idx %arg9[%add3A_3254, %broadcast_in_dim3A_3336] : memref<512x16xf32, #tpu.memory_space<vmem>>[vector<16xi32>, vector<16xi32>], vector<16xf32>,
    %gather3A_3338 = tpu.vector_load_idx %arg10[%add3A_3254, %broadcast_in_dim3A_3336] : memref<512x16xf32, #tpu.memory_space<vmem>>[vector<16xi32>, vector<16xi32>], vector<16xf32>,
    %mul3A_3339 = arith.mulf %gather3A_3337, %gather3A_3338 : vector<16xf32>
    %add3A_3340 = arith.addf %add3A_3334, %mul3A_3339 : vector<16xf32>
    %broadcast_in_dim3A_3341 = arith.constant 14 : i32
    %broadcast_in_dim3A_3342 = vector.broadcast %broadcast_in_dim3A_3341 : i32 to vector<16xi32>
    %gather3A_3343 = tpu.vector_load_idx %arg9[%add3A_3254, %broadcast_in_dim3A_3342] : memref<512x16xf32, #tpu.memory_space<vmem>>[vector<16xi32>, vector<16xi32>], vector<16xf32>,
    %gather3A_3344 = tpu.vector_load_idx %arg10[%add3A_3254, %broadcast_in_dim3A_3342] : memref<512x16xf32, #tpu.memory_space<vmem>>[vector<16xi32>, vector<16xi32>], vector<16xf32>,
    %mul3A_3345 = arith.mulf %gather3A_3343, %gather3A_3344 : vector<16xf32>
    %add3A_3346 = arith.addf %add3A_3340, %mul3A_3345 : vector<16xf32>
    %broadcast_in_dim3A_3347 = arith.constant 15 : i32
    %broadcast_in_dim3A_3348 = vector.broadcast %broadcast_in_dim3A_3347 : i32 to vector<16xi32>
    %gather3A_3349 = tpu.vector_load_idx %arg9[%add3A_3254, %broadcast_in_dim3A_3348] : memref<512x16xf32, #tpu.memory_space<vmem>>[vector<16xi32>, vector<16xi32>], vector<16xf32>,
    %gather3A_3350 = tpu.vector_load_idx %arg10[%add3A_3254, %broadcast_in_dim3A_3348] : memref<512x16xf32, #tpu.memory_space<vmem>>[vector<16xi32>, vector<16xi32>], vector<16xf32>,
    %mul3A_3351 = arith.mulf %gather3A_3349, %gather3A_3350 : vector<16xf32>
    %add3A_3352 = arith.addf %add3A_3346, %mul3A_3351 : vector<16xf32>
    %swap3A_3353 = arith.constant 480 : index
    %swap3A_3354 = tpu.vector_load %arg11[%swap3A_3353] {strides = array<i32>} : memref<512xf32, #tpu.memory_space<vmem>>, vector<16xf32>,
    tpu.vector_store %arg11[%swap3A_3353], %add3A_3352 {strides = array<i32>} : memref<512xf32, #tpu.memory_space<vmem>>, vector<16xf32>,
    %add3A_3355 = arith.constant 496 : i32
    %add3A_3356 = vector.broadcast %add3A_3355 : i32 to vector<16xi32>
    %add3A_3357 = arith.addi %add3A_3356, %iota3A : vector<16xi32>
    %broadcast_in_dim3A_3358 = arith.constant 0.000000e+00 : f32
    %broadcast_in_dim3A_3359 = vector.broadcast %broadcast_in_dim3A_3358 : f32 to vector<16xf32>
    %broadcast_in_dim3A_3360 = arith.constant 0 : i32
    %broadcast_in_dim3A_3361 = vector.broadcast %broadcast_in_dim3A_3360 : i32 to vector<16xi32>
    %gather3A_3362 = tpu.vector_load_idx %arg9[%add3A_3357, %broadcast_in_dim3A_3361] : memref<512x16xf32, #tpu.memory_space<vmem>>[vector<16xi32>, vector<16xi32>], vector<16xf32>,
    %gather3A_3363 = tpu.vector_load_idx %arg10[%add3A_3357, %broadcast_in_dim3A_3361] : memref<512x16xf32, #tpu.memory_space<vmem>>[vector<16xi32>, vector<16xi32>], vector<16xf32>,
    %mul3A_3364 = arith.mulf %gather3A_3362, %gather3A_3363 : vector<16xf32>
    %add3A_3365 = arith.addf %broadcast_in_dim3A_3359, %mul3A_3364 : vector<16xf32>
    %broadcast_in_dim3A_3366 = arith.constant 1 : i32
    %broadcast_in_dim3A_3367 = vector.broadcast %broadcast_in_dim3A_3366 : i32 to vector<16xi32>
    %gather3A_3368 = tpu.vector_load_idx %arg9[%add3A_3357, %broadcast_in_dim3A_3367] : memref<512x16xf32, #tpu.memory_space<vmem>>[vector<16xi32>, vector<16xi32>], vector<16xf32>,
    %gather3A_3369 = tpu.vector_load_idx %arg10[%add3A_3357, %broadcast_in_dim3A_3367] : memref<512x16xf32, #tpu.memory_space<vmem>>[vector<16xi32>, vector<16xi32>], vector<16xf32>,
    %mul3A_3370 = arith.mulf %gather3A_3368, %gather3A_3369 : vector<16xf32>
    %add3A_3371 = arith.addf %add3A_3365, %mul3A_3370 : vector<16xf32>
    %broadcast_in_dim3A_3372 = arith.constant 2 : i32
    %broadcast_in_dim3A_3373 = vector.broadcast %broadcast_in_dim3A_3372 : i32 to vector<16xi32>
    %gather3A_3374 = tpu.vector_load_idx %arg9[%add3A_3357, %broadcast_in_dim3A_3373] : memref<512x16xf32, #tpu.memory_space<vmem>>[vector<16xi32>, vector<16xi32>], vector<16xf32>,
    %gather3A_3375 = tpu.vector_load_idx %arg10[%add3A_3357, %broadcast_in_dim3A_3373] : memref<512x16xf32, #tpu.memory_space<vmem>>[vector<16xi32>, vector<16xi32>], vector<16xf32>,
    %mul3A_3376 = arith.mulf %gather3A_3374, %gather3A_3375 : vector<16xf32>
    %add3A_3377 = arith.addf %add3A_3371, %mul3A_3376 : vector<16xf32>
    %broadcast_in_dim3A_3378 = arith.constant 3 : i32
    %broadcast_in_dim3A_3379 = vector.broadcast %broadcast_in_dim3A_3378 : i32 to vector<16xi32>
    %gather3A_3380 = tpu.vector_load_idx %arg9[%add3A_3357, %broadcast_in_dim3A_3379] : memref<512x16xf32, #tpu.memory_space<vmem>>[vector<16xi32>, vector<16xi32>], vector<16xf32>,
    %gather3A_3381 = tpu.vector_load_idx %arg10[%add3A_3357, %broadcast_in_dim3A_3379] : memref<512x16xf32, #tpu.memory_space<vmem>>[vector<16xi32>, vector<16xi32>], vector<16xf32>,
    %mul3A_3382 = arith.mulf %gather3A_3380, %gather3A_3381 : vector<16xf32>
    %add3A_3383 = arith.addf %add3A_3377, %mul3A_3382 : vector<16xf32>
    %broadcast_in_dim3A_3384 = arith.constant 4 : i32
    %broadcast_in_dim3A_3385 = vector.broadcast %broadcast_in_dim3A_3384 : i32 to vector<16xi32>
    %gather3A_3386 = tpu.vector_load_idx %arg9[%add3A_3357, %broadcast_in_dim3A_3385] : memref<512x16xf32, #tpu.memory_space<vmem>>[vector<16xi32>, vector<16xi32>], vector<16xf32>,
    %gather3A_3387 = tpu.vector_load_idx %arg10[%add3A_3357, %broadcast_in_dim3A_3385] : memref<512x16xf32, #tpu.memory_space<vmem>>[vector<16xi32>, vector<16xi32>], vector<16xf32>,
    %mul3A_3388 = arith.mulf %gather3A_3386, %gather3A_3387 : vector<16xf32>
    %add3A_3389 = arith.addf %add3A_3383, %mul3A_3388 : vector<16xf32>
    %broadcast_in_dim3A_3390 = arith.constant 5 : i32
    %broadcast_in_dim3A_3391 = vector.broadcast %broadcast_in_dim3A_3390 : i32 to vector<16xi32>
    %gather3A_3392 = tpu.vector_load_idx %arg9[%add3A_3357, %broadcast_in_dim3A_3391] : memref<512x16xf32, #tpu.memory_space<vmem>>[vector<16xi32>, vector<16xi32>], vector<16xf32>,
    %gather3A_3393 = tpu.vector_load_idx %arg10[%add3A_3357, %broadcast_in_dim3A_3391] : memref<512x16xf32, #tpu.memory_space<vmem>>[vector<16xi32>, vector<16xi32>], vector<16xf32>,
    %mul3A_3394 = arith.mulf %gather3A_3392, %gather3A_3393 : vector<16xf32>
    %add3A_3395 = arith.addf %add3A_3389, %mul3A_3394 : vector<16xf32>
    %broadcast_in_dim3A_3396 = arith.constant 6 : i32
    %broadcast_in_dim3A_3397 = vector.broadcast %broadcast_in_dim3A_3396 : i32 to vector<16xi32>
    %gather3A_3398 = tpu.vector_load_idx %arg9[%add3A_3357, %broadcast_in_dim3A_3397] : memref<512x16xf32, #tpu.memory_space<vmem>>[vector<16xi32>, vector<16xi32>], vector<16xf32>,
    %gather3A_3399 = tpu.vector_load_idx %arg10[%add3A_3357, %broadcast_in_dim3A_3397] : memref<512x16xf32, #tpu.memory_space<vmem>>[vector<16xi32>, vector<16xi32>], vector<16xf32>,
    %mul3A_3400 = arith.mulf %gather3A_3398, %gather3A_3399 : vector<16xf32>
    %add3A_3401 = arith.addf %add3A_3395, %mul3A_3400 : vector<16xf32>
    %broadcast_in_dim3A_3402 = arith.constant 7 : i32
    %broadcast_in_dim3A_3403 = vector.broadcast %broadcast_in_dim3A_3402 : i32 to vector<16xi32>
    %gather3A_3404 = tpu.vector_load_idx %arg9[%add3A_3357, %broadcast_in_dim3A_3403] : memref<512x16xf32, #tpu.memory_space<vmem>>[vector<16xi32>, vector<16xi32>], vector<16xf32>,
    %gather3A_3405 = tpu.vector_load_idx %arg10[%add3A_3357, %broadcast_in_dim3A_3403] : memref<512x16xf32, #tpu.memory_space<vmem>>[vector<16xi32>, vector<16xi32>], vector<16xf32>,
    %mul3A_3406 = arith.mulf %gather3A_3404, %gather3A_3405 : vector<16xf32>
    %add3A_3407 = arith.addf %add3A_3401, %mul3A_3406 : vector<16xf32>
    %broadcast_in_dim3A_3408 = arith.constant 8 : i32
    %broadcast_in_dim3A_3409 = vector.broadcast %broadcast_in_dim3A_3408 : i32 to vector<16xi32>
    %gather3A_3410 = tpu.vector_load_idx %arg9[%add3A_3357, %broadcast_in_dim3A_3409] : memref<512x16xf32, #tpu.memory_space<vmem>>[vector<16xi32>, vector<16xi32>], vector<16xf32>,
    %gather3A_3411 = tpu.vector_load_idx %arg10[%add3A_3357, %broadcast_in_dim3A_3409] : memref<512x16xf32, #tpu.memory_space<vmem>>[vector<16xi32>, vector<16xi32>], vector<16xf32>,
    %mul3A_3412 = arith.mulf %gather3A_3410, %gather3A_3411 : vector<16xf32>
    %add3A_3413 = arith.addf %add3A_3407, %mul3A_3412 : vector<16xf32>
    %broadcast_in_dim3A_3414 = arith.constant 9 : i32
    %broadcast_in_dim3A_3415 = vector.broadcast %broadcast_in_dim3A_3414 : i32 to vector<16xi32>
    %gather3A_3416 = tpu.vector_load_idx %arg9[%add3A_3357, %broadcast_in_dim3A_3415] : memref<512x16xf32, #tpu.memory_space<vmem>>[vector<16xi32>, vector<16xi32>], vector<16xf32>,
    %gather3A_3417 = tpu.vector_load_idx %arg10[%add3A_3357, %broadcast_in_dim3A_3415] : memref<512x16xf32, #tpu.memory_space<vmem>>[vector<16xi32>, vector<16xi32>], vector<16xf32>,
    %mul3A_3418 = arith.mulf %gather3A_3416, %gather3A_3417 : vector<16xf32>
    %add3A_3419 = arith.addf %add3A_3413, %mul3A_3418 : vector<16xf32>
    %broadcast_in_dim3A_3420 = arith.constant 10 : i32
    %broadcast_in_dim3A_3421 = vector.broadcast %broadcast_in_dim3A_3420 : i32 to vector<16xi32>
    %gather3A_3422 = tpu.vector_load_idx %arg9[%add3A_3357, %broadcast_in_dim3A_3421] : memref<512x16xf32, #tpu.memory_space<vmem>>[vector<16xi32>, vector<16xi32>], vector<16xf32>,
    %gather3A_3423 = tpu.vector_load_idx %arg10[%add3A_3357, %broadcast_in_dim3A_3421] : memref<512x16xf32, #tpu.memory_space<vmem>>[vector<16xi32>, vector<16xi32>], vector<16xf32>,
    %mul3A_3424 = arith.mulf %gather3A_3422, %gather3A_3423 : vector<16xf32>
    %add3A_3425 = arith.addf %add3A_3419, %mul3A_3424 : vector<16xf32>
    %broadcast_in_dim3A_3426 = arith.constant 11 : i32
    %broadcast_in_dim3A_3427 = vector.broadcast %broadcast_in_dim3A_3426 : i32 to vector<16xi32>
    %gather3A_3428 = tpu.vector_load_idx %arg9[%add3A_3357, %broadcast_in_dim3A_3427] : memref<512x16xf32, #tpu.memory_space<vmem>>[vector<16xi32>, vector<16xi32>], vector<16xf32>,
    %gather3A_3429 = tpu.vector_load_idx %arg10[%add3A_3357, %broadcast_in_dim3A_3427] : memref<512x16xf32, #tpu.memory_space<vmem>>[vector<16xi32>, vector<16xi32>], vector<16xf32>,
    %mul3A_3430 = arith.mulf %gather3A_3428, %gather3A_3429 : vector<16xf32>
    %add3A_3431 = arith.addf %add3A_3425, %mul3A_3430 : vector<16xf32>
    %broadcast_in_dim3A_3432 = arith.constant 12 : i32
    %broadcast_in_dim3A_3433 = vector.broadcast %broadcast_in_dim3A_3432 : i32 to vector<16xi32>
    %gather3A_3434 = tpu.vector_load_idx %arg9[%add3A_3357, %broadcast_in_dim3A_3433] : memref<512x16xf32, #tpu.memory_space<vmem>>[vector<16xi32>, vector<16xi32>], vector<16xf32>,
    %gather3A_3435 = tpu.vector_load_idx %arg10[%add3A_3357, %broadcast_in_dim3A_3433] : memref<512x16xf32, #tpu.memory_space<vmem>>[vector<16xi32>, vector<16xi32>], vector<16xf32>,
    %mul3A_3436 = arith.mulf %gather3A_3434, %gather3A_3435 : vector<16xf32>
    %add3A_3437 = arith.addf %add3A_3431, %mul3A_3436 : vector<16xf32>
    %broadcast_in_dim3A_3438 = arith.constant 13 : i32
    %broadcast_in_dim3A_3439 = vector.broadcast %broadcast_in_dim3A_3438 : i32 to vector<16xi32>
    %gather3A_3440 = tpu.vector_load_idx %arg9[%add3A_3357, %broadcast_in_dim3A_3439] : memref<512x16xf32, #tpu.memory_space<vmem>>[vector<16xi32>, vector<16xi32>], vector<16xf32>,
    %gather3A_3441 = tpu.vector_load_idx %arg10[%add3A_3357, %broadcast_in_dim3A_3439] : memref<512x16xf32, #tpu.memory_space<vmem>>[vector<16xi32>, vector<16xi32>], vector<16xf32>,
    %mul3A_3442 = arith.mulf %gather3A_3440, %gather3A_3441 : vector<16xf32>
    %add3A_3443 = arith.addf %add3A_3437, %mul3A_3442 : vector<16xf32>
    %broadcast_in_dim3A_3444 = arith.constant 14 : i32
    %broadcast_in_dim3A_3445 = vector.broadcast %broadcast_in_dim3A_3444 : i32 to vector<16xi32>
    %gather3A_3446 = tpu.vector_load_idx %arg9[%add3A_3357, %broadcast_in_dim3A_3445] : memref<512x16xf32, #tpu.memory_space<vmem>>[vector<16xi32>, vector<16xi32>], vector<16xf32>,
    %gather3A_3447 = tpu.vector_load_idx %arg10[%add3A_3357, %broadcast_in_dim3A_3445] : memref<512x16xf32, #tpu.memory_space<vmem>>[vector<16xi32>, vector<16xi32>], vector<16xf32>,
    %mul3A_3448 = arith.mulf %gather3A_3446, %gather3A_3447 : vector<16xf32>
    %add3A_3449 = arith.addf %add3A_3443, %mul3A_3448 : vector<16xf32>
    %broadcast_in_dim3A_3450 = arith.constant 15 : i32
    %broadcast_in_dim3A_3451 = vector.broadcast %broadcast_in_dim3A_3450 : i32 to vector<16xi32>
    %gather3A_3452 = tpu.vector_load_idx %arg9[%add3A_3357, %broadcast_in_dim3A_3451] : memref<512x16xf32, #tpu.memory_space<vmem>>[vector<16xi32>, vector<16xi32>], vector<16xf32>,
    %gather3A_3453 = tpu.vector_load_idx %arg10[%add3A_3357, %broadcast_in_dim3A_3451] : memref<512x16xf32, #tpu.memory_space<vmem>>[vector<16xi32>, vector<16xi32>], vector<16xf32>,
    %mul3A_3454 = arith.mulf %gather3A_3452, %gather3A_3453 : vector<16xf32>
    %add3A_3455 = arith.addf %add3A_3449, %mul3A_3454 : vector<16xf32>
    %swap3A_3456 = arith.constant 496 : index
    %swap3A_3457 = tpu.vector_load %arg11[%swap3A_3456] {strides = array<i32>} : memref<512xf32, #tpu.memory_space<vmem>>, vector<16xf32>,
    tpu.vector_store %arg11[%swap3A_3456], %add3A_3455 {strides = array<i32>} : memref<512xf32, #tpu.memory_space<vmem>>, vector<16xf32>,
    "tpu.region"() ({
      %run_scoped3A = tpu.sem_alloc : memref<!tpu.dma_semaphore, #tpu.memory_space<semaphore_mem>>
      %dma_start3A_3458 = tpu.memref_slice %arg6[%mul3A_2] : memref<16384xf32, #tpu.memory_space<hbm>> -> memref<512xf32, #tpu.memory_space<hbm>>
      %dma_start3A_3459 = tpu.memref_slice %arg6[%mul3A_2] : memref<16384xf32, #tpu.memory_space<hbm>> -> memref<512xf32, #tpu.memory_space<hbm>>
      tpu.enqueue_dma source(%arg11 : memref<512xf32, #tpu.memory_space<vmem>>) target(%dma_start3A_3459 : memref<512xf32, #tpu.memory_space<hbm>>) target_semaphore(%run_scoped3A : memref<!tpu.dma_semaphore, #tpu.memory_space<semaphore_mem>>)
      %dma_wait3A_3460 = tpu.memref_slice %arg6[%mul3A_2] : memref<16384xf32, #tpu.memory_space<hbm>> -> memref<512xf32, #tpu.memory_space<hbm>>
      %dma_wait3A_3461 = tpu.memref_slice %arg6[%mul3A_2] : memref<16384xf32, #tpu.memory_space<hbm>> -> memref<512xf32, #tpu.memory_space<hbm>>
      tpu.wait_dma2 semaphore(%run_scoped3A : memref<!tpu.dma_semaphore, #tpu.memory_space<semaphore_mem>>) src(%arg11 : memref<512xf32, #tpu.memory_space<vmem>>) dst(%dma_wait3A_3461 : memref<512xf32, #tpu.memory_space<hbm>>)
      tpu.yield
    }) : () -> ()
    return
  }
}

</mosaic_0001>

<sc_bundles>
// kernel: kernel.3.cloned.1.call-start
scs
__scs_entry_jumppad:
0x0: {  	(pc) =	sbr.rel $0x88, $3  }
0x1: {  	(tag) =	ssettag $0x0;
	lr =	simm.s32 $0x1  }
0x2: {  	[smem:$0x3F9D] =	sst lr;
	_ =	strace $0xD0000000  }
0x3: {  	_ = 	snop  }
0x4: {  	_ = 	snop  }
0x5: {  	_ = 	snop  }
0x6: {  	_ = 	snop  }
0x7: {  	_ = 	snop  }
__scs_overlays_trampoline_lowered:
0x8: {  	[smem:$0x3FAC] =	sst s0  }
0x9: {  	[smem:$0x3FAD] =	sst s1  }
0xa: {  	[smem:$0x3FAE] =	sst s2  }
0xb: {  	[smem:$0x3FAF] =	sst s3  }
0xc: {  	[smem:$0x3FB0] =	sst s4  }
0xd: {  	[smem:$0x3FB1] =	sst s5  }
0xe: {  	[smem:$0x3FB2] =	sst s6  }
0xf: {  	[smem:$0x3FB3] =	sst s7  }
0x10: {  	[smem:$0x3FB4] =	sst s8  }
0x11: {  	[smem:$0x3FB5] =	sst s9;
	s0 =	simm.s32 @!p0 $0x0  }
0x12: {  	s1 =	sld [smem:$0x3F9B];
	s0 =	simm.s32 @p0 $0x1  }
0x13: {  	[smem:$0x3FB6] =	sst s0;
	s0 =	simm.s32 @!p1 $0x0  }
0x14: {  	s2 =	sld [smem:$0x3F9A];
	s0 =	simm.s32 @p1 $0x1  }
0x15: {  	[smem:$0x3FB7] =	sst s0;
	s0 =	simm.s32 @!p2 $0x0  }
0x16: {  	s3 =	sld [smem:$0x3FDB];
	s0 =	simm.s32 @p2 $0x1  }
0x17: {  	s4 =	simm.s32 $0x1BF5;
	[smem:$0x3FB9] =	sst s0  }
0x18: {  	s0 =	sld [smem:$0x3F9C];
	_ =	swait.ge [sflag:s4], $0x0  }
0x19: {  	s7 =	sld [smem:$0x3F9D]  }
0x1a: {  	s8 =	sadd.s32 $0xFFFFE003, lr  }
0x1b: {  	s9 =	sadd.s32 $0xFFFFFEF7, lr;
	s5 =	simm.s32 $0xFFFFFFFF;
	p2 =	slt.u32 s8, $0xFFFFF086  }
0x1c: {  	p1 =	slt.u32 s9, $0xF7A;
	s5 =	simm.s32 @!p2 $0x0  }
0x1d: {  	s5 =	simm.s32 @p1 $0x1;
	p0 =	seq.s32 s7, s2  }
0x1e: {  	s7 =	smul.u32 @!p0 $0xF7A, s2;
	p2 =	seq.s32 @!p0 s5, $0x0  }
0x1f: {  	s9 =	smul.u32 $0xF7A, s1;
	s8 =	simm.s32 @!p0 $0x1BF5;
	p2 =	por !p2, p0  }
0x20: {  	[sflag:s8] =	ssyncset.s32 @!p0 $0xFFFFF086;
	s6 =	sadd.s32 @!p0 s3, s7;
	s7 =	simm.s32 @!p0 $0x108  }
0x21: {  	s3 =	sadd.s32 s3, s9;
	s6 =	sadd.s32 @!p0 $0x88, s6;
	s7 =	simm.s32 @p2 $0x1082  }
0x22: {  	[simem:s7], [sflag:s8] =	dma.local @!p0 [hbm:s6], $0xF7A  }
0x23: {  	s9 =	sor.u32 $0xD0000000, s2;
	s6 =	simm.s32 $0x108;
	_ =	swait.ge @!p0 [sflag:s8], $0x0  }
0x24: {  	s3 =	sadd.s32 $0x88, s3;
	s6 =	simm.s32 @!p1 $0x1082;
	[sflag:s4] =	ssyncset.s32 $0xFFFFF086  }
0x25: {  	[simem:s6], [sflag:s4] =	dma.local [hbm:s3], $0xF7A  }
0x26: {  	[smem:$0x3F9D] =	sst s1;
	(tag) =	ssettag s2;
	_ =	strace s9  }
0x27: {  	s1 =	sld [smem:$0x3FAD]  }
0x28: {  	s2 =	sld [smem:$0x3FAE]  }
0x29: {  	s4 =	sld [smem:$0x3FB0]  }
0x2a: {  	p0 =	seq.s32 s5, $0x0;
	s5 =	sld [smem:$0x3FB1]  }
0x2b: {  	s6 =	sld [smem:$0x3FB2]  }
0x2c: {  	s7 =	sld [smem:$0x3FB3]  }
0x2d: {  	s3 =	simm.s32 $0x108;
	s8 =	sld [smem:$0x3FB4]  }
0x2e: {  	s3 =	simm.s32 @!p0 $0x1082;
	s9 =	sld [smem:$0x3FB5]  }
0x2f: {  	lr =	sadd.s32 s0, s3;
	s0 =	sld [smem:$0x3FAC]  }
0x30: {  	s3 =	sld [smem:$0x3FAF]  }
0x31: {  	[smem:$0x3FB8] =	sst s10  }
0x32: {  	s10 =	sld [smem:$0x3FB6];
	_ =	sdelay $0x3  }
0x33: {  	p0 =	seq.s32 s10, $0x1;
	s10 =	sld [smem:$0x3FB8];
	_ =	sdelay $0x3  }
0x34: {  	[smem:$0x3FB8] =	sst s10  }
0x35: {  	s10 =	sld [smem:$0x3FB7];
	_ =	sdelay $0x3  }
0x36: {  	p1 =	seq.s32 s10, $0x1;
	s10 =	sld [smem:$0x3FB8];
	_ =	sdelay $0x3  }
0x37: {  	[smem:$0x3FB8] =	sst s10  }
0x38: {  	s10 =	sld [smem:$0x3FB9]  }
0x39: {  	_ = 	snop;
	(pc) =	sbr.ind lr, $3  }
0x3a: {  	_ = 	snop  }
0x3b: {  	_ = 	snop  }
0x3c: {  	p2 =	seq.s32 s10, $0x1;
	s10 =	sld [smem:$0x3FB8]  }
0x3d: {  	_ =	shalt  }
0x3e: {  	_ =	shalt  }
0x3f: {  	_ =	shalt  }
0x40: {  	_ =	shalt  }
0x41: {  	_ =	shalt  }
0x42: {  	_ =	shalt  }
0x43: {  	_ =	shalt  }
0x44: {  	_ =	shalt  }
0x45: {  	_ =	shalt  }
0x46: {  	_ =	shalt  }
0x47: {  	_ =	shalt  }
0x48: {  	_ =	shalt  }
0x49: {  	_ =	shalt  }
0x4a: {  	_ =	shalt  }
0x4b: {  	_ =	shalt  }
0x4c: {  	_ =	shalt  }
0x4d: {  	_ =	shalt  }
0x4e: {  	_ =	shalt  }
0x4f: {  	_ =	shalt  }
0x50: {  	_ =	shalt  }
0x51: {  	_ =	shalt  }
0x52: {  	_ =	shalt  }
0x53: {  	_ =	shalt  }
0x54: {  	_ =	shalt  }
0x55: {  	_ =	shalt  }
0x56: {  	_ =	shalt  }
0x57: {  	_ =	shalt  }
0x58: {  	_ =	shalt  }
0x59: {  	_ =	shalt  }
0x5a: {  	_ =	shalt  }
0x5b: {  	_ =	shalt  }
0x5c: {  	_ =	shalt  }
0x5d: {  	_ =	shalt  }
0x5e: {  	_ =	shalt  }
0x5f: {  	_ =	shalt  }
0x60: {  	_ =	shalt  }
0x61: {  	_ =	shalt  }
0x62: {  	_ =	shalt  }
0x63: {  	_ =	shalt  }
0x64: {  	_ =	shalt  }
0x65: {  	_ =	shalt  }
0x66: {  	_ =	shalt  }
0x67: {  	_ =	shalt  }
0x68: {  	_ =	shalt  }
0x69: {  	_ =	shalt  }
0x6a: {  	_ =	shalt  }
0x6b: {  	_ =	shalt  }
0x6c: {  	_ =	shalt  }
0x6d: {  	_ =	shalt  }
0x6e: {  	_ =	shalt  }
0x6f: {  	_ =	shalt  }
0x70: {  	_ =	shalt  }
0x71: {  	_ =	shalt  }
0x72: {  	_ =	shalt  }
0x73: {  	_ =	shalt  }
0x74: {  	_ =	shalt  }
0x75: {  	_ =	shalt  }
0x76: {  	_ =	shalt  }
0x77: {  	_ =	shalt  }
0x78: {  	_ =	shalt  }
0x79: {  	_ =	shalt  }
0x7a: {  	_ =	shalt  }
0x7b: {  	_ =	shalt  }
0x7c: {  	_ =	shalt  }
0x7d: {  	_ =	shalt  }
0x7e: {  	_ =	shalt  }
0x7f: {  	_ =	shalt  }
0x80: {  	_ =	shalt  }
0x81: {  	_ =	shalt  }
0x82: {  	_ =	shalt  }
0x83: {  	_ =	shalt  }
0x84: {  	_ =	shalt  }
0x85: {  	_ =	shalt  }
0x86: {  	_ =	shalt  }
0x87: {  	_ =	shalt  }
.Lfunc_end0:
.L_simem_size_0:
called_computation_lowered:
.L_overlay_start_0:
0x88: {  	s2 =	sld [smem:$0x3FD9]  }
0x89: {  	s3 =	sld [smem:$0x3FFE];
	_ =	sdelay $0x1  }
0x8a: {  	s1 =	srdreg.scid  }
0x8b: {  	s0 =	sand.u32 $0x1, s1  }
0x8c: {  	s17 =	sshll.u32 s0, $0xA;
	s2 =	sadd.s32 s3, s2  }
0x8d: {  	s2 =	sadd.s32 s2, s17  }
0x8e: {  	[smem:$0x3FC4] =	sst s2  }
0x8f: {  	_ = 	snop  }
0x90: {  	s2 =	sld [smem:$0x3FC9]  }
0x91: {  	s18 =	sld [smem:$0x3FC8]  }
0x92: {  	s4 =	sld [smem:$0x3FD0];
	(tm) =	ssettm $0x1  }
0x93: {  	s5 =	sld [smem:$0x3FFB];
	_ =	sdelay $0x3  }
0x94: {  	_ =	strace s5  }
0x95: {  	s5 =	sld [smem:$0x3FFC];
	_ =	sdelay $0x3  }
0x96: {  	_ =	strace s5  }
0x97: {  	s5 =	sld [smem:$0x3FFD];
	_ =	sdelay $0x3  }
0x98: {  	_ =	strace s5  }
0x99: {  	_ =	strace $0x8FFFFFFF  }
0x9a: {  	s19 =	sld [smem:$0x3FDB];
	_ =	sdelay $0x1  }
0x9b: {  	s6 =	simm.s32 $_scs_section_size  }
0x9c: {  	s7 =	simm.s32 $_size__tile_overlayer_lowered;
	s8 =	simm.s32 $_tile_overlayer_lowered  }
0x9d: {  	s22 =	simm.s32 $0x1BFF;
	s21 =	sshll.u32 s8, $0x1;
	s5 =	sadd.s32 s6, s19  }
0x9e: {  	s9 =	simm.s32 $0x0;
	s20 =	sshll.u32 s7, $0x1;
	s7 =	sadd.s32 s21, s5  }
0x9f: {  	[timem:s9], [sflag:s22] =	dma.local [hbm:s7], s20  }
0xa0: {  	_ =	swait.ge [sflag:s22], s20  }
0xa1: {  	s6 =	ssub.s32 $0x0, s20;
	[sflag:s22] =	ssyncset.done $0x0  }
0xa2: {  	[sflag:s22] =	ssyncadd.s32 s6;
	_ =	sdelay $0x1  }
0xa3: {  	s23 =	simm.s32 $0x1B8B  }
0xa4: {  	_ =	swait.ge [sflag:s23], $0x1  }
0xa5: {  	[sflag:s23] =	ssyncset.done $0x0  }
0xa6: {  	s25 =	simm.s32 $0x1B8E;
	s24 =	sld [smem:$0x3FFE];
	[sflag:s23] =	ssyncadd.s32 $0xFFFFFFFF  }
0xa7: {  	s26 =	simm.s32 $execute0_lowered;
	[smem:$0x3FD2] =	sst s25  }
0xa8: {  	s7 =	sshll.u32 s26, $0x1;
	_ =	strace $0x80000046;
	[dreg:$0x1] =	wrdreg $0xFFFFFFFF  }
0xa9: {  	s28 =	simm.s32 $_size_execute0_lowered;
	s5 =	sadd.s32 s5, s7;
	[dreg:$0x0] =	wrdreg $0x0  }
0xaa: {  	s7 =	sshll.u32 s28, $0x1;
	[dreg:$0x2] =	wrdreg s5  }
0xab: {  	[dreg:$0x3] =	wrdreg s7  }
0xac: {  	[dreg:$0x4] =	wrdreg $0xC0  }
0xad: {  	_ =	task [dreg:s9], $0x5FFFF  }
0xae: {  	[dreg:$0x1] =	wrdreg $0xFFFFFFFF  }
0xaf: {  	[dreg:$0x0] =	wrdreg $0x60  }
0xb0: {  	[dreg:$0x2] =	wrdreg s2  }
0xb1: {  	[dreg:$0x3] =	wrdreg s18  }
0xb2: {  	[dreg:$0x4] =	wrdreg s24  }
0xb3: {  	[dreg:$0x5] =	wrdreg s4  }
0xb4: {  	[dreg:$0x6] =	wrdreg $0x9  }
0xb5: {  	_ =	task.clear_ibuf [dreg:s9], $0x7FFFF;
	_ =	strace $0x90000046  }
0xb6: {  	s29 =	simm.s32 $0x9;
	_ =	strace $0x80000048  }
0xb7: {  	_ =	swait.ge [sflag:s29], $0x1  }
0xb8: {  	[sflag:s29] =	ssyncadd.s32 $0xFFFFFFFF  }
0xb9: {  	_ =	strace $0x90000048  }
0xba: {  	_ =	sfence  }
0xbb: {  	s30 =	sld [smem:$0x0];
	_ =	sdelay $0x2  }
0xbc: {  	s31 =	sshll.u32 s1, $0xD;
	s1 =	sshrl.u32 s1, $0x2  }
0xbd: {  	s3 =	sand.u32 $0x4000, s31;
	s1 =	sadd.s32 s1, s30  }
0xbe: {  	s0 =	sor.u32 s3, s0;
	s1 =	sshll.u32 s1, $0x11  }
0xbf: {  	s0 =	sor.u32 s1, s0  }
0xc0: {  	s0 =	sadd.s32 $0x8F2B, s0  }
0xc1: {  	[sflag:s0] =	ssyncadd.remote.s32 $0x1  }
0xc2: {  	_ =	sfence.sel $0xFFFF  }
0xc3: {  	[dreg:$0x0] =	wrdreg $0xFFFFFFFF;
	(pc) =	sbr.abs _section_cstart, $3  }
0xc4: {  	[dreg:$0x1] =	wrdreg $0xFFFFFFFF  }
0xc5: {  	_ =	task.clear_ibuf [dreg:s9], $0x2FFFF;
	_ =	strace $0x9FFFFFFF  }
0xc6: {  	(tm) =	ssettm $0x7FFFFFFF  }
0xc7: {  	_ =	shalt  }
tec
execute0_lowered:
.L_overlay_start_1:
0x0: {  	(tag) =	ssettag $0x1  }
0x1: {  	v0 =	vlaneseq.u32  }
0x2: {  	v0 =	vmul.u32 $0x10, v0;
	_ =	sdelay $0x1  }
0x3: {  	v1 =	vor.u32 $0x1, v0;
	v12 =	vor.u32 $0xC, v0;
	v13 =	vor.u32 $0xD, v0  }
0x4: {  	v14 =	vor.u32 $0xE, v0;
	v15 =	vor.u32 $0xF, v0;
	v16 =	vor.u32 $0x100, v0  }
0x5: {  	v17 =	vor.u32 $0x101, v0;
	v18 =	vor.u32 $0x102, v0;
	v19 =	vor.u32 $0x103, v0  }
0x6: {  	v20 =	vor.u32 $0x104, v0;
	v21 =	vor.u32 $0x105, v0;
	v22 =	vor.u32 $0x106, v0  }
0x7: {  	s5 =	rddreg [dreg:$0x0];
	v23 =	vor.u32 $0x107, v0;
	v24 =	vor.u32 $0x108, v0;
	v25 =	vor.u32 $0x109, v0  }
0x8: {  	s6 =	rddreg [dreg:$0x1];
	v26 =	vor.u32 $0x10A, v0;
	v27 =	vor.u32 $0x10B, v0;
	v28 =	vor.u32 $0x10C, v0  }
0x9: {  	s4 =	rddreg [dreg:$0x2];
	v29 =	vor.u32 $0x10D, v0;
	v30 =	vor.u32 $0x10E, v0;
	v31 =	vor.u32 $0x10F, v0  }
0xa: {  	s7 =	rddreg [dreg:$0x3];
	v32 =	vor.u32 $0x200, v0;
	v33 =	vor.u32 $0x201, v0;
	v34 =	vor.u32 $0x202, v0  }
0xb: {  	s0 =	rddreg [dreg:$0x4];
	v35 =	vor.u32 $0x203, v0;
	v36 =	vor.u32 $0x204, v0;
	v37 =	vor.u32 $0x205, v0  }
0xc: {  	s1 =	simm.s32 $0x0;
	s3 =	srdreg.scid;
	s2 =	stileid.u32;
	v38 =	vor.u32 $0x206, v0;
	v39 =	vor.u32 $0x207, v0;
	[tilespmem:$0x1FF50] =	vst v1;
	v1 =	vor.u32 $0x2, v0  }
0xd: {  	s12 =	simm.s32 $0x400;
	s13 =	simm.s32 $0x2400;
	s14 =	simm.s32 $0xC00;
	v40 =	vor.u32 $0x208, v0;
	v41 =	vor.u32 $0x209, v0;
	[tilespmem:$0x1FF60] =	vst v1;
	v1 =	vor.u32 $0x3, v0  }
0xe: {  	s15 =	simm.s32 $0x280;
	s16 =	simm.s32 $0x2C00;
	s17 =	simm.s32 $0x100;
	v42 =	vor.u32 $0x20A, v0;
	v43 =	vor.u32 $0x20B, v0;
	[tilespmem:$0x1FF70] =	vst v1;
	v1 =	vor.u32 $0x4, v0  }
0xf: {  	s18 =	simm.s32 $0x1400;
	s19 =	simm.s32 $0x300;
	s20 =	simm.s32 $0x3400;
	v44 =	vor.u32 $0x20C, v0;
	v45 =	vor.u32 $0x20D, v0;
	[tilespmem:$0x1FF80] =	vst v1;
	v1 =	vor.u32 $0x5, v0  }
0x10: {  	s21 =	simm.s32 $0x180;
	s22 =	simm.s32 $0x1C00;
	s23 =	simm.s32 $0x380;
	v46 =	vor.u32 $0x20E, v0;
	v47 =	vor.u32 $0x20F, v0;
	[tilespmem:$0x1FF90] =	vst v1;
	v1 =	vor.u32 $0x6, v0  }
0x11: {  	s24 =	simm.s32 $0x3C00;
	s25 =	simm.s32 $0x1;
	s26 =	simm.s32 $0x4400;
	v48 =	vor.u32 $0x300, v0;
	v49 =	vor.u32 $0x301, v0;
	[tilespmem:$0x1FFA0] =	vst v1;
	v1 =	vor.u32 $0x7, v0  }
0x12: {  	[smem:$0x7FF] =	sst s1;
	s3 =	sand.u32 $0x1, s3;
	s9 =	sshll.u32 s2, $0x7;
	v50 =	vor.u32 $0x302, v0;
	v51 =	vor.u32 $0x303, v0;
	[tilespmem:$0x1FFB0] =	vst v1;
	v1 =	vor.u32 $0x8, v0  }
0x13: {  	s8 =	ssub.s32 $0x2, s3;
	s10 =	sshll.u32 s3, $0x6;
	s3 =	sadd.s32 $0xF42800, s4;
	v52 =	vor.u32 $0x304, v0;
	v53 =	vor.u32 $0x305, v0;
	[tilespmem:$0x1FFC0] =	vst v1;
	v1 =	vor.u32 $0x9, v0  }
0x14: {  	s4 =	sadd.s32 $0x112AE00, s4;
	s11 =	sshrl.u32 s8, $0x1;
	s9 =	sor.u32 s10, s9;
	v54 =	vor.u32 $0x306, v0;
	v55 =	vor.u32 $0x307, v0;
	[tilespmem:$0x1FFD0] =	vst v1;
	v1 =	vor.u32 $0xA, v0  }
0x15: {  	s10 =	simm.s32 $0x200;
	v56 =	vor.u32 $0x308, v0;
	v57 =	vor.u32 $0x309, v0;
	s8 =	ssub.s32 s8, s11;
	s5 =	sadd.s32 s5, s9;
	[tilespmem:$0x1FFE0] =	vst v1;
	v1 =	vor.u32 $0xB, v0  }
0x16: {  	v58 =	vor.u32 $0x30A, v0;
	v59 =	vor.u32 $0x30B, v0;
	v60 =	vor.u32 $0x30C, v0;
	s6 =	sadd.s32 s6, s9;
	s7 =	sadd.s32 s7, s9;
	s9 =	simm.s32 $0x2;
	[tilespmem:$0x1FFF0] =	vst v1  }
0x17: {  	v61 =	vor.u32 $0x30D, v0;
	v62 =	vor.u32 $0x30E, v0;
	v63 =	vor.u32 $0x30F, v0;
	s11 =	simm.s32 $0x80;
	s8 =	smax.u32 s8, $0x1;
	_ =	strace $0x80000047  }
.LBB2_1:
0x18: {  	[tilespmem:s1], [sflag:$0x2] =	stream.linear.gather [hbm4b:s5+s1], $0x200, $0x38;
	[tilespmem:$0x4600] =	vst v63  }
0x19: {  	_ =	swait.ge [sflag:s9], $0x200  }
0x1a: {  	[sflag:s9] =	ssyncset.done $0x0  }
0x1b: {  	[sflag:s9] =	ssyncadd.s32 $0xFFFFFE00  }
0x1c: {  	[tilespmem:s10], [sflag:$0x2] =	stream.linear.gather [hbm4b:s6+s1], $0x200, $0x38;
	[tilespmem:$0x4600] =	vst v63  }
0x1d: {  	_ =	swait.ge [sflag:s9], $0x200  }
0x1e: {  	[sflag:s9] =	ssyncset.done $0x0  }
0x1f: {  	[sflag:s9] =	ssyncadd.s32 $0xFFFFFE00  }
0x20: {  	[tilespmem:s12], [sflag:$0x1] =	stream.indirect.gather [hbm4b:s3+s11], $0x10, s1, s11, $0xb8;
	[tilespmem:$0x4600] =	vst v63  }
0x21: {  	_ = 	snop  }
0x22: {  	[tilespmem:s13], [sflag:$0x1] =	stream.indirect.gather [hbm4b:s4+s11], $0x10, s10, s11, $0xb8;
	[tilespmem:$0x4600] =	vst v63  }
0x23: {  	_ = 	snop  }
0x24: {  	[tilespmem:s14], [sflag:$0x1] =	stream.indirect.gather [hbm4b:s3+s11], $0x10, s11, s11, $0xb8;
	[tilespmem:$0x4600] =	vst v63  }
0x25: {  	_ = 	snop  }
0x26: {  	[tilespmem:s16], [sflag:$0x1] =	stream.indirect.gather [hbm4b:s4+s11], $0x10, s15, s11, $0xb8;
	[tilespmem:$0x4600] =	vst v63  }
0x27: {  	_ = 	snop  }
0x28: {  	[tilespmem:s18], [sflag:$0x1] =	stream.indirect.gather [hbm4b:s3+s11], $0x10, s17, s11, $0xb8;
	[tilespmem:$0x4600] =	vst v63  }
0x29: {  	_ = 	snop  }
0x2a: {  	[tilespmem:s20], [sflag:$0x1] =	stream.indirect.gather [hbm4b:s4+s11], $0x10, s19, s11, $0xb8;
	[tilespmem:$0x4600] =	vst v63  }
0x2b: {  	_ = 	snop  }
0x2c: {  	[tilespmem:s22], [sflag:$0x1] =	stream.indirect.gather [hbm4b:s3+s11], $0x10, s21, s11, $0xb8;
	[tilespmem:$0x4600] =	vst v63  }
0x2d: {  	_ = 	snop  }
0x2e: {  	[tilespmem:s24], [sflag:$0x1] =	stream.indirect.gather [hbm4b:s4+s11], $0x10, s23, s11, $0xb8;
	[tilespmem:$0x4600] =	vst v63  }
0x2f: {  	_ =	swait.ge [sflag:s25], $0x800  }
0x30: {  	[sflag:s25] =	ssyncset.done $0x0  }
0x31: {  	[sflag:s25] =	ssyncadd.s32 $0xFFFFF800  }
0x32: {  	_ =	swait.ge [sflag:s25], $0x800  }
0x33: {  	[sflag:s25] =	ssyncset.done $0x0  }
0x34: {  	[sflag:s25] =	ssyncadd.s32 $0xFFFFF800  }
0x35: {  	_ =	swait.ge [sflag:s25], $0x800  }
0x36: {  	[sflag:s25] =	ssyncset.done $0x0  }
0x37: {  	[sflag:s25] =	ssyncadd.s32 $0xFFFFF800  }
0x38: {  	_ =	swait.ge [sflag:s25], $0x800  }
0x39: {  	[sflag:s25] =	ssyncset.done $0x0  }
0x3a: {  	[sflag:s25] =	ssyncadd.s32 $0xFFFFF800  }
0x3b: {  	_ =	swait.ge [sflag:s25], $0x800  }
0x3c: {  	[sflag:s25] =	ssyncset.done $0x0  }
0x3d: {  	[sflag:s25] =	ssyncadd.s32 $0xFFFFF800  }
0x3e: {  	_ =	swait.ge [sflag:s25], $0x800  }
0x3f: {  	[sflag:s25] =	ssyncset.done $0x0  }
0x40: {  	[sflag:s25] =	ssyncadd.s32 $0xFFFFF800  }
0x41: {  	_ =	swait.ge [sflag:s25], $0x800  }
0x42: {  	[sflag:s25] =	ssyncset.done $0x0  }
0x43: {  	[sflag:s25] =	ssyncadd.s32 $0xFFFFF800  }
0x44: {  	_ =	swait.ge [sflag:s25], $0x800  }
0x45: {  	v4 =	vld [tilespmem:$0x1FF50];
	_ =	sdelay $0x1  }
0x46: {  	v6 =	vld [tilespmem:$0x1FF60];
	_ =	sdelay $0x1  }
0x47: {  	[sflag:s25] =	ssyncset.done $0x0;
	v7 =	vld [tilespmem:$0x1FF70]  }
0x48: {  	v8 =	vld [tilespmem:$0x1FF80];
	[sflag:s25] =	ssyncadd.s32 $0xFFFFF800  }
0x49: {  	v1 =	vld.idx.msk [tilespmem:v0+s12+$0x0], $0xffff  }
0x4a: {  	v2 =	vld.idx.msk [tilespmem:v0+s13+$0x0], $0xffff  }
0x4b: {  	v3 =	vld.idx.msk [tilespmem:v4+s12+$0x0], $0xffff  }
0x4c: {  	v4 =	vld.idx.msk [tilespmem:v4+s13+$0x0], $0xffff  }
0x4d: {  	v5 =	vld.idx.msk [tilespmem:v6+s12+$0x0], $0xffff  }
0x4e: {  	v6 =	vld.idx.msk [tilespmem:v6+s13+$0x0], $0xffff  }
0x4f: {  	v1 =	vmul.f32 v2, v1;
	v2 =	vld.idx.msk [tilespmem:v7+s12+$0x0], $0xffff  }
0x50: {  	v7 =	vld.idx.msk [tilespmem:v7+s13+$0x0], $0xffff  }
0x51: {  	v1 =	vadd.f32 $0.0e+00, v1;
	v3 =	vmul.f32 v4, v3;
	v4 =	vld.idx.msk [tilespmem:v8+s12+$0x0], $0xffff  }
0x52: {  	v8 =	vld.idx.msk [tilespmem:v8+s13+$0x0], $0xffff  }
0x53: {  	v10 =	vld [tilespmem:$0x1FF90];
	v1 =	vadd.f32 v3, v1;
	v3 =	vmul.f32 v6, v5;
	_ =	sdelay $0x1  }
0x54: {  	v11 =	vld [tilespmem:$0x1FFA0];
	v2 =	vmul.f32 v7, v2;
	v1 =	vadd.f32 v3, v1;
	_ =	sdelay $0x1  }
0x55: {  	v1 =	vadd.f32 v2, v1;
	v2 =	vmul.f32 v8, v4;
	v8 =	vld [tilespmem:$0x1FFB0];
	_ =	sdelay $0x3  }
0x56: {  	v5 =	vld.idx.msk [tilespmem:v10+s12+$0x0], $0xffff  }
0x57: {  	v6 =	vld.idx.msk [tilespmem:v10+s13+$0x0], $0xffff  }
0x58: {  	v7 =	vld.idx.msk [tilespmem:v11+s13+$0x0], $0xffff  }
0x59: {  	v3 =	vld.idx.msk [tilespmem:v11+s12+$0x0], $0xffff  }
0x5a: {  	v4 =	vld.idx.msk [tilespmem:v8+s12+$0x0], $0xffff  }
0x5b: {  	v8 =	vld.idx.msk [tilespmem:v8+s13+$0x0], $0xffff  }
0x5c: {  	v9 =	vld [tilespmem:$0x1FFC0];
	v1 =	vadd.f32 v2, v1;
	v2 =	vmul.f32 v6, v5;
	_ =	sdelay $0x1  }
0x5d: {  	v10 =	vld [tilespmem:$0x1FFD0];
	v1 =	vadd.f32 v2, v1;
	v2 =	vmul.f32 v7, v3;
	_ =	sdelay $0x1  }
0x5e: {  	v1 =	vadd.f32 v2, v1;
	v2 =	vmul.f32 v8, v4;
	v8 =	vld [tilespmem:$0x1FFE0];
	_ =	sdelay $0x1  }
0x5f: {  	v11 =	vld [tilespmem:$0x1FFF0];
	_ =	sdelay $0x1  }
0x60: {  	v5 =	vld.idx.msk [tilespmem:v9+s12+$0x0], $0xffff  }
0x61: {  	v6 =	vld.idx.msk [tilespmem:v9+s13+$0x0], $0xffff  }
0x62: {  	v3 =	vld.idx.msk [tilespmem:v10+s12+$0x0], $0xffff  }
0x63: {  	v7 =	vld.idx.msk [tilespmem:v10+s13+$0x0], $0xffff  }
0x64: {  	v4 =	vld.idx.msk [tilespmem:v8+s12+$0x0], $0xffff  }
0x65: {  	v8 =	vld.idx.msk [tilespmem:v8+s13+$0x0], $0xffff  }
0x66: {  	v1 =	vadd.f32 v2, v1;
	v2 =	vmul.f32 v6, v5;
	v5 =	vld.idx.msk [tilespmem:v11+s12+$0x0], $0xffff  }
0x67: {  	v6 =	vld.idx.msk [tilespmem:v11+s13+$0x0], $0xffff  }
0x68: {  	v1 =	vadd.f32 v2, v1;
	v2 =	vmul.f32 v7, v3;
	v3 =	vld.idx.msk [tilespmem:v12+s12+$0x0], $0xffff  }
0x69: {  	v7 =	vld.idx.msk [tilespmem:v12+s13+$0x0], $0xffff  }
0x6a: {  	v1 =	vadd.f32 v2, v1;
	v2 =	vmul.f32 v8, v4;
	v4 =	vld.idx.msk [tilespmem:v13+s12+$0x0], $0xffff  }
0x6b: {  	v8 =	vld.idx.msk [tilespmem:v13+s13+$0x0], $0xffff  }
0x6c: {  	v9 =	vld.idx.msk [tilespmem:v14+s12+$0x0], $0xffff;
	v1 =	vadd.f32 v2, v1;
	v2 =	vmul.f32 v6, v5  }
0x6d: {  	v10 =	vld.idx.msk [tilespmem:v14+s13+$0x0], $0xffff  }
0x6e: {  	v11 =	vld.idx.msk [tilespmem:v15+s13+$0x0], $0xffff;
	v1 =	vadd.f32 v2, v1;
	v2 =	vmul.f32 v7, v3  }
0x6f: {  	v3 =	vld.idx.msk [tilespmem:v15+s12+$0x0], $0xffff  }
0x70: {  	v1 =	vadd.f32 v2, v1;
	v2 =	vmul.f32 v8, v4;
	_ =	sdelay $0x1  }
0x71: {  	v1 =	vadd.f32 v2, v1;
	v2 =	vmul.f32 v10, v9;
	_ =	sdelay $0x1  }
0x72: {  	v1 =	vadd.f32 v2, v1;
	v2 =	vmul.f32 v11, v3;
	_ =	sdelay $0x1  }
0x73: {  	v1 =	vadd.f32 v2, v1;
	_ =	sdelay $0x1  }
0x74: {  	[tilespmem:$0x4400] =	vst v1  }
0x75: {  	v1 =	vld.idx.msk [tilespmem:v16+s12+$0x0], $0xffff  }
0x76: {  	v2 =	vld.idx.msk [tilespmem:v16+s13+$0x0], $0xffff  }
0x77: {  	v3 =	vld.idx.msk [tilespmem:v17+s12+$0x0], $0xffff  }
0x78: {  	v9 =	vld.idx.msk [tilespmem:v17+s13+$0x0], $0xffff  }
0x79: {  	v5 =	vld.idx.msk [tilespmem:v18+s12+$0x0], $0xffff  }
0x7a: {  	v6 =	vld.idx.msk [tilespmem:v18+s13+$0x0], $0xffff  }
0x7b: {  	v7 =	vld.idx.msk [tilespmem:v19+s13+$0x0], $0xffff;
	v1 =	vmul.f32 v2, v1  }
0x7c: {  	v2 =	vld.idx.msk [tilespmem:v19+s12+$0x0], $0xffff  }
0x7d: {  	v4 =	vld.idx.msk [tilespmem:v20+s12+$0x0], $0xffff;
	v3 =	vmul.f32 v9, v3;
	v1 =	vadd.f32 $0.0e+00, v1  }
0x7e: {  	v8 =	vld.idx.msk [tilespmem:v20+s13+$0x0], $0xffff  }
0x7f: {  	v1 =	vadd.f32 v3, v1;
	v3 =	vmul.f32 v6, v5;
	v5 =	vld.idx.msk [tilespmem:v21+s12+$0x0], $0xffff  }
0x80: {  	v6 =	vld.idx.msk [tilespmem:v21+s13+$0x0], $0xffff  }
0x81: {  	v2 =	vmul.f32 v7, v2;
	v7 =	vld.idx.msk [tilespmem:v22+s13+$0x0], $0xffff;
	v1 =	vadd.f32 v3, v1  }
0x82: {  	v3 =	vld.idx.msk [tilespmem:v22+s12+$0x0], $0xffff  }
0x83: {  	v1 =	vadd.f32 v2, v1;
	v2 =	vmul.f32 v8, v4;
	v4 =	vld.idx.msk [tilespmem:v23+s12+$0x0], $0xffff  }
0x84: {  	v8 =	vld.idx.msk [tilespmem:v23+s13+$0x0], $0xffff  }
0x85: {  	v1 =	vadd.f32 v2, v1;
	v2 =	vmul.f32 v6, v5;
	v5 =	vld.idx.msk [tilespmem:v24+s12+$0x0], $0xffff  }
0x86: {  	v6 =	vld.idx.msk [tilespmem:v24+s13+$0x0], $0xffff  }
0x87: {  	v1 =	vadd.f32 v2, v1;
	v2 =	vmul.f32 v7, v3;
	v3 =	vld.idx.msk [tilespmem:v25+s12+$0x0], $0xffff  }
0x88: {  	v7 =	vld.idx.msk [tilespmem:v25+s13+$0x0], $0xffff  }
0x89: {  	v1 =	vadd.f32 v2, v1;
	v2 =	vmul.f32 v8, v4;
	v4 =	vld.idx.msk [tilespmem:v26+s12+$0x0], $0xffff  }
0x8a: {  	v8 =	vld.idx.msk [tilespmem:v26+s13+$0x0], $0xffff  }
0x8b: {  	v1 =	vadd.f32 v2, v1;
	v2 =	vmul.f32 v6, v5;
	v5 =	vld.idx.msk [tilespmem:v27+s12+$0x0], $0xffff  }
0x8c: {  	v6 =	vld.idx.msk [tilespmem:v27+s13+$0x0], $0xffff  }
0x8d: {  	v1 =	vadd.f32 v2, v1;
	v2 =	vmul.f32 v7, v3;
	v3 =	vld.idx.msk [tilespmem:v28+s12+$0x0], $0xffff  }
0x8e: {  	v7 =	vld.idx.msk [tilespmem:v28+s13+$0x0], $0xffff  }
0x8f: {  	v1 =	vadd.f32 v2, v1;
	v2 =	vmul.f32 v8, v4;
	v4 =	vld.idx.msk [tilespmem:v29+s12+$0x0], $0xffff  }
0x90: {  	v8 =	vld.idx.msk [tilespmem:v29+s13+$0x0], $0xffff  }
0x91: {  	v10 =	vld.idx.msk [tilespmem:v30+s12+$0x0], $0xffff;
	v1 =	vadd.f32 v2, v1;
	v2 =	vmul.f32 v6, v5  }
0x92: {  	v11 =	vld.idx.msk [tilespmem:v30+s13+$0x0], $0xffff  }
0x93: {  	v9 =	vld.idx.msk [tilespmem:v31+s13+$0x0], $0xffff;
	v1 =	vadd.f32 v2, v1;
	v2 =	vmul.f32 v7, v3  }
0x94: {  	v3 =	vld.idx.msk [tilespmem:v31+s12+$0x0], $0xffff  }
0x95: {  	v1 =	vadd.f32 v2, v1;
	v2 =	vmul.f32 v8, v4;
	_ =	sdelay $0x1  }
0x96: {  	v1 =	vadd.f32 v2, v1;
	v2 =	vmul.f32 v11, v10;
	_ =	sdelay $0x1  }
0x97: {  	v1 =	vadd.f32 v2, v1;
	v2 =	vmul.f32 v9, v3;
	_ =	sdelay $0x1  }
0x98: {  	v1 =	vadd.f32 v2, v1;
	_ =	sdelay $0x1  }
0x99: {  	[tilespmem:$0x4410] =	vst v1  }
0x9a: {  	v1 =	vld.idx.msk [tilespmem:v32+s12+$0x0], $0xffff  }
0x9b: {  	v2 =	vld.idx.msk [tilespmem:v32+s13+$0x0], $0xffff  }
0x9c: {  	v3 =	vld.idx.msk [tilespmem:v33+s12+$0x0], $0xffff  }
0x9d: {  	v10 =	vld.idx.msk [tilespmem:v33+s13+$0x0], $0xffff  }
0x9e: {  	v5 =	vld.idx.msk [tilespmem:v34+s12+$0x0], $0xffff  }
0x9f: {  	v6 =	vld.idx.msk [tilespmem:v34+s13+$0x0], $0xffff  }
0xa0: {  	v7 =	vld.idx.msk [tilespmem:v35+s13+$0x0], $0xffff;
	v1 =	vmul.f32 v2, v1  }
0xa1: {  	v2 =	vld.idx.msk [tilespmem:v35+s12+$0x0], $0xffff  }
0xa2: {  	v4 =	vld.idx.msk [tilespmem:v36+s12+$0x0], $0xffff;
	v3 =	vmul.f32 v10, v3;
	v1 =	vadd.f32 $0.0e+00, v1  }
0xa3: {  	v8 =	vld.idx.msk [tilespmem:v36+s13+$0x0], $0xffff  }
0xa4: {  	v1 =	vadd.f32 v3, v1;
	v3 =	vmul.f32 v6, v5;
	v5 =	vld.idx.msk [tilespmem:v37+s12+$0x0], $0xffff  }
0xa5: {  	v6 =	vld.idx.msk [tilespmem:v37+s13+$0x0], $0xffff  }
0xa6: {  	v2 =	vmul.f32 v7, v2;
	v7 =	vld.idx.msk [tilespmem:v38+s13+$0x0], $0xffff;
	v1 =	vadd.f32 v3, v1  }
0xa7: {  	v3 =	vld.idx.msk [tilespmem:v38+s12+$0x0], $0xffff  }
0xa8: {  	v1 =	vadd.f32 v2, v1;
	v2 =	vmul.f32 v8, v4;
	v4 =	vld.idx.msk [tilespmem:v39+s12+$0x0], $0xffff  }
0xa9: {  	v8 =	vld.idx.msk [tilespmem:v39+s13+$0x0], $0xffff  }
0xaa: {  	v1 =	vadd.f32 v2, v1;
	v2 =	vmul.f32 v6, v5;
	v5 =	vld.idx.msk [tilespmem:v40+s12+$0x0], $0xffff  }
0xab: {  	v6 =	vld.idx.msk [tilespmem:v40+s13+$0x0], $0xffff  }
0xac: {  	v1 =	vadd.f32 v2, v1;
	v2 =	vmul.f32 v7, v3;
	v3 =	vld.idx.msk [tilespmem:v41+s12+$0x0], $0xffff  }
0xad: {  	v7 =	vld.idx.msk [tilespmem:v41+s13+$0x0], $0xffff  }
0xae: {  	v1 =	vadd.f32 v2, v1;
	v2 =	vmul.f32 v8, v4;
	v4 =	vld.idx.msk [tilespmem:v42+s12+$0x0], $0xffff  }
0xaf: {  	v8 =	vld.idx.msk [tilespmem:v42+s13+$0x0], $0xffff  }
0xb0: {  	v1 =	vadd.f32 v2, v1;
	v2 =	vmul.f32 v6, v5;
	v5 =	vld.idx.msk [tilespmem:v43+s12+$0x0], $0xffff  }
0xb1: {  	v6 =	vld.idx.msk [tilespmem:v43+s13+$0x0], $0xffff  }
0xb2: {  	v1 =	vadd.f32 v2, v1;
	v2 =	vmul.f32 v7, v3;
	v3 =	vld.idx.msk [tilespmem:v44+s12+$0x0], $0xffff  }
0xb3: {  	v7 =	vld.idx.msk [tilespmem:v44+s13+$0x0], $0xffff  }
0xb4: {  	v1 =	vadd.f32 v2, v1;
	v2 =	vmul.f32 v8, v4;
	v4 =	vld.idx.msk [tilespmem:v45+s12+$0x0], $0xffff  }
0xb5: {  	v8 =	vld.idx.msk [tilespmem:v45+s13+$0x0], $0xffff  }
0xb6: {  	v11 =	vld.idx.msk [tilespmem:v46+s12+$0x0], $0xffff;
	v1 =	vadd.f32 v2, v1;
	v2 =	vmul.f32 v6, v5  }
0xb7: {  	v9 =	vld.idx.msk [tilespmem:v46+s13+$0x0], $0xffff  }
0xb8: {  	v10 =	vld.idx.msk [tilespmem:v47+s13+$0x0], $0xffff;
	v1 =	vadd.f32 v2, v1;
	v2 =	vmul.f32 v7, v3  }
0xb9: {  	v3 =	vld.idx.msk [tilespmem:v47+s12+$0x0], $0xffff  }
0xba: {  	v1 =	vadd.f32 v2, v1;
	v2 =	vmul.f32 v8, v4;
	_ =	sdelay $0x1  }
0xbb: {  	v1 =	vadd.f32 v2, v1;
	v2 =	vmul.f32 v9, v11;
	_ =	sdelay $0x1  }
0xbc: {  	v1 =	vadd.f32 v2, v1;
	v2 =	vmul.f32 v10, v3;
	_ =	sdelay $0x1  }
0xbd: {  	v1 =	vadd.f32 v2, v1;
	_ =	sdelay $0x1  }
0xbe: {  	[tilespmem:$0x4420] =	vst v1  }
0xbf: {  	v1 =	vld.idx.msk [tilespmem:v48+s12+$0x0], $0xffff  }
0xc0: {  	v2 =	vld.idx.msk [tilespmem:v48+s13+$0x0], $0xffff  }
0xc1: {  	v3 =	vld.idx.msk [tilespmem:v49+s12+$0x0], $0xffff  }
0xc2: {  	v11 =	vld.idx.msk [tilespmem:v49+s13+$0x0], $0xffff  }
0xc3: {  	v5 =	vld.idx.msk [tilespmem:v50+s12+$0x0], $0xffff  }
0xc4: {  	v6 =	vld.idx.msk [tilespmem:v50+s13+$0x0], $0xffff  }
0xc5: {  	v7 =	vld.idx.msk [tilespmem:v51+s13+$0x0], $0xffff;
	v1 =	vmul.f32 v2, v1  }
0xc6: {  	v2 =	vld.idx.msk [tilespmem:v51+s12+$0x0], $0xffff  }
0xc7: {  	v4 =	vld.idx.msk [tilespmem:v52+s12+$0x0], $0xffff;
	v3 =	vmul.f32 v11, v3;
	v1 =	vadd.f32 $0.0e+00, v1  }
0xc8: {  	v8 =	vld.idx.msk [tilespmem:v52+s13+$0x0], $0xffff  }
0xc9: {  	v1 =	vadd.f32 v3, v1;
	v3 =	vmul.f32 v6, v5;
	v5 =	vld.idx.msk [tilespmem:v53+s12+$0x0], $0xffff  }
0xca: {  	v6 =	vld.idx.msk [tilespmem:v53+s13+$0x0], $0xffff  }
0xcb: {  	v2 =	vmul.f32 v7, v2;
	v7 =	vld.idx.msk [tilespmem:v54+s13+$0x0], $0xffff;
	v1 =	vadd.f32 v3, v1  }
0xcc: {  	v3 =	vld.idx.msk [tilespmem:v54+s12+$0x0], $0xffff  }
0xcd: {  	v1 =	vadd.f32 v2, v1;
	v2 =	vmul.f32 v8, v4;
	v4 =	vld.idx.msk [tilespmem:v55+s12+$0x0], $0xffff  }
0xce: {  	v8 =	vld.idx.msk [tilespmem:v55+s13+$0x0], $0xffff  }
0xcf: {  	v1 =	vadd.f32 v2, v1;
	v2 =	vmul.f32 v6, v5;
	v5 =	vld.idx.msk [tilespmem:v56+s12+$0x0], $0xffff  }
0xd0: {  	v6 =	vld.idx.msk [tilespmem:v56+s13+$0x0], $0xffff  }
0xd1: {  	v1 =	vadd.f32 v2, v1;
	v2 =	vmul.f32 v7, v3;
	v3 =	vld.idx.msk [tilespmem:v57+s12+$0x0], $0xffff  }
0xd2: {  	v7 =	vld.idx.msk [tilespmem:v57+s13+$0x0], $0xffff  }
0xd3: {  	v1 =	vadd.f32 v2, v1;
	v2 =	vmul.f32 v8, v4;
	v4 =	vld.idx.msk [tilespmem:v58+s12+$0x0], $0xffff  }
0xd4: {  	v8 =	vld.idx.msk [tilespmem:v58+s13+$0x0], $0xffff  }
0xd5: {  	v1 =	vadd.f32 v2, v1;
	v2 =	vmul.f32 v6, v5;
	v5 =	vld.idx.msk [tilespmem:v59+s12+$0x0], $0xffff  }
0xd6: {  	v6 =	vld.idx.msk [tilespmem:v59+s13+$0x0], $0xffff  }
0xd7: {  	v1 =	vadd.f32 v2, v1;
	v2 =	vmul.f32 v7, v3;
	v3 =	vld.idx.msk [tilespmem:v60+s12+$0x0], $0xffff  }
0xd8: {  	v7 =	vld.idx.msk [tilespmem:v60+s13+$0x0], $0xffff  }
0xd9: {  	v1 =	vadd.f32 v2, v1;
	v2 =	vmul.f32 v8, v4;
	v4 =	vld.idx.msk [tilespmem:v61+s12+$0x0], $0xffff  }
0xda: {  	v8 =	vld.idx.msk [tilespmem:v61+s13+$0x0], $0xffff  }
0xdb: {  	v9 =	vld.idx.msk [tilespmem:v62+s12+$0x0], $0xffff;
	v1 =	vadd.f32 v2, v1;
	v2 =	vmul.f32 v6, v5  }
0xdc: {  	v10 =	vld.idx.msk [tilespmem:v62+s13+$0x0], $0xffff  }
0xdd: {  	v11 =	vld.idx.msk [tilespmem:v63+s13+$0x0], $0xffff;
	v1 =	vadd.f32 v2, v1;
	v2 =	vmul.f32 v7, v3  }
0xde: {  	v3 =	vld.idx.msk [tilespmem:v63+s12+$0x0], $0xffff  }
0xdf: {  	v1 =	vadd.f32 v2, v1;
	v2 =	vmul.f32 v8, v4;
	_ =	sdelay $0x1  }
0xe0: {  	v1 =	vadd.f32 v2, v1;
	v2 =	vmul.f32 v10, v9;
	_ =	sdelay $0x1  }
0xe1: {  	v1 =	vadd.f32 v2, v1;
	v2 =	vmul.f32 v11, v3;
	v3 =	vor.u32 $0x400, v0;
	_ =	sdelay $0x1  }
0xe2: {  	v1 =	vadd.f32 v2, v1;
	v2 =	vor.u32 $0x401, v0;
	_ =	sdelay $0x1  }
0xe3: {  	[tilespmem:$0x4430] =	vst v1;
	v1 =	vor.u32 $0x402, v0  }
0xe4: {  	v4 =	vld.idx.msk [tilespmem:v3+s12+$0x0], $0xffff  }
0xe5: {  	v5 =	vor.u32 $0x403, v0;
	v3 =	vld.idx.msk [tilespmem:v3+s13+$0x0], $0xffff  }
0xe6: {  	v6 =	vld.idx.msk [tilespmem:v2+s12+$0x0], $0xffff  }
0xe7: {  	v7 =	vor.u32 $0x404, v0;
	v2 =	vld.idx.msk [tilespmem:v2+s13+$0x0], $0xffff  }
0xe8: {  	v8 =	vld.idx.msk [tilespmem:v1+s12+$0x0], $0xffff  }
0xe9: {  	v9 =	vor.u32 $0x405, v0;
	v1 =	vld.idx.msk [tilespmem:v1+s13+$0x0], $0xffff  }
0xea: {  	v3 =	vmul.f32 v3, v4;
	v4 =	vld.idx.msk [tilespmem:v5+s12+$0x0], $0xffff  }
0xeb: {  	v10 =	vor.u32 $0x406, v0;
	v5 =	vld.idx.msk [tilespmem:v5+s13+$0x0], $0xffff  }
0xec: {  	v3 =	vadd.f32 $0.0e+00, v3;
	v2 =	vmul.f32 v2, v6;
	v6 =	vld.idx.msk [tilespmem:v7+s12+$0x0], $0xffff  }
0xed: {  	v11 =	vor.u32 $0x407, v0;
	v7 =	vld.idx.msk [tilespmem:v7+s13+$0x0], $0xffff  }
0xee: {  	v2 =	vadd.f32 v2, v3;
	v1 =	vmul.f32 v1, v8;
	v3 =	vld.idx.msk [tilespmem:v9+s12+$0x0], $0xffff  }
0xef: {  	v8 =	vld.idx.msk [tilespmem:v9+s13+$0x0], $0xffff;
	v9 =	vor.u32 $0x408, v0  }
0xf0: {  	v1 =	vadd.f32 v1, v2;
	v2 =	vmul.f32 v5, v4;
	v4 =	vld.idx.msk [tilespmem:v10+s12+$0x0], $0xffff  }
0xf1: {  	v5 =	vld.idx.msk [tilespmem:v10+s13+$0x0], $0xffff;
	v10 =	vor.u32 $0x409, v0  }
0xf2: {  	v1 =	vadd.f32 v2, v1;
	v2 =	vmul.f32 v7, v6;
	v6 =	vld.idx.msk [tilespmem:v11+s12+$0x0], $0xffff  }
0xf3: {  	v7 =	vld.idx.msk [tilespmem:v11+s13+$0x0], $0xffff;
	v11 =	vor.u32 $0x40A, v0  }
0xf4: {  	v1 =	vadd.f32 v2, v1;
	v2 =	vmul.f32 v8, v3;
	v3 =	vld.idx.msk [tilespmem:v9+s12+$0x0], $0xffff  }
0xf5: {  	v8 =	vld.idx.msk [tilespmem:v9+s13+$0x0], $0xffff;
	v9 =	vor.u32 $0x40B, v0  }
0xf6: {  	v1 =	vadd.f32 v2, v1;
	v2 =	vmul.f32 v5, v4;
	v4 =	vld.idx.msk [tilespmem:v10+s12+$0x0], $0xffff  }
0xf7: {  	v5 =	vld.idx.msk [tilespmem:v10+s13+$0x0], $0xffff;
	v10 =	vor.u32 $0x40C, v0  }
0xf8: {  	v1 =	vadd.f32 v2, v1;
	v2 =	vmul.f32 v7, v6;
	v6 =	vld.idx.msk [tilespmem:v11+s12+$0x0], $0xffff  }
0xf9: {  	v7 =	vld.idx.msk [tilespmem:v11+s13+$0x0], $0xffff;
	v11 =	vor.u32 $0x40D, v0  }
0xfa: {  	v1 =	vadd.f32 v2, v1;
	v2 =	vmul.f32 v8, v3;
	v3 =	vld.idx.msk [tilespmem:v9+s12+$0x0], $0xffff  }
0xfb: {  	v8 =	vld.idx.msk [tilespmem:v9+s13+$0x0], $0xffff;
	v9 =	vor.u32 $0x40E, v0  }
0xfc: {  	v1 =	vadd.f32 v2, v1;
	v2 =	vmul.f32 v5, v4;
	v4 =	vld.idx.msk [tilespmem:v10+s12+$0x0], $0xffff  }
0xfd: {  	v5 =	vld.idx.msk [tilespmem:v10+s13+$0x0], $0xffff;
	v10 =	vor.u32 $0x40F, v0  }
0xfe: {  	v1 =	vadd.f32 v2, v1;
	v2 =	vmul.f32 v7, v6;
	v6 =	vld.idx.msk [tilespmem:v11+s12+$0x0], $0xffff  }
0xff: {  	v7 =	vld.idx.msk [tilespmem:v11+s13+$0x0], $0xffff  }
0x100: {  	v1 =	vadd.f32 v2, v1;
	v2 =	vmul.f32 v8, v3;
	v3 =	vld.idx.msk [tilespmem:v9+s12+$0x0], $0xffff  }
0x101: {  	v8 =	vld.idx.msk [tilespmem:v9+s13+$0x0], $0xffff  }
0x102: {  	v9 =	vld.idx.msk [tilespmem:v10+s12+$0x0], $0xffff;
	v1 =	vadd.f32 v2, v1;
	v2 =	vmul.f32 v5, v4  }
0x103: {  	v11 =	vld.idx.msk [tilespmem:v10+s13+$0x0], $0xffff  }
0x104: {  	v1 =	vadd.f32 v2, v1;
	v2 =	vmul.f32 v7, v6;
	_ =	sdelay $0x1  }
0x105: {  	v1 =	vadd.f32 v2, v1;
	v2 =	vmul.f32 v8, v3;
	_ =	sdelay $0x1  }
0x106: {  	v3 =	vor.u32 $0x500, v0;
	v1 =	vadd.f32 v2, v1;
	v2 =	vmul.f32 v11, v9;
	_ =	sdelay $0x1  }
0x107: {  	v1 =	vadd.f32 v2, v1;
	v2 =	vor.u32 $0x501, v0;
	_ =	sdelay $0x1  }
0x108: {  	[tilespmem:$0x4440] =	vst v1;
	v1 =	vor.u32 $0x502, v0  }
0x109: {  	v4 =	vld.idx.msk [tilespmem:v3+s12+$0x0], $0xffff  }
0x10a: {  	v5 =	vor.u32 $0x503, v0;
	v3 =	vld.idx.msk [tilespmem:v3+s13+$0x0], $0xffff  }
0x10b: {  	v6 =	vld.idx.msk [tilespmem:v2+s12+$0x0], $0xffff  }
0x10c: {  	v7 =	vor.u32 $0x504, v0;
	v2 =	vld.idx.msk [tilespmem:v2+s13+$0x0], $0xffff  }
0x10d: {  	v8 =	vld.idx.msk [tilespmem:v1+s12+$0x0], $0xffff  }
0x10e: {  	v9 =	vor.u32 $0x505, v0;
	v1 =	vld.idx.msk [tilespmem:v1+s13+$0x0], $0xffff  }
0x10f: {  	v3 =	vmul.f32 v3, v4;
	v4 =	vld.idx.msk [tilespmem:v5+s12+$0x0], $0xffff  }
0x110: {  	v10 =	vor.u32 $0x506, v0;
	v5 =	vld.idx.msk [tilespmem:v5+s13+$0x0], $0xffff  }
0x111: {  	v3 =	vadd.f32 $0.0e+00, v3;
	v2 =	vmul.f32 v2, v6;
	v6 =	vld.idx.msk [tilespmem:v7+s12+$0x0], $0xffff  }
0x112: {  	v11 =	vor.u32 $0x507, v0;
	v7 =	vld.idx.msk [tilespmem:v7+s13+$0x0], $0xffff  }
0x113: {  	v2 =	vadd.f32 v2, v3;
	v1 =	vmul.f32 v1, v8;
	v3 =	vld.idx.msk [tilespmem:v9+s12+$0x0], $0xffff  }
0x114: {  	v8 =	vld.idx.msk [tilespmem:v9+s13+$0x0], $0xffff;
	v9 =	vor.u32 $0x508, v0  }
0x115: {  	v1 =	vadd.f32 v1, v2;
	v2 =	vmul.f32 v5, v4;
	v4 =	vld.idx.msk [tilespmem:v10+s12+$0x0], $0xffff  }
0x116: {  	v5 =	vld.idx.msk [tilespmem:v10+s13+$0x0], $0xffff;
	v10 =	vor.u32 $0x509, v0  }
0x117: {  	v1 =	vadd.f32 v2, v1;
	v2 =	vmul.f32 v7, v6;
	v6 =	vld.idx.msk [tilespmem:v11+s12+$0x0], $0xffff  }
0x118: {  	v7 =	vld.idx.msk [tilespmem:v11+s13+$0x0], $0xffff;
	v11 =	vor.u32 $0x50A, v0  }
0x119: {  	v1 =	vadd.f32 v2, v1;
	v2 =	vmul.f32 v8, v3;
	v3 =	vld.idx.msk [tilespmem:v9+s12+$0x0], $0xffff  }
0x11a: {  	v8 =	vld.idx.msk [tilespmem:v9+s13+$0x0], $0xffff;
	v9 =	vor.u32 $0x50B, v0  }
0x11b: {  	v1 =	vadd.f32 v2, v1;
	v2 =	vmul.f32 v5, v4;
	v4 =	vld.idx.msk [tilespmem:v10+s12+$0x0], $0xffff  }
0x11c: {  	v5 =	vld.idx.msk [tilespmem:v10+s13+$0x0], $0xffff;
	v10 =	vor.u32 $0x50C, v0  }
0x11d: {  	v1 =	vadd.f32 v2, v1;
	v2 =	vmul.f32 v7, v6;
	v6 =	vld.idx.msk [tilespmem:v11+s12+$0x0], $0xffff  }
0x11e: {  	v7 =	vld.idx.msk [tilespmem:v11+s13+$0x0], $0xffff;
	v11 =	vor.u32 $0x50D, v0  }
0x11f: {  	v1 =	vadd.f32 v2, v1;
	v2 =	vmul.f32 v8, v3;
	v3 =	vld.idx.msk [tilespmem:v9+s12+$0x0], $0xffff  }
0x120: {  	v8 =	vld.idx.msk [tilespmem:v9+s13+$0x0], $0xffff;
	v9 =	vor.u32 $0x50E, v0  }
0x121: {  	v1 =	vadd.f32 v2, v1;
	v2 =	vmul.f32 v5, v4;
	v4 =	vld.idx.msk [tilespmem:v10+s12+$0x0], $0xffff  }
0x122: {  	v5 =	vld.idx.msk [tilespmem:v10+s13+$0x0], $0xffff;
	v10 =	vor.u32 $0x50F, v0  }
0x123: {  	v1 =	vadd.f32 v2, v1;
	v2 =	vmul.f32 v7, v6;
	v6 =	vld.idx.msk [tilespmem:v11+s12+$0x0], $0xffff  }
0x124: {  	v7 =	vld.idx.msk [tilespmem:v11+s13+$0x0], $0xffff  }
0x125: {  	v1 =	vadd.f32 v2, v1;
	v2 =	vmul.f32 v8, v3;
	v3 =	vld.idx.msk [tilespmem:v9+s12+$0x0], $0xffff  }
0x126: {  	v8 =	vld.idx.msk [tilespmem:v9+s13+$0x0], $0xffff  }
0x127: {  	v9 =	vld.idx.msk [tilespmem:v10+s12+$0x0], $0xffff;
	v1 =	vadd.f32 v2, v1;
	v2 =	vmul.f32 v5, v4  }
0x128: {  	v11 =	vld.idx.msk [tilespmem:v10+s13+$0x0], $0xffff  }
0x129: {  	v1 =	vadd.f32 v2, v1;
	v2 =	vmul.f32 v7, v6;
	_ =	sdelay $0x1  }
0x12a: {  	v1 =	vadd.f32 v2, v1;
	v2 =	vmul.f32 v8, v3;
	_ =	sdelay $0x1  }
0x12b: {  	v3 =	vor.u32 $0x600, v0;
	v1 =	vadd.f32 v2, v1;
	v2 =	vmul.f32 v11, v9;
	_ =	sdelay $0x1  }
0x12c: {  	v1 =	vadd.f32 v2, v1;
	v2 =	vor.u32 $0x601, v0;
	_ =	sdelay $0x1  }
0x12d: {  	[tilespmem:$0x4450] =	vst v1;
	v1 =	vor.u32 $0x602, v0  }
0x12e: {  	v4 =	vld.idx.msk [tilespmem:v3+s12+$0x0], $0xffff  }
0x12f: {  	v5 =	vor.u32 $0x603, v0;
	v3 =	vld.idx.msk [tilespmem:v3+s13+$0x0], $0xffff  }
0x130: {  	v6 =	vld.idx.msk [tilespmem:v2+s12+$0x0], $0xffff  }
0x131: {  	v7 =	vor.u32 $0x604, v0;
	v2 =	vld.idx.msk [tilespmem:v2+s13+$0x0], $0xffff  }
0x132: {  	v8 =	vld.idx.msk [tilespmem:v1+s12+$0x0], $0xffff  }
0x133: {  	v9 =	vor.u32 $0x605, v0;
	v1 =	vld.idx.msk [tilespmem:v1+s13+$0x0], $0xffff  }
0x134: {  	v3 =	vmul.f32 v3, v4;
	v4 =	vld.idx.msk [tilespmem:v5+s12+$0x0], $0xffff  }
0x135: {  	v10 =	vor.u32 $0x606, v0;
	v5 =	vld.idx.msk [tilespmem:v5+s13+$0x0], $0xffff  }
0x136: {  	v3 =	vadd.f32 $0.0e+00, v3;
	v2 =	vmul.f32 v2, v6;
	v6 =	vld.idx.msk [tilespmem:v7+s12+$0x0], $0xffff  }
0x137: {  	v11 =	vor.u32 $0x607, v0;
	v7 =	vld.idx.msk [tilespmem:v7+s13+$0x0], $0xffff  }
0x138: {  	v2 =	vadd.f32 v2, v3;
	v1 =	vmul.f32 v1, v8;
	v3 =	vld.idx.msk [tilespmem:v9+s12+$0x0], $0xffff  }
0x139: {  	v8 =	vld.idx.msk [tilespmem:v9+s13+$0x0], $0xffff;
	v9 =	vor.u32 $0x608, v0  }
0x13a: {  	v1 =	vadd.f32 v1, v2;
	v2 =	vmul.f32 v5, v4;
	v4 =	vld.idx.msk [tilespmem:v10+s12+$0x0], $0xffff  }
0x13b: {  	v5 =	vld.idx.msk [tilespmem:v10+s13+$0x0], $0xffff;
	v10 =	vor.u32 $0x609, v0  }
0x13c: {  	v1 =	vadd.f32 v2, v1;
	v2 =	vmul.f32 v7, v6;
	v6 =	vld.idx.msk [tilespmem:v11+s12+$0x0], $0xffff  }
0x13d: {  	v7 =	vld.idx.msk [tilespmem:v11+s13+$0x0], $0xffff;
	v11 =	vor.u32 $0x60A, v0  }
0x13e: {  	v1 =	vadd.f32 v2, v1;
	v2 =	vmul.f32 v8, v3;
	v3 =	vld.idx.msk [tilespmem:v9+s12+$0x0], $0xffff  }
0x13f: {  	v8 =	vld.idx.msk [tilespmem:v9+s13+$0x0], $0xffff;
	v9 =	vor.u32 $0x60B, v0  }
0x140: {  	v1 =	vadd.f32 v2, v1;
	v2 =	vmul.f32 v5, v4;
	v4 =	vld.idx.msk [tilespmem:v10+s12+$0x0], $0xffff  }
0x141: {  	v5 =	vld.idx.msk [tilespmem:v10+s13+$0x0], $0xffff;
	v10 =	vor.u32 $0x60C, v0  }
0x142: {  	v1 =	vadd.f32 v2, v1;
	v2 =	vmul.f32 v7, v6;
	v6 =	vld.idx.msk [tilespmem:v11+s12+$0x0], $0xffff  }
0x143: {  	v7 =	vld.idx.msk [tilespmem:v11+s13+$0x0], $0xffff;
	v11 =	vor.u32 $0x60D, v0  }
0x144: {  	v1 =	vadd.f32 v2, v1;
	v2 =	vmul.f32 v8, v3;
	v3 =	vld.idx.msk [tilespmem:v9+s12+$0x0], $0xffff  }
0x145: {  	v8 =	vld.idx.msk [tilespmem:v9+s13+$0x0], $0xffff;
	v9 =	vor.u32 $0x60E, v0  }
0x146: {  	v1 =	vadd.f32 v2, v1;
	v2 =	vmul.f32 v5, v4;
	v4 =	vld.idx.msk [tilespmem:v10+s12+$0x0], $0xffff  }
0x147: {  	v5 =	vld.idx.msk [tilespmem:v10+s13+$0x0], $0xffff;
	v10 =	vor.u32 $0x60F, v0  }
0x148: {  	v1 =	vadd.f32 v2, v1;
	v2 =	vmul.f32 v7, v6;
	v6 =	vld.idx.msk [tilespmem:v11+s12+$0x0], $0xffff  }
0x149: {  	v7 =	vld.idx.msk [tilespmem:v11+s13+$0x0], $0xffff  }
0x14a: {  	v1 =	vadd.f32 v2, v1;
	v2 =	vmul.f32 v8, v3;
	v3 =	vld.idx.msk [tilespmem:v9+s12+$0x0], $0xffff  }
0x14b: {  	v8 =	vld.idx.msk [tilespmem:v9+s13+$0x0], $0xffff  }
0x14c: {  	v9 =	vld.idx.msk [tilespmem:v10+s12+$0x0], $0xffff;
	v1 =	vadd.f32 v2, v1;
	v2 =	vmul.f32 v5, v4  }
0x14d: {  	v11 =	vld.idx.msk [tilespmem:v10+s13+$0x0], $0xffff  }
0x14e: {  	v1 =	vadd.f32 v2, v1;
	v2 =	vmul.f32 v7, v6;
	_ =	sdelay $0x1  }
0x14f: {  	v1 =	vadd.f32 v2, v1;
	v2 =	vmul.f32 v8, v3;
	_ =	sdelay $0x1  }
0x150: {  	v3 =	vor.u32 $0x700, v0;
	v1 =	vadd.f32 v2, v1;
	v2 =	vmul.f32 v11, v9;
	_ =	sdelay $0x1  }
0x151: {  	v1 =	vadd.f32 v2, v1;
	v2 =	vor.u32 $0x701, v0;
	_ =	sdelay $0x1  }
0x152: {  	[tilespmem:$0x4460] =	vst v1;
	v1 =	vor.u32 $0x702, v0  }
0x153: {  	v4 =	vld.idx.msk [tilespmem:v3+s12+$0x0], $0xffff  }
0x154: {  	v5 =	vor.u32 $0x703, v0;
	v3 =	vld.idx.msk [tilespmem:v3+s13+$0x0], $0xffff  }
0x155: {  	v6 =	vld.idx.msk [tilespmem:v2+s12+$0x0], $0xffff  }
0x156: {  	v7 =	vor.u32 $0x704, v0;
	v2 =	vld.idx.msk [tilespmem:v2+s13+$0x0], $0xffff  }
0x157: {  	v8 =	vld.idx.msk [tilespmem:v1+s12+$0x0], $0xffff  }
0x158: {  	v9 =	vor.u32 $0x705, v0;
	v1 =	vld.idx.msk [tilespmem:v1+s13+$0x0], $0xffff  }
0x159: {  	v3 =	vmul.f32 v3, v4;
	v4 =	vld.idx.msk [tilespmem:v5+s12+$0x0], $0xffff  }
0x15a: {  	v10 =	vor.u32 $0x706, v0;
	v5 =	vld.idx.msk [tilespmem:v5+s13+$0x0], $0xffff  }
0x15b: {  	v3 =	vadd.f32 $0.0e+00, v3;
	v2 =	vmul.f32 v2, v6;
	v6 =	vld.idx.msk [tilespmem:v7+s12+$0x0], $0xffff  }
0x15c: {  	v11 =	vor.u32 $0x707, v0;
	v7 =	vld.idx.msk [tilespmem:v7+s13+$0x0], $0xffff  }
0x15d: {  	v2 =	vadd.f32 v2, v3;
	v1 =	vmul.f32 v1, v8;
	v3 =	vld.idx.msk [tilespmem:v9+s12+$0x0], $0xffff  }
0x15e: {  	v8 =	vld.idx.msk [tilespmem:v9+s13+$0x0], $0xffff;
	v9 =	vor.u32 $0x708, v0  }
0x15f: {  	v1 =	vadd.f32 v1, v2;
	v2 =	vmul.f32 v5, v4;
	v4 =	vld.idx.msk [tilespmem:v10+s12+$0x0], $0xffff  }
0x160: {  	v5 =	vld.idx.msk [tilespmem:v10+s13+$0x0], $0xffff;
	v10 =	vor.u32 $0x709, v0  }
0x161: {  	v1 =	vadd.f32 v2, v1;
	v2 =	vmul.f32 v7, v6;
	v6 =	vld.idx.msk [tilespmem:v11+s12+$0x0], $0xffff  }
0x162: {  	v7 =	vld.idx.msk [tilespmem:v11+s13+$0x0], $0xffff;
	v11 =	vor.u32 $0x70A, v0  }
0x163: {  	v1 =	vadd.f32 v2, v1;
	v2 =	vmul.f32 v8, v3;
	v3 =	vld.idx.msk [tilespmem:v9+s12+$0x0], $0xffff  }
0x164: {  	v8 =	vld.idx.msk [tilespmem:v9+s13+$0x0], $0xffff;
	v9 =	vor.u32 $0x70B, v0  }
0x165: {  	v1 =	vadd.f32 v2, v1;
	v2 =	vmul.f32 v5, v4;
	v4 =	vld.idx.msk [tilespmem:v10+s12+$0x0], $0xffff  }
0x166: {  	v5 =	vld.idx.msk [tilespmem:v10+s13+$0x0], $0xffff;
	v10 =	vor.u32 $0x70C, v0  }
0x167: {  	v1 =	vadd.f32 v2, v1;
	v2 =	vmul.f32 v7, v6;
	v6 =	vld.idx.msk [tilespmem:v11+s12+$0x0], $0xffff  }
0x168: {  	v7 =	vld.idx.msk [tilespmem:v11+s13+$0x0], $0xffff;
	v11 =	vor.u32 $0x70D, v0  }
0x169: {  	v1 =	vadd.f32 v2, v1;
	v2 =	vmul.f32 v8, v3;
	v3 =	vld.idx.msk [tilespmem:v9+s12+$0x0], $0xffff  }
0x16a: {  	v8 =	vld.idx.msk [tilespmem:v9+s13+$0x0], $0xffff;
	v9 =	vor.u32 $0x70E, v0  }
0x16b: {  	v1 =	vadd.f32 v2, v1;
	v2 =	vmul.f32 v5, v4;
	v4 =	vld.idx.msk [tilespmem:v10+s12+$0x0], $0xffff  }
0x16c: {  	v5 =	vld.idx.msk [tilespmem:v10+s13+$0x0], $0xffff;
	v10 =	vor.u32 $0x70F, v0  }
0x16d: {  	v1 =	vadd.f32 v2, v1;
	v2 =	vmul.f32 v7, v6;
	v6 =	vld.idx.msk [tilespmem:v11+s12+$0x0], $0xffff  }
0x16e: {  	v7 =	vld.idx.msk [tilespmem:v11+s13+$0x0], $0xffff  }
0x16f: {  	v1 =	vadd.f32 v2, v1;
	v2 =	vmul.f32 v8, v3;
	v3 =	vld.idx.msk [tilespmem:v9+s12+$0x0], $0xffff  }
0x170: {  	v8 =	vld.idx.msk [tilespmem:v9+s13+$0x0], $0xffff  }
0x171: {  	v9 =	vld.idx.msk [tilespmem:v10+s12+$0x0], $0xffff;
	v1 =	vadd.f32 v2, v1;
	v2 =	vmul.f32 v5, v4  }
0x172: {  	v11 =	vld.idx.msk [tilespmem:v10+s13+$0x0], $0xffff  }
0x173: {  	v1 =	vadd.f32 v2, v1;
	v2 =	vmul.f32 v7, v6;
	_ =	sdelay $0x1  }
0x174: {  	v1 =	vadd.f32 v2, v1;
	v2 =	vmul.f32 v8, v3;
	_ =	sdelay $0x1  }
0x175: {  	v3 =	vor.u32 $0x800, v0;
	v1 =	vadd.f32 v2, v1;
	v2 =	vmul.f32 v11, v9;
	_ =	sdelay $0x1  }
0x176: {  	v1 =	vadd.f32 v2, v1;
	v2 =	vor.u32 $0x801, v0;
	_ =	sdelay $0x1  }
0x177: {  	[tilespmem:$0x4470] =	vst v1;
	v1 =	vor.u32 $0x802, v0  }
0x178: {  	v4 =	vld.idx.msk [tilespmem:v3+s12+$0x0], $0xffff  }
0x179: {  	v5 =	vor.u32 $0x803, v0;
	v3 =	vld.idx.msk [tilespmem:v3+s13+$0x0], $0xffff  }
0x17a: {  	v6 =	vld.idx.msk [tilespmem:v2+s12+$0x0], $0xffff  }
0x17b: {  	v7 =	vor.u32 $0x804, v0;
	v2 =	vld.idx.msk [tilespmem:v2+s13+$0x0], $0xffff  }
0x17c: {  	v8 =	vld.idx.msk [tilespmem:v1+s12+$0x0], $0xffff  }
0x17d: {  	v9 =	vor.u32 $0x805, v0;
	v1 =	vld.idx.msk [tilespmem:v1+s13+$0x0], $0xffff  }
0x17e: {  	v3 =	vmul.f32 v3, v4;
	v4 =	vld.idx.msk [tilespmem:v5+s12+$0x0], $0xffff  }
0x17f: {  	v10 =	vor.u32 $0x806, v0;
	v5 =	vld.idx.msk [tilespmem:v5+s13+$0x0], $0xffff  }
0x180: {  	v3 =	vadd.f32 $0.0e+00, v3;
	v2 =	vmul.f32 v2, v6;
	v6 =	vld.idx.msk [tilespmem:v7+s12+$0x0], $0xffff  }
0x181: {  	v11 =	vor.u32 $0x807, v0;
	v7 =	vld.idx.msk [tilespmem:v7+s13+$0x0], $0xffff  }
0x182: {  	v2 =	vadd.f32 v2, v3;
	v1 =	vmul.f32 v1, v8;
	v3 =	vld.idx.msk [tilespmem:v9+s12+$0x0], $0xffff  }
0x183: {  	v8 =	vld.idx.msk [tilespmem:v9+s13+$0x0], $0xffff;
	v9 =	vor.u32 $0x808, v0  }
0x184: {  	v1 =	vadd.f32 v1, v2;
	v2 =	vmul.f32 v5, v4;
	v4 =	vld.idx.msk [tilespmem:v10+s12+$0x0], $0xffff  }
0x185: {  	v5 =	vld.idx.msk [tilespmem:v10+s13+$0x0], $0xffff;
	v10 =	vor.u32 $0x809, v0  }
0x186: {  	v1 =	vadd.f32 v2, v1;
	v2 =	vmul.f32 v7, v6;
	v6 =	vld.idx.msk [tilespmem:v11+s12+$0x0], $0xffff  }
0x187: {  	v7 =	vld.idx.msk [tilespmem:v11+s13+$0x0], $0xffff;
	v11 =	vor.u32 $0x80A, v0  }
0x188: {  	v1 =	vadd.f32 v2, v1;
	v2 =	vmul.f32 v8, v3;
	v3 =	vld.idx.msk [tilespmem:v9+s12+$0x0], $0xffff  }
0x189: {  	v8 =	vld.idx.msk [tilespmem:v9+s13+$0x0], $0xffff;
	v9 =	vor.u32 $0x80B, v0  }
0x18a: {  	v1 =	vadd.f32 v2, v1;
	v2 =	vmul.f32 v5, v4;
	v4 =	vld.idx.msk [tilespmem:v10+s12+$0x0], $0xffff  }
0x18b: {  	v5 =	vld.idx.msk [tilespmem:v10+s13+$0x0], $0xffff;
	v10 =	vor.u32 $0x80C, v0  }
0x18c: {  	v1 =	vadd.f32 v2, v1;
	v2 =	vmul.f32 v7, v6;
	v6 =	vld.idx.msk [tilespmem:v11+s12+$0x0], $0xffff  }
0x18d: {  	v7 =	vld.idx.msk [tilespmem:v11+s13+$0x0], $0xffff;
	v11 =	vor.u32 $0x80D, v0  }
0x18e: {  	v1 =	vadd.f32 v2, v1;
	v2 =	vmul.f32 v8, v3;
	v3 =	vld.idx.msk [tilespmem:v9+s12+$0x0], $0xffff  }
0x18f: {  	v8 =	vld.idx.msk [tilespmem:v9+s13+$0x0], $0xffff;
	v9 =	vor.u32 $0x80E, v0  }
0x190: {  	v1 =	vadd.f32 v2, v1;
	v2 =	vmul.f32 v5, v4;
	v4 =	vld.idx.msk [tilespmem:v10+s12+$0x0], $0xffff  }
0x191: {  	v5 =	vld.idx.msk [tilespmem:v10+s13+$0x0], $0xffff;
	v10 =	vor.u32 $0x80F, v0  }
0x192: {  	v1 =	vadd.f32 v2, v1;
	v2 =	vmul.f32 v7, v6;
	v6 =	vld.idx.msk [tilespmem:v11+s12+$0x0], $0xffff  }
0x193: {  	v7 =	vld.idx.msk [tilespmem:v11+s13+$0x0], $0xffff  }
0x194: {  	v1 =	vadd.f32 v2, v1;
	v2 =	vmul.f32 v8, v3;
	v3 =	vld.idx.msk [tilespmem:v9+s12+$0x0], $0xffff  }
0x195: {  	v8 =	vld.idx.msk [tilespmem:v9+s13+$0x0], $0xffff  }
0x196: {  	v9 =	vld.idx.msk [tilespmem:v10+s12+$0x0], $0xffff;
	v1 =	vadd.f32 v2, v1;
	v2 =	vmul.f32 v5, v4  }
0x197: {  	v11 =	vld.idx.msk [tilespmem:v10+s13+$0x0], $0xffff  }
0x198: {  	v1 =	vadd.f32 v2, v1;
	v2 =	vmul.f32 v7, v6;
	_ =	sdelay $0x1  }
0x199: {  	v1 =	vadd.f32 v2, v1;
	v2 =	vmul.f32 v8, v3;
	_ =	sdelay $0x1  }
0x19a: {  	v3 =	vor.u32 $0x900, v0;
	v1 =	vadd.f32 v2, v1;
	v2 =	vmul.f32 v11, v9;
	_ =	sdelay $0x1  }
0x19b: {  	v1 =	vadd.f32 v2, v1;
	v2 =	vor.u32 $0x901, v0;
	_ =	sdelay $0x1  }
0x19c: {  	[tilespmem:$0x4480] =	vst v1;
	v1 =	vor.u32 $0x902, v0  }
0x19d: {  	v4 =	vld.idx.msk [tilespmem:v3+s12+$0x0], $0xffff  }
0x19e: {  	v5 =	vor.u32 $0x903, v0;
	v3 =	vld.idx.msk [tilespmem:v3+s13+$0x0], $0xffff  }
0x19f: {  	v6 =	vld.idx.msk [tilespmem:v2+s12+$0x0], $0xffff  }
0x1a0: {  	v7 =	vor.u32 $0x904, v0;
	v2 =	vld.idx.msk [tilespmem:v2+s13+$0x0], $0xffff  }
0x1a1: {  	v8 =	vld.idx.msk [tilespmem:v1+s12+$0x0], $0xffff  }
0x1a2: {  	v9 =	vor.u32 $0x905, v0;
	v1 =	vld.idx.msk [tilespmem:v1+s13+$0x0], $0xffff  }
0x1a3: {  	v3 =	vmul.f32 v3, v4;
	v4 =	vld.idx.msk [tilespmem:v5+s12+$0x0], $0xffff  }
0x1a4: {  	v10 =	vor.u32 $0x906, v0;
	v5 =	vld.idx.msk [tilespmem:v5+s13+$0x0], $0xffff  }
0x1a5: {  	v3 =	vadd.f32 $0.0e+00, v3;
	v2 =	vmul.f32 v2, v6;
	v6 =	vld.idx.msk [tilespmem:v7+s12+$0x0], $0xffff  }
0x1a6: {  	v11 =	vor.u32 $0x907, v0;
	v7 =	vld.idx.msk [tilespmem:v7+s13+$0x0], $0xffff  }
0x1a7: {  	v2 =	vadd.f32 v2, v3;
	v1 =	vmul.f32 v1, v8;
	v3 =	vld.idx.msk [tilespmem:v9+s12+$0x0], $0xffff  }
0x1a8: {  	v8 =	vld.idx.msk [tilespmem:v9+s13+$0x0], $0xffff;
	v9 =	vor.u32 $0x908, v0  }
0x1a9: {  	v1 =	vadd.f32 v1, v2;
	v2 =	vmul.f32 v5, v4;
	v4 =	vld.idx.msk [tilespmem:v10+s12+$0x0], $0xffff  }
0x1aa: {  	v5 =	vld.idx.msk [tilespmem:v10+s13+$0x0], $0xffff;
	v10 =	vor.u32 $0x909, v0  }
0x1ab: {  	v1 =	vadd.f32 v2, v1;
	v2 =	vmul.f32 v7, v6;
	v6 =	vld.idx.msk [tilespmem:v11+s12+$0x0], $0xffff  }
0x1ac: {  	v7 =	vld.idx.msk [tilespmem:v11+s13+$0x0], $0xffff;
	v11 =	vor.u32 $0x90A, v0  }
0x1ad: {  	v1 =	vadd.f32 v2, v1;
	v2 =	vmul.f32 v8, v3;
	v3 =	vld.idx.msk [tilespmem:v9+s12+$0x0], $0xffff  }
0x1ae: {  	v8 =	vld.idx.msk [tilespmem:v9+s13+$0x0], $0xffff;
	v9 =	vor.u32 $0x90B, v0  }
0x1af: {  	v1 =	vadd.f32 v2, v1;
	v2 =	vmul.f32 v5, v4;
	v4 =	vld.idx.msk [tilespmem:v10+s12+$0x0], $0xffff  }
0x1b0: {  	v5 =	vld.idx.msk [tilespmem:v10+s13+$0x0], $0xffff;
	v10 =	vor.u32 $0x90C, v0  }
0x1b1: {  	v1 =	vadd.f32 v2, v1;
	v2 =	vmul.f32 v7, v6;
	v6 =	vld.idx.msk [tilespmem:v11+s12+$0x0], $0xffff  }
0x1b2: {  	v7 =	vld.idx.msk [tilespmem:v11+s13+$0x0], $0xffff;
	v11 =	vor.u32 $0x90D, v0  }
0x1b3: {  	v1 =	vadd.f32 v2, v1;
	v2 =	vmul.f32 v8, v3;
	v3 =	vld.idx.msk [tilespmem:v9+s12+$0x0], $0xffff  }
0x1b4: {  	v8 =	vld.idx.msk [tilespmem:v9+s13+$0x0], $0xffff;
	v9 =	vor.u32 $0x90E, v0  }
0x1b5: {  	v1 =	vadd.f32 v2, v1;
	v2 =	vmul.f32 v5, v4;
	v4 =	vld.idx.msk [tilespmem:v10+s12+$0x0], $0xffff  }
0x1b6: {  	v5 =	vld.idx.msk [tilespmem:v10+s13+$0x0], $0xffff;
	v10 =	vor.u32 $0x90F, v0  }
0x1b7: {  	v1 =	vadd.f32 v2, v1;
	v2 =	vmul.f32 v7, v6;
	v6 =	vld.idx.msk [tilespmem:v11+s12+$0x0], $0xffff  }
0x1b8: {  	v7 =	vld.idx.msk [tilespmem:v11+s13+$0x0], $0xffff  }
0x1b9: {  	v1 =	vadd.f32 v2, v1;
	v2 =	vmul.f32 v8, v3;
	v3 =	vld.idx.msk [tilespmem:v9+s12+$0x0], $0xffff  }
0x1ba: {  	v8 =	vld.idx.msk [tilespmem:v9+s13+$0x0], $0xffff  }
0x1bb: {  	v9 =	vld.idx.msk [tilespmem:v10+s12+$0x0], $0xffff;
	v1 =	vadd.f32 v2, v1;
	v2 =	vmul.f32 v5, v4  }
0x1bc: {  	v11 =	vld.idx.msk [tilespmem:v10+s13+$0x0], $0xffff  }
0x1bd: {  	v1 =	vadd.f32 v2, v1;
	v2 =	vmul.f32 v7, v6;
	_ =	sdelay $0x1  }
0x1be: {  	v1 =	vadd.f32 v2, v1;
	v2 =	vmul.f32 v8, v3;
	_ =	sdelay $0x1  }
0x1bf: {  	v3 =	vor.u32 $0xA00, v0;
	v1 =	vadd.f32 v2, v1;
	v2 =	vmul.f32 v11, v9;
	_ =	sdelay $0x1  }
0x1c0: {  	v1 =	vadd.f32 v2, v1;
	v2 =	vor.u32 $0xA01, v0;
	_ =	sdelay $0x1  }
0x1c1: {  	[tilespmem:$0x4490] =	vst v1;
	v1 =	vor.u32 $0xA02, v0  }
0x1c2: {  	v4 =	vld.idx.msk [tilespmem:v3+s12+$0x0], $0xffff  }
0x1c3: {  	v5 =	vor.u32 $0xA03, v0;
	v3 =	vld.idx.msk [tilespmem:v3+s13+$0x0], $0xffff  }
0x1c4: {  	v6 =	vld.idx.msk [tilespmem:v2+s12+$0x0], $0xffff  }
0x1c5: {  	v7 =	vor.u32 $0xA04, v0;
	v2 =	vld.idx.msk [tilespmem:v2+s13+$0x0], $0xffff  }
0x1c6: {  	v8 =	vld.idx.msk [tilespmem:v1+s12+$0x0], $0xffff  }
0x1c7: {  	v9 =	vor.u32 $0xA05, v0;
	v1 =	vld.idx.msk [tilespmem:v1+s13+$0x0], $0xffff  }
0x1c8: {  	v3 =	vmul.f32 v3, v4;
	v4 =	vld.idx.msk [tilespmem:v5+s12+$0x0], $0xffff  }
0x1c9: {  	v10 =	vor.u32 $0xA06, v0;
	v5 =	vld.idx.msk [tilespmem:v5+s13+$0x0], $0xffff  }
0x1ca: {  	v3 =	vadd.f32 $0.0e+00, v3;
	v2 =	vmul.f32 v2, v6;
	v6 =	vld.idx.msk [tilespmem:v7+s12+$0x0], $0xffff  }
0x1cb: {  	v11 =	vor.u32 $0xA07, v0;
	v7 =	vld.idx.msk [tilespmem:v7+s13+$0x0], $0xffff  }
0x1cc: {  	v2 =	vadd.f32 v2, v3;
	v1 =	vmul.f32 v1, v8;
	v3 =	vld.idx.msk [tilespmem:v9+s12+$0x0], $0xffff  }
0x1cd: {  	v8 =	vld.idx.msk [tilespmem:v9+s13+$0x0], $0xffff;
	v9 =	vor.u32 $0xA08, v0  }
0x1ce: {  	v1 =	vadd.f32 v1, v2;
	v2 =	vmul.f32 v5, v4;
	v4 =	vld.idx.msk [tilespmem:v10+s12+$0x0], $0xffff  }
0x1cf: {  	v5 =	vld.idx.msk [tilespmem:v10+s13+$0x0], $0xffff;
	v10 =	vor.u32 $0xA09, v0  }
0x1d0: {  	v1 =	vadd.f32 v2, v1;
	v2 =	vmul.f32 v7, v6;
	v6 =	vld.idx.msk [tilespmem:v11+s12+$0x0], $0xffff  }
0x1d1: {  	v7 =	vld.idx.msk [tilespmem:v11+s13+$0x0], $0xffff;
	v11 =	vor.u32 $0xA0A, v0  }
0x1d2: {  	v1 =	vadd.f32 v2, v1;
	v2 =	vmul.f32 v8, v3;
	v3 =	vld.idx.msk [tilespmem:v9+s12+$0x0], $0xffff  }
0x1d3: {  	v8 =	vld.idx.msk [tilespmem:v9+s13+$0x0], $0xffff;
	v9 =	vor.u32 $0xA0B, v0  }
0x1d4: {  	v1 =	vadd.f32 v2, v1;
	v2 =	vmul.f32 v5, v4;
	v4 =	vld.idx.msk [tilespmem:v10+s12+$0x0], $0xffff  }
0x1d5: {  	v5 =	vld.idx.msk [tilespmem:v10+s13+$0x0], $0xffff;
	v10 =	vor.u32 $0xA0C, v0  }
0x1d6: {  	v1 =	vadd.f32 v2, v1;
	v2 =	vmul.f32 v7, v6;
	v6 =	vld.idx.msk [tilespmem:v11+s12+$0x0], $0xffff  }
0x1d7: {  	v7 =	vld.idx.msk [tilespmem:v11+s13+$0x0], $0xffff;
	v11 =	vor.u32 $0xA0D, v0  }
0x1d8: {  	v1 =	vadd.f32 v2, v1;
	v2 =	vmul.f32 v8, v3;
	v3 =	vld.idx.msk [tilespmem:v9+s12+$0x0], $0xffff  }
0x1d9: {  	v8 =	vld.idx.msk [tilespmem:v9+s13+$0x0], $0xffff;
	v9 =	vor.u32 $0xA0E, v0  }
0x1da: {  	v1 =	vadd.f32 v2, v1;
	v2 =	vmul.f32 v5, v4;
	v4 =	vld.idx.msk [tilespmem:v10+s12+$0x0], $0xffff  }
0x1db: {  	v5 =	vld.idx.msk [tilespmem:v10+s13+$0x0], $0xffff;
	v10 =	vor.u32 $0xA0F, v0  }
0x1dc: {  	v1 =	vadd.f32 v2, v1;
	v2 =	vmul.f32 v7, v6;
	v6 =	vld.idx.msk [tilespmem:v11+s12+$0x0], $0xffff  }
0x1dd: {  	v7 =	vld.idx.msk [tilespmem:v11+s13+$0x0], $0xffff  }
0x1de: {  	v1 =	vadd.f32 v2, v1;
	v2 =	vmul.f32 v8, v3;
	v3 =	vld.idx.msk [tilespmem:v9+s12+$0x0], $0xffff  }
0x1df: {  	v8 =	vld.idx.msk [tilespmem:v9+s13+$0x0], $0xffff  }
0x1e0: {  	v9 =	vld.idx.msk [tilespmem:v10+s12+$0x0], $0xffff;
	v1 =	vadd.f32 v2, v1;
	v2 =	vmul.f32 v5, v4  }
0x1e1: {  	v11 =	vld.idx.msk [tilespmem:v10+s13+$0x0], $0xffff  }
0x1e2: {  	v1 =	vadd.f32 v2, v1;
	v2 =	vmul.f32 v7, v6;
	_ =	sdelay $0x1  }
0x1e3: {  	v1 =	vadd.f32 v2, v1;
	v2 =	vmul.f32 v8, v3;
	_ =	sdelay $0x1  }
0x1e4: {  	v3 =	vor.u32 $0xB00, v0;
	v1 =	vadd.f32 v2, v1;
	v2 =	vmul.f32 v11, v9;
	_ =	sdelay $0x1  }
0x1e5: {  	v1 =	vadd.f32 v2, v1;
	v2 =	vor.u32 $0xB01, v0;
	_ =	sdelay $0x1  }
0x1e6: {  	[tilespmem:$0x44A0] =	vst v1;
	v1 =	vor.u32 $0xB02, v0  }
0x1e7: {  	v4 =	vld.idx.msk [tilespmem:v3+s12+$0x0], $0xffff  }
0x1e8: {  	v5 =	vor.u32 $0xB03, v0;
	v3 =	vld.idx.msk [tilespmem:v3+s13+$0x0], $0xffff  }
0x1e9: {  	v6 =	vld.idx.msk [tilespmem:v2+s12+$0x0], $0xffff  }
0x1ea: {  	v7 =	vor.u32 $0xB04, v0;
	v2 =	vld.idx.msk [tilespmem:v2+s13+$0x0], $0xffff  }
0x1eb: {  	v8 =	vld.idx.msk [tilespmem:v1+s12+$0x0], $0xffff  }
0x1ec: {  	v9 =	vor.u32 $0xB05, v0;
	v1 =	vld.idx.msk [tilespmem:v1+s13+$0x0], $0xffff  }
0x1ed: {  	v3 =	vmul.f32 v3, v4;
	v4 =	vld.idx.msk [tilespmem:v5+s12+$0x0], $0xffff  }
0x1ee: {  	v10 =	vor.u32 $0xB06, v0;
	v5 =	vld.idx.msk [tilespmem:v5+s13+$0x0], $0xffff  }
0x1ef: {  	v3 =	vadd.f32 $0.0e+00, v3;
	v2 =	vmul.f32 v2, v6;
	v6 =	vld.idx.msk [tilespmem:v7+s12+$0x0], $0xffff  }
0x1f0: {  	v11 =	vor.u32 $0xB07, v0;
	v7 =	vld.idx.msk [tilespmem:v7+s13+$0x0], $0xffff  }
0x1f1: {  	v2 =	vadd.f32 v2, v3;
	v1 =	vmul.f32 v1, v8;
	v3 =	vld.idx.msk [tilespmem:v9+s12+$0x0], $0xffff  }
0x1f2: {  	v8 =	vld.idx.msk [tilespmem:v9+s13+$0x0], $0xffff;
	v9 =	vor.u32 $0xB08, v0  }
0x1f3: {  	v1 =	vadd.f32 v1, v2;
	v2 =	vmul.f32 v5, v4;
	v4 =	vld.idx.msk [tilespmem:v10+s12+$0x0], $0xffff  }
0x1f4: {  	v5 =	vld.idx.msk [tilespmem:v10+s13+$0x0], $0xffff;
	v10 =	vor.u32 $0xB09, v0  }
0x1f5: {  	v1 =	vadd.f32 v2, v1;
	v2 =	vmul.f32 v7, v6;
	v6 =	vld.idx.msk [tilespmem:v11+s12+$0x0], $0xffff  }
0x1f6: {  	v7 =	vld.idx.msk [tilespmem:v11+s13+$0x0], $0xffff;
	v11 =	vor.u32 $0xB0A, v0  }
0x1f7: {  	v1 =	vadd.f32 v2, v1;
	v2 =	vmul.f32 v8, v3;
	v3 =	vld.idx.msk [tilespmem:v9+s12+$0x0], $0xffff  }
0x1f8: {  	v8 =	vld.idx.msk [tilespmem:v9+s13+$0x0], $0xffff;
	v9 =	vor.u32 $0xB0B, v0  }
0x1f9: {  	v1 =	vadd.f32 v2, v1;
	v2 =	vmul.f32 v5, v4;
	v4 =	vld.idx.msk [tilespmem:v10+s12+$0x0], $0xffff  }
0x1fa: {  	v5 =	vld.idx.msk [tilespmem:v10+s13+$0x0], $0xffff;
	v10 =	vor.u32 $0xB0C, v0  }
0x1fb: {  	v1 =	vadd.f32 v2, v1;
	v2 =	vmul.f32 v7, v6;
	v6 =	vld.idx.msk [tilespmem:v11+s12+$0x0], $0xffff  }
0x1fc: {  	v7 =	vld.idx.msk [tilespmem:v11+s13+$0x0], $0xffff;
	v11 =	vor.u32 $0xB0D, v0  }
0x1fd: {  	v1 =	vadd.f32 v2, v1;
	v2 =	vmul.f32 v8, v3;
	v3 =	vld.idx.msk [tilespmem:v9+s12+$0x0], $0xffff  }
0x1fe: {  	v8 =	vld.idx.msk [tilespmem:v9+s13+$0x0], $0xffff;
	v9 =	vor.u32 $0xB0E, v0  }
0x1ff: {  	v1 =	vadd.f32 v2, v1;
	v2 =	vmul.f32 v5, v4;
	v4 =	vld.idx.msk [tilespmem:v10+s12+$0x0], $0xffff  }
0x200: {  	v5 =	vld.idx.msk [tilespmem:v10+s13+$0x0], $0xffff;
	v10 =	vor.u32 $0xB0F, v0  }
0x201: {  	v1 =	vadd.f32 v2, v1;
	v2 =	vmul.f32 v7, v6;
	v6 =	vld.idx.msk [tilespmem:v11+s12+$0x0], $0xffff  }
0x202: {  	v7 =	vld.idx.msk [tilespmem:v11+s13+$0x0], $0xffff  }
0x203: {  	v1 =	vadd.f32 v2, v1;
	v2 =	vmul.f32 v8, v3;
	v3 =	vld.idx.msk [tilespmem:v9+s12+$0x0], $0xffff  }
0x204: {  	v8 =	vld.idx.msk [tilespmem:v9+s13+$0x0], $0xffff  }
0x205: {  	v9 =	vld.idx.msk [tilespmem:v10+s12+$0x0], $0xffff;
	v1 =	vadd.f32 v2, v1;
	v2 =	vmul.f32 v5, v4  }
0x206: {  	v11 =	vld.idx.msk [tilespmem:v10+s13+$0x0], $0xffff  }
0x207: {  	v1 =	vadd.f32 v2, v1;
	v2 =	vmul.f32 v7, v6;
	_ =	sdelay $0x1  }
0x208: {  	v1 =	vadd.f32 v2, v1;
	v2 =	vmul.f32 v8, v3;
	_ =	sdelay $0x1  }
0x209: {  	v3 =	vor.u32 $0xC00, v0;
	v1 =	vadd.f32 v2, v1;
	v2 =	vmul.f32 v11, v9;
	_ =	sdelay $0x1  }
0x20a: {  	v1 =	vadd.f32 v2, v1;
	v2 =	vor.u32 $0xC01, v0;
	_ =	sdelay $0x1  }
0x20b: {  	[tilespmem:$0x44B0] =	vst v1;
	v1 =	vor.u32 $0xC02, v0  }
0x20c: {  	v4 =	vld.idx.msk [tilespmem:v3+s12+$0x0], $0xffff  }
0x20d: {  	v5 =	vor.u32 $0xC03, v0;
	v3 =	vld.idx.msk [tilespmem:v3+s13+$0x0], $0xffff  }
0x20e: {  	v6 =	vld.idx.msk [tilespmem:v2+s12+$0x0], $0xffff  }
0x20f: {  	v7 =	vor.u32 $0xC04, v0;
	v2 =	vld.idx.msk [tilespmem:v2+s13+$0x0], $0xffff  }
0x210: {  	v8 =	vld.idx.msk [tilespmem:v1+s12+$0x0], $0xffff  }
0x211: {  	v9 =	vor.u32 $0xC05, v0;
	v1 =	vld.idx.msk [tilespmem:v1+s13+$0x0], $0xffff  }
0x212: {  	v3 =	vmul.f32 v3, v4;
	v4 =	vld.idx.msk [tilespmem:v5+s12+$0x0], $0xffff  }
0x213: {  	v10 =	vor.u32 $0xC06, v0;
	v5 =	vld.idx.msk [tilespmem:v5+s13+$0x0], $0xffff  }
0x214: {  	v3 =	vadd.f32 $0.0e+00, v3;
	v2 =	vmul.f32 v2, v6;
	v6 =	vld.idx.msk [tilespmem:v7+s12+$0x0], $0xffff  }
0x215: {  	v11 =	vor.u32 $0xC07, v0;
	v7 =	vld.idx.msk [tilespmem:v7+s13+$0x0], $0xffff  }
0x216: {  	v2 =	vadd.f32 v2, v3;
	v1 =	vmul.f32 v1, v8;
	v3 =	vld.idx.msk [tilespmem:v9+s12+$0x0], $0xffff  }
0x217: {  	v8 =	vld.idx.msk [tilespmem:v9+s13+$0x0], $0xffff;
	v9 =	vor.u32 $0xC08, v0  }
0x218: {  	v1 =	vadd.f32 v1, v2;
	v2 =	vmul.f32 v5, v4;
	v4 =	vld.idx.msk [tilespmem:v10+s12+$0x0], $0xffff  }
0x219: {  	v5 =	vld.idx.msk [tilespmem:v10+s13+$0x0], $0xffff;
	v10 =	vor.u32 $0xC09, v0  }
0x21a: {  	v1 =	vadd.f32 v2, v1;
	v2 =	vmul.f32 v7, v6;
	v6 =	vld.idx.msk [tilespmem:v11+s12+$0x0], $0xffff  }
0x21b: {  	v7 =	vld.idx.msk [tilespmem:v11+s13+$0x0], $0xffff;
	v11 =	vor.u32 $0xC0A, v0  }
0x21c: {  	v1 =	vadd.f32 v2, v1;
	v2 =	vmul.f32 v8, v3;
	v3 =	vld.idx.msk [tilespmem:v9+s12+$0x0], $0xffff  }
0x21d: {  	v8 =	vld.idx.msk [tilespmem:v9+s13+$0x0], $0xffff;
	v9 =	vor.u32 $0xC0B, v0  }
0x21e: {  	v1 =	vadd.f32 v2, v1;
	v2 =	vmul.f32 v5, v4;
	v4 =	vld.idx.msk [tilespmem:v10+s12+$0x0], $0xffff  }
0x21f: {  	v5 =	vld.idx.msk [tilespmem:v10+s13+$0x0], $0xffff;
	v10 =	vor.u32 $0xC0C, v0  }
0x220: {  	v1 =	vadd.f32 v2, v1;
	v2 =	vmul.f32 v7, v6;
	v6 =	vld.idx.msk [tilespmem:v11+s12+$0x0], $0xffff  }
0x221: {  	v7 =	vld.idx.msk [tilespmem:v11+s13+$0x0], $0xffff;
	v11 =	vor.u32 $0xC0D, v0  }
0x222: {  	v1 =	vadd.f32 v2, v1;
	v2 =	vmul.f32 v8, v3;
	v3 =	vld.idx.msk [tilespmem:v9+s12+$0x0], $0xffff  }
0x223: {  	v8 =	vld.idx.msk [tilespmem:v9+s13+$0x0], $0xffff;
	v9 =	vor.u32 $0xC0E, v0  }
0x224: {  	v1 =	vadd.f32 v2, v1;
	v2 =	vmul.f32 v5, v4;
	v4 =	vld.idx.msk [tilespmem:v10+s12+$0x0], $0xffff  }
0x225: {  	v5 =	vld.idx.msk [tilespmem:v10+s13+$0x0], $0xffff;
	v10 =	vor.u32 $0xC0F, v0  }
0x226: {  	v1 =	vadd.f32 v2, v1;
	v2 =	vmul.f32 v7, v6;
	v6 =	vld.idx.msk [tilespmem:v11+s12+$0x0], $0xffff  }
0x227: {  	v7 =	vld.idx.msk [tilespmem:v11+s13+$0x0], $0xffff  }
0x228: {  	v1 =	vadd.f32 v2, v1;
	v2 =	vmul.f32 v8, v3;
	v3 =	vld.idx.msk [tilespmem:v9+s12+$0x0], $0xffff  }
0x229: {  	v8 =	vld.idx.msk [tilespmem:v9+s13+$0x0], $0xffff  }
0x22a: {  	v9 =	vld.idx.msk [tilespmem:v10+s12+$0x0], $0xffff;
	v1 =	vadd.f32 v2, v1;
	v2 =	vmul.f32 v5, v4  }
0x22b: {  	v11 =	vld.idx.msk [tilespmem:v10+s13+$0x0], $0xffff  }
0x22c: {  	v1 =	vadd.f32 v2, v1;
	v2 =	vmul.f32 v7, v6;
	_ =	sdelay $0x1  }
0x22d: {  	v1 =	vadd.f32 v2, v1;
	v2 =	vmul.f32 v8, v3;
	_ =	sdelay $0x1  }
0x22e: {  	v3 =	vor.u32 $0xD00, v0;
	v1 =	vadd.f32 v2, v1;
	v2 =	vmul.f32 v11, v9;
	_ =	sdelay $0x1  }
0x22f: {  	v1 =	vadd.f32 v2, v1;
	v2 =	vor.u32 $0xD01, v0;
	_ =	sdelay $0x1  }
0x230: {  	[tilespmem:$0x44C0] =	vst v1;
	v1 =	vor.u32 $0xD02, v0  }
0x231: {  	v4 =	vld.idx.msk [tilespmem:v3+s12+$0x0], $0xffff  }
0x232: {  	v5 =	vor.u32 $0xD03, v0;
	v3 =	vld.idx.msk [tilespmem:v3+s13+$0x0], $0xffff  }
0x233: {  	v6 =	vld.idx.msk [tilespmem:v2+s12+$0x0], $0xffff  }
0x234: {  	v7 =	vor.u32 $0xD04, v0;
	v2 =	vld.idx.msk [tilespmem:v2+s13+$0x0], $0xffff  }
0x235: {  	v8 =	vld.idx.msk [tilespmem:v1+s12+$0x0], $0xffff  }
0x236: {  	v9 =	vor.u32 $0xD05, v0;
	v1 =	vld.idx.msk [tilespmem:v1+s13+$0x0], $0xffff  }
0x237: {  	v3 =	vmul.f32 v3, v4;
	v4 =	vld.idx.msk [tilespmem:v5+s12+$0x0], $0xffff  }
0x238: {  	v10 =	vor.u32 $0xD06, v0;
	v5 =	vld.idx.msk [tilespmem:v5+s13+$0x0], $0xffff  }
0x239: {  	v3 =	vadd.f32 $0.0e+00, v3;
	v2 =	vmul.f32 v2, v6;
	v6 =	vld.idx.msk [tilespmem:v7+s12+$0x0], $0xffff  }
0x23a: {  	v11 =	vor.u32 $0xD07, v0;
	v7 =	vld.idx.msk [tilespmem:v7+s13+$0x0], $0xffff  }
0x23b: {  	v2 =	vadd.f32 v2, v3;
	v1 =	vmul.f32 v1, v8;
	v3 =	vld.idx.msk [tilespmem:v9+s12+$0x0], $0xffff  }
0x23c: {  	v8 =	vld.idx.msk [tilespmem:v9+s13+$0x0], $0xffff;
	v9 =	vor.u32 $0xD08, v0  }
0x23d: {  	v1 =	vadd.f32 v1, v2;
	v2 =	vmul.f32 v5, v4;
	v4 =	vld.idx.msk [tilespmem:v10+s12+$0x0], $0xffff  }
0x23e: {  	v5 =	vld.idx.msk [tilespmem:v10+s13+$0x0], $0xffff;
	v10 =	vor.u32 $0xD09, v0  }
0x23f: {  	v1 =	vadd.f32 v2, v1;
	v2 =	vmul.f32 v7, v6;
	v6 =	vld.idx.msk [tilespmem:v11+s12+$0x0], $0xffff  }
0x240: {  	v7 =	vld.idx.msk [tilespmem:v11+s13+$0x0], $0xffff;
	v11 =	vor.u32 $0xD0A, v0  }
0x241: {  	v1 =	vadd.f32 v2, v1;
	v2 =	vmul.f32 v8, v3;
	v3 =	vld.idx.msk [tilespmem:v9+s12+$0x0], $0xffff  }
0x242: {  	v8 =	vld.idx.msk [tilespmem:v9+s13+$0x0], $0xffff;
	v9 =	vor.u32 $0xD0B, v0  }
0x243: {  	v1 =	vadd.f32 v2, v1;
	v2 =	vmul.f32 v5, v4;
	v4 =	vld.idx.msk [tilespmem:v10+s12+$0x0], $0xffff  }
0x244: {  	v5 =	vld.idx.msk [tilespmem:v10+s13+$0x0], $0xffff;
	v10 =	vor.u32 $0xD0C, v0  }
0x245: {  	v1 =	vadd.f32 v2, v1;
	v2 =	vmul.f32 v7, v6;
	v6 =	vld.idx.msk [tilespmem:v11+s12+$0x0], $0xffff  }
0x246: {  	v7 =	vld.idx.msk [tilespmem:v11+s13+$0x0], $0xffff;
	v11 =	vor.u32 $0xD0D, v0  }
0x247: {  	v1 =	vadd.f32 v2, v1;
	v2 =	vmul.f32 v8, v3;
	v3 =	vld.idx.msk [tilespmem:v9+s12+$0x0], $0xffff  }
0x248: {  	v8 =	vld.idx.msk [tilespmem:v9+s13+$0x0], $0xffff;
	v9 =	vor.u32 $0xD0E, v0  }
0x249: {  	v1 =	vadd.f32 v2, v1;
	v2 =	vmul.f32 v5, v4;
	v4 =	vld.idx.msk [tilespmem:v10+s12+$0x0], $0xffff  }
0x24a: {  	v5 =	vld.idx.msk [tilespmem:v10+s13+$0x0], $0xffff;
	v10 =	vor.u32 $0xD0F, v0  }
0x24b: {  	v1 =	vadd.f32 v2, v1;
	v2 =	vmul.f32 v7, v6;
	v6 =	vld.idx.msk [tilespmem:v11+s12+$0x0], $0xffff  }
0x24c: {  	v7 =	vld.idx.msk [tilespmem:v11+s13+$0x0], $0xffff  }
0x24d: {  	v1 =	vadd.f32 v2, v1;
	v2 =	vmul.f32 v8, v3;
	v3 =	vld.idx.msk [tilespmem:v9+s12+$0x0], $0xffff  }
0x24e: {  	v8 =	vld.idx.msk [tilespmem:v9+s13+$0x0], $0xffff  }
0x24f: {  	v9 =	vld.idx.msk [tilespmem:v10+s12+$0x0], $0xffff;
	v1 =	vadd.f32 v2, v1;
	v2 =	vmul.f32 v5, v4  }
0x250: {  	v11 =	vld.idx.msk [tilespmem:v10+s13+$0x0], $0xffff  }
0x251: {  	v1 =	vadd.f32 v2, v1;
	v2 =	vmul.f32 v7, v6;
	_ =	sdelay $0x1  }
0x252: {  	v1 =	vadd.f32 v2, v1;
	v2 =	vmul.f32 v8, v3;
	_ =	sdelay $0x1  }
0x253: {  	v3 =	vor.u32 $0xE00, v0;
	v1 =	vadd.f32 v2, v1;
	v2 =	vmul.f32 v11, v9;
	_ =	sdelay $0x1  }
0x254: {  	v1 =	vadd.f32 v2, v1;
	v2 =	vor.u32 $0xE01, v0;
	_ =	sdelay $0x1  }
0x255: {  	[tilespmem:$0x44D0] =	vst v1;
	v1 =	vor.u32 $0xE02, v0  }
0x256: {  	v4 =	vld.idx.msk [tilespmem:v3+s12+$0x0], $0xffff  }
0x257: {  	v5 =	vor.u32 $0xE03, v0;
	v3 =	vld.idx.msk [tilespmem:v3+s13+$0x0], $0xffff  }
0x258: {  	v6 =	vld.idx.msk [tilespmem:v2+s12+$0x0], $0xffff  }
0x259: {  	v7 =	vor.u32 $0xE04, v0;
	v2 =	vld.idx.msk [tilespmem:v2+s13+$0x0], $0xffff  }
0x25a: {  	v8 =	vld.idx.msk [tilespmem:v1+s12+$0x0], $0xffff  }
0x25b: {  	v9 =	vor.u32 $0xE05, v0;
	v1 =	vld.idx.msk [tilespmem:v1+s13+$0x0], $0xffff  }
0x25c: {  	v3 =	vmul.f32 v3, v4;
	v4 =	vld.idx.msk [tilespmem:v5+s12+$0x0], $0xffff  }
0x25d: {  	v10 =	vor.u32 $0xE06, v0;
	v5 =	vld.idx.msk [tilespmem:v5+s13+$0x0], $0xffff  }
0x25e: {  	v3 =	vadd.f32 $0.0e+00, v3;
	v2 =	vmul.f32 v2, v6;
	v6 =	vld.idx.msk [tilespmem:v7+s12+$0x0], $0xffff  }
0x25f: {  	v11 =	vor.u32 $0xE07, v0;
	v7 =	vld.idx.msk [tilespmem:v7+s13+$0x0], $0xffff  }
0x260: {  	v2 =	vadd.f32 v2, v3;
	v1 =	vmul.f32 v1, v8;
	v3 =	vld.idx.msk [tilespmem:v9+s12+$0x0], $0xffff  }
0x261: {  	v8 =	vld.idx.msk [tilespmem:v9+s13+$0x0], $0xffff;
	v9 =	vor.u32 $0xE08, v0  }
0x262: {  	v1 =	vadd.f32 v1, v2;
	v2 =	vmul.f32 v5, v4;
	v4 =	vld.idx.msk [tilespmem:v10+s12+$0x0], $0xffff  }
0x263: {  	v5 =	vld.idx.msk [tilespmem:v10+s13+$0x0], $0xffff;
	v10 =	vor.u32 $0xE09, v0  }
0x264: {  	v1 =	vadd.f32 v2, v1;
	v2 =	vmul.f32 v7, v6;
	v6 =	vld.idx.msk [tilespmem:v11+s12+$0x0], $0xffff  }
0x265: {  	v7 =	vld.idx.msk [tilespmem:v11+s13+$0x0], $0xffff;
	v11 =	vor.u32 $0xE0A, v0  }
0x266: {  	v1 =	vadd.f32 v2, v1;
	v2 =	vmul.f32 v8, v3;
	v3 =	vld.idx.msk [tilespmem:v9+s12+$0x0], $0xffff  }
0x267: {  	v8 =	vld.idx.msk [tilespmem:v9+s13+$0x0], $0xffff;
	v9 =	vor.u32 $0xE0B, v0  }
0x268: {  	v1 =	vadd.f32 v2, v1;
	v2 =	vmul.f32 v5, v4;
	v4 =	vld.idx.msk [tilespmem:v10+s12+$0x0], $0xffff  }
0x269: {  	v5 =	vld.idx.msk [tilespmem:v10+s13+$0x0], $0xffff;
	v10 =	vor.u32 $0xE0C, v0  }
0x26a: {  	v1 =	vadd.f32 v2, v1;
	v2 =	vmul.f32 v7, v6;
	v6 =	vld.idx.msk [tilespmem:v11+s12+$0x0], $0xffff  }
0x26b: {  	v7 =	vld.idx.msk [tilespmem:v11+s13+$0x0], $0xffff;
	v11 =	vor.u32 $0xE0D, v0  }
0x26c: {  	v1 =	vadd.f32 v2, v1;
	v2 =	vmul.f32 v8, v3;
	v3 =	vld.idx.msk [tilespmem:v9+s12+$0x0], $0xffff  }
0x26d: {  	v8 =	vld.idx.msk [tilespmem:v9+s13+$0x0], $0xffff;
	v9 =	vor.u32 $0xE0E, v0  }
0x26e: {  	v1 =	vadd.f32 v2, v1;
	v2 =	vmul.f32 v5, v4;
	v4 =	vld.idx.msk [tilespmem:v10+s12+$0x0], $0xffff  }
0x26f: {  	v5 =	vld.idx.msk [tilespmem:v10+s13+$0x0], $0xffff;
	v10 =	vor.u32 $0xE0F, v0  }
0x270: {  	v1 =	vadd.f32 v2, v1;
	v2 =	vmul.f32 v7, v6;
	v6 =	vld.idx.msk [tilespmem:v11+s12+$0x0], $0xffff  }
0x271: {  	v7 =	vld.idx.msk [tilespmem:v11+s13+$0x0], $0xffff  }
0x272: {  	v1 =	vadd.f32 v2, v1;
	v2 =	vmul.f32 v8, v3;
	v3 =	vld.idx.msk [tilespmem:v9+s12+$0x0], $0xffff  }
0x273: {  	v8 =	vld.idx.msk [tilespmem:v9+s13+$0x0], $0xffff  }
0x274: {  	v9 =	vld.idx.msk [tilespmem:v10+s12+$0x0], $0xffff;
	v1 =	vadd.f32 v2, v1;
	v2 =	vmul.f32 v5, v4  }
0x275: {  	v11 =	vld.idx.msk [tilespmem:v10+s13+$0x0], $0xffff  }
0x276: {  	v1 =	vadd.f32 v2, v1;
	v2 =	vmul.f32 v7, v6;
	_ =	sdelay $0x1  }
0x277: {  	v1 =	vadd.f32 v2, v1;
	v2 =	vmul.f32 v8, v3;
	_ =	sdelay $0x1  }
0x278: {  	v3 =	vor.u32 $0xF00, v0;
	v1 =	vadd.f32 v2, v1;
	v2 =	vmul.f32 v11, v9;
	_ =	sdelay $0x1  }
0x279: {  	v1 =	vadd.f32 v2, v1;
	v2 =	vor.u32 $0xF01, v0;
	_ =	sdelay $0x1  }
0x27a: {  	[tilespmem:$0x44E0] =	vst v1;
	v1 =	vor.u32 $0xF02, v0  }
0x27b: {  	v4 =	vld.idx.msk [tilespmem:v3+s12+$0x0], $0xffff  }
0x27c: {  	v5 =	vor.u32 $0xF03, v0;
	v3 =	vld.idx.msk [tilespmem:v3+s13+$0x0], $0xffff  }
0x27d: {  	v6 =	vld.idx.msk [tilespmem:v2+s12+$0x0], $0xffff  }
0x27e: {  	v7 =	vor.u32 $0xF04, v0;
	v2 =	vld.idx.msk [tilespmem:v2+s13+$0x0], $0xffff  }
0x27f: {  	v8 =	vld.idx.msk [tilespmem:v1+s12+$0x0], $0xffff  }
0x280: {  	v9 =	vor.u32 $0xF05, v0;
	v1 =	vld.idx.msk [tilespmem:v1+s13+$0x0], $0xffff  }
0x281: {  	v3 =	vmul.f32 v3, v4;
	v4 =	vld.idx.msk [tilespmem:v5+s12+$0x0], $0xffff  }
0x282: {  	v10 =	vor.u32 $0xF06, v0;
	v5 =	vld.idx.msk [tilespmem:v5+s13+$0x0], $0xffff  }
0x283: {  	v3 =	vadd.f32 $0.0e+00, v3;
	v2 =	vmul.f32 v2, v6;
	v6 =	vld.idx.msk [tilespmem:v7+s12+$0x0], $0xffff  }
0x284: {  	v11 =	vor.u32 $0xF07, v0;
	v7 =	vld.idx.msk [tilespmem:v7+s13+$0x0], $0xffff  }
0x285: {  	v2 =	vadd.f32 v2, v3;
	v1 =	vmul.f32 v1, v8;
	v3 =	vld.idx.msk [tilespmem:v9+s12+$0x0], $0xffff  }
0x286: {  	v8 =	vld.idx.msk [tilespmem:v9+s13+$0x0], $0xffff;
	v9 =	vor.u32 $0xF08, v0  }
0x287: {  	v1 =	vadd.f32 v1, v2;
	v2 =	vmul.f32 v5, v4;
	v4 =	vld.idx.msk [tilespmem:v10+s12+$0x0], $0xffff  }
0x288: {  	v5 =	vld.idx.msk [tilespmem:v10+s13+$0x0], $0xffff;
	v10 =	vor.u32 $0xF09, v0  }
0x289: {  	v1 =	vadd.f32 v2, v1;
	v2 =	vmul.f32 v7, v6;
	v6 =	vld.idx.msk [tilespmem:v11+s12+$0x0], $0xffff  }
0x28a: {  	v7 =	vld.idx.msk [tilespmem:v11+s13+$0x0], $0xffff;
	v11 =	vor.u32 $0xF0A, v0  }
0x28b: {  	v1 =	vadd.f32 v2, v1;
	v2 =	vmul.f32 v8, v3;
	v3 =	vld.idx.msk [tilespmem:v9+s12+$0x0], $0xffff  }
0x28c: {  	v8 =	vld.idx.msk [tilespmem:v9+s13+$0x0], $0xffff;
	v9 =	vor.u32 $0xF0B, v0  }
0x28d: {  	v1 =	vadd.f32 v2, v1;
	v2 =	vmul.f32 v5, v4;
	v4 =	vld.idx.msk [tilespmem:v10+s12+$0x0], $0xffff  }
0x28e: {  	v5 =	vld.idx.msk [tilespmem:v10+s13+$0x0], $0xffff;
	v10 =	vor.u32 $0xF0C, v0  }
0x28f: {  	v1 =	vadd.f32 v2, v1;
	v2 =	vmul.f32 v7, v6;
	v6 =	vld.idx.msk [tilespmem:v11+s12+$0x0], $0xffff  }
0x290: {  	v7 =	vld.idx.msk [tilespmem:v11+s13+$0x0], $0xffff;
	v11 =	vor.u32 $0xF0D, v0  }
0x291: {  	v1 =	vadd.f32 v2, v1;
	v2 =	vmul.f32 v8, v3;
	v3 =	vld.idx.msk [tilespmem:v9+s12+$0x0], $0xffff  }
0x292: {  	v8 =	vld.idx.msk [tilespmem:v9+s13+$0x0], $0xffff;
	v9 =	vor.u32 $0xF0E, v0  }
0x293: {  	v1 =	vadd.f32 v2, v1;
	v2 =	vmul.f32 v5, v4;
	v4 =	vld.idx.msk [tilespmem:v10+s12+$0x0], $0xffff  }
0x294: {  	v5 =	vld.idx.msk [tilespmem:v10+s13+$0x0], $0xffff;
	v10 =	vor.u32 $0xF0F, v0  }
0x295: {  	v1 =	vadd.f32 v2, v1;
	v2 =	vmul.f32 v7, v6;
	v6 =	vld.idx.msk [tilespmem:v11+s12+$0x0], $0xffff  }
0x296: {  	v7 =	vld.idx.msk [tilespmem:v11+s13+$0x0], $0xffff  }
0x297: {  	v1 =	vadd.f32 v2, v1;
	v2 =	vmul.f32 v8, v3;
	v3 =	vld.idx.msk [tilespmem:v9+s12+$0x0], $0xffff  }
0x298: {  	v8 =	vld.idx.msk [tilespmem:v9+s13+$0x0], $0xffff  }
0x299: {  	v9 =	vld.idx.msk [tilespmem:v10+s12+$0x0], $0xffff;
	v1 =	vadd.f32 v2, v1;
	v2 =	vmul.f32 v5, v4  }
0x29a: {  	v11 =	vld.idx.msk [tilespmem:v10+s13+$0x0], $0xffff  }
0x29b: {  	v1 =	vadd.f32 v2, v1;
	v2 =	vmul.f32 v7, v6;
	_ =	sdelay $0x1  }
0x29c: {  	v1 =	vadd.f32 v2, v1;
	v2 =	vmul.f32 v8, v3;
	_ =	sdelay $0x1  }
0x29d: {  	v3 =	vor.u32 $0x1000, v0;
	v1 =	vadd.f32 v2, v1;
	v2 =	vmul.f32 v11, v9;
	_ =	sdelay $0x1  }
0x29e: {  	v1 =	vadd.f32 v2, v1;
	v2 =	vor.u32 $0x1001, v0;
	_ =	sdelay $0x1  }
0x29f: {  	[tilespmem:$0x44F0] =	vst v1;
	v1 =	vor.u32 $0x1002, v0  }
0x2a0: {  	v4 =	vld.idx.msk [tilespmem:v3+s12+$0x0], $0xffff  }
0x2a1: {  	v5 =	vor.u32 $0x1003, v0;
	v3 =	vld.idx.msk [tilespmem:v3+s13+$0x0], $0xffff  }
0x2a2: {  	v6 =	vld.idx.msk [tilespmem:v2+s12+$0x0], $0xffff  }
0x2a3: {  	v7 =	vor.u32 $0x1004, v0;
	v2 =	vld.idx.msk [tilespmem:v2+s13+$0x0], $0xffff  }
0x2a4: {  	v8 =	vld.idx.msk [tilespmem:v1+s12+$0x0], $0xffff  }
0x2a5: {  	v9 =	vor.u32 $0x1005, v0;
	v1 =	vld.idx.msk [tilespmem:v1+s13+$0x0], $0xffff  }
0x2a6: {  	v3 =	vmul.f32 v3, v4;
	v4 =	vld.idx.msk [tilespmem:v5+s12+$0x0], $0xffff  }
0x2a7: {  	v10 =	vor.u32 $0x1006, v0;
	v5 =	vld.idx.msk [tilespmem:v5+s13+$0x0], $0xffff  }
0x2a8: {  	v3 =	vadd.f32 $0.0e+00, v3;
	v2 =	vmul.f32 v2, v6;
	v6 =	vld.idx.msk [tilespmem:v7+s12+$0x0], $0xffff  }
0x2a9: {  	v11 =	vor.u32 $0x1007, v0;
	v7 =	vld.idx.msk [tilespmem:v7+s13+$0x0], $0xffff  }
0x2aa: {  	v2 =	vadd.f32 v2, v3;
	v1 =	vmul.f32 v1, v8;
	v3 =	vld.idx.msk [tilespmem:v9+s12+$0x0], $0xffff  }
0x2ab: {  	v8 =	vld.idx.msk [tilespmem:v9+s13+$0x0], $0xffff;
	v9 =	vor.u32 $0x1008, v0  }
0x2ac: {  	v1 =	vadd.f32 v1, v2;
	v2 =	vmul.f32 v5, v4;
	v4 =	vld.idx.msk [tilespmem:v10+s12+$0x0], $0xffff  }
0x2ad: {  	v5 =	vld.idx.msk [tilespmem:v10+s13+$0x0], $0xffff;
	v10 =	vor.u32 $0x1009, v0  }
0x2ae: {  	v1 =	vadd.f32 v2, v1;
	v2 =	vmul.f32 v7, v6;
	v6 =	vld.idx.msk [tilespmem:v11+s12+$0x0], $0xffff  }
0x2af: {  	v7 =	vld.idx.msk [tilespmem:v11+s13+$0x0], $0xffff;
	v11 =	vor.u32 $0x100A, v0  }
0x2b0: {  	v1 =	vadd.f32 v2, v1;
	v2 =	vmul.f32 v8, v3;
	v3 =	vld.idx.msk [tilespmem:v9+s12+$0x0], $0xffff  }
0x2b1: {  	v8 =	vld.idx.msk [tilespmem:v9+s13+$0x0], $0xffff;
	v9 =	vor.u32 $0x100B, v0  }
0x2b2: {  	v1 =	vadd.f32 v2, v1;
	v2 =	vmul.f32 v5, v4;
	v4 =	vld.idx.msk [tilespmem:v10+s12+$0x0], $0xffff  }
0x2b3: {  	v5 =	vld.idx.msk [tilespmem:v10+s13+$0x0], $0xffff;
	v10 =	vor.u32 $0x100C, v0  }
0x2b4: {  	v1 =	vadd.f32 v2, v1;
	v2 =	vmul.f32 v7, v6;
	v6 =	vld.idx.msk [tilespmem:v11+s12+$0x0], $0xffff  }
0x2b5: {  	v7 =	vld.idx.msk [tilespmem:v11+s13+$0x0], $0xffff;
	v11 =	vor.u32 $0x100D, v0  }
0x2b6: {  	v1 =	vadd.f32 v2, v1;
	v2 =	vmul.f32 v8, v3;
	v3 =	vld.idx.msk [tilespmem:v9+s12+$0x0], $0xffff  }
0x2b7: {  	v8 =	vld.idx.msk [tilespmem:v9+s13+$0x0], $0xffff;
	v9 =	vor.u32 $0x100E, v0  }
0x2b8: {  	v1 =	vadd.f32 v2, v1;
	v2 =	vmul.f32 v5, v4;
	v4 =	vld.idx.msk [tilespmem:v10+s12+$0x0], $0xffff  }
0x2b9: {  	v5 =	vld.idx.msk [tilespmem:v10+s13+$0x0], $0xffff;
	v10 =	vor.u32 $0x100F, v0  }
0x2ba: {  	v1 =	vadd.f32 v2, v1;
	v2 =	vmul.f32 v7, v6;
	v6 =	vld.idx.msk [tilespmem:v11+s12+$0x0], $0xffff  }
0x2bb: {  	v7 =	vld.idx.msk [tilespmem:v11+s13+$0x0], $0xffff  }
0x2bc: {  	v1 =	vadd.f32 v2, v1;
	v2 =	vmul.f32 v8, v3;
	v3 =	vld.idx.msk [tilespmem:v9+s12+$0x0], $0xffff  }
0x2bd: {  	v8 =	vld.idx.msk [tilespmem:v9+s13+$0x0], $0xffff  }
0x2be: {  	v9 =	vld.idx.msk [tilespmem:v10+s12+$0x0], $0xffff;
	v1 =	vadd.f32 v2, v1;
	v2 =	vmul.f32 v5, v4  }
0x2bf: {  	v11 =	vld.idx.msk [tilespmem:v10+s13+$0x0], $0xffff  }
0x2c0: {  	v1 =	vadd.f32 v2, v1;
	v2 =	vmul.f32 v7, v6;
	_ =	sdelay $0x1  }
0x2c1: {  	v1 =	vadd.f32 v2, v1;
	v2 =	vmul.f32 v8, v3;
	_ =	sdelay $0x1  }
0x2c2: {  	v3 =	vor.u32 $0x1100, v0;
	v1 =	vadd.f32 v2, v1;
	v2 =	vmul.f32 v11, v9;
	_ =	sdelay $0x1  }
0x2c3: {  	v1 =	vadd.f32 v2, v1;
	v2 =	vor.u32 $0x1101, v0;
	_ =	sdelay $0x1  }
0x2c4: {  	[tilespmem:$0x4500] =	vst v1;
	v1 =	vor.u32 $0x1102, v0  }
0x2c5: {  	v4 =	vld.idx.msk [tilespmem:v3+s12+$0x0], $0xffff  }
0x2c6: {  	v5 =	vor.u32 $0x1103, v0;
	v3 =	vld.idx.msk [tilespmem:v3+s13+$0x0], $0xffff  }
0x2c7: {  	v6 =	vld.idx.msk [tilespmem:v2+s12+$0x0], $0xffff  }
0x2c8: {  	v7 =	vor.u32 $0x1104, v0;
	v2 =	vld.idx.msk [tilespmem:v2+s13+$0x0], $0xffff  }
0x2c9: {  	v8 =	vld.idx.msk [tilespmem:v1+s12+$0x0], $0xffff  }
0x2ca: {  	v9 =	vor.u32 $0x1105, v0;
	v1 =	vld.idx.msk [tilespmem:v1+s13+$0x0], $0xffff  }
0x2cb: {  	v3 =	vmul.f32 v3, v4;
	v4 =	vld.idx.msk [tilespmem:v5+s12+$0x0], $0xffff  }
0x2cc: {  	v10 =	vor.u32 $0x1106, v0;
	v5 =	vld.idx.msk [tilespmem:v5+s13+$0x0], $0xffff  }
0x2cd: {  	v3 =	vadd.f32 $0.0e+00, v3;
	v2 =	vmul.f32 v2, v6;
	v6 =	vld.idx.msk [tilespmem:v7+s12+$0x0], $0xffff  }
0x2ce: {  	v11 =	vor.u32 $0x1107, v0;
	v7 =	vld.idx.msk [tilespmem:v7+s13+$0x0], $0xffff  }
0x2cf: {  	v2 =	vadd.f32 v2, v3;
	v1 =	vmul.f32 v1, v8;
	v3 =	vld.idx.msk [tilespmem:v9+s12+$0x0], $0xffff  }
0x2d0: {  	v8 =	vld.idx.msk [tilespmem:v9+s13+$0x0], $0xffff;
	v9 =	vor.u32 $0x1108, v0  }
0x2d1: {  	v1 =	vadd.f32 v1, v2;
	v2 =	vmul.f32 v5, v4;
	v4 =	vld.idx.msk [tilespmem:v10+s12+$0x0], $0xffff  }
0x2d2: {  	v5 =	vld.idx.msk [tilespmem:v10+s13+$0x0], $0xffff;
	v10 =	vor.u32 $0x1109, v0  }
0x2d3: {  	v1 =	vadd.f32 v2, v1;
	v2 =	vmul.f32 v7, v6;
	v6 =	vld.idx.msk [tilespmem:v11+s12+$0x0], $0xffff  }
0x2d4: {  	v7 =	vld.idx.msk [tilespmem:v11+s13+$0x0], $0xffff;
	v11 =	vor.u32 $0x110A, v0  }
0x2d5: {  	v1 =	vadd.f32 v2, v1;
	v2 =	vmul.f32 v8, v3;
	v3 =	vld.idx.msk [tilespmem:v9+s12+$0x0], $0xffff  }
0x2d6: {  	v8 =	vld.idx.msk [tilespmem:v9+s13+$0x0], $0xffff;
	v9 =	vor.u32 $0x110B, v0  }
0x2d7: {  	v1 =	vadd.f32 v2, v1;
	v2 =	vmul.f32 v5, v4;
	v4 =	vld.idx.msk [tilespmem:v10+s12+$0x0], $0xffff  }
0x2d8: {  	v5 =	vld.idx.msk [tilespmem:v10+s13+$0x0], $0xffff;
	v10 =	vor.u32 $0x110C, v0  }
0x2d9: {  	v1 =	vadd.f32 v2, v1;
	v2 =	vmul.f32 v7, v6;
	v6 =	vld.idx.msk [tilespmem:v11+s12+$0x0], $0xffff  }
0x2da: {  	v7 =	vld.idx.msk [tilespmem:v11+s13+$0x0], $0xffff;
	v11 =	vor.u32 $0x110D, v0  }
0x2db: {  	v1 =	vadd.f32 v2, v1;
	v2 =	vmul.f32 v8, v3;
	v3 =	vld.idx.msk [tilespmem:v9+s12+$0x0], $0xffff  }
0x2dc: {  	v8 =	vld.idx.msk [tilespmem:v9+s13+$0x0], $0xffff;
	v9 =	vor.u32 $0x110E, v0  }
0x2dd: {  	v1 =	vadd.f32 v2, v1;
	v2 =	vmul.f32 v5, v4;
	v4 =	vld.idx.msk [tilespmem:v10+s12+$0x0], $0xffff  }
0x2de: {  	v5 =	vld.idx.msk [tilespmem:v10+s13+$0x0], $0xffff;
	v10 =	vor.u32 $0x110F, v0  }
0x2df: {  	v1 =	vadd.f32 v2, v1;
	v2 =	vmul.f32 v7, v6;
	v6 =	vld.idx.msk [tilespmem:v11+s12+$0x0], $0xffff  }
0x2e0: {  	v7 =	vld.idx.msk [tilespmem:v11+s13+$0x0], $0xffff  }
0x2e1: {  	v1 =	vadd.f32 v2, v1;
	v2 =	vmul.f32 v8, v3;
	v3 =	vld.idx.msk [tilespmem:v9+s12+$0x0], $0xffff  }
0x2e2: {  	v8 =	vld.idx.msk [tilespmem:v9+s13+$0x0], $0xffff  }
0x2e3: {  	v9 =	vld.idx.msk [tilespmem:v10+s12+$0x0], $0xffff;
	v1 =	vadd.f32 v2, v1;
	v2 =	vmul.f32 v5, v4  }
0x2e4: {  	v11 =	vld.idx.msk [tilespmem:v10+s13+$0x0], $0xffff  }
0x2e5: {  	v1 =	vadd.f32 v2, v1;
	v2 =	vmul.f32 v7, v6;
	_ =	sdelay $0x1  }
0x2e6: {  	v1 =	vadd.f32 v2, v1;
	v2 =	vmul.f32 v8, v3;
	_ =	sdelay $0x1  }
0x2e7: {  	v3 =	vor.u32 $0x1200, v0;
	v1 =	vadd.f32 v2, v1;
	v2 =	vmul.f32 v11, v9;
	_ =	sdelay $0x1  }
0x2e8: {  	v1 =	vadd.f32 v2, v1;
	v2 =	vor.u32 $0x1201, v0;
	_ =	sdelay $0x1  }
0x2e9: {  	[tilespmem:$0x4510] =	vst v1;
	v1 =	vor.u32 $0x1202, v0  }
0x2ea: {  	v4 =	vld.idx.msk [tilespmem:v3+s12+$0x0], $0xffff  }
0x2eb: {  	v5 =	vor.u32 $0x1203, v0;
	v3 =	vld.idx.msk [tilespmem:v3+s13+$0x0], $0xffff  }
0x2ec: {  	v6 =	vld.idx.msk [tilespmem:v2+s12+$0x0], $0xffff  }
0x2ed: {  	v7 =	vor.u32 $0x1204, v0;
	v2 =	vld.idx.msk [tilespmem:v2+s13+$0x0], $0xffff  }
0x2ee: {  	v8 =	vld.idx.msk [tilespmem:v1+s12+$0x0], $0xffff  }
0x2ef: {  	v9 =	vor.u32 $0x1205, v0;
	v1 =	vld.idx.msk [tilespmem:v1+s13+$0x0], $0xffff  }
0x2f0: {  	v3 =	vmul.f32 v3, v4;
	v4 =	vld.idx.msk [tilespmem:v5+s12+$0x0], $0xffff  }
0x2f1: {  	v10 =	vor.u32 $0x1206, v0;
	v5 =	vld.idx.msk [tilespmem:v5+s13+$0x0], $0xffff  }
0x2f2: {  	v3 =	vadd.f32 $0.0e+00, v3;
	v2 =	vmul.f32 v2, v6;
	v6 =	vld.idx.msk [tilespmem:v7+s12+$0x0], $0xffff  }
0x2f3: {  	v11 =	vor.u32 $0x1207, v0;
	v7 =	vld.idx.msk [tilespmem:v7+s13+$0x0], $0xffff  }
0x2f4: {  	v2 =	vadd.f32 v2, v3;
	v1 =	vmul.f32 v1, v8;
	v3 =	vld.idx.msk [tilespmem:v9+s12+$0x0], $0xffff  }
0x2f5: {  	v8 =	vld.idx.msk [tilespmem:v9+s13+$0x0], $0xffff;
	v9 =	vor.u32 $0x1208, v0  }
0x2f6: {  	v1 =	vadd.f32 v1, v2;
	v2 =	vmul.f32 v5, v4;
	v4 =	vld.idx.msk [tilespmem:v10+s12+$0x0], $0xffff  }
0x2f7: {  	v5 =	vld.idx.msk [tilespmem:v10+s13+$0x0], $0xffff;
	v10 =	vor.u32 $0x1209, v0  }
0x2f8: {  	v1 =	vadd.f32 v2, v1;
	v2 =	vmul.f32 v7, v6;
	v6 =	vld.idx.msk [tilespmem:v11+s12+$0x0], $0xffff  }
0x2f9: {  	v7 =	vld.idx.msk [tilespmem:v11+s13+$0x0], $0xffff;
	v11 =	vor.u32 $0x120A, v0  }
0x2fa: {  	v1 =	vadd.f32 v2, v1;
	v2 =	vmul.f32 v8, v3;
	v3 =	vld.idx.msk [tilespmem:v9+s12+$0x0], $0xffff  }
0x2fb: {  	v8 =	vld.idx.msk [tilespmem:v9+s13+$0x0], $0xffff;
	v9 =	vor.u32 $0x120B, v0  }
0x2fc: {  	v1 =	vadd.f32 v2, v1;
	v2 =	vmul.f32 v5, v4;
	v4 =	vld.idx.msk [tilespmem:v10+s12+$0x0], $0xffff  }
0x2fd: {  	v5 =	vld.idx.msk [tilespmem:v10+s13+$0x0], $0xffff;
	v10 =	vor.u32 $0x120C, v0  }
0x2fe: {  	v1 =	vadd.f32 v2, v1;
	v2 =	vmul.f32 v7, v6;
	v6 =	vld.idx.msk [tilespmem:v11+s12+$0x0], $0xffff  }
0x2ff: {  	v7 =	vld.idx.msk [tilespmem:v11+s13+$0x0], $0xffff;
	v11 =	vor.u32 $0x120D, v0  }
0x300: {  	v1 =	vadd.f32 v2, v1;
	v2 =	vmul.f32 v8, v3;
	v3 =	vld.idx.msk [tilespmem:v9+s12+$0x0], $0xffff  }
0x301: {  	v8 =	vld.idx.msk [tilespmem:v9+s13+$0x0], $0xffff;
	v9 =	vor.u32 $0x120E, v0  }
0x302: {  	v1 =	vadd.f32 v2, v1;
	v2 =	vmul.f32 v5, v4;
	v4 =	vld.idx.msk [tilespmem:v10+s12+$0x0], $0xffff  }
0x303: {  	v5 =	vld.idx.msk [tilespmem:v10+s13+$0x0], $0xffff;
	v10 =	vor.u32 $0x120F, v0  }
0x304: {  	v1 =	vadd.f32 v2, v1;
	v2 =	vmul.f32 v7, v6;
	v6 =	vld.idx.msk [tilespmem:v11+s12+$0x0], $0xffff  }
0x305: {  	v7 =	vld.idx.msk [tilespmem:v11+s13+$0x0], $0xffff  }
0x306: {  	v1 =	vadd.f32 v2, v1;
	v2 =	vmul.f32 v8, v3;
	v3 =	vld.idx.msk [tilespmem:v9+s12+$0x0], $0xffff  }
0x307: {  	v8 =	vld.idx.msk [tilespmem:v9+s13+$0x0], $0xffff  }
0x308: {  	v9 =	vld.idx.msk [tilespmem:v10+s12+$0x0], $0xffff;
	v1 =	vadd.f32 v2, v1;
	v2 =	vmul.f32 v5, v4  }
0x309: {  	v11 =	vld.idx.msk [tilespmem:v10+s13+$0x0], $0xffff  }
0x30a: {  	v1 =	vadd.f32 v2, v1;
	v2 =	vmul.f32 v7, v6;
	_ =	sdelay $0x1  }
0x30b: {  	v1 =	vadd.f32 v2, v1;
	v2 =	vmul.f32 v8, v3;
	_ =	sdelay $0x1  }
0x30c: {  	v3 =	vor.u32 $0x1300, v0;
	v1 =	vadd.f32 v2, v1;
	v2 =	vmul.f32 v11, v9;
	_ =	sdelay $0x1  }
0x30d: {  	v1 =	vadd.f32 v2, v1;
	v2 =	vor.u32 $0x1301, v0;
	_ =	sdelay $0x1  }
0x30e: {  	[tilespmem:$0x4520] =	vst v1;
	v1 =	vor.u32 $0x1302, v0  }
0x30f: {  	v4 =	vld.idx.msk [tilespmem:v3+s12+$0x0], $0xffff  }
0x310: {  	v5 =	vor.u32 $0x1303, v0;
	v3 =	vld.idx.msk [tilespmem:v3+s13+$0x0], $0xffff  }
0x311: {  	v6 =	vld.idx.msk [tilespmem:v2+s12+$0x0], $0xffff  }
0x312: {  	v7 =	vor.u32 $0x1304, v0;
	v2 =	vld.idx.msk [tilespmem:v2+s13+$0x0], $0xffff  }
0x313: {  	v8 =	vld.idx.msk [tilespmem:v1+s12+$0x0], $0xffff  }
0x314: {  	v9 =	vor.u32 $0x1305, v0;
	v1 =	vld.idx.msk [tilespmem:v1+s13+$0x0], $0xffff  }
0x315: {  	v3 =	vmul.f32 v3, v4;
	v4 =	vld.idx.msk [tilespmem:v5+s12+$0x0], $0xffff  }
0x316: {  	v10 =	vor.u32 $0x1306, v0;
	v5 =	vld.idx.msk [tilespmem:v5+s13+$0x0], $0xffff  }
0x317: {  	v3 =	vadd.f32 $0.0e+00, v3;
	v2 =	vmul.f32 v2, v6;
	v6 =	vld.idx.msk [tilespmem:v7+s12+$0x0], $0xffff  }
0x318: {  	v11 =	vor.u32 $0x1307, v0;
	v7 =	vld.idx.msk [tilespmem:v7+s13+$0x0], $0xffff  }
0x319: {  	v2 =	vadd.f32 v2, v3;
	v1 =	vmul.f32 v1, v8;
	v3 =	vld.idx.msk [tilespmem:v9+s12+$0x0], $0xffff  }
0x31a: {  	v8 =	vld.idx.msk [tilespmem:v9+s13+$0x0], $0xffff;
	v9 =	vor.u32 $0x1308, v0  }
0x31b: {  	v1 =	vadd.f32 v1, v2;
	v2 =	vmul.f32 v5, v4;
	v4 =	vld.idx.msk [tilespmem:v10+s12+$0x0], $0xffff  }
0x31c: {  	v5 =	vld.idx.msk [tilespmem:v10+s13+$0x0], $0xffff;
	v10 =	vor.u32 $0x1309, v0  }
0x31d: {  	v1 =	vadd.f32 v2, v1;
	v2 =	vmul.f32 v7, v6;
	v6 =	vld.idx.msk [tilespmem:v11+s12+$0x0], $0xffff  }
0x31e: {  	v7 =	vld.idx.msk [tilespmem:v11+s13+$0x0], $0xffff;
	v11 =	vor.u32 $0x130A, v0  }
0x31f: {  	v1 =	vadd.f32 v2, v1;
	v2 =	vmul.f32 v8, v3;
	v3 =	vld.idx.msk [tilespmem:v9+s12+$0x0], $0xffff  }
0x320: {  	v8 =	vld.idx.msk [tilespmem:v9+s13+$0x0], $0xffff;
	v9 =	vor.u32 $0x130B, v0  }
0x321: {  	v1 =	vadd.f32 v2, v1;
	v2 =	vmul.f32 v5, v4;
	v4 =	vld.idx.msk [tilespmem:v10+s12+$0x0], $0xffff  }
0x322: {  	v5 =	vld.idx.msk [tilespmem:v10+s13+$0x0], $0xffff;
	v10 =	vor.u32 $0x130C, v0  }
0x323: {  	v1 =	vadd.f32 v2, v1;
	v2 =	vmul.f32 v7, v6;
	v6 =	vld.idx.msk [tilespmem:v11+s12+$0x0], $0xffff  }
0x324: {  	v7 =	vld.idx.msk [tilespmem:v11+s13+$0x0], $0xffff;
	v11 =	vor.u32 $0x130D, v0  }
0x325: {  	v1 =	vadd.f32 v2, v1;
	v2 =	vmul.f32 v8, v3;
	v3 =	vld.idx.msk [tilespmem:v9+s12+$0x0], $0xffff  }
0x326: {  	v8 =	vld.idx.msk [tilespmem:v9+s13+$0x0], $0xffff;
	v9 =	vor.u32 $0x130E, v0  }
0x327: {  	v1 =	vadd.f32 v2, v1;
	v2 =	vmul.f32 v5, v4;
	v4 =	vld.idx.msk [tilespmem:v10+s12+$0x0], $0xffff  }
0x328: {  	v5 =	vld.idx.msk [tilespmem:v10+s13+$0x0], $0xffff;
	v10 =	vor.u32 $0x130F, v0  }
0x329: {  	v1 =	vadd.f32 v2, v1;
	v2 =	vmul.f32 v7, v6;
	v6 =	vld.idx.msk [tilespmem:v11+s12+$0x0], $0xffff  }
0x32a: {  	v7 =	vld.idx.msk [tilespmem:v11+s13+$0x0], $0xffff  }
0x32b: {  	v1 =	vadd.f32 v2, v1;
	v2 =	vmul.f32 v8, v3;
	v3 =	vld.idx.msk [tilespmem:v9+s12+$0x0], $0xffff  }
0x32c: {  	v8 =	vld.idx.msk [tilespmem:v9+s13+$0x0], $0xffff  }
0x32d: {  	v9 =	vld.idx.msk [tilespmem:v10+s12+$0x0], $0xffff;
	v1 =	vadd.f32 v2, v1;
	v2 =	vmul.f32 v5, v4  }
0x32e: {  	v11 =	vld.idx.msk [tilespmem:v10+s13+$0x0], $0xffff  }
0x32f: {  	v1 =	vadd.f32 v2, v1;
	v2 =	vmul.f32 v7, v6;
	_ =	sdelay $0x1  }
0x330: {  	v1 =	vadd.f32 v2, v1;
	v2 =	vmul.f32 v8, v3;
	_ =	sdelay $0x1  }
0x331: {  	v3 =	vor.u32 $0x1400, v0;
	v1 =	vadd.f32 v2, v1;
	v2 =	vmul.f32 v11, v9;
	_ =	sdelay $0x1  }
0x332: {  	v1 =	vadd.f32 v2, v1;
	v2 =	vor.u32 $0x1401, v0;
	_ =	sdelay $0x1  }
0x333: {  	[tilespmem:$0x4530] =	vst v1;
	v1 =	vor.u32 $0x1402, v0  }
0x334: {  	v4 =	vld.idx.msk [tilespmem:v3+s12+$0x0], $0xffff  }
0x335: {  	v5 =	vor.u32 $0x1403, v0;
	v3 =	vld.idx.msk [tilespmem:v3+s13+$0x0], $0xffff  }
0x336: {  	v6 =	vld.idx.msk [tilespmem:v2+s12+$0x0], $0xffff  }
0x337: {  	v7 =	vor.u32 $0x1404, v0;
	v2 =	vld.idx.msk [tilespmem:v2+s13+$0x0], $0xffff  }
0x338: {  	v8 =	vld.idx.msk [tilespmem:v1+s12+$0x0], $0xffff  }
0x339: {  	v9 =	vor.u32 $0x1405, v0;
	v1 =	vld.idx.msk [tilespmem:v1+s13+$0x0], $0xffff  }
0x33a: {  	v3 =	vmul.f32 v3, v4;
	v4 =	vld.idx.msk [tilespmem:v5+s12+$0x0], $0xffff  }
0x33b: {  	v10 =	vor.u32 $0x1406, v0;
	v5 =	vld.idx.msk [tilespmem:v5+s13+$0x0], $0xffff  }
0x33c: {  	v3 =	vadd.f32 $0.0e+00, v3;
	v2 =	vmul.f32 v2, v6;
	v6 =	vld.idx.msk [tilespmem:v7+s12+$0x0], $0xffff  }
0x33d: {  	v11 =	vor.u32 $0x1407, v0;
	v7 =	vld.idx.msk [tilespmem:v7+s13+$0x0], $0xffff  }
0x33e: {  	v2 =	vadd.f32 v2, v3;
	v1 =	vmul.f32 v1, v8;
	v3 =	vld.idx.msk [tilespmem:v9+s12+$0x0], $0xffff  }
0x33f: {  	v8 =	vld.idx.msk [tilespmem:v9+s13+$0x0], $0xffff;
	v9 =	vor.u32 $0x1408, v0  }
0x340: {  	v1 =	vadd.f32 v1, v2;
	v2 =	vmul.f32 v5, v4;
	v4 =	vld.idx.msk [tilespmem:v10+s12+$0x0], $0xffff  }
0x341: {  	v5 =	vld.idx.msk [tilespmem:v10+s13+$0x0], $0xffff;
	v10 =	vor.u32 $0x1409, v0  }
0x342: {  	v1 =	vadd.f32 v2, v1;
	v2 =	vmul.f32 v7, v6;
	v6 =	vld.idx.msk [tilespmem:v11+s12+$0x0], $0xffff  }
0x343: {  	v7 =	vld.idx.msk [tilespmem:v11+s13+$0x0], $0xffff;
	v11 =	vor.u32 $0x140A, v0  }
0x344: {  	v1 =	vadd.f32 v2, v1;
	v2 =	vmul.f32 v8, v3;
	v3 =	vld.idx.msk [tilespmem:v9+s12+$0x0], $0xffff  }
0x345: {  	v8 =	vld.idx.msk [tilespmem:v9+s13+$0x0], $0xffff;
	v9 =	vor.u32 $0x140B, v0  }
0x346: {  	v1 =	vadd.f32 v2, v1;
	v2 =	vmul.f32 v5, v4;
	v4 =	vld.idx.msk [tilespmem:v10+s12+$0x0], $0xffff  }
0x347: {  	v5 =	vld.idx.msk [tilespmem:v10+s13+$0x0], $0xffff;
	v10 =	vor.u32 $0x140C, v0  }
0x348: {  	v1 =	vadd.f32 v2, v1;
	v2 =	vmul.f32 v7, v6;
	v6 =	vld.idx.msk [tilespmem:v11+s12+$0x0], $0xffff  }
0x349: {  	v7 =	vld.idx.msk [tilespmem:v11+s13+$0x0], $0xffff;
	v11 =	vor.u32 $0x140D, v0  }
0x34a: {  	v1 =	vadd.f32 v2, v1;
	v2 =	vmul.f32 v8, v3;
	v3 =	vld.idx.msk [tilespmem:v9+s12+$0x0], $0xffff  }
0x34b: {  	v8 =	vld.idx.msk [tilespmem:v9+s13+$0x0], $0xffff;
	v9 =	vor.u32 $0x140E, v0  }
0x34c: {  	v1 =	vadd.f32 v2, v1;
	v2 =	vmul.f32 v5, v4;
	v4 =	vld.idx.msk [tilespmem:v10+s12+$0x0], $0xffff  }
0x34d: {  	v5 =	vld.idx.msk [tilespmem:v10+s13+$0x0], $0xffff;
	v10 =	vor.u32 $0x140F, v0  }
0x34e: {  	v1 =	vadd.f32 v2, v1;
	v2 =	vmul.f32 v7, v6;
	v6 =	vld.idx.msk [tilespmem:v11+s12+$0x0], $0xffff  }
0x34f: {  	v7 =	vld.idx.msk [tilespmem:v11+s13+$0x0], $0xffff  }
0x350: {  	v1 =	vadd.f32 v2, v1;
	v2 =	vmul.f32 v8, v3;
	v3 =	vld.idx.msk [tilespmem:v9+s12+$0x0], $0xffff  }
0x351: {  	v8 =	vld.idx.msk [tilespmem:v9+s13+$0x0], $0xffff  }
0x352: {  	v9 =	vld.idx.msk [tilespmem:v10+s12+$0x0], $0xffff;
	v1 =	vadd.f32 v2, v1;
	v2 =	vmul.f32 v5, v4  }
0x353: {  	v11 =	vld.idx.msk [tilespmem:v10+s13+$0x0], $0xffff  }
0x354: {  	v1 =	vadd.f32 v2, v1;
	v2 =	vmul.f32 v7, v6;
	_ =	sdelay $0x1  }
0x355: {  	v1 =	vadd.f32 v2, v1;
	v2 =	vmul.f32 v8, v3;
	_ =	sdelay $0x1  }
0x356: {  	v3 =	vor.u32 $0x1500, v0;
	v1 =	vadd.f32 v2, v1;
	v2 =	vmul.f32 v11, v9;
	_ =	sdelay $0x1  }
0x357: {  	v1 =	vadd.f32 v2, v1;
	v2 =	vor.u32 $0x1501, v0;
	_ =	sdelay $0x1  }
0x358: {  	[tilespmem:$0x4540] =	vst v1;
	v1 =	vor.u32 $0x1502, v0  }
0x359: {  	v4 =	vld.idx.msk [tilespmem:v3+s12+$0x0], $0xffff  }
0x35a: {  	v5 =	vor.u32 $0x1503, v0;
	v3 =	vld.idx.msk [tilespmem:v3+s13+$0x0], $0xffff  }
0x35b: {  	v6 =	vld.idx.msk [tilespmem:v2+s12+$0x0], $0xffff  }
0x35c: {  	v7 =	vor.u32 $0x1504, v0;
	v2 =	vld.idx.msk [tilespmem:v2+s13+$0x0], $0xffff  }
0x35d: {  	v8 =	vld.idx.msk [tilespmem:v1+s12+$0x0], $0xffff  }
0x35e: {  	v9 =	vor.u32 $0x1505, v0;
	v1 =	vld.idx.msk [tilespmem:v1+s13+$0x0], $0xffff  }
0x35f: {  	v3 =	vmul.f32 v3, v4;
	v4 =	vld.idx.msk [tilespmem:v5+s12+$0x0], $0xffff  }
0x360: {  	v10 =	vor.u32 $0x1506, v0;
	v5 =	vld.idx.msk [tilespmem:v5+s13+$0x0], $0xffff  }
0x361: {  	v3 =	vadd.f32 $0.0e+00, v3;
	v2 =	vmul.f32 v2, v6;
	v6 =	vld.idx.msk [tilespmem:v7+s12+$0x0], $0xffff  }
0x362: {  	v11 =	vor.u32 $0x1507, v0;
	v7 =	vld.idx.msk [tilespmem:v7+s13+$0x0], $0xffff  }
0x363: {  	v2 =	vadd.f32 v2, v3;
	v1 =	vmul.f32 v1, v8;
	v3 =	vld.idx.msk [tilespmem:v9+s12+$0x0], $0xffff  }
0x364: {  	v8 =	vld.idx.msk [tilespmem:v9+s13+$0x0], $0xffff;
	v9 =	vor.u32 $0x1508, v0  }
0x365: {  	v1 =	vadd.f32 v1, v2;
	v2 =	vmul.f32 v5, v4;
	v4 =	vld.idx.msk [tilespmem:v10+s12+$0x0], $0xffff  }
0x366: {  	v5 =	vld.idx.msk [tilespmem:v10+s13+$0x0], $0xffff;
	v10 =	vor.u32 $0x1509, v0  }
0x367: {  	v1 =	vadd.f32 v2, v1;
	v2 =	vmul.f32 v7, v6;
	v6 =	vld.idx.msk [tilespmem:v11+s12+$0x0], $0xffff  }
0x368: {  	v7 =	vld.idx.msk [tilespmem:v11+s13+$0x0], $0xffff;
	v11 =	vor.u32 $0x150A, v0  }
0x369: {  	v1 =	vadd.f32 v2, v1;
	v2 =	vmul.f32 v8, v3;
	v3 =	vld.idx.msk [tilespmem:v9+s12+$0x0], $0xffff  }
0x36a: {  	v8 =	vld.idx.msk [tilespmem:v9+s13+$0x0], $0xffff;
	v9 =	vor.u32 $0x150B, v0  }
0x36b: {  	v1 =	vadd.f32 v2, v1;
	v2 =	vmul.f32 v5, v4;
	v4 =	vld.idx.msk [tilespmem:v10+s12+$0x0], $0xffff  }
0x36c: {  	v5 =	vld.idx.msk [tilespmem:v10+s13+$0x0], $0xffff;
	v10 =	vor.u32 $0x150C, v0  }
0x36d: {  	v1 =	vadd.f32 v2, v1;
	v2 =	vmul.f32 v7, v6;
	v6 =	vld.idx.msk [tilespmem:v11+s12+$0x0], $0xffff  }
0x36e: {  	v7 =	vld.idx.msk [tilespmem:v11+s13+$0x0], $0xffff;
	v11 =	vor.u32 $0x150D, v0  }
0x36f: {  	v1 =	vadd.f32 v2, v1;
	v2 =	vmul.f32 v8, v3;
	v3 =	vld.idx.msk [tilespmem:v9+s12+$0x0], $0xffff  }
0x370: {  	v8 =	vld.idx.msk [tilespmem:v9+s13+$0x0], $0xffff;
	v9 =	vor.u32 $0x150E, v0  }
0x371: {  	v1 =	vadd.f32 v2, v1;
	v2 =	vmul.f32 v5, v4;
	v4 =	vld.idx.msk [tilespmem:v10+s12+$0x0], $0xffff  }
0x372: {  	v5 =	vld.idx.msk [tilespmem:v10+s13+$0x0], $0xffff;
	v10 =	vor.u32 $0x150F, v0  }
0x373: {  	v1 =	vadd.f32 v2, v1;
	v2 =	vmul.f32 v7, v6;
	v6 =	vld.idx.msk [tilespmem:v11+s12+$0x0], $0xffff  }
0x374: {  	v7 =	vld.idx.msk [tilespmem:v11+s13+$0x0], $0xffff  }
0x375: {  	v1 =	vadd.f32 v2, v1;
	v2 =	vmul.f32 v8, v3;
	v3 =	vld.idx.msk [tilespmem:v9+s12+$0x0], $0xffff  }
0x376: {  	v8 =	vld.idx.msk [tilespmem:v9+s13+$0x0], $0xffff  }
0x377: {  	v9 =	vld.idx.msk [tilespmem:v10+s12+$0x0], $0xffff;
	v1 =	vadd.f32 v2, v1;
	v2 =	vmul.f32 v5, v4  }
0x378: {  	v11 =	vld.idx.msk [tilespmem:v10+s13+$0x0], $0xffff  }
0x379: {  	v1 =	vadd.f32 v2, v1;
	v2 =	vmul.f32 v7, v6;
	_ =	sdelay $0x1  }
0x37a: {  	v1 =	vadd.f32 v2, v1;
	v2 =	vmul.f32 v8, v3;
	_ =	sdelay $0x1  }
0x37b: {  	v3 =	vor.u32 $0x1600, v0;
	v1 =	vadd.f32 v2, v1;
	v2 =	vmul.f32 v11, v9;
	_ =	sdelay $0x1  }
0x37c: {  	v1 =	vadd.f32 v2, v1;
	v2 =	vor.u32 $0x1601, v0;
	_ =	sdelay $0x1  }
0x37d: {  	[tilespmem:$0x4550] =	vst v1;
	v1 =	vor.u32 $0x1602, v0  }
0x37e: {  	v4 =	vld.idx.msk [tilespmem:v3+s12+$0x0], $0xffff  }
0x37f: {  	v5 =	vor.u32 $0x1603, v0;
	v3 =	vld.idx.msk [tilespmem:v3+s13+$0x0], $0xffff  }
0x380: {  	v6 =	vld.idx.msk [tilespmem:v2+s12+$0x0], $0xffff  }
0x381: {  	v7 =	vor.u32 $0x1604, v0;
	v2 =	vld.idx.msk [tilespmem:v2+s13+$0x0], $0xffff  }
0x382: {  	v8 =	vld.idx.msk [tilespmem:v1+s12+$0x0], $0xffff  }
0x383: {  	v9 =	vor.u32 $0x1605, v0;
	v1 =	vld.idx.msk [tilespmem:v1+s13+$0x0], $0xffff  }
0x384: {  	v3 =	vmul.f32 v3, v4;
	v4 =	vld.idx.msk [tilespmem:v5+s12+$0x0], $0xffff  }
0x385: {  	v10 =	vor.u32 $0x1606, v0;
	v5 =	vld.idx.msk [tilespmem:v5+s13+$0x0], $0xffff  }
0x386: {  	v3 =	vadd.f32 $0.0e+00, v3;
	v2 =	vmul.f32 v2, v6;
	v6 =	vld.idx.msk [tilespmem:v7+s12+$0x0], $0xffff  }
0x387: {  	v11 =	vor.u32 $0x1607, v0;
	v7 =	vld.idx.msk [tilespmem:v7+s13+$0x0], $0xffff  }
0x388: {  	v2 =	vadd.f32 v2, v3;
	v1 =	vmul.f32 v1, v8;
	v3 =	vld.idx.msk [tilespmem:v9+s12+$0x0], $0xffff  }
0x389: {  	v8 =	vld.idx.msk [tilespmem:v9+s13+$0x0], $0xffff;
	v9 =	vor.u32 $0x1608, v0  }
0x38a: {  	v1 =	vadd.f32 v1, v2;
	v2 =	vmul.f32 v5, v4;
	v4 =	vld.idx.msk [tilespmem:v10+s12+$0x0], $0xffff  }
0x38b: {  	v5 =	vld.idx.msk [tilespmem:v10+s13+$0x0], $0xffff;
	v10 =	vor.u32 $0x1609, v0  }
0x38c: {  	v1 =	vadd.f32 v2, v1;
	v2 =	vmul.f32 v7, v6;
	v6 =	vld.idx.msk [tilespmem:v11+s12+$0x0], $0xffff  }
0x38d: {  	v7 =	vld.idx.msk [tilespmem:v11+s13+$0x0], $0xffff;
	v11 =	vor.u32 $0x160A, v0  }
0x38e: {  	v1 =	vadd.f32 v2, v1;
	v2 =	vmul.f32 v8, v3;
	v3 =	vld.idx.msk [tilespmem:v9+s12+$0x0], $0xffff  }
0x38f: {  	v8 =	vld.idx.msk [tilespmem:v9+s13+$0x0], $0xffff;
	v9 =	vor.u32 $0x160B, v0  }
0x390: {  	v1 =	vadd.f32 v2, v1;
	v2 =	vmul.f32 v5, v4;
	v4 =	vld.idx.msk [tilespmem:v10+s12+$0x0], $0xffff  }
0x391: {  	v5 =	vld.idx.msk [tilespmem:v10+s13+$0x0], $0xffff;
	v10 =	vor.u32 $0x160C, v0  }
0x392: {  	v1 =	vadd.f32 v2, v1;
	v2 =	vmul.f32 v7, v6;
	v6 =	vld.idx.msk [tilespmem:v11+s12+$0x0], $0xffff  }
0x393: {  	v7 =	vld.idx.msk [tilespmem:v11+s13+$0x0], $0xffff;
	v11 =	vor.u32 $0x160D, v0  }
0x394: {  	v1 =	vadd.f32 v2, v1;
	v2 =	vmul.f32 v8, v3;
	v3 =	vld.idx.msk [tilespmem:v9+s12+$0x0], $0xffff  }
0x395: {  	v8 =	vld.idx.msk [tilespmem:v9+s13+$0x0], $0xffff;
	v9 =	vor.u32 $0x160E, v0  }
0x396: {  	v1 =	vadd.f32 v2, v1;
	v2 =	vmul.f32 v5, v4;
	v4 =	vld.idx.msk [tilespmem:v10+s12+$0x0], $0xffff  }
0x397: {  	v5 =	vld.idx.msk [tilespmem:v10+s13+$0x0], $0xffff;
	v10 =	vor.u32 $0x160F, v0  }
0x398: {  	v1 =	vadd.f32 v2, v1;
	v2 =	vmul.f32 v7, v6;
	v6 =	vld.idx.msk [tilespmem:v11+s12+$0x0], $0xffff  }
0x399: {  	v7 =	vld.idx.msk [tilespmem:v11+s13+$0x0], $0xffff  }
0x39a: {  	v1 =	vadd.f32 v2, v1;
	v2 =	vmul.f32 v8, v3;
	v3 =	vld.idx.msk [tilespmem:v9+s12+$0x0], $0xffff  }
0x39b: {  	v8 =	vld.idx.msk [tilespmem:v9+s13+$0x0], $0xffff  }
0x39c: {  	v9 =	vld.idx.msk [tilespmem:v10+s12+$0x0], $0xffff;
	v1 =	vadd.f32 v2, v1;
	v2 =	vmul.f32 v5, v4  }
0x39d: {  	v11 =	vld.idx.msk [tilespmem:v10+s13+$0x0], $0xffff  }
0x39e: {  	v1 =	vadd.f32 v2, v1;
	v2 =	vmul.f32 v7, v6;
	_ =	sdelay $0x1  }
0x39f: {  	v1 =	vadd.f32 v2, v1;
	v2 =	vmul.f32 v8, v3;
	_ =	sdelay $0x1  }
0x3a0: {  	v3 =	vor.u32 $0x1700, v0;
	v1 =	vadd.f32 v2, v1;
	v2 =	vmul.f32 v11, v9;
	_ =	sdelay $0x1  }
0x3a1: {  	v1 =	vadd.f32 v2, v1;
	v2 =	vor.u32 $0x1701, v0;
	_ =	sdelay $0x1  }
0x3a2: {  	[tilespmem:$0x4560] =	vst v1;
	v1 =	vor.u32 $0x1702, v0  }
0x3a3: {  	v4 =	vld.idx.msk [tilespmem:v3+s12+$0x0], $0xffff  }
0x3a4: {  	v5 =	vor.u32 $0x1703, v0;
	v3 =	vld.idx.msk [tilespmem:v3+s13+$0x0], $0xffff  }
0x3a5: {  	v6 =	vld.idx.msk [tilespmem:v2+s12+$0x0], $0xffff  }
0x3a6: {  	v7 =	vor.u32 $0x1704, v0;
	v2 =	vld.idx.msk [tilespmem:v2+s13+$0x0], $0xffff  }
0x3a7: {  	v8 =	vld.idx.msk [tilespmem:v1+s12+$0x0], $0xffff  }
0x3a8: {  	v9 =	vor.u32 $0x1705, v0;
	v1 =	vld.idx.msk [tilespmem:v1+s13+$0x0], $0xffff  }
0x3a9: {  	v3 =	vmul.f32 v3, v4;
	v4 =	vld.idx.msk [tilespmem:v5+s12+$0x0], $0xffff  }
0x3aa: {  	v10 =	vor.u32 $0x1706, v0;
	v5 =	vld.idx.msk [tilespmem:v5+s13+$0x0], $0xffff  }
0x3ab: {  	v3 =	vadd.f32 $0.0e+00, v3;
	v2 =	vmul.f32 v2, v6;
	v6 =	vld.idx.msk [tilespmem:v7+s12+$0x0], $0xffff  }
0x3ac: {  	v11 =	vor.u32 $0x1707, v0;
	v7 =	vld.idx.msk [tilespmem:v7+s13+$0x0], $0xffff  }
0x3ad: {  	v2 =	vadd.f32 v2, v3;
	v1 =	vmul.f32 v1, v8;
	v3 =	vld.idx.msk [tilespmem:v9+s12+$0x0], $0xffff  }
0x3ae: {  	v8 =	vld.idx.msk [tilespmem:v9+s13+$0x0], $0xffff;
	v9 =	vor.u32 $0x1708, v0  }
0x3af: {  	v1 =	vadd.f32 v1, v2;
	v2 =	vmul.f32 v5, v4;
	v4 =	vld.idx.msk [tilespmem:v10+s12+$0x0], $0xffff  }
0x3b0: {  	v5 =	vld.idx.msk [tilespmem:v10+s13+$0x0], $0xffff;
	v10 =	vor.u32 $0x1709, v0  }
0x3b1: {  	v1 =	vadd.f32 v2, v1;
	v2 =	vmul.f32 v7, v6;
	v6 =	vld.idx.msk [tilespmem:v11+s12+$0x0], $0xffff  }
0x3b2: {  	v7 =	vld.idx.msk [tilespmem:v11+s13+$0x0], $0xffff;
	v11 =	vor.u32 $0x170A, v0  }
0x3b3: {  	v1 =	vadd.f32 v2, v1;
	v2 =	vmul.f32 v8, v3;
	v3 =	vld.idx.msk [tilespmem:v9+s12+$0x0], $0xffff  }
0x3b4: {  	v8 =	vld.idx.msk [tilespmem:v9+s13+$0x0], $0xffff;
	v9 =	vor.u32 $0x170B, v0  }
0x3b5: {  	v1 =	vadd.f32 v2, v1;
	v2 =	vmul.f32 v5, v4;
	v4 =	vld.idx.msk [tilespmem:v10+s12+$0x0], $0xffff  }
0x3b6: {  	v5 =	vld.idx.msk [tilespmem:v10+s13+$0x0], $0xffff;
	v10 =	vor.u32 $0x170C, v0  }
0x3b7: {  	v1 =	vadd.f32 v2, v1;
	v2 =	vmul.f32 v7, v6;
	v6 =	vld.idx.msk [tilespmem:v11+s12+$0x0], $0xffff  }
0x3b8: {  	v7 =	vld.idx.msk [tilespmem:v11+s13+$0x0], $0xffff;
	v11 =	vor.u32 $0x170D, v0  }
0x3b9: {  	v1 =	vadd.f32 v2, v1;
	v2 =	vmul.f32 v8, v3;
	v3 =	vld.idx.msk [tilespmem:v9+s12+$0x0], $0xffff  }
0x3ba: {  	v8 =	vld.idx.msk [tilespmem:v9+s13+$0x0], $0xffff;
	v9 =	vor.u32 $0x170E, v0  }
0x3bb: {  	v1 =	vadd.f32 v2, v1;
	v2 =	vmul.f32 v5, v4;
	v4 =	vld.idx.msk [tilespmem:v10+s12+$0x0], $0xffff  }
0x3bc: {  	v5 =	vld.idx.msk [tilespmem:v10+s13+$0x0], $0xffff;
	v10 =	vor.u32 $0x170F, v0  }
0x3bd: {  	v1 =	vadd.f32 v2, v1;
	v2 =	vmul.f32 v7, v6;
	v6 =	vld.idx.msk [tilespmem:v11+s12+$0x0], $0xffff  }
0x3be: {  	v7 =	vld.idx.msk [tilespmem:v11+s13+$0x0], $0xffff  }
0x3bf: {  	v1 =	vadd.f32 v2, v1;
	v2 =	vmul.f32 v8, v3;
	v3 =	vld.idx.msk [tilespmem:v9+s12+$0x0], $0xffff  }
0x3c0: {  	v8 =	vld.idx.msk [tilespmem:v9+s13+$0x0], $0xffff  }
0x3c1: {  	v9 =	vld.idx.msk [tilespmem:v10+s12+$0x0], $0xffff;
	v1 =	vadd.f32 v2, v1;
	v2 =	vmul.f32 v5, v4  }
0x3c2: {  	v11 =	vld.idx.msk [tilespmem:v10+s13+$0x0], $0xffff  }
0x3c3: {  	v1 =	vadd.f32 v2, v1;
	v2 =	vmul.f32 v7, v6;
	_ =	sdelay $0x1  }
0x3c4: {  	v1 =	vadd.f32 v2, v1;
	v2 =	vmul.f32 v8, v3;
	_ =	sdelay $0x1  }
0x3c5: {  	v3 =	vor.u32 $0x1800, v0;
	v1 =	vadd.f32 v2, v1;
	v2 =	vmul.f32 v11, v9;
	_ =	sdelay $0x1  }
0x3c6: {  	v1 =	vadd.f32 v2, v1;
	v2 =	vor.u32 $0x1801, v0;
	_ =	sdelay $0x1  }
0x3c7: {  	[tilespmem:$0x4570] =	vst v1;
	v1 =	vor.u32 $0x1802, v0  }
0x3c8: {  	v4 =	vld.idx.msk [tilespmem:v3+s12+$0x0], $0xffff  }
0x3c9: {  	v5 =	vor.u32 $0x1803, v0;
	v3 =	vld.idx.msk [tilespmem:v3+s13+$0x0], $0xffff  }
0x3ca: {  	v6 =	vld.idx.msk [tilespmem:v2+s12+$0x0], $0xffff  }
0x3cb: {  	v7 =	vor.u32 $0x1804, v0;
	v2 =	vld.idx.msk [tilespmem:v2+s13+$0x0], $0xffff  }
0x3cc: {  	v8 =	vld.idx.msk [tilespmem:v1+s12+$0x0], $0xffff  }
0x3cd: {  	v9 =	vor.u32 $0x1805, v0;
	v1 =	vld.idx.msk [tilespmem:v1+s13+$0x0], $0xffff  }
0x3ce: {  	v3 =	vmul.f32 v3, v4;
	v4 =	vld.idx.msk [tilespmem:v5+s12+$0x0], $0xffff  }
0x3cf: {  	v10 =	vor.u32 $0x1806, v0;
	v5 =	vld.idx.msk [tilespmem:v5+s13+$0x0], $0xffff  }
0x3d0: {  	v3 =	vadd.f32 $0.0e+00, v3;
	v2 =	vmul.f32 v2, v6;
	v6 =	vld.idx.msk [tilespmem:v7+s12+$0x0], $0xffff  }
0x3d1: {  	v11 =	vor.u32 $0x1807, v0;
	v7 =	vld.idx.msk [tilespmem:v7+s13+$0x0], $0xffff  }
0x3d2: {  	v2 =	vadd.f32 v2, v3;
	v1 =	vmul.f32 v1, v8;
	v3 =	vld.idx.msk [tilespmem:v9+s12+$0x0], $0xffff  }
0x3d3: {  	v8 =	vld.idx.msk [tilespmem:v9+s13+$0x0], $0xffff;
	v9 =	vor.u32 $0x1808, v0  }
0x3d4: {  	v1 =	vadd.f32 v1, v2;
	v2 =	vmul.f32 v5, v4;
	v4 =	vld.idx.msk [tilespmem:v10+s12+$0x0], $0xffff  }
0x3d5: {  	v5 =	vld.idx.msk [tilespmem:v10+s13+$0x0], $0xffff;
	v10 =	vor.u32 $0x1809, v0  }
0x3d6: {  	v1 =	vadd.f32 v2, v1;
	v2 =	vmul.f32 v7, v6;
	v6 =	vld.idx.msk [tilespmem:v11+s12+$0x0], $0xffff  }
0x3d7: {  	v7 =	vld.idx.msk [tilespmem:v11+s13+$0x0], $0xffff;
	v11 =	vor.u32 $0x180A, v0  }
0x3d8: {  	v1 =	vadd.f32 v2, v1;
	v2 =	vmul.f32 v8, v3;
	v3 =	vld.idx.msk [tilespmem:v9+s12+$0x0], $0xffff  }
0x3d9: {  	v8 =	vld.idx.msk [tilespmem:v9+s13+$0x0], $0xffff;
	v9 =	vor.u32 $0x180B, v0  }
0x3da: {  	v1 =	vadd.f32 v2, v1;
	v2 =	vmul.f32 v5, v4;
	v4 =	vld.idx.msk [tilespmem:v10+s12+$0x0], $0xffff  }
0x3db: {  	v5 =	vld.idx.msk [tilespmem:v10+s13+$0x0], $0xffff;
	v10 =	vor.u32 $0x180C, v0  }
0x3dc: {  	v1 =	vadd.f32 v2, v1;
	v2 =	vmul.f32 v7, v6;
	v6 =	vld.idx.msk [tilespmem:v11+s12+$0x0], $0xffff  }
0x3dd: {  	v7 =	vld.idx.msk [tilespmem:v11+s13+$0x0], $0xffff;
	v11 =	vor.u32 $0x180D, v0  }
0x3de: {  	v1 =	vadd.f32 v2, v1;
	v2 =	vmul.f32 v8, v3;
	v3 =	vld.idx.msk [tilespmem:v9+s12+$0x0], $0xffff  }
0x3df: {  	v8 =	vld.idx.msk [tilespmem:v9+s13+$0x0], $0xffff;
	v9 =	vor.u32 $0x180E, v0  }
0x3e0: {  	v1 =	vadd.f32 v2, v1;
	v2 =	vmul.f32 v5, v4;
	v4 =	vld.idx.msk [tilespmem:v10+s12+$0x0], $0xffff  }
0x3e1: {  	v5 =	vld.idx.msk [tilespmem:v10+s13+$0x0], $0xffff;
	v10 =	vor.u32 $0x180F, v0  }
0x3e2: {  	v1 =	vadd.f32 v2, v1;
	v2 =	vmul.f32 v7, v6;
	v6 =	vld.idx.msk [tilespmem:v11+s12+$0x0], $0xffff  }
0x3e3: {  	v7 =	vld.idx.msk [tilespmem:v11+s13+$0x0], $0xffff  }
0x3e4: {  	v1 =	vadd.f32 v2, v1;
	v2 =	vmul.f32 v8, v3;
	v3 =	vld.idx.msk [tilespmem:v9+s12+$0x0], $0xffff  }
0x3e5: {  	v8 =	vld.idx.msk [tilespmem:v9+s13+$0x0], $0xffff  }
0x3e6: {  	v9 =	vld.idx.msk [tilespmem:v10+s12+$0x0], $0xffff;
	v1 =	vadd.f32 v2, v1;
	v2 =	vmul.f32 v5, v4  }
0x3e7: {  	v11 =	vld.idx.msk [tilespmem:v10+s13+$0x0], $0xffff  }
0x3e8: {  	v1 =	vadd.f32 v2, v1;
	v2 =	vmul.f32 v7, v6;
	_ =	sdelay $0x1  }
0x3e9: {  	v1 =	vadd.f32 v2, v1;
	v2 =	vmul.f32 v8, v3;
	_ =	sdelay $0x1  }
0x3ea: {  	v3 =	vor.u32 $0x1900, v0;
	v1 =	vadd.f32 v2, v1;
	v2 =	vmul.f32 v11, v9;
	_ =	sdelay $0x1  }
0x3eb: {  	v1 =	vadd.f32 v2, v1;
	v2 =	vor.u32 $0x1901, v0;
	_ =	sdelay $0x1  }
0x3ec: {  	[tilespmem:$0x4580] =	vst v1;
	v1 =	vor.u32 $0x1902, v0  }
0x3ed: {  	v4 =	vld.idx.msk [tilespmem:v3+s12+$0x0], $0xffff  }
0x3ee: {  	v5 =	vor.u32 $0x1903, v0;
	v3 =	vld.idx.msk [tilespmem:v3+s13+$0x0], $0xffff  }
0x3ef: {  	v6 =	vld.idx.msk [tilespmem:v2+s12+$0x0], $0xffff  }
0x3f0: {  	v7 =	vor.u32 $0x1904, v0;
	v2 =	vld.idx.msk [tilespmem:v2+s13+$0x0], $0xffff  }
0x3f1: {  	v8 =	vld.idx.msk [tilespmem:v1+s12+$0x0], $0xffff  }
0x3f2: {  	v9 =	vor.u32 $0x1905, v0;
	v1 =	vld.idx.msk [tilespmem:v1+s13+$0x0], $0xffff  }
0x3f3: {  	v3 =	vmul.f32 v3, v4;
	v4 =	vld.idx.msk [tilespmem:v5+s12+$0x0], $0xffff  }
0x3f4: {  	v10 =	vor.u32 $0x1906, v0;
	v5 =	vld.idx.msk [tilespmem:v5+s13+$0x0], $0xffff  }
0x3f5: {  	v3 =	vadd.f32 $0.0e+00, v3;
	v2 =	vmul.f32 v2, v6;
	v6 =	vld.idx.msk [tilespmem:v7+s12+$0x0], $0xffff  }
0x3f6: {  	v11 =	vor.u32 $0x1907, v0;
	v7 =	vld.idx.msk [tilespmem:v7+s13+$0x0], $0xffff  }
0x3f7: {  	v2 =	vadd.f32 v2, v3;
	v1 =	vmul.f32 v1, v8;
	v3 =	vld.idx.msk [tilespmem:v9+s12+$0x0], $0xffff  }
0x3f8: {  	v8 =	vld.idx.msk [tilespmem:v9+s13+$0x0], $0xffff;
	v9 =	vor.u32 $0x1908, v0  }
0x3f9: {  	v1 =	vadd.f32 v1, v2;
	v2 =	vmul.f32 v5, v4;
	v4 =	vld.idx.msk [tilespmem:v10+s12+$0x0], $0xffff  }
0x3fa: {  	v5 =	vld.idx.msk [tilespmem:v10+s13+$0x0], $0xffff;
	v10 =	vor.u32 $0x1909, v0  }
0x3fb: {  	v1 =	vadd.f32 v2, v1;
	v2 =	vmul.f32 v7, v6;
	v6 =	vld.idx.msk [tilespmem:v11+s12+$0x0], $0xffff  }
0x3fc: {  	v7 =	vld.idx.msk [tilespmem:v11+s13+$0x0], $0xffff;
	v11 =	vor.u32 $0x190A, v0  }
0x3fd: {  	v1 =	vadd.f32 v2, v1;
	v2 =	vmul.f32 v8, v3;
	v3 =	vld.idx.msk [tilespmem:v9+s12+$0x0], $0xffff  }
0x3fe: {  	v8 =	vld.idx.msk [tilespmem:v9+s13+$0x0], $0xffff;
	v9 =	vor.u32 $0x190B, v0  }
0x3ff: {  	v1 =	vadd.f32 v2, v1;
	v2 =	vmul.f32 v5, v4;
	v4 =	vld.idx.msk [tilespmem:v10+s12+$0x0], $0xffff  }
0x400: {  	v5 =	vld.idx.msk [tilespmem:v10+s13+$0x0], $0xffff;
	v10 =	vor.u32 $0x190C, v0  }
0x401: {  	v1 =	vadd.f32 v2, v1;
	v2 =	vmul.f32 v7, v6;
	v6 =	vld.idx.msk [tilespmem:v11+s12+$0x0], $0xffff  }
0x402: {  	v7 =	vld.idx.msk [tilespmem:v11+s13+$0x0], $0xffff;
	v11 =	vor.u32 $0x190D, v0  }
0x403: {  	v1 =	vadd.f32 v2, v1;
	v2 =	vmul.f32 v8, v3;
	v3 =	vld.idx.msk [tilespmem:v9+s12+$0x0], $0xffff  }
0x404: {  	v8 =	vld.idx.msk [tilespmem:v9+s13+$0x0], $0xffff;
	v9 =	vor.u32 $0x190E, v0  }
0x405: {  	v1 =	vadd.f32 v2, v1;
	v2 =	vmul.f32 v5, v4;
	v4 =	vld.idx.msk [tilespmem:v10+s12+$0x0], $0xffff  }
0x406: {  	v5 =	vld.idx.msk [tilespmem:v10+s13+$0x0], $0xffff;
	v10 =	vor.u32 $0x190F, v0  }
0x407: {  	v1 =	vadd.f32 v2, v1;
	v2 =	vmul.f32 v7, v6;
	v6 =	vld.idx.msk [tilespmem:v11+s12+$0x0], $0xffff  }
0x408: {  	v7 =	vld.idx.msk [tilespmem:v11+s13+$0x0], $0xffff  }
0x409: {  	v1 =	vadd.f32 v2, v1;
	v2 =	vmul.f32 v8, v3;
	v3 =	vld.idx.msk [tilespmem:v9+s12+$0x0], $0xffff  }
0x40a: {  	v8 =	vld.idx.msk [tilespmem:v9+s13+$0x0], $0xffff  }
0x40b: {  	v9 =	vld.idx.msk [tilespmem:v10+s12+$0x0], $0xffff;
	v1 =	vadd.f32 v2, v1;
	v2 =	vmul.f32 v5, v4  }
0x40c: {  	v11 =	vld.idx.msk [tilespmem:v10+s13+$0x0], $0xffff  }
0x40d: {  	v1 =	vadd.f32 v2, v1;
	v2 =	vmul.f32 v7, v6;
	_ =	sdelay $0x1  }
0x40e: {  	v1 =	vadd.f32 v2, v1;
	v2 =	vmul.f32 v8, v3;
	_ =	sdelay $0x1  }
0x40f: {  	v3 =	vor.u32 $0x1A00, v0;
	v1 =	vadd.f32 v2, v1;
	v2 =	vmul.f32 v11, v9;
	_ =	sdelay $0x1  }
0x410: {  	v1 =	vadd.f32 v2, v1;
	v2 =	vor.u32 $0x1A01, v0;
	_ =	sdelay $0x1  }
0x411: {  	[tilespmem:$0x4590] =	vst v1;
	v1 =	vor.u32 $0x1A02, v0  }
0x412: {  	v4 =	vld.idx.msk [tilespmem:v3+s12+$0x0], $0xffff  }
0x413: {  	v5 =	vor.u32 $0x1A03, v0;
	v3 =	vld.idx.msk [tilespmem:v3+s13+$0x0], $0xffff  }
0x414: {  	v6 =	vld.idx.msk [tilespmem:v2+s12+$0x0], $0xffff  }
0x415: {  	v7 =	vor.u32 $0x1A04, v0;
	v2 =	vld.idx.msk [tilespmem:v2+s13+$0x0], $0xffff  }
0x416: {  	v8 =	vld.idx.msk [tilespmem:v1+s12+$0x0], $0xffff  }
0x417: {  	v9 =	vor.u32 $0x1A05, v0;
	v1 =	vld.idx.msk [tilespmem:v1+s13+$0x0], $0xffff  }
0x418: {  	v3 =	vmul.f32 v3, v4;
	v4 =	vld.idx.msk [tilespmem:v5+s12+$0x0], $0xffff  }
0x419: {  	v10 =	vor.u32 $0x1A06, v0;
	v5 =	vld.idx.msk [tilespmem:v5+s13+$0x0], $0xffff  }
0x41a: {  	v3 =	vadd.f32 $0.0e+00, v3;
	v2 =	vmul.f32 v2, v6;
	v6 =	vld.idx.msk [tilespmem:v7+s12+$0x0], $0xffff  }
0x41b: {  	v11 =	vor.u32 $0x1A07, v0;
	v7 =	vld.idx.msk [tilespmem:v7+s13+$0x0], $0xffff  }
0x41c: {  	v2 =	vadd.f32 v2, v3;
	v1 =	vmul.f32 v1, v8;
	v3 =	vld.idx.msk [tilespmem:v9+s12+$0x0], $0xffff  }
0x41d: {  	v8 =	vld.idx.msk [tilespmem:v9+s13+$0x0], $0xffff;
	v9 =	vor.u32 $0x1A08, v0  }
0x41e: {  	v1 =	vadd.f32 v1, v2;
	v2 =	vmul.f32 v5, v4;
	v4 =	vld.idx.msk [tilespmem:v10+s12+$0x0], $0xffff  }
0x41f: {  	v5 =	vld.idx.msk [tilespmem:v10+s13+$0x0], $0xffff;
	v10 =	vor.u32 $0x1A09, v0  }
0x420: {  	v1 =	vadd.f32 v2, v1;
	v2 =	vmul.f32 v7, v6;
	v6 =	vld.idx.msk [tilespmem:v11+s12+$0x0], $0xffff  }
0x421: {  	v7 =	vld.idx.msk [tilespmem:v11+s13+$0x0], $0xffff;
	v11 =	vor.u32 $0x1A0A, v0  }
0x422: {  	v1 =	vadd.f32 v2, v1;
	v2 =	vmul.f32 v8, v3;
	v3 =	vld.idx.msk [tilespmem:v9+s12+$0x0], $0xffff  }
0x423: {  	v8 =	vld.idx.msk [tilespmem:v9+s13+$0x0], $0xffff;
	v9 =	vor.u32 $0x1A0B, v0  }
0x424: {  	v1 =	vadd.f32 v2, v1;
	v2 =	vmul.f32 v5, v4;
	v4 =	vld.idx.msk [tilespmem:v10+s12+$0x0], $0xffff  }
0x425: {  	v5 =	vld.idx.msk [tilespmem:v10+s13+$0x0], $0xffff;
	v10 =	vor.u32 $0x1A0C, v0  }
0x426: {  	v1 =	vadd.f32 v2, v1;
	v2 =	vmul.f32 v7, v6;
	v6 =	vld.idx.msk [tilespmem:v11+s12+$0x0], $0xffff  }
0x427: {  	v7 =	vld.idx.msk [tilespmem:v11+s13+$0x0], $0xffff;
	v11 =	vor.u32 $0x1A0D, v0  }
0x428: {  	v1 =	vadd.f32 v2, v1;
	v2 =	vmul.f32 v8, v3;
	v3 =	vld.idx.msk [tilespmem:v9+s12+$0x0], $0xffff  }
0x429: {  	v8 =	vld.idx.msk [tilespmem:v9+s13+$0x0], $0xffff;
	v9 =	vor.u32 $0x1A0E, v0  }
0x42a: {  	v1 =	vadd.f32 v2, v1;
	v2 =	vmul.f32 v5, v4;
	v4 =	vld.idx.msk [tilespmem:v10+s12+$0x0], $0xffff  }
0x42b: {  	v5 =	vld.idx.msk [tilespmem:v10+s13+$0x0], $0xffff;
	v10 =	vor.u32 $0x1A0F, v0  }
0x42c: {  	v1 =	vadd.f32 v2, v1;
	v2 =	vmul.f32 v7, v6;
	v6 =	vld.idx.msk [tilespmem:v11+s12+$0x0], $0xffff  }
0x42d: {  	v7 =	vld.idx.msk [tilespmem:v11+s13+$0x0], $0xffff  }
0x42e: {  	v1 =	vadd.f32 v2, v1;
	v2 =	vmul.f32 v8, v3;
	v3 =	vld.idx.msk [tilespmem:v9+s12+$0x0], $0xffff  }
0x42f: {  	v8 =	vld.idx.msk [tilespmem:v9+s13+$0x0], $0xffff  }
0x430: {  	v9 =	vld.idx.msk [tilespmem:v10+s12+$0x0], $0xffff;
	v1 =	vadd.f32 v2, v1;
	v2 =	vmul.f32 v5, v4  }
0x431: {  	v11 =	vld.idx.msk [tilespmem:v10+s13+$0x0], $0xffff  }
0x432: {  	v1 =	vadd.f32 v2, v1;
	v2 =	vmul.f32 v7, v6;
	_ =	sdelay $0x1  }
0x433: {  	v1 =	vadd.f32 v2, v1;
	v2 =	vmul.f32 v8, v3;
	_ =	sdelay $0x1  }
0x434: {  	v3 =	vor.u32 $0x1B00, v0;
	v1 =	vadd.f32 v2, v1;
	v2 =	vmul.f32 v11, v9;
	_ =	sdelay $0x1  }
0x435: {  	v1 =	vadd.f32 v2, v1;
	v2 =	vor.u32 $0x1B01, v0;
	_ =	sdelay $0x1  }
0x436: {  	[tilespmem:$0x45A0] =	vst v1;
	v1 =	vor.u32 $0x1B02, v0  }
0x437: {  	v4 =	vld.idx.msk [tilespmem:v3+s12+$0x0], $0xffff  }
0x438: {  	v5 =	vor.u32 $0x1B03, v0;
	v3 =	vld.idx.msk [tilespmem:v3+s13+$0x0], $0xffff  }
0x439: {  	v6 =	vld.idx.msk [tilespmem:v2+s12+$0x0], $0xffff  }
0x43a: {  	v7 =	vor.u32 $0x1B04, v0;
	v2 =	vld.idx.msk [tilespmem:v2+s13+$0x0], $0xffff  }
0x43b: {  	v8 =	vld.idx.msk [tilespmem:v1+s12+$0x0], $0xffff  }
0x43c: {  	v9 =	vor.u32 $0x1B05, v0;
	v1 =	vld.idx.msk [tilespmem:v1+s13+$0x0], $0xffff  }
0x43d: {  	v3 =	vmul.f32 v3, v4;
	v4 =	vld.idx.msk [tilespmem:v5+s12+$0x0], $0xffff  }
0x43e: {  	v10 =	vor.u32 $0x1B06, v0;
	v5 =	vld.idx.msk [tilespmem:v5+s13+$0x0], $0xffff  }
0x43f: {  	v3 =	vadd.f32 $0.0e+00, v3;
	v2 =	vmul.f32 v2, v6;
	v6 =	vld.idx.msk [tilespmem:v7+s12+$0x0], $0xffff  }
0x440: {  	v11 =	vor.u32 $0x1B07, v0;
	v7 =	vld.idx.msk [tilespmem:v7+s13+$0x0], $0xffff  }
0x441: {  	v2 =	vadd.f32 v2, v3;
	v1 =	vmul.f32 v1, v8;
	v3 =	vld.idx.msk [tilespmem:v9+s12+$0x0], $0xffff  }
0x442: {  	v8 =	vld.idx.msk [tilespmem:v9+s13+$0x0], $0xffff;
	v9 =	vor.u32 $0x1B08, v0  }
0x443: {  	v1 =	vadd.f32 v1, v2;
	v2 =	vmul.f32 v5, v4;
	v4 =	vld.idx.msk [tilespmem:v10+s12+$0x0], $0xffff  }
0x444: {  	v5 =	vld.idx.msk [tilespmem:v10+s13+$0x0], $0xffff;
	v10 =	vor.u32 $0x1B09, v0  }
0x445: {  	v1 =	vadd.f32 v2, v1;
	v2 =	vmul.f32 v7, v6;
	v6 =	vld.idx.msk [tilespmem:v11+s12+$0x0], $0xffff  }
0x446: {  	v7 =	vld.idx.msk [tilespmem:v11+s13+$0x0], $0xffff;
	v11 =	vor.u32 $0x1B0A, v0  }
0x447: {  	v1 =	vadd.f32 v2, v1;
	v2 =	vmul.f32 v8, v3;
	v3 =	vld.idx.msk [tilespmem:v9+s12+$0x0], $0xffff  }
0x448: {  	v8 =	vld.idx.msk [tilespmem:v9+s13+$0x0], $0xffff;
	v9 =	vor.u32 $0x1B0B, v0  }
0x449: {  	v1 =	vadd.f32 v2, v1;
	v2 =	vmul.f32 v5, v4;
	v4 =	vld.idx.msk [tilespmem:v10+s12+$0x0], $0xffff  }
0x44a: {  	v5 =	vld.idx.msk [tilespmem:v10+s13+$0x0], $0xffff;
	v10 =	vor.u32 $0x1B0C, v0  }
0x44b: {  	v1 =	vadd.f32 v2, v1;
	v2 =	vmul.f32 v7, v6;
	v6 =	vld.idx.msk [tilespmem:v11+s12+$0x0], $0xffff  }
0x44c: {  	v7 =	vld.idx.msk [tilespmem:v11+s13+$0x0], $0xffff;
	v11 =	vor.u32 $0x1B0D, v0  }
0x44d: {  	v1 =	vadd.f32 v2, v1;
	v2 =	vmul.f32 v8, v3;
	v3 =	vld.idx.msk [tilespmem:v9+s12+$0x0], $0xffff  }
0x44e: {  	v8 =	vld.idx.msk [tilespmem:v9+s13+$0x0], $0xffff;
	v9 =	vor.u32 $0x1B0E, v0  }
0x44f: {  	v1 =	vadd.f32 v2, v1;
	v2 =	vmul.f32 v5, v4;
	v4 =	vld.idx.msk [tilespmem:v10+s12+$0x0], $0xffff  }
0x450: {  	v5 =	vld.idx.msk [tilespmem:v10+s13+$0x0], $0xffff;
	v10 =	vor.u32 $0x1B0F, v0  }
0x451: {  	v1 =	vadd.f32 v2, v1;
	v2 =	vmul.f32 v7, v6;
	v6 =	vld.idx.msk [tilespmem:v11+s12+$0x0], $0xffff  }
0x452: {  	v7 =	vld.idx.msk [tilespmem:v11+s13+$0x0], $0xffff  }
0x453: {  	v1 =	vadd.f32 v2, v1;
	v2 =	vmul.f32 v8, v3;
	v3 =	vld.idx.msk [tilespmem:v9+s12+$0x0], $0xffff  }
0x454: {  	v8 =	vld.idx.msk [tilespmem:v9+s13+$0x0], $0xffff  }
0x455: {  	v9 =	vld.idx.msk [tilespmem:v10+s12+$0x0], $0xffff;
	v1 =	vadd.f32 v2, v1;
	v2 =	vmul.f32 v5, v4  }
0x456: {  	v11 =	vld.idx.msk [tilespmem:v10+s13+$0x0], $0xffff  }
0x457: {  	v1 =	vadd.f32 v2, v1;
	v2 =	vmul.f32 v7, v6;
	_ =	sdelay $0x1  }
0x458: {  	v1 =	vadd.f32 v2, v1;
	v2 =	vmul.f32 v8, v3;
	_ =	sdelay $0x1  }
0x459: {  	v3 =	vor.u32 $0x1C00, v0;
	v1 =	vadd.f32 v2, v1;
	v2 =	vmul.f32 v11, v9;
	_ =	sdelay $0x1  }
0x45a: {  	v1 =	vadd.f32 v2, v1;
	v2 =	vor.u32 $0x1C01, v0;
	_ =	sdelay $0x1  }
0x45b: {  	[tilespmem:$0x45B0] =	vst v1;
	v1 =	vor.u32 $0x1C02, v0  }
0x45c: {  	v4 =	vld.idx.msk [tilespmem:v3+s12+$0x0], $0xffff  }
0x45d: {  	v5 =	vor.u32 $0x1C03, v0;
	v3 =	vld.idx.msk [tilespmem:v3+s13+$0x0], $0xffff  }
0x45e: {  	v6 =	vld.idx.msk [tilespmem:v2+s12+$0x0], $0xffff  }
0x45f: {  	v7 =	vor.u32 $0x1C04, v0;
	v2 =	vld.idx.msk [tilespmem:v2+s13+$0x0], $0xffff  }
0x460: {  	v8 =	vld.idx.msk [tilespmem:v1+s12+$0x0], $0xffff  }
0x461: {  	v9 =	vor.u32 $0x1C05, v0;
	v1 =	vld.idx.msk [tilespmem:v1+s13+$0x0], $0xffff  }
0x462: {  	v3 =	vmul.f32 v3, v4;
	v4 =	vld.idx.msk [tilespmem:v5+s12+$0x0], $0xffff  }
0x463: {  	v10 =	vor.u32 $0x1C06, v0;
	v5 =	vld.idx.msk [tilespmem:v5+s13+$0x0], $0xffff  }
0x464: {  	v3 =	vadd.f32 $0.0e+00, v3;
	v2 =	vmul.f32 v2, v6;
	v6 =	vld.idx.msk [tilespmem:v7+s12+$0x0], $0xffff  }
0x465: {  	v11 =	vor.u32 $0x1C07, v0;
	v7 =	vld.idx.msk [tilespmem:v7+s13+$0x0], $0xffff  }
0x466: {  	v2 =	vadd.f32 v2, v3;
	v1 =	vmul.f32 v1, v8;
	v3 =	vld.idx.msk [tilespmem:v9+s12+$0x0], $0xffff  }
0x467: {  	v8 =	vld.idx.msk [tilespmem:v9+s13+$0x0], $0xffff;
	v9 =	vor.u32 $0x1C08, v0  }
0x468: {  	v1 =	vadd.f32 v1, v2;
	v2 =	vmul.f32 v5, v4;
	v4 =	vld.idx.msk [tilespmem:v10+s12+$0x0], $0xffff  }
0x469: {  	v5 =	vld.idx.msk [tilespmem:v10+s13+$0x0], $0xffff;
	v10 =	vor.u32 $0x1C09, v0  }
0x46a: {  	v1 =	vadd.f32 v2, v1;
	v2 =	vmul.f32 v7, v6;
	v6 =	vld.idx.msk [tilespmem:v11+s12+$0x0], $0xffff  }
0x46b: {  	v7 =	vld.idx.msk [tilespmem:v11+s13+$0x0], $0xffff;
	v11 =	vor.u32 $0x1C0A, v0  }
0x46c: {  	v1 =	vadd.f32 v2, v1;
	v2 =	vmul.f32 v8, v3;
	v3 =	vld.idx.msk [tilespmem:v9+s12+$0x0], $0xffff  }
0x46d: {  	v8 =	vld.idx.msk [tilespmem:v9+s13+$0x0], $0xffff;
	v9 =	vor.u32 $0x1C0B, v0  }
0x46e: {  	v1 =	vadd.f32 v2, v1;
	v2 =	vmul.f32 v5, v4;
	v4 =	vld.idx.msk [tilespmem:v10+s12+$0x0], $0xffff  }
0x46f: {  	v5 =	vld.idx.msk [tilespmem:v10+s13+$0x0], $0xffff;
	v10 =	vor.u32 $0x1C0C, v0  }
0x470: {  	v1 =	vadd.f32 v2, v1;
	v2 =	vmul.f32 v7, v6;
	v6 =	vld.idx.msk [tilespmem:v11+s12+$0x0], $0xffff  }
0x471: {  	v7 =	vld.idx.msk [tilespmem:v11+s13+$0x0], $0xffff;
	v11 =	vor.u32 $0x1C0D, v0  }
0x472: {  	v1 =	vadd.f32 v2, v1;
	v2 =	vmul.f32 v8, v3;
	v3 =	vld.idx.msk [tilespmem:v9+s12+$0x0], $0xffff  }
0x473: {  	v8 =	vld.idx.msk [tilespmem:v9+s13+$0x0], $0xffff;
	v9 =	vor.u32 $0x1C0E, v0  }
0x474: {  	v1 =	vadd.f32 v2, v1;
	v2 =	vmul.f32 v5, v4;
	v4 =	vld.idx.msk [tilespmem:v10+s12+$0x0], $0xffff  }
0x475: {  	v5 =	vld.idx.msk [tilespmem:v10+s13+$0x0], $0xffff;
	v10 =	vor.u32 $0x1C0F, v0  }
0x476: {  	v1 =	vadd.f32 v2, v1;
	v2 =	vmul.f32 v7, v6;
	v6 =	vld.idx.msk [tilespmem:v11+s12+$0x0], $0xffff  }
0x477: {  	v7 =	vld.idx.msk [tilespmem:v11+s13+$0x0], $0xffff  }
0x478: {  	v1 =	vadd.f32 v2, v1;
	v2 =	vmul.f32 v8, v3;
	v3 =	vld.idx.msk [tilespmem:v9+s12+$0x0], $0xffff  }
0x479: {  	v8 =	vld.idx.msk [tilespmem:v9+s13+$0x0], $0xffff  }
0x47a: {  	v9 =	vld.idx.msk [tilespmem:v10+s12+$0x0], $0xffff;
	v1 =	vadd.f32 v2, v1;
	v2 =	vmul.f32 v5, v4  }
0x47b: {  	v11 =	vld.idx.msk [tilespmem:v10+s13+$0x0], $0xffff  }
0x47c: {  	v1 =	vadd.f32 v2, v1;
	v2 =	vmul.f32 v7, v6;
	_ =	sdelay $0x1  }
0x47d: {  	v1 =	vadd.f32 v2, v1;
	v2 =	vmul.f32 v8, v3;
	_ =	sdelay $0x1  }
0x47e: {  	v3 =	vor.u32 $0x1D00, v0;
	v1 =	vadd.f32 v2, v1;
	v2 =	vmul.f32 v11, v9;
	_ =	sdelay $0x1  }
0x47f: {  	v1 =	vadd.f32 v2, v1;
	v2 =	vor.u32 $0x1D01, v0;
	_ =	sdelay $0x1  }
0x480: {  	[tilespmem:$0x45C0] =	vst v1;
	v1 =	vor.u32 $0x1D02, v0  }
0x481: {  	v4 =	vld.idx.msk [tilespmem:v3+s12+$0x0], $0xffff  }
0x482: {  	v5 =	vor.u32 $0x1D03, v0;
	v3 =	vld.idx.msk [tilespmem:v3+s13+$0x0], $0xffff  }
0x483: {  	v6 =	vld.idx.msk [tilespmem:v2+s12+$0x0], $0xffff  }
0x484: {  	v7 =	vor.u32 $0x1D04, v0;
	v2 =	vld.idx.msk [tilespmem:v2+s13+$0x0], $0xffff  }
0x485: {  	v8 =	vld.idx.msk [tilespmem:v1+s12+$0x0], $0xffff  }
0x486: {  	v9 =	vor.u32 $0x1D05, v0;
	v1 =	vld.idx.msk [tilespmem:v1+s13+$0x0], $0xffff  }
0x487: {  	v3 =	vmul.f32 v3, v4;
	v4 =	vld.idx.msk [tilespmem:v5+s12+$0x0], $0xffff  }
0x488: {  	v10 =	vor.u32 $0x1D06, v0;
	v5 =	vld.idx.msk [tilespmem:v5+s13+$0x0], $0xffff  }
0x489: {  	v3 =	vadd.f32 $0.0e+00, v3;
	v2 =	vmul.f32 v2, v6;
	v6 =	vld.idx.msk [tilespmem:v7+s12+$0x0], $0xffff  }
0x48a: {  	v11 =	vor.u32 $0x1D07, v0;
	v7 =	vld.idx.msk [tilespmem:v7+s13+$0x0], $0xffff  }
0x48b: {  	v2 =	vadd.f32 v2, v3;
	v1 =	vmul.f32 v1, v8;
	v3 =	vld.idx.msk [tilespmem:v9+s12+$0x0], $0xffff  }
0x48c: {  	v8 =	vld.idx.msk [tilespmem:v9+s13+$0x0], $0xffff;
	v9 =	vor.u32 $0x1D08, v0  }
0x48d: {  	v1 =	vadd.f32 v1, v2;
	v2 =	vmul.f32 v5, v4;
	v4 =	vld.idx.msk [tilespmem:v10+s12+$0x0], $0xffff  }
0x48e: {  	v5 =	vld.idx.msk [tilespmem:v10+s13+$0x0], $0xffff;
	v10 =	vor.u32 $0x1D09, v0  }
0x48f: {  	v1 =	vadd.f32 v2, v1;
	v2 =	vmul.f32 v7, v6;
	v6 =	vld.idx.msk [tilespmem:v11+s12+$0x0], $0xffff  }
0x490: {  	v7 =	vld.idx.msk [tilespmem:v11+s13+$0x0], $0xffff;
	v11 =	vor.u32 $0x1D0A, v0  }
0x491: {  	v1 =	vadd.f32 v2, v1;
	v2 =	vmul.f32 v8, v3;
	v3 =	vld.idx.msk [tilespmem:v9+s12+$0x0], $0xffff  }
0x492: {  	v8 =	vld.idx.msk [tilespmem:v9+s13+$0x0], $0xffff;
	v9 =	vor.u32 $0x1D0B, v0  }
0x493: {  	v1 =	vadd.f32 v2, v1;
	v2 =	vmul.f32 v5, v4;
	v4 =	vld.idx.msk [tilespmem:v10+s12+$0x0], $0xffff  }
0x494: {  	v5 =	vld.idx.msk [tilespmem:v10+s13+$0x0], $0xffff;
	v10 =	vor.u32 $0x1D0C, v0  }
0x495: {  	v1 =	vadd.f32 v2, v1;
	v2 =	vmul.f32 v7, v6;
	v6 =	vld.idx.msk [tilespmem:v11+s12+$0x0], $0xffff  }
0x496: {  	v7 =	vld.idx.msk [tilespmem:v11+s13+$0x0], $0xffff;
	v11 =	vor.u32 $0x1D0D, v0  }
0x497: {  	v1 =	vadd.f32 v2, v1;
	v2 =	vmul.f32 v8, v3;
	v3 =	vld.idx.msk [tilespmem:v9+s12+$0x0], $0xffff  }
0x498: {  	v8 =	vld.idx.msk [tilespmem:v9+s13+$0x0], $0xffff;
	v9 =	vor.u32 $0x1D0E, v0  }
0x499: {  	v1 =	vadd.f32 v2, v1;
	v2 =	vmul.f32 v5, v4;
	v4 =	vld.idx.msk [tilespmem:v10+s12+$0x0], $0xffff  }
0x49a: {  	v5 =	vld.idx.msk [tilespmem:v10+s13+$0x0], $0xffff;
	v10 =	vor.u32 $0x1D0F, v0  }
0x49b: {  	v1 =	vadd.f32 v2, v1;
	v2 =	vmul.f32 v7, v6;
	v6 =	vld.idx.msk [tilespmem:v11+s12+$0x0], $0xffff  }
0x49c: {  	v7 =	vld.idx.msk [tilespmem:v11+s13+$0x0], $0xffff  }
0x49d: {  	v1 =	vadd.f32 v2, v1;
	v2 =	vmul.f32 v8, v3;
	v3 =	vld.idx.msk [tilespmem:v9+s12+$0x0], $0xffff  }
0x49e: {  	v8 =	vld.idx.msk [tilespmem:v9+s13+$0x0], $0xffff  }
0x49f: {  	v9 =	vld.idx.msk [tilespmem:v10+s12+$0x0], $0xffff;
	v1 =	vadd.f32 v2, v1;
	v2 =	vmul.f32 v5, v4  }
0x4a0: {  	v11 =	vld.idx.msk [tilespmem:v10+s13+$0x0], $0xffff  }
0x4a1: {  	v1 =	vadd.f32 v2, v1;
	v2 =	vmul.f32 v7, v6;
	_ =	sdelay $0x1  }
0x4a2: {  	v1 =	vadd.f32 v2, v1;
	v2 =	vmul.f32 v8, v3;
	_ =	sdelay $0x1  }
0x4a3: {  	v3 =	vor.u32 $0x1E00, v0;
	v1 =	vadd.f32 v2, v1;
	v2 =	vmul.f32 v11, v9;
	_ =	sdelay $0x1  }
0x4a4: {  	v1 =	vadd.f32 v2, v1;
	v2 =	vor.u32 $0x1E01, v0;
	_ =	sdelay $0x1  }
0x4a5: {  	[tilespmem:$0x45D0] =	vst v1;
	v1 =	vor.u32 $0x1E02, v0  }
0x4a6: {  	v4 =	vld.idx.msk [tilespmem:v3+s12+$0x0], $0xffff  }
0x4a7: {  	v5 =	vor.u32 $0x1E03, v0;
	v3 =	vld.idx.msk [tilespmem:v3+s13+$0x0], $0xffff  }
0x4a8: {  	v6 =	vld.idx.msk [tilespmem:v2+s12+$0x0], $0xffff  }
0x4a9: {  	v7 =	vor.u32 $0x1E04, v0;
	v2 =	vld.idx.msk [tilespmem:v2+s13+$0x0], $0xffff  }
0x4aa: {  	v8 =	vld.idx.msk [tilespmem:v1+s12+$0x0], $0xffff  }
0x4ab: {  	v9 =	vor.u32 $0x1E05, v0;
	v1 =	vld.idx.msk [tilespmem:v1+s13+$0x0], $0xffff  }
0x4ac: {  	v3 =	vmul.f32 v3, v4;
	v4 =	vld.idx.msk [tilespmem:v5+s12+$0x0], $0xffff  }
0x4ad: {  	v10 =	vor.u32 $0x1E06, v0;
	v5 =	vld.idx.msk [tilespmem:v5+s13+$0x0], $0xffff  }
0x4ae: {  	v3 =	vadd.f32 $0.0e+00, v3;
	v2 =	vmul.f32 v2, v6;
	v6 =	vld.idx.msk [tilespmem:v7+s12+$0x0], $0xffff  }
0x4af: {  	v11 =	vor.u32 $0x1E07, v0;
	v7 =	vld.idx.msk [tilespmem:v7+s13+$0x0], $0xffff  }
0x4b0: {  	v2 =	vadd.f32 v2, v3;
	v1 =	vmul.f32 v1, v8;
	v3 =	vld.idx.msk [tilespmem:v9+s12+$0x0], $0xffff  }
0x4b1: {  	v8 =	vld.idx.msk [tilespmem:v9+s13+$0x0], $0xffff;
	v9 =	vor.u32 $0x1E08, v0  }
0x4b2: {  	v1 =	vadd.f32 v1, v2;
	v2 =	vmul.f32 v5, v4;
	v4 =	vld.idx.msk [tilespmem:v10+s12+$0x0], $0xffff  }
0x4b3: {  	v5 =	vld.idx.msk [tilespmem:v10+s13+$0x0], $0xffff;
	v10 =	vor.u32 $0x1E09, v0  }
0x4b4: {  	v1 =	vadd.f32 v2, v1;
	v2 =	vmul.f32 v7, v6;
	v6 =	vld.idx.msk [tilespmem:v11+s12+$0x0], $0xffff  }
0x4b5: {  	v7 =	vld.idx.msk [tilespmem:v11+s13+$0x0], $0xffff;
	v11 =	vor.u32 $0x1E0A, v0  }
0x4b6: {  	v1 =	vadd.f32 v2, v1;
	v2 =	vmul.f32 v8, v3;
	v3 =	vld.idx.msk [tilespmem:v9+s12+$0x0], $0xffff  }
0x4b7: {  	v8 =	vld.idx.msk [tilespmem:v9+s13+$0x0], $0xffff;
	v9 =	vor.u32 $0x1E0B, v0  }
0x4b8: {  	v1 =	vadd.f32 v2, v1;
	v2 =	vmul.f32 v5, v4;
	v4 =	vld.idx.msk [tilespmem:v10+s12+$0x0], $0xffff  }
0x4b9: {  	v5 =	vld.idx.msk [tilespmem:v10+s13+$0x0], $0xffff;
	v10 =	vor.u32 $0x1E0C, v0  }
0x4ba: {  	v1 =	vadd.f32 v2, v1;
	v2 =	vmul.f32 v7, v6;
	v6 =	vld.idx.msk [tilespmem:v11+s12+$0x0], $0xffff  }
0x4bb: {  	v7 =	vld.idx.msk [tilespmem:v11+s13+$0x0], $0xffff;
	v11 =	vor.u32 $0x1E0D, v0  }
0x4bc: {  	v1 =	vadd.f32 v2, v1;
	v2 =	vmul.f32 v8, v3;
	v3 =	vld.idx.msk [tilespmem:v9+s12+$0x0], $0xffff  }
0x4bd: {  	v8 =	vld.idx.msk [tilespmem:v9+s13+$0x0], $0xffff;
	v9 =	vor.u32 $0x1E0E, v0  }
0x4be: {  	v1 =	vadd.f32 v2, v1;
	v2 =	vmul.f32 v5, v4;
	v4 =	vld.idx.msk [tilespmem:v10+s12+$0x0], $0xffff  }
0x4bf: {  	v5 =	vld.idx.msk [tilespmem:v10+s13+$0x0], $0xffff;
	v10 =	vor.u32 $0x1E0F, v0  }
0x4c0: {  	v1 =	vadd.f32 v2, v1;
	v2 =	vmul.f32 v7, v6;
	v6 =	vld.idx.msk [tilespmem:v11+s12+$0x0], $0xffff  }
0x4c1: {  	v7 =	vld.idx.msk [tilespmem:v11+s13+$0x0], $0xffff  }
0x4c2: {  	v1 =	vadd.f32 v2, v1;
	v2 =	vmul.f32 v8, v3;
	v3 =	vld.idx.msk [tilespmem:v9+s12+$0x0], $0xffff  }
0x4c3: {  	v8 =	vld.idx.msk [tilespmem:v9+s13+$0x0], $0xffff  }
0x4c4: {  	v9 =	vld.idx.msk [tilespmem:v10+s12+$0x0], $0xffff;
	v1 =	vadd.f32 v2, v1;
	v2 =	vmul.f32 v5, v4  }
0x4c5: {  	v11 =	vld.idx.msk [tilespmem:v10+s13+$0x0], $0xffff  }
0x4c6: {  	v1 =	vadd.f32 v2, v1;
	v2 =	vmul.f32 v7, v6;
	_ =	sdelay $0x1  }
0x4c7: {  	v1 =	vadd.f32 v2, v1;
	v2 =	vmul.f32 v8, v3;
	_ =	sdelay $0x1  }
0x4c8: {  	v3 =	vor.u32 $0x1F00, v0;
	v1 =	vadd.f32 v2, v1;
	v2 =	vmul.f32 v11, v9;
	_ =	sdelay $0x1  }
0x4c9: {  	v1 =	vadd.f32 v2, v1;
	v2 =	vor.u32 $0x1F01, v0;
	_ =	sdelay $0x1  }
0x4ca: {  	[tilespmem:$0x45E0] =	vst v1;
	v1 =	vor.u32 $0x1F02, v0  }
0x4cb: {  	v4 =	vld.idx.msk [tilespmem:v3+s12+$0x0], $0xffff  }
0x4cc: {  	v5 =	vor.u32 $0x1F03, v0;
	v3 =	vld.idx.msk [tilespmem:v3+s13+$0x0], $0xffff  }
0x4cd: {  	v6 =	vld.idx.msk [tilespmem:v2+s12+$0x0], $0xffff  }
0x4ce: {  	v7 =	vor.u32 $0x1F04, v0;
	v2 =	vld.idx.msk [tilespmem:v2+s13+$0x0], $0xffff  }
0x4cf: {  	v8 =	vld.idx.msk [tilespmem:v1+s12+$0x0], $0xffff  }
0x4d0: {  	v9 =	vor.u32 $0x1F05, v0;
	v1 =	vld.idx.msk [tilespmem:v1+s13+$0x0], $0xffff  }
0x4d1: {  	v3 =	vmul.f32 v3, v4;
	v4 =	vld.idx.msk [tilespmem:v5+s12+$0x0], $0xffff  }
0x4d2: {  	v10 =	vor.u32 $0x1F06, v0;
	v5 =	vld.idx.msk [tilespmem:v5+s13+$0x0], $0xffff  }
0x4d3: {  	v3 =	vadd.f32 $0.0e+00, v3;
	v2 =	vmul.f32 v2, v6;
	v6 =	vld.idx.msk [tilespmem:v7+s12+$0x0], $0xffff  }
0x4d4: {  	v11 =	vor.u32 $0x1F07, v0;
	v7 =	vld.idx.msk [tilespmem:v7+s13+$0x0], $0xffff  }
0x4d5: {  	v2 =	vadd.f32 v2, v3;
	v1 =	vmul.f32 v1, v8;
	v3 =	vld.idx.msk [tilespmem:v9+s12+$0x0], $0xffff  }
0x4d6: {  	v8 =	vld.idx.msk [tilespmem:v9+s13+$0x0], $0xffff;
	v9 =	vor.u32 $0x1F08, v0  }
0x4d7: {  	v1 =	vadd.f32 v1, v2;
	v2 =	vmul.f32 v5, v4;
	v4 =	vld.idx.msk [tilespmem:v10+s12+$0x0], $0xffff  }
0x4d8: {  	v5 =	vld.idx.msk [tilespmem:v10+s13+$0x0], $0xffff;
	v10 =	vor.u32 $0x1F09, v0  }
0x4d9: {  	v1 =	vadd.f32 v2, v1;
	v2 =	vmul.f32 v7, v6;
	v6 =	vld.idx.msk [tilespmem:v11+s12+$0x0], $0xffff  }
0x4da: {  	v7 =	vld.idx.msk [tilespmem:v11+s13+$0x0], $0xffff;
	v11 =	vor.u32 $0x1F0A, v0  }
0x4db: {  	v1 =	vadd.f32 v2, v1;
	v2 =	vmul.f32 v8, v3;
	v3 =	vld.idx.msk [tilespmem:v9+s12+$0x0], $0xffff  }
0x4dc: {  	v8 =	vld.idx.msk [tilespmem:v9+s13+$0x0], $0xffff;
	v9 =	vor.u32 $0x1F0B, v0  }
0x4dd: {  	v1 =	vadd.f32 v2, v1;
	v2 =	vmul.f32 v5, v4;
	v4 =	vld.idx.msk [tilespmem:v10+s12+$0x0], $0xffff  }
0x4de: {  	v5 =	vld.idx.msk [tilespmem:v10+s13+$0x0], $0xffff;
	v10 =	vor.u32 $0x1F0C, v0  }
0x4df: {  	v1 =	vadd.f32 v2, v1;
	v2 =	vmul.f32 v7, v6;
	v6 =	vld.idx.msk [tilespmem:v11+s12+$0x0], $0xffff  }
0x4e0: {  	v7 =	vld.idx.msk [tilespmem:v11+s13+$0x0], $0xffff;
	v11 =	vor.u32 $0x1F0D, v0  }
0x4e1: {  	v1 =	vadd.f32 v2, v1;
	v2 =	vmul.f32 v8, v3;
	v3 =	vld.idx.msk [tilespmem:v9+s12+$0x0], $0xffff  }
0x4e2: {  	v8 =	vld.idx.msk [tilespmem:v9+s13+$0x0], $0xffff;
	v9 =	vor.u32 $0x1F0E, v0  }
0x4e3: {  	v1 =	vadd.f32 v2, v1;
	v2 =	vmul.f32 v5, v4;
	v4 =	vld.idx.msk [tilespmem:v10+s12+$0x0], $0xffff  }
0x4e4: {  	v5 =	vld.idx.msk [tilespmem:v10+s13+$0x0], $0xffff;
	v10 =	vor.u32 $0x1F0F, v0  }
0x4e5: {  	v1 =	vadd.f32 v2, v1;
	v2 =	vmul.f32 v7, v6;
	v6 =	vld.idx.msk [tilespmem:v11+s12+$0x0], $0xffff  }
0x4e6: {  	v7 =	vld.idx.msk [tilespmem:v11+s13+$0x0], $0xffff  }
0x4e7: {  	v1 =	vadd.f32 v2, v1;
	v2 =	vmul.f32 v8, v3;
	v3 =	vld.idx.msk [tilespmem:v9+s12+$0x0], $0xffff  }
0x4e8: {  	v8 =	vld.idx.msk [tilespmem:v9+s13+$0x0], $0xffff  }
0x4e9: {  	v9 =	vld.idx.msk [tilespmem:v10+s12+$0x0], $0xffff;
	v1 =	vadd.f32 v2, v1;
	v2 =	vmul.f32 v5, v4  }
0x4ea: {  	v11 =	vld.idx.msk [tilespmem:v10+s13+$0x0], $0xffff  }
0x4eb: {  	v1 =	vadd.f32 v2, v1;
	v2 =	vmul.f32 v7, v6;
	_ =	sdelay $0x1  }
0x4ec: {  	v1 =	vadd.f32 v2, v1;
	v2 =	vmul.f32 v8, v3;
	_ =	sdelay $0x1  }
0x4ed: {  	v1 =	vadd.f32 v2, v1;
	v2 =	vmul.f32 v11, v9;
	_ =	sdelay $0x1  }
0x4ee: {  	v1 =	vadd.f32 v2, v1  }
0x4ef: {  	p0 =	sne.s32 s8, $0x1  }
.Ltmp0:
0x4f0: {  	[tilespmem:$0x45F0] =	vst v1;
	(pc) =	sbr.rel @p0 .LBB2_1-.Ltmp0, $4  }
0x4f1: {  	[hbm4b:s7+s1] =	stream.linear.scatter [tilespmem:s26], [sflag:$0x2], $0x200, $0x38;
	[tilespmem:$0x4600] =	vst v63  }
0x4f2: {  	_ =	swait.ge [sflag:s9], $0x200  }
0x4f3: {  	[sflag:s9] =	ssyncset.done $0x0  }
0x4f4: {  	s8 =	sadd.s32 $0xFFFFFFFF, s8;
	[sflag:s9] =	ssyncadd.s32 $0xFFFFFE00  }
0x4f5: {  	_ =	sfence.sel $0x180000  }
0x4f6: {  	[bflag:$0x0] =	sbarrier.arrive $0xFFFF  }
0x4f7: {  	p0 =	sne.s32 s2, $0x0;
	_ =	strace $0x90000047  }
0x4f8: {  	s0 =	sadd.s32 @!p0 $0x100000, s0;
	[bflag:$0x2] =	sbarrier.arrive $0xFFFF  }
0x4f9: {  	[sflag:s0] =	ssyncadd.tile.s32 @!p0 $0x1;
	_ =	shalt  }
.Lfunc_end2:
_tile_overlayer_lowered:
.L_overlay_start_2:
0x4fa: {  	(tag) =	ssettag $0x2  }
0x4fb: {  	s0 =	rddreg [dreg:$0x0];
	s2 =	stileid.u32  }
0x4fc: {  	s1 =	rddreg [dreg:$0x1];
	p0 =	sne.s32 s2, $0x0  }
0x4fd: {  	s3 =	rddreg [dreg:$0x2];
	[bflag:$0x3] =	sbarrier.arrive $0xFFFF;
	s2 =	simm.s32 @!p0 $0x1C02  }
0x4fe: {  	[timem:s3], [sflag:s2] =	dma.local @!p0 [hbm:s0], s1  }
0x4ff: {  	s0 =	simm.s32 @!p0 $0x2  }
0x500: {  	_ =	swait.ge @!p0 [sflag:s0], s1  }
0x501: {  	s1 =	ssub.s32 @!p0 $0x0, s1;
	[sflag:s0] =	ssyncset.done @!p0 $0x0  }
0x502: {  	[sflag:s0] =	ssyncadd.s32 @!p0 s1  }
0x503: {  	[bflag:$0x3] =	sbarrier.arrive $0xFFFF  }
0x504: {  	_ =	shalt  }

</sc_bundles>
